<compile_context>
chip_gen: v7x
topology: tpu7x:2x2x1
jax: 0.10.2.dev20260603
libtpu: 0.0.44.dev20260713+nightly
codegen_flags: <defaults>
</compile_context>

<pallas_src>
import jax
import jax.numpy as jnp
from jax import lax
from jax.experimental import pallas as pl
from jax.experimental.pallas import tpu as pltpu
from jax.experimental.pallas import tpu_sc as plsc

N_NODES = 10000
E_EDGES = 160000
D_IN, D_HID, D_OUT = 128, 128, 40
W0_AUG = 144
W1_AUG = 48

NC, NS = 2, 16
NW = NC * NS
N_PAD = 10240
ROWS_PER_TILE = N_PAD // NS
BLK = 2000


def _sc_segment_sum(tables, edges, zrows, width, chunk, group, nbuf):
    n_chunks = E_EDGES // chunk
    cpt = n_chunks // NW
    n_groups = cpt // group
    blocks = group // nbuf
    assert cpt % group == 0 and group % nbuf == 0

    mesh = plsc.VectorSubcoreMesh(core_axis_name="c", subcore_axis_name="s")

    def body(t0, t1, t2, e0, e1, e2, zsrc, part, sidx, didx, *rest):
        rbufs = rest[0:nbuf]
        acc = rest[nbuf]
        gsems = rest[nbuf + 1:2 * nbuf + 1]
        ssems = rest[2 * nbuf + 1:3 * nbuf + 1]
        c = lax.axis_index("c")
        s = lax.axis_index("s")
        w = s * NC + c

        def wait_gather(tab, i):
            pltpu.make_async_copy(
                tab.at[pl.ds(0, chunk)], rbufs[i], gsems[i]).wait()

        def wait_scatter(i):
            pltpu.make_async_copy(
                rbufs[i], acc.at[pl.ds(0, chunk)], ssems[i]).wait()

        for r in range(3):
            tab = (t0, t1, t2)[r]
            edge = (e0, e1, e2)[r]

            pltpu.sync_copy(zsrc, acc.at[pl.ds(s * ROWS_PER_TILE,
                                               ROWS_PER_TILE)])
            plsc.subcore_barrier()

            def group_body(g, carry):
                base = w * cpt + g * group
                pltpu.sync_copy(edge.at[0, pl.ds(base, group)], sidx)
                pltpu.sync_copy(edge.at[1, pl.ds(base, group)], didx)
                for i in range(nbuf - 1):
                    @pl.when(g > 0)
                    def _(i=i):
                        wait_scatter(i)
                    pltpu.async_copy(tab.at[sidx.at[i]], rbufs[i], gsems[i])

                def block_body(blk, carry2):
                    for i in range(nbuf):
                        j = blk * nbuf + i
                        wait_gather(tab, i)
                        pltpu.async_copy(
                            rbufs[i], acc.at[didx.at[j]], ssems[i], add=True)
                        prev = (i - 1) % nbuf

                        def issue(blk=blk, i=i, prev=prev, j=j):
                            pltpu.async_copy(
                                tab.at[sidx.at[j + nbuf - 1]],
                                rbufs[prev], gsems[prev])

                        if i == 0:
                            @pl.when(jnp.logical_or(g > 0, blk > 0))
                            def _():
                                wait_scatter(prev)
                            issue()
                        else:
                            @pl.when(blk < blocks - 1)
                            def _():
                                wait_scatter(prev)
                                issue()
                    return carry2
                lax.fori_loop(0, blocks, block_body, 0)
                return carry
            lax.fori_loop(0, n_groups, group_body, 0)
            for i in range(nbuf):
                wait_scatter(i)
            plsc.subcore_barrier()

            pltpu.sync_copy(
                acc.at[pl.ds(s * ROWS_PER_TILE, ROWS_PER_TILE)],
                part.at[r, c, pl.ds(s * ROWS_PER_TILE, ROWS_PER_TILE)])
            plsc.subcore_barrier()

    fn = pl.kernel(
        body,
        out_type=jax.ShapeDtypeStruct((3, 2, N_PAD, width), jnp.float32),
        mesh=mesh,
        scratch_types=(
            [pltpu.VMEM((group, chunk), jnp.int32)] * 2
            + [pltpu.VMEM((chunk, width), jnp.float32)] * nbuf
            + [pltpu.VMEM_SHARED((N_PAD, width), jnp.float32)]
            + [pltpu.SemaphoreType.DMA] * (2 * nbuf)
        ),
        compiler_params=pltpu.CompilerParams(use_tc_tiling_on_sc=False),
    )
    return fn(*tables, *edges, zrows)


def _tc_combine_matmul(part, W0s, b0s, W1s, b1s, d_feat, width_out):
    width_in = part.shape[-1]

    def body(p_ref, w00, w01, w02, b00, b01, b02,
             w10, w11, w12, b10, b11, b12, o0, o1, o2):
        pv = p_ref[...]
        h = None
        for w0r, b0r, r in ((w00, b00, 0), (w01, b01, 1), (w02, b02, 2)):
            srel = pv[r, 0] + pv[r, 1]
            cntcol = srel[:, d_feat:d_feat + 1]
            aggf = srel[:, :d_feat] / jnp.maximum(cntcol, 1.0)
            m = (jnp.dot(aggf, w0r[...], preferred_element_type=jnp.float32)
                 + b0r[...] * (cntcol > 0.0).astype(jnp.float32))
            h = m if h is None else h + m
        h = jnp.maximum(h, 0.0)
        for wr, br, orf in ((w10, b10, o0), (w11, b11, o1), (w12, b12, o2)):
            orf[...] = (jnp.dot(h, wr[...],
                                preferred_element_type=jnp.float32)
                        + br[...])

    return pl.pallas_call(
        body,
        grid=(N_NODES // BLK,),
        in_specs=[pl.BlockSpec((3, 2, BLK, width_in), lambda i: (0, 0, i, 0))]
        + [pl.BlockSpec((d_feat, d_feat), lambda i: (0, 0))] * 3
        + [pl.BlockSpec((1, d_feat), lambda i: (0, 0))] * 3
        + [pl.BlockSpec((d_feat, width_out), lambda i: (0, 0))] * 3
        + [pl.BlockSpec((1, width_out), lambda i: (0, 0))] * 3,
        out_specs=[pl.BlockSpec((BLK, width_out), lambda i: (i, 0))] * 3,
        out_shape=[jax.ShapeDtypeStruct((N_NODES, width_out), jnp.float32)] * 3,
    )(part, *W0s, *b0s, *W1s, *b1s)


def _tc_combine_final(part, d_feat):
    width_in = part.shape[-1]

    def body(p_ref, o_ref):
        pv = p_ref[...]
        h = None
        for r in range(3):
            srel = pv[r, 0] + pv[r, 1]
            cnt = jnp.maximum(srel[:, d_feat:d_feat + 1], 1.0)
            m = srel[:, :d_feat] / cnt
            h = m if h is None else h + m
        o_ref[...] = h

    return pl.pallas_call(
        body,
        grid=(N_NODES // BLK,),
        in_specs=[pl.BlockSpec((3, 2, BLK, width_in), lambda i: (0, 0, i, 0))],
        out_specs=pl.BlockSpec((BLK, d_feat), lambda i: (i, 0)),
        out_shape=jax.ShapeDtypeStruct((N_NODES, d_feat), jnp.float32),
    )(part)


def _augment(W, b, width):
    d_in, d = W.shape
    Waug = jnp.pad(W, ((0, 0), (0, width - d)))
    baug = jnp.concatenate(
        [b, jnp.ones((1,), b.dtype), jnp.zeros((width - d - 1,), b.dtype)]
    ).reshape(1, width)
    return Waug, baug


def kernel(feat, edge_index_r0, edge_index_r1, edge_index_r2,
           W0_r0, b0_r0, W1_r0, b1_r0,
           W0_r1, b0_r1, W1_r1, b1_r1,
           W0_r2, b0_r2, W1_r2, b1_r2):
    edges_raw = (edge_index_r0, edge_index_r1, edge_index_r2)
    edges0 = [e.reshape(2, E_EDGES // 50, 50) for e in edges_raw]
    edges1 = [e.reshape(2, E_EDGES // 125, 125) for e in edges_raw]

    W0s = [W0_r0, W0_r1, W0_r2]
    b0s = [b.reshape(1, D_HID) for b in (b0_r0, b0_r1, b0_r2)]
    W1s, b1s = zip(*(_augment(W, b, W1_AUG)
                     for W, b in ((W1_r0, b1_r0), (W1_r1, b1_r1), (W1_r2, b1_r2))))

    feataug = jnp.concatenate(
        [feat,
         jnp.ones((N_NODES, 1), feat.dtype),
         jnp.zeros((N_NODES, W0_AUG - D_IN - 1), feat.dtype)], axis=1)
    z0 = jnp.zeros((ROWS_PER_TILE, W0_AUG), jnp.float32)
    P0 = _sc_segment_sum([feataug] * 3, edges0, z0, W0_AUG,
                         chunk=50, group=20, nbuf=4)
    T1 = _tc_combine_matmul(P0, W0s, b0s, list(W1s), list(b1s),
                            D_HID, W1_AUG)
    z1 = jnp.zeros((ROWS_PER_TILE, W1_AUG), jnp.float32)
    P1 = _sc_segment_sum(list(T1), edges1, z1, W1_AUG,
                         chunk=125, group=40, nbuf=4)
    return _tc_combine_final(P1, D_OUT)

# --- scband reference (transcript-rebuilt; emitter-appended) ---
"""Pipeline reference for scband-hetero-rgcn-43619687858915 (READ-ONLY COPY).

The authoritative reference and input builder live on the scoring server;
editing this copy changes nothing except your own understanding.
"""

import jax, jax.numpy as jnp
import numpy as np

N = 10000
E = 160000
D_IN, D_HID, D_OUT = 128, 128, 40
NUM_RELS = 3


def _rel_mean(Wh, edge_index, num_nodes):
    # copy_u('Wh', 'm') then mean('m', 'h'): gather src features, mean-reduce to dst
    src = edge_index[0]
    dst = edge_index[1]
    msgs = Wh[src]
    summ = jax.ops.segment_sum(msgs, dst, num_segments=num_nodes)
    cnt = jax.ops.segment_sum(jnp.ones((edge_index.shape[1],), dtype=Wh.dtype), dst, num_segments=num_nodes)
    return summ / jnp.maximum(cnt, 1.0)[:, None]


def setup_inputs(seed: int = 0):
    key = jax.random.key(seed)
    ks = jax.random.split(key, 12)
    inp = {}
    inp['feat'] = jax.random.normal(ks[0], (N, D_IN), dtype=jnp.float32)
    for r in range(NUM_RELS):
        inp['edge_index_r%d' % r] = jax.random.randint(ks[1 + r], (2, E), 0, N, dtype=jnp.int32)
    i = 4
    for r in range(NUM_RELS):
        inp['W0_r%d' % r] = jax.random.normal(ks[i], (D_IN, D_HID), dtype=jnp.float32) / np.sqrt(D_IN)
        i += 1
        inp['b0_r%d' % r] = jnp.zeros((D_HID,), dtype=jnp.float32)
        inp['W1_r%d' % r] = jax.random.normal(ks[i], (D_HID, D_OUT), dtype=jnp.float32) / np.sqrt(D_HID)
        i += 1
        inp['b1_r%d' % r] = jnp.zeros((D_OUT,), dtype=jnp.float32)
    return inp


def reference(feat, edge_index_r0, edge_index_r1, edge_index_r2,
              W0_r0, b0_r0, W1_r0, b1_r0,
              W0_r1, b0_r1, W1_r1, b1_r1,
              W0_r2, b0_r2, W1_r2, b1_r2):
    edges = [edge_index_r0, edge_index_r1, edge_index_r2]
    Ws = [[W0_r0, W0_r1, W0_r2], [W1_r0, W1_r1, W1_r2]]
    bs = [[b0_r0, b0_r1, b0_r2], [b1_r0, b1_r1, b1_r2]]
    h = feat
    n_layers = 2
    for layer in range(n_layers):
        acc = None
        for r in range(NUM_RELS):
            # per-relation linear transform (HeteroRGCNLayer.linears[rel])
            Wh = h @ Ws[layer][r] + bs[layer][r]
            # mean message passing for this relation
            m = _rel_mean(Wh, edges[r], N)
            # cross-relation aggregate = 'sum' (multi_update_all)
            acc = m if acc is None else acc + m
        if layer != n_layers - 1:
            h = jax.nn.relu(acc)
        else:
            h = acc
    return h

if __name__ == "__main__":
    import jax
    _d = setup_inputs()
    print(jax.jit(kernel)(*tuple(_d.values())))

</pallas_src>

<mosaic_0001>
#map = affine_map<(d0, d1) -> (0, 0)>
#map1 = affine_map<(d0, d1) -> (0, 0, 0)>
#map2 = affine_map<(d0, d1) -> (0, 0, 0, 0)>
module attributes {stable_mosaic.version = 14 : i64} {
  func.func @body(%arg0: i32, %arg1: i32, %arg2: memref<10000x144xf32, #tpu.memory_space<hbm>>, %arg3: memref<10000x144xf32, #tpu.memory_space<hbm>>, %arg4: memref<10000x144xf32, #tpu.memory_space<hbm>>, %arg5: memref<2x3200x50xi32, #tpu.memory_space<hbm>>, %arg6: memref<2x3200x50xi32, #tpu.memory_space<hbm>>, %arg7: memref<2x3200x50xi32, #tpu.memory_space<hbm>>, %arg8: memref<640x144xf32, #tpu.memory_space<hbm>>, %arg9: memref<3x2x10240x144xf32, #tpu.memory_space<hbm>>, %arg10: memref<20x50xi32, #tpu.memory_space<vmem>>, %arg11: memref<20x50xi32, #tpu.memory_space<vmem>>, %arg12: memref<50x144xf32, #tpu.memory_space<vmem>>, %arg13: memref<50x144xf32, #tpu.memory_space<vmem>>, %arg14: memref<50x144xf32, #tpu.memory_space<vmem>>, %arg15: memref<50x144xf32, #tpu.memory_space<vmem>>, %arg16: memref<10240x144xf32, #tpu.memory_space<vmem_shared>>, %arg17: memref<!tpu.dma_semaphore, #tpu.memory_space<semaphore_mem>>, %arg18: memref<!tpu.dma_semaphore, #tpu.memory_space<semaphore_mem>>, %arg19: memref<!tpu.dma_semaphore, #tpu.memory_space<semaphore_mem>>, %arg20: memref<!tpu.dma_semaphore, #tpu.memory_space<semaphore_mem>>, %arg21: memref<!tpu.dma_semaphore, #tpu.memory_space<semaphore_mem>>, %arg22: memref<!tpu.dma_semaphore, #tpu.memory_space<semaphore_mem>>, %arg23: memref<!tpu.dma_semaphore, #tpu.memory_space<semaphore_mem>>, %arg24: memref<!tpu.dma_semaphore, #tpu.memory_space<semaphore_mem>>) attributes {dimension_semantics = [#tpu.dimension_semantics<core_parallel>, #tpu.dimension_semantics<subcore_parallel>], iteration_bounds = array<i64: 2, 16>, scalar_prefetch = 0 : i64, scratch_operands = 15 : i64, tpu.core_type = #tpu.core_type<sc_vector_subcore>, window_params = [{transform_indices = #map}, {transform_indices = #map}, {transform_indices = #map}, {transform_indices = #map1}, {transform_indices = #map1}, {transform_indices = #map1}, {transform_indices = #map}, {transform_indices = #map2}]} {
    %mul3A = arith.constant 2 : i32
    %mul3A_0 = arith.muli %arg1, %mul3A : i32
    %add3A = arith.addi %mul3A_0, %arg0 : i32
    %mul3A_1 = arith.constant 640 : i32
    %mul3A_2 = arith.muli %arg1, %mul3A_1 : i32
    "tpu.region"() ({
      %run_scoped3A_117 = tpu.sem_alloc : memref<!tpu.dma_semaphore, #tpu.memory_space<semaphore_mem>>
      %dma_start3A = arith.constant 0 : i32
      %dma_start3A_118 = tpu.memref_slice %arg16[%mul3A_2, %dma_start3A] : memref<10240x144xf32, #tpu.memory_space<vmem_shared>> -> memref<640x144xf32, #tpu.memory_space<vmem_shared>>
      tpu.enqueue_dma source(%arg8 : memref<640x144xf32, #tpu.memory_space<hbm>>) target(%dma_start3A_118 : memref<640x144xf32, #tpu.memory_space<vmem_shared>>) target_semaphore(%run_scoped3A_117 : memref<!tpu.dma_semaphore, #tpu.memory_space<semaphore_mem>>)
      %dma_wait3A_119 = arith.constant 0 : i32
      %dma_wait3A_120 = tpu.memref_slice %arg16[%mul3A_2, %dma_wait3A_119] : memref<10240x144xf32, #tpu.memory_space<vmem_shared>> -> memref<640x144xf32, #tpu.memory_space<vmem_shared>>
      tpu.wait_dma2 semaphore(%run_scoped3A_117 : memref<!tpu.dma_semaphore, #tpu.memory_space<semaphore_mem>>) src(%arg8 : memref<640x144xf32, #tpu.memory_space<hbm>>) dst(%dma_wait3A_120 : memref<640x144xf32, #tpu.memory_space<vmem_shared>>)
      tpu.yield
    }) : () -> ()
    %barrier3A = arith.constant 0 : index
    tpu.barrier barrier_id(%barrier3A)
    %scan3A = arith.constant 0 : i32
    %scan3A_3 = arith.constant 0 : i32
    %scan3A_4 = arith.constant 5 : i32
    %scan3A_5 = arith.addi %scan3A_3, %scan3A_4 : i32
    %scan3A_6 = arith.constant 1 : i32
    scf.for %scan3A_117 = %scan3A_3 to %scan3A_5 step %scan3A_6  : i32 {
      %mul3A_118 = arith.constant 100 : i32
      %mul3A_119 = arith.muli %add3A, %mul3A_118 : i32
      %mul3A_120 = arith.constant 20 : i32
      %mul3A_121 = arith.muli %scan3A_117, %mul3A_120 : i32
      %add3A_122 = arith.addi %mul3A_119, %mul3A_121 : i32
      %run_scoped3A_123 = arith.constant 0 : i32
      "tpu.region"() ({
        %run_scoped3A_163 = tpu.sem_alloc : memref<!tpu.dma_semaphore, #tpu.memory_space<semaphore_mem>>
        %dma_start3A_164 = arith.constant 0 : i32
        %dma_start3A_165 = tpu.memref_slice %arg5[%run_scoped3A_123, %add3A_122, %dma_start3A_164] : memref<2x3200x50xi32, #tpu.memory_space<hbm>> -> memref<1x20x50xi32, #tpu.memory_space<hbm>>
        %dma_start3A_166 = tpu.memref_squeeze %dma_start3A_165 : memref<1x20x50xi32, #tpu.memory_space<hbm>> -> memref<20x50xi32, #tpu.memory_space<hbm>>
        %dma_start3A_167 = arith.constant 0 : i32
        %dma_start3A_168 = tpu.memref_slice %arg5[%run_scoped3A_123, %add3A_122, %dma_start3A_167] : memref<2x3200x50xi32, #tpu.memory_space<hbm>> -> memref<1x20x50xi32, #tpu.memory_space<hbm>>
        %dma_start3A_169 = tpu.memref_squeeze %dma_start3A_168 : memref<1x20x50xi32, #tpu.memory_space<hbm>> -> memref<20x50xi32, #tpu.memory_space<hbm>>
        tpu.enqueue_dma source(%dma_start3A_169 : memref<20x50xi32, #tpu.memory_space<hbm>>) target(%arg10 : memref<20x50xi32, #tpu.memory_space<vmem>>) target_semaphore(%run_scoped3A_163 : memref<!tpu.dma_semaphore, #tpu.memory_space<semaphore_mem>>)
        %dma_wait3A_170 = arith.constant 0 : i32
        %dma_wait3A_171 = tpu.memref_slice %arg5[%run_scoped3A_123, %add3A_122, %dma_wait3A_170] : memref<2x3200x50xi32, #tpu.memory_space<hbm>> -> memref<1x20x50xi32, #tpu.memory_space<hbm>>
        %dma_wait3A_172 = tpu.memref_squeeze %dma_wait3A_171 : memref<1x20x50xi32, #tpu.memory_space<hbm>> -> memref<20x50xi32, #tpu.memory_space<hbm>>
        %dma_wait3A_173 = arith.constant 0 : i32
        %dma_wait3A_174 = tpu.memref_slice %arg5[%run_scoped3A_123, %add3A_122, %dma_wait3A_173] : memref<2x3200x50xi32, #tpu.memory_space<hbm>> -> memref<1x20x50xi32, #tpu.memory_space<hbm>>
        %dma_wait3A_175 = tpu.memref_squeeze %dma_wait3A_174 : memref<1x20x50xi32, #tpu.memory_space<hbm>> -> memref<20x50xi32, #tpu.memory_space<hbm>>
        tpu.wait_dma2 semaphore(%run_scoped3A_163 : memref<!tpu.dma_semaphore, #tpu.memory_space<semaphore_mem>>) src(%dma_wait3A_175 : memref<20x50xi32, #tpu.memory_space<hbm>>) dst(%arg10 : memref<20x50xi32, #tpu.memory_space<vmem>>)
        tpu.yield
      }) : () -> ()
      %run_scoped3A_124 = arith.constant 1 : i32
      "tpu.region"() ({
        %run_scoped3A_163 = tpu.sem_alloc : memref<!tpu.dma_semaphore, #tpu.memory_space<semaphore_mem>>
        %dma_start3A_164 = arith.constant 0 : i32
        %dma_start3A_165 = tpu.memref_slice %arg5[%run_scoped3A_124, %add3A_122, %dma_start3A_164] : memref<2x3200x50xi32, #tpu.memory_space<hbm>> -> memref<1x20x50xi32, #tpu.memory_space<hbm>>
        %dma_start3A_166 = tpu.memref_squeeze %dma_start3A_165 : memref<1x20x50xi32, #tpu.memory_space<hbm>> -> memref<20x50xi32, #tpu.memory_space<hbm>>
        %dma_start3A_167 = arith.constant 0 : i32
        %dma_start3A_168 = tpu.memref_slice %arg5[%run_scoped3A_124, %add3A_122, %dma_start3A_167] : memref<2x3200x50xi32, #tpu.memory_space<hbm>> -> memref<1x20x50xi32, #tpu.memory_space<hbm>>
        %dma_start3A_169 = tpu.memref_squeeze %dma_start3A_168 : memref<1x20x50xi32, #tpu.memory_space<hbm>> -> memref<20x50xi32, #tpu.memory_space<hbm>>
        tpu.enqueue_dma source(%dma_start3A_169 : memref<20x50xi32, #tpu.memory_space<hbm>>) target(%arg11 : memref<20x50xi32, #tpu.memory_space<vmem>>) target_semaphore(%run_scoped3A_163 : memref<!tpu.dma_semaphore, #tpu.memory_space<semaphore_mem>>)
        %dma_wait3A_170 = arith.constant 0 : i32
        %dma_wait3A_171 = tpu.memref_slice %arg5[%run_scoped3A_124, %add3A_122, %dma_wait3A_170] : memref<2x3200x50xi32, #tpu.memory_space<hbm>> -> memref<1x20x50xi32, #tpu.memory_space<hbm>>
        %dma_wait3A_172 = tpu.memref_squeeze %dma_wait3A_171 : memref<1x20x50xi32, #tpu.memory_space<hbm>> -> memref<20x50xi32, #tpu.memory_space<hbm>>
        %dma_wait3A_173 = arith.constant 0 : i32
        %dma_wait3A_174 = tpu.memref_slice %arg5[%run_scoped3A_124, %add3A_122, %dma_wait3A_173] : memref<2x3200x50xi32, #tpu.memory_space<hbm>> -> memref<1x20x50xi32, #tpu.memory_space<hbm>>
        %dma_wait3A_175 = tpu.memref_squeeze %dma_wait3A_174 : memref<1x20x50xi32, #tpu.memory_space<hbm>> -> memref<20x50xi32, #tpu.memory_space<hbm>>
        tpu.wait_dma2 semaphore(%run_scoped3A_163 : memref<!tpu.dma_semaphore, #tpu.memory_space<semaphore_mem>>) src(%dma_wait3A_175 : memref<20x50xi32, #tpu.memory_space<hbm>>) dst(%arg11 : memref<20x50xi32, #tpu.memory_space<vmem>>)
        tpu.yield
      }) : () -> ()
      %gt3A = arith.constant 0 : i32
      %gt3A_125 = arith.cmpi sgt, %scan3A_117, %gt3A : i32
      %convert_element_type3A = arith.extui %gt3A_125 : i1 to i32
      %cond3A = arith.constant 0 : i32
      %cond3A_126 = arith.cmpi ne, %convert_element_type3A, %cond3A : i32
      scf.if %cond3A_126 {
        %dma_wait3A_163 = arith.constant 0 : i32
        %dma_wait3A_164 = arith.constant 0 : i32
        %dma_wait3A_165 = tpu.memref_slice %arg16[%dma_wait3A_163, %dma_wait3A_164] : memref<10240x144xf32, #tpu.memory_space<vmem_shared>> -> memref<50x144xf32, #tpu.memory_space<vmem_shared>>
        %dma_wait3A_166 = arith.constant 0 : i32
        %dma_wait3A_167 = arith.constant 0 : i32
        %dma_wait3A_168 = tpu.memref_slice %arg16[%dma_wait3A_166, %dma_wait3A_167] : memref<10240x144xf32, #tpu.memory_space<vmem_shared>> -> memref<50x144xf32, #tpu.memory_space<vmem_shared>>
        tpu.wait_dma2 semaphore(%arg21 : memref<!tpu.dma_semaphore, #tpu.memory_space<semaphore_mem>>) src(%arg12 : memref<50x144xf32, #tpu.memory_space<vmem>>) dst(%dma_wait3A_168 : memref<50x144xf32, #tpu.memory_space<vmem_shared>>)
      } else {
      }
      %dma_start3A = arith.constant 0 : i32
      %dma_start3A_127 = arith.constant 0 : i32
      %dma_start3A_128 = tpu.memref_slice %arg10[%dma_start3A, %dma_start3A_127] : memref<20x50xi32, #tpu.memory_space<vmem>> -> memref<1x50xi32, #tpu.memory_space<vmem>>
      %dma_start3A_129 = tpu.memref_squeeze %dma_start3A_128 : memref<1x50xi32, #tpu.memory_space<vmem>> -> memref<50xi32, #tpu.memory_space<vmem>>
      %dma_start3A_130 = arith.constant 0 : i32
      %dma_start3A_131 = arith.constant 0 : i32
      %dma_start3A_132 = tpu.memref_slice %arg2[%dma_start3A_130, %dma_start3A_131] : memref<10000x144xf32, #tpu.memory_space<hbm>> -> memref<10000x144xf32, #tpu.memory_space<hbm>>
      tpu.enqueue_indirect_dma source(%dma_start3A_132 : memref<10000x144xf32, #tpu.memory_space<hbm>>) target(%arg12 : memref<50x144xf32, #tpu.memory_space<vmem>>) offsets(%dma_start3A_129 : memref<50xi32, #tpu.memory_space<vmem>>) semaphore(%arg17 : memref<!tpu.dma_semaphore, #tpu.memory_space<semaphore_mem>>)
      %gt3A_133 = arith.constant 0 : i32
      %gt3A_134 = arith.cmpi sgt, %scan3A_117, %gt3A_133 : i32
      %convert_element_type3A_135 = arith.extui %gt3A_134 : i1 to i32
      %cond3A_136 = arith.constant 0 : i32
      %cond3A_137 = arith.cmpi ne, %convert_element_type3A_135, %cond3A_136 : i32
      scf.if %cond3A_137 {
        %dma_wait3A_163 = arith.constant 0 : i32
        %dma_wait3A_164 = arith.constant 0 : i32
        %dma_wait3A_165 = tpu.memref_slice %arg16[%dma_wait3A_163, %dma_wait3A_164] : memref<10240x144xf32, #tpu.memory_space<vmem_shared>> -> memref<50x144xf32, #tpu.memory_space<vmem_shared>>
        %dma_wait3A_166 = arith.constant 0 : i32
        %dma_wait3A_167 = arith.constant 0 : i32
        %dma_wait3A_168 = tpu.memref_slice %arg16[%dma_wait3A_166, %dma_wait3A_167] : memref<10240x144xf32, #tpu.memory_space<vmem_shared>> -> memref<50x144xf32, #tpu.memory_space<vmem_shared>>
        tpu.wait_dma2 semaphore(%arg22 : memref<!tpu.dma_semaphore, #tpu.memory_space<semaphore_mem>>) src(%arg13 : memref<50x144xf32, #tpu.memory_space<vmem>>) dst(%dma_wait3A_168 : memref<50x144xf32, #tpu.memory_space<vmem_shared>>)
      } else {
      }
      %dma_start3A_138 = arith.constant 1 : i32
      %dma_start3A_139 = arith.constant 0 : i32
      %dma_start3A_140 = tpu.memref_slice %arg10[%dma_start3A_138, %dma_start3A_139] : memref<20x50xi32, #tpu.memory_space<vmem>> -> memref<1x50xi32, #tpu.memory_space<vmem>>
      %dma_start3A_141 = tpu.memref_squeeze %dma_start3A_140 : memref<1x50xi32, #tpu.memory_space<vmem>> -> memref<50xi32, #tpu.memory_space<vmem>>
      %dma_start3A_142 = arith.constant 0 : i32
      %dma_start3A_143 = arith.constant 0 : i32
      %dma_start3A_144 = tpu.memref_slice %arg2[%dma_start3A_142, %dma_start3A_143] : memref<10000x144xf32, #tpu.memory_space<hbm>> -> memref<10000x144xf32, #tpu.memory_space<hbm>>
      tpu.enqueue_indirect_dma source(%dma_start3A_144 : memref<10000x144xf32, #tpu.memory_space<hbm>>) target(%arg13 : memref<50x144xf32, #tpu.memory_space<vmem>>) offsets(%dma_start3A_141 : memref<50xi32, #tpu.memory_space<vmem>>) semaphore(%arg18 : memref<!tpu.dma_semaphore, #tpu.memory_space<semaphore_mem>>)
      %gt3A_145 = arith.constant 0 : i32
      %gt3A_146 = arith.cmpi sgt, %scan3A_117, %gt3A_145 : i32
      %convert_element_type3A_147 = arith.extui %gt3A_146 : i1 to i32
      %cond3A_148 = arith.constant 0 : i32
      %cond3A_149 = arith.cmpi ne, %convert_element_type3A_147, %cond3A_148 : i32
      scf.if %cond3A_149 {
        %dma_wait3A_163 = arith.constant 0 : i32
        %dma_wait3A_164 = arith.constant 0 : i32
        %dma_wait3A_165 = tpu.memref_slice %arg16[%dma_wait3A_163, %dma_wait3A_164] : memref<10240x144xf32, #tpu.memory_space<vmem_shared>> -> memref<50x144xf32, #tpu.memory_space<vmem_shared>>
        %dma_wait3A_166 = arith.constant 0 : i32
        %dma_wait3A_167 = arith.constant 0 : i32
        %dma_wait3A_168 = tpu.memref_slice %arg16[%dma_wait3A_166, %dma_wait3A_167] : memref<10240x144xf32, #tpu.memory_space<vmem_shared>> -> memref<50x144xf32, #tpu.memory_space<vmem_shared>>
        tpu.wait_dma2 semaphore(%arg23 : memref<!tpu.dma_semaphore, #tpu.memory_space<semaphore_mem>>) src(%arg14 : memref<50x144xf32, #tpu.memory_space<vmem>>) dst(%dma_wait3A_168 : memref<50x144xf32, #tpu.memory_space<vmem_shared>>)
      } else {
      }
      %dma_start3A_150 = arith.constant 2 : i32
      %dma_start3A_151 = arith.constant 0 : i32
      %dma_start3A_152 = tpu.memref_slice %arg10[%dma_start3A_150, %dma_start3A_151] : memref<20x50xi32, #tpu.memory_space<vmem>> -> memref<1x50xi32, #tpu.memory_space<vmem>>
      %dma_start3A_153 = tpu.memref_squeeze %dma_start3A_152 : memref<1x50xi32, #tpu.memory_space<vmem>> -> memref<50xi32, #tpu.memory_space<vmem>>
      %dma_start3A_154 = arith.constant 0 : i32
      %dma_start3A_155 = arith.constant 0 : i32
      %dma_start3A_156 = tpu.memref_slice %arg2[%dma_start3A_154, %dma_start3A_155] : memref<10000x144xf32, #tpu.memory_space<hbm>> -> memref<10000x144xf32, #tpu.memory_space<hbm>>
      tpu.enqueue_indirect_dma source(%dma_start3A_156 : memref<10000x144xf32, #tpu.memory_space<hbm>>) target(%arg14 : memref<50x144xf32, #tpu.memory_space<vmem>>) offsets(%dma_start3A_153 : memref<50xi32, #tpu.memory_space<vmem>>) semaphore(%arg19 : memref<!tpu.dma_semaphore, #tpu.memory_space<semaphore_mem>>)
      %scan3A_157 = arith.constant 0 : i32
      %scan3A_158 = arith.constant 0 : i32
      %scan3A_159 = arith.constant 5 : i32
      %scan3A_160 = arith.addi %scan3A_158, %scan3A_159 : i32
      %scan3A_161 = arith.constant 1 : i32
      scf.for %scan3A_163 = %scan3A_158 to %scan3A_160 step %scan3A_161  : i32 {
        %mul3A_164 = arith.constant 4 : i32
        %mul3A_165 = arith.muli %scan3A_163, %mul3A_164 : i32
        %add3A_166 = arith.constant 0 : i32
        %add3A_167 = arith.addi %mul3A_165, %add3A_166 : i32
        %dma_wait3A_168 = arith.constant 0 : i32
        %dma_wait3A_169 = arith.constant 0 : i32
        %dma_wait3A_170 = tpu.memref_slice %arg2[%dma_wait3A_168, %dma_wait3A_169] : memref<10000x144xf32, #tpu.memory_space<hbm>> -> memref<50x144xf32, #tpu.memory_space<hbm>>
        %dma_wait3A_171 = arith.constant 0 : i32
        %dma_wait3A_172 = arith.constant 0 : i32
        %dma_wait3A_173 = tpu.memref_slice %arg2[%dma_wait3A_171, %dma_wait3A_172] : memref<10000x144xf32, #tpu.memory_space<hbm>> -> memref<50x144xf32, #tpu.memory_space<hbm>>
        tpu.wait_dma2 semaphore(%arg17 : memref<!tpu.dma_semaphore, #tpu.memory_space<semaphore_mem>>) src(%dma_wait3A_173 : memref<50x144xf32, #tpu.memory_space<hbm>>) dst(%arg12 : memref<50x144xf32, #tpu.memory_space<vmem>>)
        %dma_start3A_174 = arith.constant 0 : i32
        %dma_start3A_175 = tpu.memref_slice %arg11[%add3A_167, %dma_start3A_174] : memref<20x50xi32, #tpu.memory_space<vmem>> -> memref<1x50xi32, #tpu.memory_space<vmem>>
        %dma_start3A_176 = tpu.memref_squeeze %dma_start3A_175 : memref<1x50xi32, #tpu.memory_space<vmem>> -> memref<50xi32, #tpu.memory_space<vmem>>
        %dma_start3A_177 = arith.constant 0 : i32
        %dma_start3A_178 = arith.constant 0 : i32
        %dma_start3A_179 = tpu.memref_slice %arg16[%dma_start3A_177, %dma_start3A_178] : memref<10240x144xf32, #tpu.memory_space<vmem_shared>> -> memref<10240x144xf32, #tpu.memory_space<vmem_shared>>
        tpu.enqueue_indirect_dma source(%arg12 : memref<50x144xf32, #tpu.memory_space<vmem>>) target(%dma_start3A_179 : memref<10240x144xf32, #tpu.memory_space<vmem_shared>>) offsets(%dma_start3A_176 : memref<50xi32, #tpu.memory_space<vmem>>) semaphore(%arg21 : memref<!tpu.dma_semaphore, #tpu.memory_space<semaphore_mem>>) {add = true}
        %gt3A_180 = arith.constant 0 : i32
        %gt3A_181 = arith.cmpi sgt, %scan3A_117, %gt3A_180 : i32
        %gt3A_182 = arith.constant 0 : i32
        %gt3A_183 = arith.cmpi sgt, %scan3A_163, %gt3A_182 : i32
        %or3A = arith.ori %gt3A_181, %gt3A_183 : i1
        %convert_element_type3A_184 = arith.extui %or3A : i1 to i32
        %cond3A_185 = arith.constant 0 : i32
        %cond3A_186 = arith.cmpi ne, %convert_element_type3A_184, %cond3A_185 : i32
        scf.if %cond3A_186 {
          %dma_wait3A_258 = arith.constant 0 : i32
          %dma_wait3A_259 = arith.constant 0 : i32
          %dma_wait3A_260 = tpu.memref_slice %arg16[%dma_wait3A_258, %dma_wait3A_259] : memref<10240x144xf32, #tpu.memory_space<vmem_shared>> -> memref<50x144xf32, #tpu.memory_space<vmem_shared>>
          %dma_wait3A_261 = arith.constant 0 : i32
          %dma_wait3A_262 = arith.constant 0 : i32
          %dma_wait3A_263 = tpu.memref_slice %arg16[%dma_wait3A_261, %dma_wait3A_262] : memref<10240x144xf32, #tpu.memory_space<vmem_shared>> -> memref<50x144xf32, #tpu.memory_space<vmem_shared>>
          tpu.wait_dma2 semaphore(%arg24 : memref<!tpu.dma_semaphore, #tpu.memory_space<semaphore_mem>>) src(%arg15 : memref<50x144xf32, #tpu.memory_space<vmem>>) dst(%dma_wait3A_263 : memref<50x144xf32, #tpu.memory_space<vmem_shared>>)
        } else {
        }
        %add3A_187 = arith.constant 4 : i32
        %add3A_188 = arith.addi %add3A_167, %add3A_187 : i32
        %sub3A = arith.constant 1 : i32
        %sub3A_189 = arith.subi %add3A_188, %sub3A : i32
        %dma_start3A_190 = arith.constant 0 : i32
        %dma_start3A_191 = tpu.memref_slice %arg10[%sub3A_189, %dma_start3A_190] : memref<20x50xi32, #tpu.memory_space<vmem>> -> memref<1x50xi32, #tpu.memory_space<vmem>>
        %dma_start3A_192 = tpu.memref_squeeze %dma_start3A_191 : memref<1x50xi32, #tpu.memory_space<vmem>> -> memref<50xi32, #tpu.memory_space<vmem>>
        %dma_start3A_193 = arith.constant 0 : i32
        %dma_start3A_194 = arith.constant 0 : i32
        %dma_start3A_195 = tpu.memref_slice %arg2[%dma_start3A_193, %dma_start3A_194] : memref<10000x144xf32, #tpu.memory_space<hbm>> -> memref<10000x144xf32, #tpu.memory_space<hbm>>
        tpu.enqueue_indirect_dma source(%dma_start3A_195 : memref<10000x144xf32, #tpu.memory_space<hbm>>) target(%arg15 : memref<50x144xf32, #tpu.memory_space<vmem>>) offsets(%dma_start3A_192 : memref<50xi32, #tpu.memory_space<vmem>>) semaphore(%arg20 : memref<!tpu.dma_semaphore, #tpu.memory_space<semaphore_mem>>)
        %mul3A_196 = arith.constant 4 : i32
        %mul3A_197 = arith.muli %scan3A_163, %mul3A_196 : i32
        %add3A_198 = arith.constant 1 : i32
        %add3A_199 = arith.addi %mul3A_197, %add3A_198 : i32
        %dma_wait3A_200 = arith.constant 0 : i32
        %dma_wait3A_201 = arith.constant 0 : i32
        %dma_wait3A_202 = tpu.memref_slice %arg2[%dma_wait3A_200, %dma_wait3A_201] : memref<10000x144xf32, #tpu.memory_space<hbm>> -> memref<50x144xf32, #tpu.memory_space<hbm>>
        %dma_wait3A_203 = arith.constant 0 : i32
        %dma_wait3A_204 = arith.constant 0 : i32
        %dma_wait3A_205 = tpu.memref_slice %arg2[%dma_wait3A_203, %dma_wait3A_204] : memref<10000x144xf32, #tpu.memory_space<hbm>> -> memref<50x144xf32, #tpu.memory_space<hbm>>
        tpu.wait_dma2 semaphore(%arg18 : memref<!tpu.dma_semaphore, #tpu.memory_space<semaphore_mem>>) src(%dma_wait3A_205 : memref<50x144xf32, #tpu.memory_space<hbm>>) dst(%arg13 : memref<50x144xf32, #tpu.memory_space<vmem>>)
        %dma_start3A_206 = arith.constant 0 : i32
        %dma_start3A_207 = tpu.memref_slice %arg11[%add3A_199, %dma_start3A_206] : memref<20x50xi32, #tpu.memory_space<vmem>> -> memref<1x50xi32, #tpu.memory_space<vmem>>
        %dma_start3A_208 = tpu.memref_squeeze %dma_start3A_207 : memref<1x50xi32, #tpu.memory_space<vmem>> -> memref<50xi32, #tpu.memory_space<vmem>>
        %dma_start3A_209 = arith.constant 0 : i32
        %dma_start3A_210 = arith.constant 0 : i32
        %dma_start3A_211 = tpu.memref_slice %arg16[%dma_start3A_209, %dma_start3A_210] : memref<10240x144xf32, #tpu.memory_space<vmem_shared>> -> memref<10240x144xf32, #tpu.memory_space<vmem_shared>>
        tpu.enqueue_indirect_dma source(%arg13 : memref<50x144xf32, #tpu.memory_space<vmem>>) target(%dma_start3A_211 : memref<10240x144xf32, #tpu.memory_space<vmem_shared>>) offsets(%dma_start3A_208 : memref<50xi32, #tpu.memory_space<vmem>>) semaphore(%arg22 : memref<!tpu.dma_semaphore, #tpu.memory_space<semaphore_mem>>) {add = true}
        %lt3A = arith.constant 4 : i32
        %lt3A_212 = arith.cmpi slt, %scan3A_163, %lt3A : i32
        %convert_element_type3A_213 = arith.extui %lt3A_212 : i1 to i32
        %cond3A_214 = arith.constant 0 : i32
        %cond3A_215 = arith.cmpi ne, %convert_element_type3A_213, %cond3A_214 : i32
        scf.if %cond3A_215 {
          %dma_wait3A_258 = arith.constant 0 : i32
          %dma_wait3A_259 = arith.constant 0 : i32
          %dma_wait3A_260 = tpu.memref_slice %arg16[%dma_wait3A_258, %dma_wait3A_259] : memref<10240x144xf32, #tpu.memory_space<vmem_shared>> -> memref<50x144xf32, #tpu.memory_space<vmem_shared>>
          %dma_wait3A_261 = arith.constant 0 : i32
          %dma_wait3A_262 = arith.constant 0 : i32
          %dma_wait3A_263 = tpu.memref_slice %arg16[%dma_wait3A_261, %dma_wait3A_262] : memref<10240x144xf32, #tpu.memory_space<vmem_shared>> -> memref<50x144xf32, #tpu.memory_space<vmem_shared>>
          tpu.wait_dma2 semaphore(%arg21 : memref<!tpu.dma_semaphore, #tpu.memory_space<semaphore_mem>>) src(%arg12 : memref<50x144xf32, #tpu.memory_space<vmem>>) dst(%dma_wait3A_263 : memref<50x144xf32, #tpu.memory_space<vmem_shared>>)
          %add3A_264 = arith.constant 4 : i32
          %add3A_265 = arith.addi %add3A_199, %add3A_264 : i32
          %sub3A_266 = arith.constant 1 : i32
          %sub3A_267 = arith.subi %add3A_265, %sub3A_266 : i32
          %dma_start3A_268 = arith.constant 0 : i32
          %dma_start3A_269 = tpu.memref_slice %arg10[%sub3A_267, %dma_start3A_268] : memref<20x50xi32, #tpu.memory_space<vmem>> -> memref<1x50xi32, #tpu.memory_space<vmem>>
          %dma_start3A_270 = tpu.memref_squeeze %dma_start3A_269 : memref<1x50xi32, #tpu.memory_space<vmem>> -> memref<50xi32, #tpu.memory_space<vmem>>
          %dma_start3A_271 = arith.constant 0 : i32
          %dma_start3A_272 = arith.constant 0 : i32
          %dma_start3A_273 = tpu.memref_slice %arg2[%dma_start3A_271, %dma_start3A_272] : memref<10000x144xf32, #tpu.memory_space<hbm>> -> memref<10000x144xf32, #tpu.memory_space<hbm>>
          tpu.enqueue_indirect_dma source(%dma_start3A_273 : memref<10000x144xf32, #tpu.memory_space<hbm>>) target(%arg12 : memref<50x144xf32, #tpu.memory_space<vmem>>) offsets(%dma_start3A_270 : memref<50xi32, #tpu.memory_space<vmem>>) semaphore(%arg17 : memref<!tpu.dma_semaphore, #tpu.memory_space<semaphore_mem>>)
        } else {
        }
        %mul3A_216 = arith.constant 4 : i32
        %mul3A_217 = arith.muli %scan3A_163, %mul3A_216 : i32
        %add3A_218 = arith.constant 2 : i32
        %add3A_219 = arith.addi %mul3A_217, %add3A_218 : i32
        %dma_wait3A_220 = arith.constant 0 : i32
        %dma_wait3A_221 = arith.constant 0 : i32
        %dma_wait3A_222 = tpu.memref_slice %arg2[%dma_wait3A_220, %dma_wait3A_221] : memref<10000x144xf32, #tpu.memory_space<hbm>> -> memref<50x144xf32, #tpu.memory_space<hbm>>
        %dma_wait3A_223 = arith.constant 0 : i32
        %dma_wait3A_224 = arith.constant 0 : i32
        %dma_wait3A_225 = tpu.memref_slice %arg2[%dma_wait3A_223, %dma_wait3A_224] : memref<10000x144xf32, #tpu.memory_space<hbm>> -> memref<50x144xf32, #tpu.memory_space<hbm>>
        tpu.wait_dma2 semaphore(%arg19 : memref<!tpu.dma_semaphore, #tpu.memory_space<semaphore_mem>>) src(%dma_wait3A_225 : memref<50x144xf32, #tpu.memory_space<hbm>>) dst(%arg14 : memref<50x144xf32, #tpu.memory_space<vmem>>)
        %dma_start3A_226 = arith.constant 0 : i32
        %dma_start3A_227 = tpu.memref_slice %arg11[%add3A_219, %dma_start3A_226] : memref<20x50xi32, #tpu.memory_space<vmem>> -> memref<1x50xi32, #tpu.memory_space<vmem>>
        %dma_start3A_228 = tpu.memref_squeeze %dma_start3A_227 : memref<1x50xi32, #tpu.memory_space<vmem>> -> memref<50xi32, #tpu.memory_space<vmem>>
        %dma_start3A_229 = arith.constant 0 : i32
        %dma_start3A_230 = arith.constant 0 : i32
        %dma_start3A_231 = tpu.memref_slice %arg16[%dma_start3A_229, %dma_start3A_230] : memref<10240x144xf32, #tpu.memory_space<vmem_shared>> -> memref<10240x144xf32, #tpu.memory_space<vmem_shared>>
        tpu.enqueue_indirect_dma source(%arg14 : memref<50x144xf32, #tpu.memory_space<vmem>>) target(%dma_start3A_231 : memref<10240x144xf32, #tpu.memory_space<vmem_shared>>) offsets(%dma_start3A_228 : memref<50xi32, #tpu.memory_space<vmem>>) semaphore(%arg23 : memref<!tpu.dma_semaphore, #tpu.memory_space<semaphore_mem>>) {add = true}
        %lt3A_232 = arith.constant 4 : i32
        %lt3A_233 = arith.cmpi slt, %scan3A_163, %lt3A_232 : i32
        %convert_element_type3A_234 = arith.extui %lt3A_233 : i1 to i32
        %cond3A_235 = arith.constant 0 : i32
        %cond3A_236 = arith.cmpi ne, %convert_element_type3A_234, %cond3A_235 : i32
        scf.if %cond3A_236 {
          %dma_wait3A_258 = arith.constant 0 : i32
          %dma_wait3A_259 = arith.constant 0 : i32
          %dma_wait3A_260 = tpu.memref_slice %arg16[%dma_wait3A_258, %dma_wait3A_259] : memref<10240x144xf32, #tpu.memory_space<vmem_shared>> -> memref<50x144xf32, #tpu.memory_space<vmem_shared>>
          %dma_wait3A_261 = arith.constant 0 : i32
          %dma_wait3A_262 = arith.constant 0 : i32
          %dma_wait3A_263 = tpu.memref_slice %arg16[%dma_wait3A_261, %dma_wait3A_262] : memref<10240x144xf32, #tpu.memory_space<vmem_shared>> -> memref<50x144xf32, #tpu.memory_space<vmem_shared>>
          tpu.wait_dma2 semaphore(%arg22 : memref<!tpu.dma_semaphore, #tpu.memory_space<semaphore_mem>>) src(%arg13 : memref<50x144xf32, #tpu.memory_space<vmem>>) dst(%dma_wait3A_263 : memref<50x144xf32, #tpu.memory_space<vmem_shared>>)
          %add3A_264 = arith.constant 4 : i32
          %add3A_265 = arith.addi %add3A_219, %add3A_264 : i32
          %sub3A_266 = arith.constant 1 : i32
          %sub3A_267 = arith.subi %add3A_265, %sub3A_266 : i32
          %dma_start3A_268 = arith.constant 0 : i32
          %dma_start3A_269 = tpu.memref_slice %arg10[%sub3A_267, %dma_start3A_268] : memref<20x50xi32, #tpu.memory_space<vmem>> -> memref<1x50xi32, #tpu.memory_space<vmem>>
          %dma_start3A_270 = tpu.memref_squeeze %dma_start3A_269 : memref<1x50xi32, #tpu.memory_space<vmem>> -> memref<50xi32, #tpu.memory_space<vmem>>
          %dma_start3A_271 = arith.constant 0 : i32
          %dma_start3A_272 = arith.constant 0 : i32
          %dma_start3A_273 = tpu.memref_slice %arg2[%dma_start3A_271, %dma_start3A_272] : memref<10000x144xf32, #tpu.memory_space<hbm>> -> memref<10000x144xf32, #tpu.memory_space<hbm>>
          tpu.enqueue_indirect_dma source(%dma_start3A_273 : memref<10000x144xf32, #tpu.memory_space<hbm>>) target(%arg13 : memref<50x144xf32, #tpu.memory_space<vmem>>) offsets(%dma_start3A_270 : memref<50xi32, #tpu.memory_space<vmem>>) semaphore(%arg18 : memref<!tpu.dma_semaphore, #tpu.memory_space<semaphore_mem>>)
        } else {
        }
        %mul3A_237 = arith.constant 4 : i32
        %mul3A_238 = arith.muli %scan3A_163, %mul3A_237 : i32
        %add3A_239 = arith.constant 3 : i32
        %add3A_240 = arith.addi %mul3A_238, %add3A_239 : i32
        %dma_wait3A_241 = arith.constant 0 : i32
        %dma_wait3A_242 = arith.constant 0 : i32
        %dma_wait3A_243 = tpu.memref_slice %arg2[%dma_wait3A_241, %dma_wait3A_242] : memref<10000x144xf32, #tpu.memory_space<hbm>> -> memref<50x144xf32, #tpu.memory_space<hbm>>
        %dma_wait3A_244 = arith.constant 0 : i32
        %dma_wait3A_245 = arith.constant 0 : i32
        %dma_wait3A_246 = tpu.memref_slice %arg2[%dma_wait3A_244, %dma_wait3A_245] : memref<10000x144xf32, #tpu.memory_space<hbm>> -> memref<50x144xf32, #tpu.memory_space<hbm>>
        tpu.wait_dma2 semaphore(%arg20 : memref<!tpu.dma_semaphore, #tpu.memory_space<semaphore_mem>>) src(%dma_wait3A_246 : memref<50x144xf32, #tpu.memory_space<hbm>>) dst(%arg15 : memref<50x144xf32, #tpu.memory_space<vmem>>)
        %dma_start3A_247 = arith.constant 0 : i32
        %dma_start3A_248 = tpu.memref_slice %arg11[%add3A_240, %dma_start3A_247] : memref<20x50xi32, #tpu.memory_space<vmem>> -> memref<1x50xi32, #tpu.memory_space<vmem>>
        %dma_start3A_249 = tpu.memref_squeeze %dma_start3A_248 : memref<1x50xi32, #tpu.memory_space<vmem>> -> memref<50xi32, #tpu.memory_space<vmem>>
        %dma_start3A_250 = arith.constant 0 : i32
        %dma_start3A_251 = arith.constant 0 : i32
        %dma_start3A_252 = tpu.memref_slice %arg16[%dma_start3A_250, %dma_start3A_251] : memref<10240x144xf32, #tpu.memory_space<vmem_shared>> -> memref<10240x144xf32, #tpu.memory_space<vmem_shared>>
        tpu.enqueue_indirect_dma source(%arg15 : memref<50x144xf32, #tpu.memory_space<vmem>>) target(%dma_start3A_252 : memref<10240x144xf32, #tpu.memory_space<vmem_shared>>) offsets(%dma_start3A_249 : memref<50xi32, #tpu.memory_space<vmem>>) semaphore(%arg24 : memref<!tpu.dma_semaphore, #tpu.memory_space<semaphore_mem>>) {add = true}
        %lt3A_253 = arith.constant 4 : i32
        %lt3A_254 = arith.cmpi slt, %scan3A_163, %lt3A_253 : i32
        %convert_element_type3A_255 = arith.extui %lt3A_254 : i1 to i32
        %cond3A_256 = arith.constant 0 : i32
        %cond3A_257 = arith.cmpi ne, %convert_element_type3A_255, %cond3A_256 : i32
        scf.if %cond3A_257 {
          %dma_wait3A_258 = arith.constant 0 : i32
          %dma_wait3A_259 = arith.constant 0 : i32
          %dma_wait3A_260 = tpu.memref_slice %arg16[%dma_wait3A_258, %dma_wait3A_259] : memref<10240x144xf32, #tpu.memory_space<vmem_shared>> -> memref<50x144xf32, #tpu.memory_space<vmem_shared>>
          %dma_wait3A_261 = arith.constant 0 : i32
          %dma_wait3A_262 = arith.constant 0 : i32
          %dma_wait3A_263 = tpu.memref_slice %arg16[%dma_wait3A_261, %dma_wait3A_262] : memref<10240x144xf32, #tpu.memory_space<vmem_shared>> -> memref<50x144xf32, #tpu.memory_space<vmem_shared>>
          tpu.wait_dma2 semaphore(%arg23 : memref<!tpu.dma_semaphore, #tpu.memory_space<semaphore_mem>>) src(%arg14 : memref<50x144xf32, #tpu.memory_space<vmem>>) dst(%dma_wait3A_263 : memref<50x144xf32, #tpu.memory_space<vmem_shared>>)
          %add3A_264 = arith.constant 4 : i32
          %add3A_265 = arith.addi %add3A_240, %add3A_264 : i32
          %sub3A_266 = arith.constant 1 : i32
          %sub3A_267 = arith.subi %add3A_265, %sub3A_266 : i32
          %dma_start3A_268 = arith.constant 0 : i32
          %dma_start3A_269 = tpu.memref_slice %arg10[%sub3A_267, %dma_start3A_268] : memref<20x50xi32, #tpu.memory_space<vmem>> -> memref<1x50xi32, #tpu.memory_space<vmem>>
          %dma_start3A_270 = tpu.memref_squeeze %dma_start3A_269 : memref<1x50xi32, #tpu.memory_space<vmem>> -> memref<50xi32, #tpu.memory_space<vmem>>
          %dma_start3A_271 = arith.constant 0 : i32
          %dma_start3A_272 = arith.constant 0 : i32
          %dma_start3A_273 = tpu.memref_slice %arg2[%dma_start3A_271, %dma_start3A_272] : memref<10000x144xf32, #tpu.memory_space<hbm>> -> memref<10000x144xf32, #tpu.memory_space<hbm>>
          tpu.enqueue_indirect_dma source(%dma_start3A_273 : memref<10000x144xf32, #tpu.memory_space<hbm>>) target(%arg14 : memref<50x144xf32, #tpu.memory_space<vmem>>) offsets(%dma_start3A_270 : memref<50xi32, #tpu.memory_space<vmem>>) semaphore(%arg19 : memref<!tpu.dma_semaphore, #tpu.memory_space<semaphore_mem>>)
        } else {
        }
      }
      %scan3A_162 = arith.constant 5 : i32
    }
    %scan3A_7 = arith.constant 5 : i32
    %dma_wait3A = arith.constant 0 : i32
    %dma_wait3A_8 = arith.constant 0 : i32
    %dma_wait3A_9 = tpu.memref_slice %arg16[%dma_wait3A, %dma_wait3A_8] : memref<10240x144xf32, #tpu.memory_space<vmem_shared>> -> memref<50x144xf32, #tpu.memory_space<vmem_shared>>
    %dma_wait3A_10 = arith.constant 0 : i32
    %dma_wait3A_11 = arith.constant 0 : i32
    %dma_wait3A_12 = tpu.memref_slice %arg16[%dma_wait3A_10, %dma_wait3A_11] : memref<10240x144xf32, #tpu.memory_space<vmem_shared>> -> memref<50x144xf32, #tpu.memory_space<vmem_shared>>
    tpu.wait_dma2 semaphore(%arg21 : memref<!tpu.dma_semaphore, #tpu.memory_space<semaphore_mem>>) src(%arg12 : memref<50x144xf32, #tpu.memory_space<vmem>>) dst(%dma_wait3A_12 : memref<50x144xf32, #tpu.memory_space<vmem_shared>>)
    %dma_wait3A_13 = arith.constant 0 : i32
    %dma_wait3A_14 = arith.constant 0 : i32
    %dma_wait3A_15 = tpu.memref_slice %arg16[%dma_wait3A_13, %dma_wait3A_14] : memref<10240x144xf32, #tpu.memory_space<vmem_shared>> -> memref<50x144xf32, #tpu.memory_space<vmem_shared>>
    %dma_wait3A_16 = arith.constant 0 : i32
    %dma_wait3A_17 = arith.constant 0 : i32
    %dma_wait3A_18 = tpu.memref_slice %arg16[%dma_wait3A_16, %dma_wait3A_17] : memref<10240x144xf32, #tpu.memory_space<vmem_shared>> -> memref<50x144xf32, #tpu.memory_space<vmem_shared>>
    tpu.wait_dma2 semaphore(%arg22 : memref<!tpu.dma_semaphore, #tpu.memory_space<semaphore_mem>>) src(%arg13 : memref<50x144xf32, #tpu.memory_space<vmem>>) dst(%dma_wait3A_18 : memref<50x144xf32, #tpu.memory_space<vmem_shared>>)
    %dma_wait3A_19 = arith.constant 0 : i32
    %dma_wait3A_20 = arith.constant 0 : i32
    %dma_wait3A_21 = tpu.memref_slice %arg16[%dma_wait3A_19, %dma_wait3A_20] : memref<10240x144xf32, #tpu.memory_space<vmem_shared>> -> memref<50x144xf32, #tpu.memory_space<vmem_shared>>
    %dma_wait3A_22 = arith.constant 0 : i32
    %dma_wait3A_23 = arith.constant 0 : i32
    %dma_wait3A_24 = tpu.memref_slice %arg16[%dma_wait3A_22, %dma_wait3A_23] : memref<10240x144xf32, #tpu.memory_space<vmem_shared>> -> memref<50x144xf32, #tpu.memory_space<vmem_shared>>
    tpu.wait_dma2 semaphore(%arg23 : memref<!tpu.dma_semaphore, #tpu.memory_space<semaphore_mem>>) src(%arg14 : memref<50x144xf32, #tpu.memory_space<vmem>>) dst(%dma_wait3A_24 : memref<50x144xf32, #tpu.memory_space<vmem_shared>>)
    %dma_wait3A_25 = arith.constant 0 : i32
    %dma_wait3A_26 = arith.constant 0 : i32
    %dma_wait3A_27 = tpu.memref_slice %arg16[%dma_wait3A_25, %dma_wait3A_26] : memref<10240x144xf32, #tpu.memory_space<vmem_shared>> -> memref<50x144xf32, #tpu.memory_space<vmem_shared>>
    %dma_wait3A_28 = arith.constant 0 : i32
    %dma_wait3A_29 = arith.constant 0 : i32
    %dma_wait3A_30 = tpu.memref_slice %arg16[%dma_wait3A_28, %dma_wait3A_29] : memref<10240x144xf32, #tpu.memory_space<vmem_shared>> -> memref<50x144xf32, #tpu.memory_space<vmem_shared>>
    tpu.wait_dma2 semaphore(%arg24 : memref<!tpu.dma_semaphore, #tpu.memory_space<semaphore_mem>>) src(%arg15 : memref<50x144xf32, #tpu.memory_space<vmem>>) dst(%dma_wait3A_30 : memref<50x144xf32, #tpu.memory_space<vmem_shared>>)
    %barrier3A_31 = arith.constant 0 : index
    tpu.barrier barrier_id(%barrier3A_31)
    %mul3A_32 = arith.constant 640 : i32
    %mul3A_33 = arith.muli %arg1, %mul3A_32 : i32
    %mul3A_34 = arith.constant 640 : i32
    %mul3A_35 = arith.muli %arg1, %mul3A_34 : i32
    %run_scoped3A = arith.constant 0 : i32
    "tpu.region"() ({
      %run_scoped3A_117 = tpu.sem_alloc : memref<!tpu.dma_semaphore, #tpu.memory_space<semaphore_mem>>
      %dma_start3A = arith.constant 0 : i32
      %dma_start3A_118 = tpu.memref_slice %arg9[%run_scoped3A, %arg0, %mul3A_35, %dma_start3A] : memref<3x2x10240x144xf32, #tpu.memory_space<hbm>> -> memref<1x1x640x144xf32, #tpu.memory_space<hbm>>
      %dma_start3A_119 = tpu.memref_squeeze %dma_start3A_118 : memref<1x1x640x144xf32, #tpu.memory_space<hbm>> -> memref<640x144xf32, #tpu.memory_space<hbm>>
      %dma_start3A_120 = arith.constant 0 : i32
      %dma_start3A_121 = tpu.memref_slice %arg16[%mul3A_33, %dma_start3A_120] : memref<10240x144xf32, #tpu.memory_space<vmem_shared>> -> memref<640x144xf32, #tpu.memory_space<vmem_shared>>
      tpu.enqueue_dma source(%dma_start3A_121 : memref<640x144xf32, #tpu.memory_space<vmem_shared>>) target(%dma_start3A_119 : memref<640x144xf32, #tpu.memory_space<hbm>>) target_semaphore(%run_scoped3A_117 : memref<!tpu.dma_semaphore, #tpu.memory_space<semaphore_mem>>)
      %dma_wait3A_122 = arith.constant 0 : i32
      %dma_wait3A_123 = tpu.memref_slice %arg9[%run_scoped3A, %arg0, %mul3A_35, %dma_wait3A_122] : memref<3x2x10240x144xf32, #tpu.memory_space<hbm>> -> memref<1x1x640x144xf32, #tpu.memory_space<hbm>>
      %dma_wait3A_124 = tpu.memref_squeeze %dma_wait3A_123 : memref<1x1x640x144xf32, #tpu.memory_space<hbm>> -> memref<640x144xf32, #tpu.memory_space<hbm>>
      %dma_wait3A_125 = arith.constant 0 : i32
      %dma_wait3A_126 = tpu.memref_slice %arg16[%mul3A_33, %dma_wait3A_125] : memref<10240x144xf32, #tpu.memory_space<vmem_shared>> -> memref<640x144xf32, #tpu.memory_space<vmem_shared>>
      tpu.wait_dma2 semaphore(%run_scoped3A_117 : memref<!tpu.dma_semaphore, #tpu.memory_space<semaphore_mem>>) src(%dma_wait3A_126 : memref<640x144xf32, #tpu.memory_space<vmem_shared>>) dst(%dma_wait3A_124 : memref<640x144xf32, #tpu.memory_space<hbm>>)
      tpu.yield
    }) : () -> ()
    %barrier3A_36 = arith.constant 0 : index
    tpu.barrier barrier_id(%barrier3A_36)
    %mul3A_37 = arith.constant 640 : i32
    %mul3A_38 = arith.muli %arg1, %mul3A_37 : i32
    "tpu.region"() ({
      %run_scoped3A_117 = tpu.sem_alloc : memref<!tpu.dma_semaphore, #tpu.memory_space<semaphore_mem>>
      %dma_start3A = arith.constant 0 : i32
      %dma_start3A_118 = tpu.memref_slice %arg16[%mul3A_38, %dma_start3A] : memref<10240x144xf32, #tpu.memory_space<vmem_shared>> -> memref<640x144xf32, #tpu.memory_space<vmem_shared>>
      tpu.enqueue_dma source(%arg8 : memref<640x144xf32, #tpu.memory_space<hbm>>) target(%dma_start3A_118 : memref<640x144xf32, #tpu.memory_space<vmem_shared>>) target_semaphore(%run_scoped3A_117 : memref<!tpu.dma_semaphore, #tpu.memory_space<semaphore_mem>>)
      %dma_wait3A_119 = arith.constant 0 : i32
      %dma_wait3A_120 = tpu.memref_slice %arg16[%mul3A_38, %dma_wait3A_119] : memref<10240x144xf32, #tpu.memory_space<vmem_shared>> -> memref<640x144xf32, #tpu.memory_space<vmem_shared>>
      tpu.wait_dma2 semaphore(%run_scoped3A_117 : memref<!tpu.dma_semaphore, #tpu.memory_space<semaphore_mem>>) src(%arg8 : memref<640x144xf32, #tpu.memory_space<hbm>>) dst(%dma_wait3A_120 : memref<640x144xf32, #tpu.memory_space<vmem_shared>>)
      tpu.yield
    }) : () -> ()
    %barrier3A_39 = arith.constant 0 : index
    tpu.barrier barrier_id(%barrier3A_39)
    %scan3A_40 = arith.constant 0 : i32
    %scan3A_41 = arith.constant 0 : i32
    %scan3A_42 = arith.constant 5 : i32
    %scan3A_43 = arith.addi %scan3A_41, %scan3A_42 : i32
    %scan3A_44 = arith.constant 1 : i32
    scf.for %scan3A_117 = %scan3A_41 to %scan3A_43 step %scan3A_44  : i32 {
      %mul3A_118 = arith.constant 100 : i32
      %mul3A_119 = arith.muli %add3A, %mul3A_118 : i32
      %mul3A_120 = arith.constant 20 : i32
      %mul3A_121 = arith.muli %scan3A_117, %mul3A_120 : i32
      %add3A_122 = arith.addi %mul3A_119, %mul3A_121 : i32
      %run_scoped3A_123 = arith.constant 0 : i32
      "tpu.region"() ({
        %run_scoped3A_163 = tpu.sem_alloc : memref<!tpu.dma_semaphore, #tpu.memory_space<semaphore_mem>>
        %dma_start3A_164 = arith.constant 0 : i32
        %dma_start3A_165 = tpu.memref_slice %arg6[%run_scoped3A_123, %add3A_122, %dma_start3A_164] : memref<2x3200x50xi32, #tpu.memory_space<hbm>> -> memref<1x20x50xi32, #tpu.memory_space<hbm>>
        %dma_start3A_166 = tpu.memref_squeeze %dma_start3A_165 : memref<1x20x50xi32, #tpu.memory_space<hbm>> -> memref<20x50xi32, #tpu.memory_space<hbm>>
        %dma_start3A_167 = arith.constant 0 : i32
        %dma_start3A_168 = tpu.memref_slice %arg6[%run_scoped3A_123, %add3A_122, %dma_start3A_167] : memref<2x3200x50xi32, #tpu.memory_space<hbm>> -> memref<1x20x50xi32, #tpu.memory_space<hbm>>
        %dma_start3A_169 = tpu.memref_squeeze %dma_start3A_168 : memref<1x20x50xi32, #tpu.memory_space<hbm>> -> memref<20x50xi32, #tpu.memory_space<hbm>>
        tpu.enqueue_dma source(%dma_start3A_169 : memref<20x50xi32, #tpu.memory_space<hbm>>) target(%arg10 : memref<20x50xi32, #tpu.memory_space<vmem>>) target_semaphore(%run_scoped3A_163 : memref<!tpu.dma_semaphore, #tpu.memory_space<semaphore_mem>>)
        %dma_wait3A_170 = arith.constant 0 : i32
        %dma_wait3A_171 = tpu.memref_slice %arg6[%run_scoped3A_123, %add3A_122, %dma_wait3A_170] : memref<2x3200x50xi32, #tpu.memory_space<hbm>> -> memref<1x20x50xi32, #tpu.memory_space<hbm>>
        %dma_wait3A_172 = tpu.memref_squeeze %dma_wait3A_171 : memref<1x20x50xi32, #tpu.memory_space<hbm>> -> memref<20x50xi32, #tpu.memory_space<hbm>>
        %dma_wait3A_173 = arith.constant 0 : i32
        %dma_wait3A_174 = tpu.memref_slice %arg6[%run_scoped3A_123, %add3A_122, %dma_wait3A_173] : memref<2x3200x50xi32, #tpu.memory_space<hbm>> -> memref<1x20x50xi32, #tpu.memory_space<hbm>>
        %dma_wait3A_175 = tpu.memref_squeeze %dma_wait3A_174 : memref<1x20x50xi32, #tpu.memory_space<hbm>> -> memref<20x50xi32, #tpu.memory_space<hbm>>
        tpu.wait_dma2 semaphore(%run_scoped3A_163 : memref<!tpu.dma_semaphore, #tpu.memory_space<semaphore_mem>>) src(%dma_wait3A_175 : memref<20x50xi32, #tpu.memory_space<hbm>>) dst(%arg10 : memref<20x50xi32, #tpu.memory_space<vmem>>)
        tpu.yield
      }) : () -> ()
      %run_scoped3A_124 = arith.constant 1 : i32
      "tpu.region"() ({
        %run_scoped3A_163 = tpu.sem_alloc : memref<!tpu.dma_semaphore, #tpu.memory_space<semaphore_mem>>
        %dma_start3A_164 = arith.constant 0 : i32
        %dma_start3A_165 = tpu.memref_slice %arg6[%run_scoped3A_124, %add3A_122, %dma_start3A_164] : memref<2x3200x50xi32, #tpu.memory_space<hbm>> -> memref<1x20x50xi32, #tpu.memory_space<hbm>>
        %dma_start3A_166 = tpu.memref_squeeze %dma_start3A_165 : memref<1x20x50xi32, #tpu.memory_space<hbm>> -> memref<20x50xi32, #tpu.memory_space<hbm>>
        %dma_start3A_167 = arith.constant 0 : i32
        %dma_start3A_168 = tpu.memref_slice %arg6[%run_scoped3A_124, %add3A_122, %dma_start3A_167] : memref<2x3200x50xi32, #tpu.memory_space<hbm>> -> memref<1x20x50xi32, #tpu.memory_space<hbm>>
        %dma_start3A_169 = tpu.memref_squeeze %dma_start3A_168 : memref<1x20x50xi32, #tpu.memory_space<hbm>> -> memref<20x50xi32, #tpu.memory_space<hbm>>
        tpu.enqueue_dma source(%dma_start3A_169 : memref<20x50xi32, #tpu.memory_space<hbm>>) target(%arg11 : memref<20x50xi32, #tpu.memory_space<vmem>>) target_semaphore(%run_scoped3A_163 : memref<!tpu.dma_semaphore, #tpu.memory_space<semaphore_mem>>)
        %dma_wait3A_170 = arith.constant 0 : i32
        %dma_wait3A_171 = tpu.memref_slice %arg6[%run_scoped3A_124, %add3A_122, %dma_wait3A_170] : memref<2x3200x50xi32, #tpu.memory_space<hbm>> -> memref<1x20x50xi32, #tpu.memory_space<hbm>>
        %dma_wait3A_172 = tpu.memref_squeeze %dma_wait3A_171 : memref<1x20x50xi32, #tpu.memory_space<hbm>> -> memref<20x50xi32, #tpu.memory_space<hbm>>
        %dma_wait3A_173 = arith.constant 0 : i32
        %dma_wait3A_174 = tpu.memref_slice %arg6[%run_scoped3A_124, %add3A_122, %dma_wait3A_173] : memref<2x3200x50xi32, #tpu.memory_space<hbm>> -> memref<1x20x50xi32, #tpu.memory_space<hbm>>
        %dma_wait3A_175 = tpu.memref_squeeze %dma_wait3A_174 : memref<1x20x50xi32, #tpu.memory_space<hbm>> -> memref<20x50xi32, #tpu.memory_space<hbm>>
        tpu.wait_dma2 semaphore(%run_scoped3A_163 : memref<!tpu.dma_semaphore, #tpu.memory_space<semaphore_mem>>) src(%dma_wait3A_175 : memref<20x50xi32, #tpu.memory_space<hbm>>) dst(%arg11 : memref<20x50xi32, #tpu.memory_space<vmem>>)
        tpu.yield
      }) : () -> ()
      %gt3A = arith.constant 0 : i32
      %gt3A_125 = arith.cmpi sgt, %scan3A_117, %gt3A : i32
      %convert_element_type3A = arith.extui %gt3A_125 : i1 to i32
      %cond3A = arith.constant 0 : i32
      %cond3A_126 = arith.cmpi ne, %convert_element_type3A, %cond3A : i32
      scf.if %cond3A_126 {
        %dma_wait3A_163 = arith.constant 0 : i32
        %dma_wait3A_164 = arith.constant 0 : i32
        %dma_wait3A_165 = tpu.memref_slice %arg16[%dma_wait3A_163, %dma_wait3A_164] : memref<10240x144xf32, #tpu.memory_space<vmem_shared>> -> memref<50x144xf32, #tpu.memory_space<vmem_shared>>
        %dma_wait3A_166 = arith.constant 0 : i32
        %dma_wait3A_167 = arith.constant 0 : i32
        %dma_wait3A_168 = tpu.memref_slice %arg16[%dma_wait3A_166, %dma_wait3A_167] : memref<10240x144xf32, #tpu.memory_space<vmem_shared>> -> memref<50x144xf32, #tpu.memory_space<vmem_shared>>
        tpu.wait_dma2 semaphore(%arg21 : memref<!tpu.dma_semaphore, #tpu.memory_space<semaphore_mem>>) src(%arg12 : memref<50x144xf32, #tpu.memory_space<vmem>>) dst(%dma_wait3A_168 : memref<50x144xf32, #tpu.memory_space<vmem_shared>>)
      } else {
      }
      %dma_start3A = arith.constant 0 : i32
      %dma_start3A_127 = arith.constant 0 : i32
      %dma_start3A_128 = tpu.memref_slice %arg10[%dma_start3A, %dma_start3A_127] : memref<20x50xi32, #tpu.memory_space<vmem>> -> memref<1x50xi32, #tpu.memory_space<vmem>>
      %dma_start3A_129 = tpu.memref_squeeze %dma_start3A_128 : memref<1x50xi32, #tpu.memory_space<vmem>> -> memref<50xi32, #tpu.memory_space<vmem>>
      %dma_start3A_130 = arith.constant 0 : i32
      %dma_start3A_131 = arith.constant 0 : i32
      %dma_start3A_132 = tpu.memref_slice %arg3[%dma_start3A_130, %dma_start3A_131] : memref<10000x144xf32, #tpu.memory_space<hbm>> -> memref<10000x144xf32, #tpu.memory_space<hbm>>
      tpu.enqueue_indirect_dma source(%dma_start3A_132 : memref<10000x144xf32, #tpu.memory_space<hbm>>) target(%arg12 : memref<50x144xf32, #tpu.memory_space<vmem>>) offsets(%dma_start3A_129 : memref<50xi32, #tpu.memory_space<vmem>>) semaphore(%arg17 : memref<!tpu.dma_semaphore, #tpu.memory_space<semaphore_mem>>)
      %gt3A_133 = arith.constant 0 : i32
      %gt3A_134 = arith.cmpi sgt, %scan3A_117, %gt3A_133 : i32
      %convert_element_type3A_135 = arith.extui %gt3A_134 : i1 to i32
      %cond3A_136 = arith.constant 0 : i32
      %cond3A_137 = arith.cmpi ne, %convert_element_type3A_135, %cond3A_136 : i32
      scf.if %cond3A_137 {
        %dma_wait3A_163 = arith.constant 0 : i32
        %dma_wait3A_164 = arith.constant 0 : i32
        %dma_wait3A_165 = tpu.memref_slice %arg16[%dma_wait3A_163, %dma_wait3A_164] : memref<10240x144xf32, #tpu.memory_space<vmem_shared>> -> memref<50x144xf32, #tpu.memory_space<vmem_shared>>
        %dma_wait3A_166 = arith.constant 0 : i32
        %dma_wait3A_167 = arith.constant 0 : i32
        %dma_wait3A_168 = tpu.memref_slice %arg16[%dma_wait3A_166, %dma_wait3A_167] : memref<10240x144xf32, #tpu.memory_space<vmem_shared>> -> memref<50x144xf32, #tpu.memory_space<vmem_shared>>
        tpu.wait_dma2 semaphore(%arg22 : memref<!tpu.dma_semaphore, #tpu.memory_space<semaphore_mem>>) src(%arg13 : memref<50x144xf32, #tpu.memory_space<vmem>>) dst(%dma_wait3A_168 : memref<50x144xf32, #tpu.memory_space<vmem_shared>>)
      } else {
      }
      %dma_start3A_138 = arith.constant 1 : i32
      %dma_start3A_139 = arith.constant 0 : i32
      %dma_start3A_140 = tpu.memref_slice %arg10[%dma_start3A_138, %dma_start3A_139] : memref<20x50xi32, #tpu.memory_space<vmem>> -> memref<1x50xi32, #tpu.memory_space<vmem>>
      %dma_start3A_141 = tpu.memref_squeeze %dma_start3A_140 : memref<1x50xi32, #tpu.memory_space<vmem>> -> memref<50xi32, #tpu.memory_space<vmem>>
      %dma_start3A_142 = arith.constant 0 : i32
      %dma_start3A_143 = arith.constant 0 : i32
      %dma_start3A_144 = tpu.memref_slice %arg3[%dma_start3A_142, %dma_start3A_143] : memref<10000x144xf32, #tpu.memory_space<hbm>> -> memref<10000x144xf32, #tpu.memory_space<hbm>>
      tpu.enqueue_indirect_dma source(%dma_start3A_144 : memref<10000x144xf32, #tpu.memory_space<hbm>>) target(%arg13 : memref<50x144xf32, #tpu.memory_space<vmem>>) offsets(%dma_start3A_141 : memref<50xi32, #tpu.memory_space<vmem>>) semaphore(%arg18 : memref<!tpu.dma_semaphore, #tpu.memory_space<semaphore_mem>>)
      %gt3A_145 = arith.constant 0 : i32
      %gt3A_146 = arith.cmpi sgt, %scan3A_117, %gt3A_145 : i32
      %convert_element_type3A_147 = arith.extui %gt3A_146 : i1 to i32
      %cond3A_148 = arith.constant 0 : i32
      %cond3A_149 = arith.cmpi ne, %convert_element_type3A_147, %cond3A_148 : i32
      scf.if %cond3A_149 {
        %dma_wait3A_163 = arith.constant 0 : i32
        %dma_wait3A_164 = arith.constant 0 : i32
        %dma_wait3A_165 = tpu.memref_slice %arg16[%dma_wait3A_163, %dma_wait3A_164] : memref<10240x144xf32, #tpu.memory_space<vmem_shared>> -> memref<50x144xf32, #tpu.memory_space<vmem_shared>>
        %dma_wait3A_166 = arith.constant 0 : i32
        %dma_wait3A_167 = arith.constant 0 : i32
        %dma_wait3A_168 = tpu.memref_slice %arg16[%dma_wait3A_166, %dma_wait3A_167] : memref<10240x144xf32, #tpu.memory_space<vmem_shared>> -> memref<50x144xf32, #tpu.memory_space<vmem_shared>>
        tpu.wait_dma2 semaphore(%arg23 : memref<!tpu.dma_semaphore, #tpu.memory_space<semaphore_mem>>) src(%arg14 : memref<50x144xf32, #tpu.memory_space<vmem>>) dst(%dma_wait3A_168 : memref<50x144xf32, #tpu.memory_space<vmem_shared>>)
      } else {
      }
      %dma_start3A_150 = arith.constant 2 : i32
      %dma_start3A_151 = arith.constant 0 : i32
      %dma_start3A_152 = tpu.memref_slice %arg10[%dma_start3A_150, %dma_start3A_151] : memref<20x50xi32, #tpu.memory_space<vmem>> -> memref<1x50xi32, #tpu.memory_space<vmem>>
      %dma_start3A_153 = tpu.memref_squeeze %dma_start3A_152 : memref<1x50xi32, #tpu.memory_space<vmem>> -> memref<50xi32, #tpu.memory_space<vmem>>
      %dma_start3A_154 = arith.constant 0 : i32
      %dma_start3A_155 = arith.constant 0 : i32
      %dma_start3A_156 = tpu.memref_slice %arg3[%dma_start3A_154, %dma_start3A_155] : memref<10000x144xf32, #tpu.memory_space<hbm>> -> memref<10000x144xf32, #tpu.memory_space<hbm>>
      tpu.enqueue_indirect_dma source(%dma_start3A_156 : memref<10000x144xf32, #tpu.memory_space<hbm>>) target(%arg14 : memref<50x144xf32, #tpu.memory_space<vmem>>) offsets(%dma_start3A_153 : memref<50xi32, #tpu.memory_space<vmem>>) semaphore(%arg19 : memref<!tpu.dma_semaphore, #tpu.memory_space<semaphore_mem>>)
      %scan3A_157 = arith.constant 0 : i32
      %scan3A_158 = arith.constant 0 : i32
      %scan3A_159 = arith.constant 5 : i32
      %scan3A_160 = arith.addi %scan3A_158, %scan3A_159 : i32
      %scan3A_161 = arith.constant 1 : i32
      scf.for %scan3A_163 = %scan3A_158 to %scan3A_160 step %scan3A_161  : i32 {
        %mul3A_164 = arith.constant 4 : i32
        %mul3A_165 = arith.muli %scan3A_163, %mul3A_164 : i32
        %add3A_166 = arith.constant 0 : i32
        %add3A_167 = arith.addi %mul3A_165, %add3A_166 : i32
        %dma_wait3A_168 = arith.constant 0 : i32
        %dma_wait3A_169 = arith.constant 0 : i32
        %dma_wait3A_170 = tpu.memref_slice %arg3[%dma_wait3A_168, %dma_wait3A_169] : memref<10000x144xf32, #tpu.memory_space<hbm>> -> memref<50x144xf32, #tpu.memory_space<hbm>>
        %dma_wait3A_171 = arith.constant 0 : i32
        %dma_wait3A_172 = arith.constant 0 : i32
        %dma_wait3A_173 = tpu.memref_slice %arg3[%dma_wait3A_171, %dma_wait3A_172] : memref<10000x144xf32, #tpu.memory_space<hbm>> -> memref<50x144xf32, #tpu.memory_space<hbm>>
        tpu.wait_dma2 semaphore(%arg17 : memref<!tpu.dma_semaphore, #tpu.memory_space<semaphore_mem>>) src(%dma_wait3A_173 : memref<50x144xf32, #tpu.memory_space<hbm>>) dst(%arg12 : memref<50x144xf32, #tpu.memory_space<vmem>>)
        %dma_start3A_174 = arith.constant 0 : i32
        %dma_start3A_175 = tpu.memref_slice %arg11[%add3A_167, %dma_start3A_174] : memref<20x50xi32, #tpu.memory_space<vmem>> -> memref<1x50xi32, #tpu.memory_space<vmem>>
        %dma_start3A_176 = tpu.memref_squeeze %dma_start3A_175 : memref<1x50xi32, #tpu.memory_space<vmem>> -> memref<50xi32, #tpu.memory_space<vmem>>
        %dma_start3A_177 = arith.constant 0 : i32
        %dma_start3A_178 = arith.constant 0 : i32
        %dma_start3A_179 = tpu.memref_slice %arg16[%dma_start3A_177, %dma_start3A_178] : memref<10240x144xf32, #tpu.memory_space<vmem_shared>> -> memref<10240x144xf32, #tpu.memory_space<vmem_shared>>
        tpu.enqueue_indirect_dma source(%arg12 : memref<50x144xf32, #tpu.memory_space<vmem>>) target(%dma_start3A_179 : memref<10240x144xf32, #tpu.memory_space<vmem_shared>>) offsets(%dma_start3A_176 : memref<50xi32, #tpu.memory_space<vmem>>) semaphore(%arg21 : memref<!tpu.dma_semaphore, #tpu.memory_space<semaphore_mem>>) {add = true}
        %gt3A_180 = arith.constant 0 : i32
        %gt3A_181 = arith.cmpi sgt, %scan3A_117, %gt3A_180 : i32
        %gt3A_182 = arith.constant 0 : i32
        %gt3A_183 = arith.cmpi sgt, %scan3A_163, %gt3A_182 : i32
        %or3A = arith.ori %gt3A_181, %gt3A_183 : i1
        %convert_element_type3A_184 = arith.extui %or3A : i1 to i32
        %cond3A_185 = arith.constant 0 : i32
        %cond3A_186 = arith.cmpi ne, %convert_element_type3A_184, %cond3A_185 : i32
        scf.if %cond3A_186 {
          %dma_wait3A_258 = arith.constant 0 : i32
          %dma_wait3A_259 = arith.constant 0 : i32
          %dma_wait3A_260 = tpu.memref_slice %arg16[%dma_wait3A_258, %dma_wait3A_259] : memref<10240x144xf32, #tpu.memory_space<vmem_shared>> -> memref<50x144xf32, #tpu.memory_space<vmem_shared>>
          %dma_wait3A_261 = arith.constant 0 : i32
          %dma_wait3A_262 = arith.constant 0 : i32
          %dma_wait3A_263 = tpu.memref_slice %arg16[%dma_wait3A_261, %dma_wait3A_262] : memref<10240x144xf32, #tpu.memory_space<vmem_shared>> -> memref<50x144xf32, #tpu.memory_space<vmem_shared>>
          tpu.wait_dma2 semaphore(%arg24 : memref<!tpu.dma_semaphore, #tpu.memory_space<semaphore_mem>>) src(%arg15 : memref<50x144xf32, #tpu.memory_space<vmem>>) dst(%dma_wait3A_263 : memref<50x144xf32, #tpu.memory_space<vmem_shared>>)
        } else {
        }
        %add3A_187 = arith.constant 4 : i32
        %add3A_188 = arith.addi %add3A_167, %add3A_187 : i32
        %sub3A = arith.constant 1 : i32
        %sub3A_189 = arith.subi %add3A_188, %sub3A : i32
        %dma_start3A_190 = arith.constant 0 : i32
        %dma_start3A_191 = tpu.memref_slice %arg10[%sub3A_189, %dma_start3A_190] : memref<20x50xi32, #tpu.memory_space<vmem>> -> memref<1x50xi32, #tpu.memory_space<vmem>>
        %dma_start3A_192 = tpu.memref_squeeze %dma_start3A_191 : memref<1x50xi32, #tpu.memory_space<vmem>> -> memref<50xi32, #tpu.memory_space<vmem>>
        %dma_start3A_193 = arith.constant 0 : i32
        %dma_start3A_194 = arith.constant 0 : i32
        %dma_start3A_195 = tpu.memref_slice %arg3[%dma_start3A_193, %dma_start3A_194] : memref<10000x144xf32, #tpu.memory_space<hbm>> -> memref<10000x144xf32, #tpu.memory_space<hbm>>
        tpu.enqueue_indirect_dma source(%dma_start3A_195 : memref<10000x144xf32, #tpu.memory_space<hbm>>) target(%arg15 : memref<50x144xf32, #tpu.memory_space<vmem>>) offsets(%dma_start3A_192 : memref<50xi32, #tpu.memory_space<vmem>>) semaphore(%arg20 : memref<!tpu.dma_semaphore, #tpu.memory_space<semaphore_mem>>)
        %mul3A_196 = arith.constant 4 : i32
        %mul3A_197 = arith.muli %scan3A_163, %mul3A_196 : i32
        %add3A_198 = arith.constant 1 : i32
        %add3A_199 = arith.addi %mul3A_197, %add3A_198 : i32
        %dma_wait3A_200 = arith.constant 0 : i32
        %dma_wait3A_201 = arith.constant 0 : i32
        %dma_wait3A_202 = tpu.memref_slice %arg3[%dma_wait3A_200, %dma_wait3A_201] : memref<10000x144xf32, #tpu.memory_space<hbm>> -> memref<50x144xf32, #tpu.memory_space<hbm>>
        %dma_wait3A_203 = arith.constant 0 : i32
        %dma_wait3A_204 = arith.constant 0 : i32
        %dma_wait3A_205 = tpu.memref_slice %arg3[%dma_wait3A_203, %dma_wait3A_204] : memref<10000x144xf32, #tpu.memory_space<hbm>> -> memref<50x144xf32, #tpu.memory_space<hbm>>
        tpu.wait_dma2 semaphore(%arg18 : memref<!tpu.dma_semaphore, #tpu.memory_space<semaphore_mem>>) src(%dma_wait3A_205 : memref<50x144xf32, #tpu.memory_space<hbm>>) dst(%arg13 : memref<50x144xf32, #tpu.memory_space<vmem>>)
        %dma_start3A_206 = arith.constant 0 : i32
        %dma_start3A_207 = tpu.memref_slice %arg11[%add3A_199, %dma_start3A_206] : memref<20x50xi32, #tpu.memory_space<vmem>> -> memref<1x50xi32, #tpu.memory_space<vmem>>
        %dma_start3A_208 = tpu.memref_squeeze %dma_start3A_207 : memref<1x50xi32, #tpu.memory_space<vmem>> -> memref<50xi32, #tpu.memory_space<vmem>>
        %dma_start3A_209 = arith.constant 0 : i32
        %dma_start3A_210 = arith.constant 0 : i32
        %dma_start3A_211 = tpu.memref_slice %arg16[%dma_start3A_209, %dma_start3A_210] : memref<10240x144xf32, #tpu.memory_space<vmem_shared>> -> memref<10240x144xf32, #tpu.memory_space<vmem_shared>>
        tpu.enqueue_indirect_dma source(%arg13 : memref<50x144xf32, #tpu.memory_space<vmem>>) target(%dma_start3A_211 : memref<10240x144xf32, #tpu.memory_space<vmem_shared>>) offsets(%dma_start3A_208 : memref<50xi32, #tpu.memory_space<vmem>>) semaphore(%arg22 : memref<!tpu.dma_semaphore, #tpu.memory_space<semaphore_mem>>) {add = true}
        %lt3A = arith.constant 4 : i32
        %lt3A_212 = arith.cmpi slt, %scan3A_163, %lt3A : i32
        %convert_element_type3A_213 = arith.extui %lt3A_212 : i1 to i32
        %cond3A_214 = arith.constant 0 : i32
        %cond3A_215 = arith.cmpi ne, %convert_element_type3A_213, %cond3A_214 : i32
        scf.if %cond3A_215 {
          %dma_wait3A_258 = arith.constant 0 : i32
          %dma_wait3A_259 = arith.constant 0 : i32
          %dma_wait3A_260 = tpu.memref_slice %arg16[%dma_wait3A_258, %dma_wait3A_259] : memref<10240x144xf32, #tpu.memory_space<vmem_shared>> -> memref<50x144xf32, #tpu.memory_space<vmem_shared>>
          %dma_wait3A_261 = arith.constant 0 : i32
          %dma_wait3A_262 = arith.constant 0 : i32
          %dma_wait3A_263 = tpu.memref_slice %arg16[%dma_wait3A_261, %dma_wait3A_262] : memref<10240x144xf32, #tpu.memory_space<vmem_shared>> -> memref<50x144xf32, #tpu.memory_space<vmem_shared>>
          tpu.wait_dma2 semaphore(%arg21 : memref<!tpu.dma_semaphore, #tpu.memory_space<semaphore_mem>>) src(%arg12 : memref<50x144xf32, #tpu.memory_space<vmem>>) dst(%dma_wait3A_263 : memref<50x144xf32, #tpu.memory_space<vmem_shared>>)
          %add3A_264 = arith.constant 4 : i32
          %add3A_265 = arith.addi %add3A_199, %add3A_264 : i32
          %sub3A_266 = arith.constant 1 : i32
          %sub3A_267 = arith.subi %add3A_265, %sub3A_266 : i32
          %dma_start3A_268 = arith.constant 0 : i32
          %dma_start3A_269 = tpu.memref_slice %arg10[%sub3A_267, %dma_start3A_268] : memref<20x50xi32, #tpu.memory_space<vmem>> -> memref<1x50xi32, #tpu.memory_space<vmem>>
          %dma_start3A_270 = tpu.memref_squeeze %dma_start3A_269 : memref<1x50xi32, #tpu.memory_space<vmem>> -> memref<50xi32, #tpu.memory_space<vmem>>
          %dma_start3A_271 = arith.constant 0 : i32
          %dma_start3A_272 = arith.constant 0 : i32
          %dma_start3A_273 = tpu.memref_slice %arg3[%dma_start3A_271, %dma_start3A_272] : memref<10000x144xf32, #tpu.memory_space<hbm>> -> memref<10000x144xf32, #tpu.memory_space<hbm>>
          tpu.enqueue_indirect_dma source(%dma_start3A_273 : memref<10000x144xf32, #tpu.memory_space<hbm>>) target(%arg12 : memref<50x144xf32, #tpu.memory_space<vmem>>) offsets(%dma_start3A_270 : memref<50xi32, #tpu.memory_space<vmem>>) semaphore(%arg17 : memref<!tpu.dma_semaphore, #tpu.memory_space<semaphore_mem>>)
        } else {
        }
        %mul3A_216 = arith.constant 4 : i32
        %mul3A_217 = arith.muli %scan3A_163, %mul3A_216 : i32
        %add3A_218 = arith.constant 2 : i32
        %add3A_219 = arith.addi %mul3A_217, %add3A_218 : i32
        %dma_wait3A_220 = arith.constant 0 : i32
        %dma_wait3A_221 = arith.constant 0 : i32
        %dma_wait3A_222 = tpu.memref_slice %arg3[%dma_wait3A_220, %dma_wait3A_221] : memref<10000x144xf32, #tpu.memory_space<hbm>> -> memref<50x144xf32, #tpu.memory_space<hbm>>
        %dma_wait3A_223 = arith.constant 0 : i32
        %dma_wait3A_224 = arith.constant 0 : i32
        %dma_wait3A_225 = tpu.memref_slice %arg3[%dma_wait3A_223, %dma_wait3A_224] : memref<10000x144xf32, #tpu.memory_space<hbm>> -> memref<50x144xf32, #tpu.memory_space<hbm>>
        tpu.wait_dma2 semaphore(%arg19 : memref<!tpu.dma_semaphore, #tpu.memory_space<semaphore_mem>>) src(%dma_wait3A_225 : memref<50x144xf32, #tpu.memory_space<hbm>>) dst(%arg14 : memref<50x144xf32, #tpu.memory_space<vmem>>)
        %dma_start3A_226 = arith.constant 0 : i32
        %dma_start3A_227 = tpu.memref_slice %arg11[%add3A_219, %dma_start3A_226] : memref<20x50xi32, #tpu.memory_space<vmem>> -> memref<1x50xi32, #tpu.memory_space<vmem>>
        %dma_start3A_228 = tpu.memref_squeeze %dma_start3A_227 : memref<1x50xi32, #tpu.memory_space<vmem>> -> memref<50xi32, #tpu.memory_space<vmem>>
        %dma_start3A_229 = arith.constant 0 : i32
        %dma_start3A_230 = arith.constant 0 : i32
        %dma_start3A_231 = tpu.memref_slice %arg16[%dma_start3A_229, %dma_start3A_230] : memref<10240x144xf32, #tpu.memory_space<vmem_shared>> -> memref<10240x144xf32, #tpu.memory_space<vmem_shared>>
        tpu.enqueue_indirect_dma source(%arg14 : memref<50x144xf32, #tpu.memory_space<vmem>>) target(%dma_start3A_231 : memref<10240x144xf32, #tpu.memory_space<vmem_shared>>) offsets(%dma_start3A_228 : memref<50xi32, #tpu.memory_space<vmem>>) semaphore(%arg23 : memref<!tpu.dma_semaphore, #tpu.memory_space<semaphore_mem>>) {add = true}
        %lt3A_232 = arith.constant 4 : i32
        %lt3A_233 = arith.cmpi slt, %scan3A_163, %lt3A_232 : i32
        %convert_element_type3A_234 = arith.extui %lt3A_233 : i1 to i32
        %cond3A_235 = arith.constant 0 : i32
        %cond3A_236 = arith.cmpi ne, %convert_element_type3A_234, %cond3A_235 : i32
        scf.if %cond3A_236 {
          %dma_wait3A_258 = arith.constant 0 : i32
          %dma_wait3A_259 = arith.constant 0 : i32
          %dma_wait3A_260 = tpu.memref_slice %arg16[%dma_wait3A_258, %dma_wait3A_259] : memref<10240x144xf32, #tpu.memory_space<vmem_shared>> -> memref<50x144xf32, #tpu.memory_space<vmem_shared>>
          %dma_wait3A_261 = arith.constant 0 : i32
          %dma_wait3A_262 = arith.constant 0 : i32
          %dma_wait3A_263 = tpu.memref_slice %arg16[%dma_wait3A_261, %dma_wait3A_262] : memref<10240x144xf32, #tpu.memory_space<vmem_shared>> -> memref<50x144xf32, #tpu.memory_space<vmem_shared>>
          tpu.wait_dma2 semaphore(%arg22 : memref<!tpu.dma_semaphore, #tpu.memory_space<semaphore_mem>>) src(%arg13 : memref<50x144xf32, #tpu.memory_space<vmem>>) dst(%dma_wait3A_263 : memref<50x144xf32, #tpu.memory_space<vmem_shared>>)
          %add3A_264 = arith.constant 4 : i32
          %add3A_265 = arith.addi %add3A_219, %add3A_264 : i32
          %sub3A_266 = arith.constant 1 : i32
          %sub3A_267 = arith.subi %add3A_265, %sub3A_266 : i32
          %dma_start3A_268 = arith.constant 0 : i32
          %dma_start3A_269 = tpu.memref_slice %arg10[%sub3A_267, %dma_start3A_268] : memref<20x50xi32, #tpu.memory_space<vmem>> -> memref<1x50xi32, #tpu.memory_space<vmem>>
          %dma_start3A_270 = tpu.memref_squeeze %dma_start3A_269 : memref<1x50xi32, #tpu.memory_space<vmem>> -> memref<50xi32, #tpu.memory_space<vmem>>
          %dma_start3A_271 = arith.constant 0 : i32
          %dma_start3A_272 = arith.constant 0 : i32
          %dma_start3A_273 = tpu.memref_slice %arg3[%dma_start3A_271, %dma_start3A_272] : memref<10000x144xf32, #tpu.memory_space<hbm>> -> memref<10000x144xf32, #tpu.memory_space<hbm>>
          tpu.enqueue_indirect_dma source(%dma_start3A_273 : memref<10000x144xf32, #tpu.memory_space<hbm>>) target(%arg13 : memref<50x144xf32, #tpu.memory_space<vmem>>) offsets(%dma_start3A_270 : memref<50xi32, #tpu.memory_space<vmem>>) semaphore(%arg18 : memref<!tpu.dma_semaphore, #tpu.memory_space<semaphore_mem>>)
        } else {
        }
        %mul3A_237 = arith.constant 4 : i32
        %mul3A_238 = arith.muli %scan3A_163, %mul3A_237 : i32
        %add3A_239 = arith.constant 3 : i32
        %add3A_240 = arith.addi %mul3A_238, %add3A_239 : i32
        %dma_wait3A_241 = arith.constant 0 : i32
        %dma_wait3A_242 = arith.constant 0 : i32
        %dma_wait3A_243 = tpu.memref_slice %arg3[%dma_wait3A_241, %dma_wait3A_242] : memref<10000x144xf32, #tpu.memory_space<hbm>> -> memref<50x144xf32, #tpu.memory_space<hbm>>
        %dma_wait3A_244 = arith.constant 0 : i32
        %dma_wait3A_245 = arith.constant 0 : i32
        %dma_wait3A_246 = tpu.memref_slice %arg3[%dma_wait3A_244, %dma_wait3A_245] : memref<10000x144xf32, #tpu.memory_space<hbm>> -> memref<50x144xf32, #tpu.memory_space<hbm>>
        tpu.wait_dma2 semaphore(%arg20 : memref<!tpu.dma_semaphore, #tpu.memory_space<semaphore_mem>>) src(%dma_wait3A_246 : memref<50x144xf32, #tpu.memory_space<hbm>>) dst(%arg15 : memref<50x144xf32, #tpu.memory_space<vmem>>)
        %dma_start3A_247 = arith.constant 0 : i32
        %dma_start3A_248 = tpu.memref_slice %arg11[%add3A_240, %dma_start3A_247] : memref<20x50xi32, #tpu.memory_space<vmem>> -> memref<1x50xi32, #tpu.memory_space<vmem>>
        %dma_start3A_249 = tpu.memref_squeeze %dma_start3A_248 : memref<1x50xi32, #tpu.memory_space<vmem>> -> memref<50xi32, #tpu.memory_space<vmem>>
        %dma_start3A_250 = arith.constant 0 : i32
        %dma_start3A_251 = arith.constant 0 : i32
        %dma_start3A_252 = tpu.memref_slice %arg16[%dma_start3A_250, %dma_start3A_251] : memref<10240x144xf32, #tpu.memory_space<vmem_shared>> -> memref<10240x144xf32, #tpu.memory_space<vmem_shared>>
        tpu.enqueue_indirect_dma source(%arg15 : memref<50x144xf32, #tpu.memory_space<vmem>>) target(%dma_start3A_252 : memref<10240x144xf32, #tpu.memory_space<vmem_shared>>) offsets(%dma_start3A_249 : memref<50xi32, #tpu.memory_space<vmem>>) semaphore(%arg24 : memref<!tpu.dma_semaphore, #tpu.memory_space<semaphore_mem>>) {add = true}
        %lt3A_253 = arith.constant 4 : i32
        %lt3A_254 = arith.cmpi slt, %scan3A_163, %lt3A_253 : i32
        %convert_element_type3A_255 = arith.extui %lt3A_254 : i1 to i32
        %cond3A_256 = arith.constant 0 : i32
        %cond3A_257 = arith.cmpi ne, %convert_element_type3A_255, %cond3A_256 : i32
        scf.if %cond3A_257 {
          %dma_wait3A_258 = arith.constant 0 : i32
          %dma_wait3A_259 = arith.constant 0 : i32
          %dma_wait3A_260 = tpu.memref_slice %arg16[%dma_wait3A_258, %dma_wait3A_259] : memref<10240x144xf32, #tpu.memory_space<vmem_shared>> -> memref<50x144xf32, #tpu.memory_space<vmem_shared>>
          %dma_wait3A_261 = arith.constant 0 : i32
          %dma_wait3A_262 = arith.constant 0 : i32
          %dma_wait3A_263 = tpu.memref_slice %arg16[%dma_wait3A_261, %dma_wait3A_262] : memref<10240x144xf32, #tpu.memory_space<vmem_shared>> -> memref<50x144xf32, #tpu.memory_space<vmem_shared>>
          tpu.wait_dma2 semaphore(%arg23 : memref<!tpu.dma_semaphore, #tpu.memory_space<semaphore_mem>>) src(%arg14 : memref<50x144xf32, #tpu.memory_space<vmem>>) dst(%dma_wait3A_263 : memref<50x144xf32, #tpu.memory_space<vmem_shared>>)
          %add3A_264 = arith.constant 4 : i32
          %add3A_265 = arith.addi %add3A_240, %add3A_264 : i32
          %sub3A_266 = arith.constant 1 : i32
          %sub3A_267 = arith.subi %add3A_265, %sub3A_266 : i32
          %dma_start3A_268 = arith.constant 0 : i32
          %dma_start3A_269 = tpu.memref_slice %arg10[%sub3A_267, %dma_start3A_268] : memref<20x50xi32, #tpu.memory_space<vmem>> -> memref<1x50xi32, #tpu.memory_space<vmem>>
          %dma_start3A_270 = tpu.memref_squeeze %dma_start3A_269 : memref<1x50xi32, #tpu.memory_space<vmem>> -> memref<50xi32, #tpu.memory_space<vmem>>
          %dma_start3A_271 = arith.constant 0 : i32
          %dma_start3A_272 = arith.constant 0 : i32
          %dma_start3A_273 = tpu.memref_slice %arg3[%dma_start3A_271, %dma_start3A_272] : memref<10000x144xf32, #tpu.memory_space<hbm>> -> memref<10000x144xf32, #tpu.memory_space<hbm>>
          tpu.enqueue_indirect_dma source(%dma_start3A_273 : memref<10000x144xf32, #tpu.memory_space<hbm>>) target(%arg14 : memref<50x144xf32, #tpu.memory_space<vmem>>) offsets(%dma_start3A_270 : memref<50xi32, #tpu.memory_space<vmem>>) semaphore(%arg19 : memref<!tpu.dma_semaphore, #tpu.memory_space<semaphore_mem>>)
        } else {
        }
      }
      %scan3A_162 = arith.constant 5 : i32
    }
    %scan3A_45 = arith.constant 5 : i32
    %dma_wait3A_46 = arith.constant 0 : i32
    %dma_wait3A_47 = arith.constant 0 : i32
    %dma_wait3A_48 = tpu.memref_slice %arg16[%dma_wait3A_46, %dma_wait3A_47] : memref<10240x144xf32, #tpu.memory_space<vmem_shared>> -> memref<50x144xf32, #tpu.memory_space<vmem_shared>>
    %dma_wait3A_49 = arith.constant 0 : i32
    %dma_wait3A_50 = arith.constant 0 : i32
    %dma_wait3A_51 = tpu.memref_slice %arg16[%dma_wait3A_49, %dma_wait3A_50] : memref<10240x144xf32, #tpu.memory_space<vmem_shared>> -> memref<50x144xf32, #tpu.memory_space<vmem_shared>>
    tpu.wait_dma2 semaphore(%arg21 : memref<!tpu.dma_semaphore, #tpu.memory_space<semaphore_mem>>) src(%arg12 : memref<50x144xf32, #tpu.memory_space<vmem>>) dst(%dma_wait3A_51 : memref<50x144xf32, #tpu.memory_space<vmem_shared>>)
    %dma_wait3A_52 = arith.constant 0 : i32
    %dma_wait3A_53 = arith.constant 0 : i32
    %dma_wait3A_54 = tpu.memref_slice %arg16[%dma_wait3A_52, %dma_wait3A_53] : memref<10240x144xf32, #tpu.memory_space<vmem_shared>> -> memref<50x144xf32, #tpu.memory_space<vmem_shared>>
    %dma_wait3A_55 = arith.constant 0 : i32
    %dma_wait3A_56 = arith.constant 0 : i32
    %dma_wait3A_57 = tpu.memref_slice %arg16[%dma_wait3A_55, %dma_wait3A_56] : memref<10240x144xf32, #tpu.memory_space<vmem_shared>> -> memref<50x144xf32, #tpu.memory_space<vmem_shared>>
    tpu.wait_dma2 semaphore(%arg22 : memref<!tpu.dma_semaphore, #tpu.memory_space<semaphore_mem>>) src(%arg13 : memref<50x144xf32, #tpu.memory_space<vmem>>) dst(%dma_wait3A_57 : memref<50x144xf32, #tpu.memory_space<vmem_shared>>)
    %dma_wait3A_58 = arith.constant 0 : i32
    %dma_wait3A_59 = arith.constant 0 : i32
    %dma_wait3A_60 = tpu.memref_slice %arg16[%dma_wait3A_58, %dma_wait3A_59] : memref<10240x144xf32, #tpu.memory_space<vmem_shared>> -> memref<50x144xf32, #tpu.memory_space<vmem_shared>>
    %dma_wait3A_61 = arith.constant 0 : i32
    %dma_wait3A_62 = arith.constant 0 : i32
    %dma_wait3A_63 = tpu.memref_slice %arg16[%dma_wait3A_61, %dma_wait3A_62] : memref<10240x144xf32, #tpu.memory_space<vmem_shared>> -> memref<50x144xf32, #tpu.memory_space<vmem_shared>>
    tpu.wait_dma2 semaphore(%arg23 : memref<!tpu.dma_semaphore, #tpu.memory_space<semaphore_mem>>) src(%arg14 : memref<50x144xf32, #tpu.memory_space<vmem>>) dst(%dma_wait3A_63 : memref<50x144xf32, #tpu.memory_space<vmem_shared>>)
    %dma_wait3A_64 = arith.constant 0 : i32
    %dma_wait3A_65 = arith.constant 0 : i32
    %dma_wait3A_66 = tpu.memref_slice %arg16[%dma_wait3A_64, %dma_wait3A_65] : memref<10240x144xf32, #tpu.memory_space<vmem_shared>> -> memref<50x144xf32, #tpu.memory_space<vmem_shared>>
    %dma_wait3A_67 = arith.constant 0 : i32
    %dma_wait3A_68 = arith.constant 0 : i32
    %dma_wait3A_69 = tpu.memref_slice %arg16[%dma_wait3A_67, %dma_wait3A_68] : memref<10240x144xf32, #tpu.memory_space<vmem_shared>> -> memref<50x144xf32, #tpu.memory_space<vmem_shared>>
    tpu.wait_dma2 semaphore(%arg24 : memref<!tpu.dma_semaphore, #tpu.memory_space<semaphore_mem>>) src(%arg15 : memref<50x144xf32, #tpu.memory_space<vmem>>) dst(%dma_wait3A_69 : memref<50x144xf32, #tpu.memory_space<vmem_shared>>)
    %barrier3A_70 = arith.constant 0 : index
    tpu.barrier barrier_id(%barrier3A_70)
    %mul3A_71 = arith.constant 640 : i32
    %mul3A_72 = arith.muli %arg1, %mul3A_71 : i32
    %mul3A_73 = arith.constant 640 : i32
    %mul3A_74 = arith.muli %arg1, %mul3A_73 : i32
    %run_scoped3A_75 = arith.constant 1 : i32
    "tpu.region"() ({
      %run_scoped3A_117 = tpu.sem_alloc : memref<!tpu.dma_semaphore, #tpu.memory_space<semaphore_mem>>
      %dma_start3A = arith.constant 0 : i32
      %dma_start3A_118 = tpu.memref_slice %arg9[%run_scoped3A_75, %arg0, %mul3A_74, %dma_start3A] : memref<3x2x10240x144xf32, #tpu.memory_space<hbm>> -> memref<1x1x640x144xf32, #tpu.memory_space<hbm>>
      %dma_start3A_119 = tpu.memref_squeeze %dma_start3A_118 : memref<1x1x640x144xf32, #tpu.memory_space<hbm>> -> memref<640x144xf32, #tpu.memory_space<hbm>>
      %dma_start3A_120 = arith.constant 0 : i32
      %dma_start3A_121 = tpu.memref_slice %arg16[%mul3A_72, %dma_start3A_120] : memref<10240x144xf32, #tpu.memory_space<vmem_shared>> -> memref<640x144xf32, #tpu.memory_space<vmem_shared>>
      tpu.enqueue_dma source(%dma_start3A_121 : memref<640x144xf32, #tpu.memory_space<vmem_shared>>) target(%dma_start3A_119 : memref<640x144xf32, #tpu.memory_space<hbm>>) target_semaphore(%run_scoped3A_117 : memref<!tpu.dma_semaphore, #tpu.memory_space<semaphore_mem>>)
      %dma_wait3A_122 = arith.constant 0 : i32
      %dma_wait3A_123 = tpu.memref_slice %arg9[%run_scoped3A_75, %arg0, %mul3A_74, %dma_wait3A_122] : memref<3x2x10240x144xf32, #tpu.memory_space<hbm>> -> memref<1x1x640x144xf32, #tpu.memory_space<hbm>>
      %dma_wait3A_124 = tpu.memref_squeeze %dma_wait3A_123 : memref<1x1x640x144xf32, #tpu.memory_space<hbm>> -> memref<640x144xf32, #tpu.memory_space<hbm>>
      %dma_wait3A_125 = arith.constant 0 : i32
      %dma_wait3A_126 = tpu.memref_slice %arg16[%mul3A_72, %dma_wait3A_125] : memref<10240x144xf32, #tpu.memory_space<vmem_shared>> -> memref<640x144xf32, #tpu.memory_space<vmem_shared>>
      tpu.wait_dma2 semaphore(%run_scoped3A_117 : memref<!tpu.dma_semaphore, #tpu.memory_space<semaphore_mem>>) src(%dma_wait3A_126 : memref<640x144xf32, #tpu.memory_space<vmem_shared>>) dst(%dma_wait3A_124 : memref<640x144xf32, #tpu.memory_space<hbm>>)
      tpu.yield
    }) : () -> ()
    %barrier3A_76 = arith.constant 0 : index
    tpu.barrier barrier_id(%barrier3A_76)
    %mul3A_77 = arith.constant 640 : i32
    %mul3A_78 = arith.muli %arg1, %mul3A_77 : i32
    "tpu.region"() ({
      %run_scoped3A_117 = tpu.sem_alloc : memref<!tpu.dma_semaphore, #tpu.memory_space<semaphore_mem>>
      %dma_start3A = arith.constant 0 : i32
      %dma_start3A_118 = tpu.memref_slice %arg16[%mul3A_78, %dma_start3A] : memref<10240x144xf32, #tpu.memory_space<vmem_shared>> -> memref<640x144xf32, #tpu.memory_space<vmem_shared>>
      tpu.enqueue_dma source(%arg8 : memref<640x144xf32, #tpu.memory_space<hbm>>) target(%dma_start3A_118 : memref<640x144xf32, #tpu.memory_space<vmem_shared>>) target_semaphore(%run_scoped3A_117 : memref<!tpu.dma_semaphore, #tpu.memory_space<semaphore_mem>>)
      %dma_wait3A_119 = arith.constant 0 : i32
      %dma_wait3A_120 = tpu.memref_slice %arg16[%mul3A_78, %dma_wait3A_119] : memref<10240x144xf32, #tpu.memory_space<vmem_shared>> -> memref<640x144xf32, #tpu.memory_space<vmem_shared>>
      tpu.wait_dma2 semaphore(%run_scoped3A_117 : memref<!tpu.dma_semaphore, #tpu.memory_space<semaphore_mem>>) src(%arg8 : memref<640x144xf32, #tpu.memory_space<hbm>>) dst(%dma_wait3A_120 : memref<640x144xf32, #tpu.memory_space<vmem_shared>>)
      tpu.yield
    }) : () -> ()
    %barrier3A_79 = arith.constant 0 : index
    tpu.barrier barrier_id(%barrier3A_79)
    %scan3A_80 = arith.constant 0 : i32
    %scan3A_81 = arith.constant 0 : i32
    %scan3A_82 = arith.constant 5 : i32
    %scan3A_83 = arith.addi %scan3A_81, %scan3A_82 : i32
    %scan3A_84 = arith.constant 1 : i32
    scf.for %scan3A_117 = %scan3A_81 to %scan3A_83 step %scan3A_84  : i32 {
      %mul3A_118 = arith.constant 100 : i32
      %mul3A_119 = arith.muli %add3A, %mul3A_118 : i32
      %mul3A_120 = arith.constant 20 : i32
      %mul3A_121 = arith.muli %scan3A_117, %mul3A_120 : i32
      %add3A_122 = arith.addi %mul3A_119, %mul3A_121 : i32
      %run_scoped3A_123 = arith.constant 0 : i32
      "tpu.region"() ({
        %run_scoped3A_163 = tpu.sem_alloc : memref<!tpu.dma_semaphore, #tpu.memory_space<semaphore_mem>>
        %dma_start3A_164 = arith.constant 0 : i32
        %dma_start3A_165 = tpu.memref_slice %arg7[%run_scoped3A_123, %add3A_122, %dma_start3A_164] : memref<2x3200x50xi32, #tpu.memory_space<hbm>> -> memref<1x20x50xi32, #tpu.memory_space<hbm>>
        %dma_start3A_166 = tpu.memref_squeeze %dma_start3A_165 : memref<1x20x50xi32, #tpu.memory_space<hbm>> -> memref<20x50xi32, #tpu.memory_space<hbm>>
        %dma_start3A_167 = arith.constant 0 : i32
        %dma_start3A_168 = tpu.memref_slice %arg7[%run_scoped3A_123, %add3A_122, %dma_start3A_167] : memref<2x3200x50xi32, #tpu.memory_space<hbm>> -> memref<1x20x50xi32, #tpu.memory_space<hbm>>
        %dma_start3A_169 = tpu.memref_squeeze %dma_start3A_168 : memref<1x20x50xi32, #tpu.memory_space<hbm>> -> memref<20x50xi32, #tpu.memory_space<hbm>>
        tpu.enqueue_dma source(%dma_start3A_169 : memref<20x50xi32, #tpu.memory_space<hbm>>) target(%arg10 : memref<20x50xi32, #tpu.memory_space<vmem>>) target_semaphore(%run_scoped3A_163 : memref<!tpu.dma_semaphore, #tpu.memory_space<semaphore_mem>>)
        %dma_wait3A_170 = arith.constant 0 : i32
        %dma_wait3A_171 = tpu.memref_slice %arg7[%run_scoped3A_123, %add3A_122, %dma_wait3A_170] : memref<2x3200x50xi32, #tpu.memory_space<hbm>> -> memref<1x20x50xi32, #tpu.memory_space<hbm>>
        %dma_wait3A_172 = tpu.memref_squeeze %dma_wait3A_171 : memref<1x20x50xi32, #tpu.memory_space<hbm>> -> memref<20x50xi32, #tpu.memory_space<hbm>>
        %dma_wait3A_173 = arith.constant 0 : i32
        %dma_wait3A_174 = tpu.memref_slice %arg7[%run_scoped3A_123, %add3A_122, %dma_wait3A_173] : memref<2x3200x50xi32, #tpu.memory_space<hbm>> -> memref<1x20x50xi32, #tpu.memory_space<hbm>>
        %dma_wait3A_175 = tpu.memref_squeeze %dma_wait3A_174 : memref<1x20x50xi32, #tpu.memory_space<hbm>> -> memref<20x50xi32, #tpu.memory_space<hbm>>
        tpu.wait_dma2 semaphore(%run_scoped3A_163 : memref<!tpu.dma_semaphore, #tpu.memory_space<semaphore_mem>>) src(%dma_wait3A_175 : memref<20x50xi32, #tpu.memory_space<hbm>>) dst(%arg10 : memref<20x50xi32, #tpu.memory_space<vmem>>)
        tpu.yield
      }) : () -> ()
      %run_scoped3A_124 = arith.constant 1 : i32
      "tpu.region"() ({
        %run_scoped3A_163 = tpu.sem_alloc : memref<!tpu.dma_semaphore, #tpu.memory_space<semaphore_mem>>
        %dma_start3A_164 = arith.constant 0 : i32
        %dma_start3A_165 = tpu.memref_slice %arg7[%run_scoped3A_124, %add3A_122, %dma_start3A_164] : memref<2x3200x50xi32, #tpu.memory_space<hbm>> -> memref<1x20x50xi32, #tpu.memory_space<hbm>>
        %dma_start3A_166 = tpu.memref_squeeze %dma_start3A_165 : memref<1x20x50xi32, #tpu.memory_space<hbm>> -> memref<20x50xi32, #tpu.memory_space<hbm>>
        %dma_start3A_167 = arith.constant 0 : i32
        %dma_start3A_168 = tpu.memref_slice %arg7[%run_scoped3A_124, %add3A_122, %dma_start3A_167] : memref<2x3200x50xi32, #tpu.memory_space<hbm>> -> memref<1x20x50xi32, #tpu.memory_space<hbm>>
        %dma_start3A_169 = tpu.memref_squeeze %dma_start3A_168 : memref<1x20x50xi32, #tpu.memory_space<hbm>> -> memref<20x50xi32, #tpu.memory_space<hbm>>
        tpu.enqueue_dma source(%dma_start3A_169 : memref<20x50xi32, #tpu.memory_space<hbm>>) target(%arg11 : memref<20x50xi32, #tpu.memory_space<vmem>>) target_semaphore(%run_scoped3A_163 : memref<!tpu.dma_semaphore, #tpu.memory_space<semaphore_mem>>)
        %dma_wait3A_170 = arith.constant 0 : i32
        %dma_wait3A_171 = tpu.memref_slice %arg7[%run_scoped3A_124, %add3A_122, %dma_wait3A_170] : memref<2x3200x50xi32, #tpu.memory_space<hbm>> -> memref<1x20x50xi32, #tpu.memory_space<hbm>>
        %dma_wait3A_172 = tpu.memref_squeeze %dma_wait3A_171 : memref<1x20x50xi32, #tpu.memory_space<hbm>> -> memref<20x50xi32, #tpu.memory_space<hbm>>
        %dma_wait3A_173 = arith.constant 0 : i32
        %dma_wait3A_174 = tpu.memref_slice %arg7[%run_scoped3A_124, %add3A_122, %dma_wait3A_173] : memref<2x3200x50xi32, #tpu.memory_space<hbm>> -> memref<1x20x50xi32, #tpu.memory_space<hbm>>
        %dma_wait3A_175 = tpu.memref_squeeze %dma_wait3A_174 : memref<1x20x50xi32, #tpu.memory_space<hbm>> -> memref<20x50xi32, #tpu.memory_space<hbm>>
        tpu.wait_dma2 semaphore(%run_scoped3A_163 : memref<!tpu.dma_semaphore, #tpu.memory_space<semaphore_mem>>) src(%dma_wait3A_175 : memref<20x50xi32, #tpu.memory_space<hbm>>) dst(%arg11 : memref<20x50xi32, #tpu.memory_space<vmem>>)
        tpu.yield
      }) : () -> ()
      %gt3A = arith.constant 0 : i32
      %gt3A_125 = arith.cmpi sgt, %scan3A_117, %gt3A : i32
      %convert_element_type3A = arith.extui %gt3A_125 : i1 to i32
      %cond3A = arith.constant 0 : i32
      %cond3A_126 = arith.cmpi ne, %convert_element_type3A, %cond3A : i32
      scf.if %cond3A_126 {
        %dma_wait3A_163 = arith.constant 0 : i32
        %dma_wait3A_164 = arith.constant 0 : i32
        %dma_wait3A_165 = tpu.memref_slice %arg16[%dma_wait3A_163, %dma_wait3A_164] : memref<10240x144xf32, #tpu.memory_space<vmem_shared>> -> memref<50x144xf32, #tpu.memory_space<vmem_shared>>
        %dma_wait3A_166 = arith.constant 0 : i32
        %dma_wait3A_167 = arith.constant 0 : i32
        %dma_wait3A_168 = tpu.memref_slice %arg16[%dma_wait3A_166, %dma_wait3A_167] : memref<10240x144xf32, #tpu.memory_space<vmem_shared>> -> memref<50x144xf32, #tpu.memory_space<vmem_shared>>
        tpu.wait_dma2 semaphore(%arg21 : memref<!tpu.dma_semaphore, #tpu.memory_space<semaphore_mem>>) src(%arg12 : memref<50x144xf32, #tpu.memory_space<vmem>>) dst(%dma_wait3A_168 : memref<50x144xf32, #tpu.memory_space<vmem_shared>>)
      } else {
      }
      %dma_start3A = arith.constant 0 : i32
      %dma_start3A_127 = arith.constant 0 : i32
      %dma_start3A_128 = tpu.memref_slice %arg10[%dma_start3A, %dma_start3A_127] : memref<20x50xi32, #tpu.memory_space<vmem>> -> memref<1x50xi32, #tpu.memory_space<vmem>>
      %dma_start3A_129 = tpu.memref_squeeze %dma_start3A_128 : memref<1x50xi32, #tpu.memory_space<vmem>> -> memref<50xi32, #tpu.memory_space<vmem>>
      %dma_start3A_130 = arith.constant 0 : i32
      %dma_start3A_131 = arith.constant 0 : i32
      %dma_start3A_132 = tpu.memref_slice %arg4[%dma_start3A_130, %dma_start3A_131] : memref<10000x144xf32, #tpu.memory_space<hbm>> -> memref<10000x144xf32, #tpu.memory_space<hbm>>
      tpu.enqueue_indirect_dma source(%dma_start3A_132 : memref<10000x144xf32, #tpu.memory_space<hbm>>) target(%arg12 : memref<50x144xf32, #tpu.memory_space<vmem>>) offsets(%dma_start3A_129 : memref<50xi32, #tpu.memory_space<vmem>>) semaphore(%arg17 : memref<!tpu.dma_semaphore, #tpu.memory_space<semaphore_mem>>)
      %gt3A_133 = arith.constant 0 : i32
      %gt3A_134 = arith.cmpi sgt, %scan3A_117, %gt3A_133 : i32
      %convert_element_type3A_135 = arith.extui %gt3A_134 : i1 to i32
      %cond3A_136 = arith.constant 0 : i32
      %cond3A_137 = arith.cmpi ne, %convert_element_type3A_135, %cond3A_136 : i32
      scf.if %cond3A_137 {
        %dma_wait3A_163 = arith.constant 0 : i32
        %dma_wait3A_164 = arith.constant 0 : i32
        %dma_wait3A_165 = tpu.memref_slice %arg16[%dma_wait3A_163, %dma_wait3A_164] : memref<10240x144xf32, #tpu.memory_space<vmem_shared>> -> memref<50x144xf32, #tpu.memory_space<vmem_shared>>
        %dma_wait3A_166 = arith.constant 0 : i32
        %dma_wait3A_167 = arith.constant 0 : i32
        %dma_wait3A_168 = tpu.memref_slice %arg16[%dma_wait3A_166, %dma_wait3A_167] : memref<10240x144xf32, #tpu.memory_space<vmem_shared>> -> memref<50x144xf32, #tpu.memory_space<vmem_shared>>
        tpu.wait_dma2 semaphore(%arg22 : memref<!tpu.dma_semaphore, #tpu.memory_space<semaphore_mem>>) src(%arg13 : memref<50x144xf32, #tpu.memory_space<vmem>>) dst(%dma_wait3A_168 : memref<50x144xf32, #tpu.memory_space<vmem_shared>>)
      } else {
      }
      %dma_start3A_138 = arith.constant 1 : i32
      %dma_start3A_139 = arith.constant 0 : i32
      %dma_start3A_140 = tpu.memref_slice %arg10[%dma_start3A_138, %dma_start3A_139] : memref<20x50xi32, #tpu.memory_space<vmem>> -> memref<1x50xi32, #tpu.memory_space<vmem>>
      %dma_start3A_141 = tpu.memref_squeeze %dma_start3A_140 : memref<1x50xi32, #tpu.memory_space<vmem>> -> memref<50xi32, #tpu.memory_space<vmem>>
      %dma_start3A_142 = arith.constant 0 : i32
      %dma_start3A_143 = arith.constant 0 : i32
      %dma_start3A_144 = tpu.memref_slice %arg4[%dma_start3A_142, %dma_start3A_143] : memref<10000x144xf32, #tpu.memory_space<hbm>> -> memref<10000x144xf32, #tpu.memory_space<hbm>>
      tpu.enqueue_indirect_dma source(%dma_start3A_144 : memref<10000x144xf32, #tpu.memory_space<hbm>>) target(%arg13 : memref<50x144xf32, #tpu.memory_space<vmem>>) offsets(%dma_start3A_141 : memref<50xi32, #tpu.memory_space<vmem>>) semaphore(%arg18 : memref<!tpu.dma_semaphore, #tpu.memory_space<semaphore_mem>>)
      %gt3A_145 = arith.constant 0 : i32
      %gt3A_146 = arith.cmpi sgt, %scan3A_117, %gt3A_145 : i32
      %convert_element_type3A_147 = arith.extui %gt3A_146 : i1 to i32
      %cond3A_148 = arith.constant 0 : i32
      %cond3A_149 = arith.cmpi ne, %convert_element_type3A_147, %cond3A_148 : i32
      scf.if %cond3A_149 {
        %dma_wait3A_163 = arith.constant 0 : i32
        %dma_wait3A_164 = arith.constant 0 : i32
        %dma_wait3A_165 = tpu.memref_slice %arg16[%dma_wait3A_163, %dma_wait3A_164] : memref<10240x144xf32, #tpu.memory_space<vmem_shared>> -> memref<50x144xf32, #tpu.memory_space<vmem_shared>>
        %dma_wait3A_166 = arith.constant 0 : i32
        %dma_wait3A_167 = arith.constant 0 : i32
        %dma_wait3A_168 = tpu.memref_slice %arg16[%dma_wait3A_166, %dma_wait3A_167] : memref<10240x144xf32, #tpu.memory_space<vmem_shared>> -> memref<50x144xf32, #tpu.memory_space<vmem_shared>>
        tpu.wait_dma2 semaphore(%arg23 : memref<!tpu.dma_semaphore, #tpu.memory_space<semaphore_mem>>) src(%arg14 : memref<50x144xf32, #tpu.memory_space<vmem>>) dst(%dma_wait3A_168 : memref<50x144xf32, #tpu.memory_space<vmem_shared>>)
      } else {
      }
      %dma_start3A_150 = arith.constant 2 : i32
      %dma_start3A_151 = arith.constant 0 : i32
      %dma_start3A_152 = tpu.memref_slice %arg10[%dma_start3A_150, %dma_start3A_151] : memref<20x50xi32, #tpu.memory_space<vmem>> -> memref<1x50xi32, #tpu.memory_space<vmem>>
      %dma_start3A_153 = tpu.memref_squeeze %dma_start3A_152 : memref<1x50xi32, #tpu.memory_space<vmem>> -> memref<50xi32, #tpu.memory_space<vmem>>
      %dma_start3A_154 = arith.constant 0 : i32
      %dma_start3A_155 = arith.constant 0 : i32
      %dma_start3A_156 = tpu.memref_slice %arg4[%dma_start3A_154, %dma_start3A_155] : memref<10000x144xf32, #tpu.memory_space<hbm>> -> memref<10000x144xf32, #tpu.memory_space<hbm>>
      tpu.enqueue_indirect_dma source(%dma_start3A_156 : memref<10000x144xf32, #tpu.memory_space<hbm>>) target(%arg14 : memref<50x144xf32, #tpu.memory_space<vmem>>) offsets(%dma_start3A_153 : memref<50xi32, #tpu.memory_space<vmem>>) semaphore(%arg19 : memref<!tpu.dma_semaphore, #tpu.memory_space<semaphore_mem>>)
      %scan3A_157 = arith.constant 0 : i32
      %scan3A_158 = arith.constant 0 : i32
      %scan3A_159 = arith.constant 5 : i32
      %scan3A_160 = arith.addi %scan3A_158, %scan3A_159 : i32
      %scan3A_161 = arith.constant 1 : i32
      scf.for %scan3A_163 = %scan3A_158 to %scan3A_160 step %scan3A_161  : i32 {
        %mul3A_164 = arith.constant 4 : i32
        %mul3A_165 = arith.muli %scan3A_163, %mul3A_164 : i32
        %add3A_166 = arith.constant 0 : i32
        %add3A_167 = arith.addi %mul3A_165, %add3A_166 : i32
        %dma_wait3A_168 = arith.constant 0 : i32
        %dma_wait3A_169 = arith.constant 0 : i32
        %dma_wait3A_170 = tpu.memref_slice %arg4[%dma_wait3A_168, %dma_wait3A_169] : memref<10000x144xf32, #tpu.memory_space<hbm>> -> memref<50x144xf32, #tpu.memory_space<hbm>>
        %dma_wait3A_171 = arith.constant 0 : i32
        %dma_wait3A_172 = arith.constant 0 : i32
        %dma_wait3A_173 = tpu.memref_slice %arg4[%dma_wait3A_171, %dma_wait3A_172] : memref<10000x144xf32, #tpu.memory_space<hbm>> -> memref<50x144xf32, #tpu.memory_space<hbm>>
        tpu.wait_dma2 semaphore(%arg17 : memref<!tpu.dma_semaphore, #tpu.memory_space<semaphore_mem>>) src(%dma_wait3A_173 : memref<50x144xf32, #tpu.memory_space<hbm>>) dst(%arg12 : memref<50x144xf32, #tpu.memory_space<vmem>>)
        %dma_start3A_174 = arith.constant 0 : i32
        %dma_start3A_175 = tpu.memref_slice %arg11[%add3A_167, %dma_start3A_174] : memref<20x50xi32, #tpu.memory_space<vmem>> -> memref<1x50xi32, #tpu.memory_space<vmem>>
        %dma_start3A_176 = tpu.memref_squeeze %dma_start3A_175 : memref<1x50xi32, #tpu.memory_space<vmem>> -> memref<50xi32, #tpu.memory_space<vmem>>
        %dma_start3A_177 = arith.constant 0 : i32
        %dma_start3A_178 = arith.constant 0 : i32
        %dma_start3A_179 = tpu.memref_slice %arg16[%dma_start3A_177, %dma_start3A_178] : memref<10240x144xf32, #tpu.memory_space<vmem_shared>> -> memref<10240x144xf32, #tpu.memory_space<vmem_shared>>
        tpu.enqueue_indirect_dma source(%arg12 : memref<50x144xf32, #tpu.memory_space<vmem>>) target(%dma_start3A_179 : memref<10240x144xf32, #tpu.memory_space<vmem_shared>>) offsets(%dma_start3A_176 : memref<50xi32, #tpu.memory_space<vmem>>) semaphore(%arg21 : memref<!tpu.dma_semaphore, #tpu.memory_space<semaphore_mem>>) {add = true}
        %gt3A_180 = arith.constant 0 : i32
        %gt3A_181 = arith.cmpi sgt, %scan3A_117, %gt3A_180 : i32
        %gt3A_182 = arith.constant 0 : i32
        %gt3A_183 = arith.cmpi sgt, %scan3A_163, %gt3A_182 : i32
        %or3A = arith.ori %gt3A_181, %gt3A_183 : i1
        %convert_element_type3A_184 = arith.extui %or3A : i1 to i32
        %cond3A_185 = arith.constant 0 : i32
        %cond3A_186 = arith.cmpi ne, %convert_element_type3A_184, %cond3A_185 : i32
        scf.if %cond3A_186 {
          %dma_wait3A_258 = arith.constant 0 : i32
          %dma_wait3A_259 = arith.constant 0 : i32
          %dma_wait3A_260 = tpu.memref_slice %arg16[%dma_wait3A_258, %dma_wait3A_259] : memref<10240x144xf32, #tpu.memory_space<vmem_shared>> -> memref<50x144xf32, #tpu.memory_space<vmem_shared>>
          %dma_wait3A_261 = arith.constant 0 : i32
          %dma_wait3A_262 = arith.constant 0 : i32
          %dma_wait3A_263 = tpu.memref_slice %arg16[%dma_wait3A_261, %dma_wait3A_262] : memref<10240x144xf32, #tpu.memory_space<vmem_shared>> -> memref<50x144xf32, #tpu.memory_space<vmem_shared>>
          tpu.wait_dma2 semaphore(%arg24 : memref<!tpu.dma_semaphore, #tpu.memory_space<semaphore_mem>>) src(%arg15 : memref<50x144xf32, #tpu.memory_space<vmem>>) dst(%dma_wait3A_263 : memref<50x144xf32, #tpu.memory_space<vmem_shared>>)
        } else {
        }
        %add3A_187 = arith.constant 4 : i32
        %add3A_188 = arith.addi %add3A_167, %add3A_187 : i32
        %sub3A = arith.constant 1 : i32
        %sub3A_189 = arith.subi %add3A_188, %sub3A : i32
        %dma_start3A_190 = arith.constant 0 : i32
        %dma_start3A_191 = tpu.memref_slice %arg10[%sub3A_189, %dma_start3A_190] : memref<20x50xi32, #tpu.memory_space<vmem>> -> memref<1x50xi32, #tpu.memory_space<vmem>>
        %dma_start3A_192 = tpu.memref_squeeze %dma_start3A_191 : memref<1x50xi32, #tpu.memory_space<vmem>> -> memref<50xi32, #tpu.memory_space<vmem>>
        %dma_start3A_193 = arith.constant 0 : i32
        %dma_start3A_194 = arith.constant 0 : i32
        %dma_start3A_195 = tpu.memref_slice %arg4[%dma_start3A_193, %dma_start3A_194] : memref<10000x144xf32, #tpu.memory_space<hbm>> -> memref<10000x144xf32, #tpu.memory_space<hbm>>
        tpu.enqueue_indirect_dma source(%dma_start3A_195 : memref<10000x144xf32, #tpu.memory_space<hbm>>) target(%arg15 : memref<50x144xf32, #tpu.memory_space<vmem>>) offsets(%dma_start3A_192 : memref<50xi32, #tpu.memory_space<vmem>>) semaphore(%arg20 : memref<!tpu.dma_semaphore, #tpu.memory_space<semaphore_mem>>)
        %mul3A_196 = arith.constant 4 : i32
        %mul3A_197 = arith.muli %scan3A_163, %mul3A_196 : i32
        %add3A_198 = arith.constant 1 : i32
        %add3A_199 = arith.addi %mul3A_197, %add3A_198 : i32
        %dma_wait3A_200 = arith.constant 0 : i32
        %dma_wait3A_201 = arith.constant 0 : i32
        %dma_wait3A_202 = tpu.memref_slice %arg4[%dma_wait3A_200, %dma_wait3A_201] : memref<10000x144xf32, #tpu.memory_space<hbm>> -> memref<50x144xf32, #tpu.memory_space<hbm>>
        %dma_wait3A_203 = arith.constant 0 : i32
        %dma_wait3A_204 = arith.constant 0 : i32
        %dma_wait3A_205 = tpu.memref_slice %arg4[%dma_wait3A_203, %dma_wait3A_204] : memref<10000x144xf32, #tpu.memory_space<hbm>> -> memref<50x144xf32, #tpu.memory_space<hbm>>
        tpu.wait_dma2 semaphore(%arg18 : memref<!tpu.dma_semaphore, #tpu.memory_space<semaphore_mem>>) src(%dma_wait3A_205 : memref<50x144xf32, #tpu.memory_space<hbm>>) dst(%arg13 : memref<50x144xf32, #tpu.memory_space<vmem>>)
        %dma_start3A_206 = arith.constant 0 : i32
        %dma_start3A_207 = tpu.memref_slice %arg11[%add3A_199, %dma_start3A_206] : memref<20x50xi32, #tpu.memory_space<vmem>> -> memref<1x50xi32, #tpu.memory_space<vmem>>
        %dma_start3A_208 = tpu.memref_squeeze %dma_start3A_207 : memref<1x50xi32, #tpu.memory_space<vmem>> -> memref<50xi32, #tpu.memory_space<vmem>>
        %dma_start3A_209 = arith.constant 0 : i32
        %dma_start3A_210 = arith.constant 0 : i32
        %dma_start3A_211 = tpu.memref_slice %arg16[%dma_start3A_209, %dma_start3A_210] : memref<10240x144xf32, #tpu.memory_space<vmem_shared>> -> memref<10240x144xf32, #tpu.memory_space<vmem_shared>>
        tpu.enqueue_indirect_dma source(%arg13 : memref<50x144xf32, #tpu.memory_space<vmem>>) target(%dma_start3A_211 : memref<10240x144xf32, #tpu.memory_space<vmem_shared>>) offsets(%dma_start3A_208 : memref<50xi32, #tpu.memory_space<vmem>>) semaphore(%arg22 : memref<!tpu.dma_semaphore, #tpu.memory_space<semaphore_mem>>) {add = true}
        %lt3A = arith.constant 4 : i32
        %lt3A_212 = arith.cmpi slt, %scan3A_163, %lt3A : i32
        %convert_element_type3A_213 = arith.extui %lt3A_212 : i1 to i32
        %cond3A_214 = arith.constant 0 : i32
        %cond3A_215 = arith.cmpi ne, %convert_element_type3A_213, %cond3A_214 : i32
        scf.if %cond3A_215 {
          %dma_wait3A_258 = arith.constant 0 : i32
          %dma_wait3A_259 = arith.constant 0 : i32
          %dma_wait3A_260 = tpu.memref_slice %arg16[%dma_wait3A_258, %dma_wait3A_259] : memref<10240x144xf32, #tpu.memory_space<vmem_shared>> -> memref<50x144xf32, #tpu.memory_space<vmem_shared>>
          %dma_wait3A_261 = arith.constant 0 : i32
          %dma_wait3A_262 = arith.constant 0 : i32
          %dma_wait3A_263 = tpu.memref_slice %arg16[%dma_wait3A_261, %dma_wait3A_262] : memref<10240x144xf32, #tpu.memory_space<vmem_shared>> -> memref<50x144xf32, #tpu.memory_space<vmem_shared>>
          tpu.wait_dma2 semaphore(%arg21 : memref<!tpu.dma_semaphore, #tpu.memory_space<semaphore_mem>>) src(%arg12 : memref<50x144xf32, #tpu.memory_space<vmem>>) dst(%dma_wait3A_263 : memref<50x144xf32, #tpu.memory_space<vmem_shared>>)
          %add3A_264 = arith.constant 4 : i32
          %add3A_265 = arith.addi %add3A_199, %add3A_264 : i32
          %sub3A_266 = arith.constant 1 : i32
          %sub3A_267 = arith.subi %add3A_265, %sub3A_266 : i32
          %dma_start3A_268 = arith.constant 0 : i32
          %dma_start3A_269 = tpu.memref_slice %arg10[%sub3A_267, %dma_start3A_268] : memref<20x50xi32, #tpu.memory_space<vmem>> -> memref<1x50xi32, #tpu.memory_space<vmem>>
          %dma_start3A_270 = tpu.memref_squeeze %dma_start3A_269 : memref<1x50xi32, #tpu.memory_space<vmem>> -> memref<50xi32, #tpu.memory_space<vmem>>
          %dma_start3A_271 = arith.constant 0 : i32
          %dma_start3A_272 = arith.constant 0 : i32
          %dma_start3A_273 = tpu.memref_slice %arg4[%dma_start3A_271, %dma_start3A_272] : memref<10000x144xf32, #tpu.memory_space<hbm>> -> memref<10000x144xf32, #tpu.memory_space<hbm>>
          tpu.enqueue_indirect_dma source(%dma_start3A_273 : memref<10000x144xf32, #tpu.memory_space<hbm>>) target(%arg12 : memref<50x144xf32, #tpu.memory_space<vmem>>) offsets(%dma_start3A_270 : memref<50xi32, #tpu.memory_space<vmem>>) semaphore(%arg17 : memref<!tpu.dma_semaphore, #tpu.memory_space<semaphore_mem>>)
        } else {
        }
        %mul3A_216 = arith.constant 4 : i32
        %mul3A_217 = arith.muli %scan3A_163, %mul3A_216 : i32
        %add3A_218 = arith.constant 2 : i32
        %add3A_219 = arith.addi %mul3A_217, %add3A_218 : i32
        %dma_wait3A_220 = arith.constant 0 : i32
        %dma_wait3A_221 = arith.constant 0 : i32
        %dma_wait3A_222 = tpu.memref_slice %arg4[%dma_wait3A_220, %dma_wait3A_221] : memref<10000x144xf32, #tpu.memory_space<hbm>> -> memref<50x144xf32, #tpu.memory_space<hbm>>
        %dma_wait3A_223 = arith.constant 0 : i32
        %dma_wait3A_224 = arith.constant 0 : i32
        %dma_wait3A_225 = tpu.memref_slice %arg4[%dma_wait3A_223, %dma_wait3A_224] : memref<10000x144xf32, #tpu.memory_space<hbm>> -> memref<50x144xf32, #tpu.memory_space<hbm>>
        tpu.wait_dma2 semaphore(%arg19 : memref<!tpu.dma_semaphore, #tpu.memory_space<semaphore_mem>>) src(%dma_wait3A_225 : memref<50x144xf32, #tpu.memory_space<hbm>>) dst(%arg14 : memref<50x144xf32, #tpu.memory_space<vmem>>)
        %dma_start3A_226 = arith.constant 0 : i32
        %dma_start3A_227 = tpu.memref_slice %arg11[%add3A_219, %dma_start3A_226] : memref<20x50xi32, #tpu.memory_space<vmem>> -> memref<1x50xi32, #tpu.memory_space<vmem>>
        %dma_start3A_228 = tpu.memref_squeeze %dma_start3A_227 : memref<1x50xi32, #tpu.memory_space<vmem>> -> memref<50xi32, #tpu.memory_space<vmem>>
        %dma_start3A_229 = arith.constant 0 : i32
        %dma_start3A_230 = arith.constant 0 : i32
        %dma_start3A_231 = tpu.memref_slice %arg16[%dma_start3A_229, %dma_start3A_230] : memref<10240x144xf32, #tpu.memory_space<vmem_shared>> -> memref<10240x144xf32, #tpu.memory_space<vmem_shared>>
        tpu.enqueue_indirect_dma source(%arg14 : memref<50x144xf32, #tpu.memory_space<vmem>>) target(%dma_start3A_231 : memref<10240x144xf32, #tpu.memory_space<vmem_shared>>) offsets(%dma_start3A_228 : memref<50xi32, #tpu.memory_space<vmem>>) semaphore(%arg23 : memref<!tpu.dma_semaphore, #tpu.memory_space<semaphore_mem>>) {add = true}
        %lt3A_232 = arith.constant 4 : i32
        %lt3A_233 = arith.cmpi slt, %scan3A_163, %lt3A_232 : i32
        %convert_element_type3A_234 = arith.extui %lt3A_233 : i1 to i32
        %cond3A_235 = arith.constant 0 : i32
        %cond3A_236 = arith.cmpi ne, %convert_element_type3A_234, %cond3A_235 : i32
        scf.if %cond3A_236 {
          %dma_wait3A_258 = arith.constant 0 : i32
          %dma_wait3A_259 = arith.constant 0 : i32
          %dma_wait3A_260 = tpu.memref_slice %arg16[%dma_wait3A_258, %dma_wait3A_259] : memref<10240x144xf32, #tpu.memory_space<vmem_shared>> -> memref<50x144xf32, #tpu.memory_space<vmem_shared>>
          %dma_wait3A_261 = arith.constant 0 : i32
          %dma_wait3A_262 = arith.constant 0 : i32
          %dma_wait3A_263 = tpu.memref_slice %arg16[%dma_wait3A_261, %dma_wait3A_262] : memref<10240x144xf32, #tpu.memory_space<vmem_shared>> -> memref<50x144xf32, #tpu.memory_space<vmem_shared>>
          tpu.wait_dma2 semaphore(%arg22 : memref<!tpu.dma_semaphore, #tpu.memory_space<semaphore_mem>>) src(%arg13 : memref<50x144xf32, #tpu.memory_space<vmem>>) dst(%dma_wait3A_263 : memref<50x144xf32, #tpu.memory_space<vmem_shared>>)
          %add3A_264 = arith.constant 4 : i32
          %add3A_265 = arith.addi %add3A_219, %add3A_264 : i32
          %sub3A_266 = arith.constant 1 : i32
          %sub3A_267 = arith.subi %add3A_265, %sub3A_266 : i32
          %dma_start3A_268 = arith.constant 0 : i32
          %dma_start3A_269 = tpu.memref_slice %arg10[%sub3A_267, %dma_start3A_268] : memref<20x50xi32, #tpu.memory_space<vmem>> -> memref<1x50xi32, #tpu.memory_space<vmem>>
          %dma_start3A_270 = tpu.memref_squeeze %dma_start3A_269 : memref<1x50xi32, #tpu.memory_space<vmem>> -> memref<50xi32, #tpu.memory_space<vmem>>
          %dma_start3A_271 = arith.constant 0 : i32
          %dma_start3A_272 = arith.constant 0 : i32
          %dma_start3A_273 = tpu.memref_slice %arg4[%dma_start3A_271, %dma_start3A_272] : memref<10000x144xf32, #tpu.memory_space<hbm>> -> memref<10000x144xf32, #tpu.memory_space<hbm>>
          tpu.enqueue_indirect_dma source(%dma_start3A_273 : memref<10000x144xf32, #tpu.memory_space<hbm>>) target(%arg13 : memref<50x144xf32, #tpu.memory_space<vmem>>) offsets(%dma_start3A_270 : memref<50xi32, #tpu.memory_space<vmem>>) semaphore(%arg18 : memref<!tpu.dma_semaphore, #tpu.memory_space<semaphore_mem>>)
        } else {
        }
        %mul3A_237 = arith.constant 4 : i32
        %mul3A_238 = arith.muli %scan3A_163, %mul3A_237 : i32
        %add3A_239 = arith.constant 3 : i32
        %add3A_240 = arith.addi %mul3A_238, %add3A_239 : i32
        %dma_wait3A_241 = arith.constant 0 : i32
        %dma_wait3A_242 = arith.constant 0 : i32
        %dma_wait3A_243 = tpu.memref_slice %arg4[%dma_wait3A_241, %dma_wait3A_242] : memref<10000x144xf32, #tpu.memory_space<hbm>> -> memref<50x144xf32, #tpu.memory_space<hbm>>
        %dma_wait3A_244 = arith.constant 0 : i32
        %dma_wait3A_245 = arith.constant 0 : i32
        %dma_wait3A_246 = tpu.memref_slice %arg4[%dma_wait3A_244, %dma_wait3A_245] : memref<10000x144xf32, #tpu.memory_space<hbm>> -> memref<50x144xf32, #tpu.memory_space<hbm>>
        tpu.wait_dma2 semaphore(%arg20 : memref<!tpu.dma_semaphore, #tpu.memory_space<semaphore_mem>>) src(%dma_wait3A_246 : memref<50x144xf32, #tpu.memory_space<hbm>>) dst(%arg15 : memref<50x144xf32, #tpu.memory_space<vmem>>)
        %dma_start3A_247 = arith.constant 0 : i32
        %dma_start3A_248 = tpu.memref_slice %arg11[%add3A_240, %dma_start3A_247] : memref<20x50xi32, #tpu.memory_space<vmem>> -> memref<1x50xi32, #tpu.memory_space<vmem>>
        %dma_start3A_249 = tpu.memref_squeeze %dma_start3A_248 : memref<1x50xi32, #tpu.memory_space<vmem>> -> memref<50xi32, #tpu.memory_space<vmem>>
        %dma_start3A_250 = arith.constant 0 : i32
        %dma_start3A_251 = arith.constant 0 : i32
        %dma_start3A_252 = tpu.memref_slice %arg16[%dma_start3A_250, %dma_start3A_251] : memref<10240x144xf32, #tpu.memory_space<vmem_shared>> -> memref<10240x144xf32, #tpu.memory_space<vmem_shared>>
        tpu.enqueue_indirect_dma source(%arg15 : memref<50x144xf32, #tpu.memory_space<vmem>>) target(%dma_start3A_252 : memref<10240x144xf32, #tpu.memory_space<vmem_shared>>) offsets(%dma_start3A_249 : memref<50xi32, #tpu.memory_space<vmem>>) semaphore(%arg24 : memref<!tpu.dma_semaphore, #tpu.memory_space<semaphore_mem>>) {add = true}
        %lt3A_253 = arith.constant 4 : i32
        %lt3A_254 = arith.cmpi slt, %scan3A_163, %lt3A_253 : i32
        %convert_element_type3A_255 = arith.extui %lt3A_254 : i1 to i32
        %cond3A_256 = arith.constant 0 : i32
        %cond3A_257 = arith.cmpi ne, %convert_element_type3A_255, %cond3A_256 : i32
        scf.if %cond3A_257 {
          %dma_wait3A_258 = arith.constant 0 : i32
          %dma_wait3A_259 = arith.constant 0 : i32
          %dma_wait3A_260 = tpu.memref_slice %arg16[%dma_wait3A_258, %dma_wait3A_259] : memref<10240x144xf32, #tpu.memory_space<vmem_shared>> -> memref<50x144xf32, #tpu.memory_space<vmem_shared>>
          %dma_wait3A_261 = arith.constant 0 : i32
          %dma_wait3A_262 = arith.constant 0 : i32
          %dma_wait3A_263 = tpu.memref_slice %arg16[%dma_wait3A_261, %dma_wait3A_262] : memref<10240x144xf32, #tpu.memory_space<vmem_shared>> -> memref<50x144xf32, #tpu.memory_space<vmem_shared>>
          tpu.wait_dma2 semaphore(%arg23 : memref<!tpu.dma_semaphore, #tpu.memory_space<semaphore_mem>>) src(%arg14 : memref<50x144xf32, #tpu.memory_space<vmem>>) dst(%dma_wait3A_263 : memref<50x144xf32, #tpu.memory_space<vmem_shared>>)
          %add3A_264 = arith.constant 4 : i32
          %add3A_265 = arith.addi %add3A_240, %add3A_264 : i32
          %sub3A_266 = arith.constant 1 : i32
          %sub3A_267 = arith.subi %add3A_265, %sub3A_266 : i32
          %dma_start3A_268 = arith.constant 0 : i32
          %dma_start3A_269 = tpu.memref_slice %arg10[%sub3A_267, %dma_start3A_268] : memref<20x50xi32, #tpu.memory_space<vmem>> -> memref<1x50xi32, #tpu.memory_space<vmem>>
          %dma_start3A_270 = tpu.memref_squeeze %dma_start3A_269 : memref<1x50xi32, #tpu.memory_space<vmem>> -> memref<50xi32, #tpu.memory_space<vmem>>
          %dma_start3A_271 = arith.constant 0 : i32
          %dma_start3A_272 = arith.constant 0 : i32
          %dma_start3A_273 = tpu.memref_slice %arg4[%dma_start3A_271, %dma_start3A_272] : memref<10000x144xf32, #tpu.memory_space<hbm>> -> memref<10000x144xf32, #tpu.memory_space<hbm>>
          tpu.enqueue_indirect_dma source(%dma_start3A_273 : memref<10000x144xf32, #tpu.memory_space<hbm>>) target(%arg14 : memref<50x144xf32, #tpu.memory_space<vmem>>) offsets(%dma_start3A_270 : memref<50xi32, #tpu.memory_space<vmem>>) semaphore(%arg19 : memref<!tpu.dma_semaphore, #tpu.memory_space<semaphore_mem>>)
        } else {
        }
      }
      %scan3A_162 = arith.constant 5 : i32
    }
    %scan3A_85 = arith.constant 5 : i32
    %dma_wait3A_86 = arith.constant 0 : i32
    %dma_wait3A_87 = arith.constant 0 : i32
    %dma_wait3A_88 = tpu.memref_slice %arg16[%dma_wait3A_86, %dma_wait3A_87] : memref<10240x144xf32, #tpu.memory_space<vmem_shared>> -> memref<50x144xf32, #tpu.memory_space<vmem_shared>>
    %dma_wait3A_89 = arith.constant 0 : i32
    %dma_wait3A_90 = arith.constant 0 : i32
    %dma_wait3A_91 = tpu.memref_slice %arg16[%dma_wait3A_89, %dma_wait3A_90] : memref<10240x144xf32, #tpu.memory_space<vmem_shared>> -> memref<50x144xf32, #tpu.memory_space<vmem_shared>>
    tpu.wait_dma2 semaphore(%arg21 : memref<!tpu.dma_semaphore, #tpu.memory_space<semaphore_mem>>) src(%arg12 : memref<50x144xf32, #tpu.memory_space<vmem>>) dst(%dma_wait3A_91 : memref<50x144xf32, #tpu.memory_space<vmem_shared>>)
    %dma_wait3A_92 = arith.constant 0 : i32
    %dma_wait3A_93 = arith.constant 0 : i32
    %dma_wait3A_94 = tpu.memref_slice %arg16[%dma_wait3A_92, %dma_wait3A_93] : memref<10240x144xf32, #tpu.memory_space<vmem_shared>> -> memref<50x144xf32, #tpu.memory_space<vmem_shared>>
    %dma_wait3A_95 = arith.constant 0 : i32
    %dma_wait3A_96 = arith.constant 0 : i32
    %dma_wait3A_97 = tpu.memref_slice %arg16[%dma_wait3A_95, %dma_wait3A_96] : memref<10240x144xf32, #tpu.memory_space<vmem_shared>> -> memref<50x144xf32, #tpu.memory_space<vmem_shared>>
    tpu.wait_dma2 semaphore(%arg22 : memref<!tpu.dma_semaphore, #tpu.memory_space<semaphore_mem>>) src(%arg13 : memref<50x144xf32, #tpu.memory_space<vmem>>) dst(%dma_wait3A_97 : memref<50x144xf32, #tpu.memory_space<vmem_shared>>)
    %dma_wait3A_98 = arith.constant 0 : i32
    %dma_wait3A_99 = arith.constant 0 : i32
    %dma_wait3A_100 = tpu.memref_slice %arg16[%dma_wait3A_98, %dma_wait3A_99] : memref<10240x144xf32, #tpu.memory_space<vmem_shared>> -> memref<50x144xf32, #tpu.memory_space<vmem_shared>>
    %dma_wait3A_101 = arith.constant 0 : i32
    %dma_wait3A_102 = arith.constant 0 : i32
    %dma_wait3A_103 = tpu.memref_slice %arg16[%dma_wait3A_101, %dma_wait3A_102] : memref<10240x144xf32, #tpu.memory_space<vmem_shared>> -> memref<50x144xf32, #tpu.memory_space<vmem_shared>>
    tpu.wait_dma2 semaphore(%arg23 : memref<!tpu.dma_semaphore, #tpu.memory_space<semaphore_mem>>) src(%arg14 : memref<50x144xf32, #tpu.memory_space<vmem>>) dst(%dma_wait3A_103 : memref<50x144xf32, #tpu.memory_space<vmem_shared>>)
    %dma_wait3A_104 = arith.constant 0 : i32
    %dma_wait3A_105 = arith.constant 0 : i32
    %dma_wait3A_106 = tpu.memref_slice %arg16[%dma_wait3A_104, %dma_wait3A_105] : memref<10240x144xf32, #tpu.memory_space<vmem_shared>> -> memref<50x144xf32, #tpu.memory_space<vmem_shared>>
    %dma_wait3A_107 = arith.constant 0 : i32
    %dma_wait3A_108 = arith.constant 0 : i32
    %dma_wait3A_109 = tpu.memref_slice %arg16[%dma_wait3A_107, %dma_wait3A_108] : memref<10240x144xf32, #tpu.memory_space<vmem_shared>> -> memref<50x144xf32, #tpu.memory_space<vmem_shared>>
    tpu.wait_dma2 semaphore(%arg24 : memref<!tpu.dma_semaphore, #tpu.memory_space<semaphore_mem>>) src(%arg15 : memref<50x144xf32, #tpu.memory_space<vmem>>) dst(%dma_wait3A_109 : memref<50x144xf32, #tpu.memory_space<vmem_shared>>)
    %barrier3A_110 = arith.constant 0 : index
    tpu.barrier barrier_id(%barrier3A_110)
    %mul3A_111 = arith.constant 640 : i32
    %mul3A_112 = arith.muli %arg1, %mul3A_111 : i32
    %mul3A_113 = arith.constant 640 : i32
    %mul3A_114 = arith.muli %arg1, %mul3A_113 : i32
    %run_scoped3A_115 = arith.constant 2 : i32
    "tpu.region"() ({
      %run_scoped3A_117 = tpu.sem_alloc : memref<!tpu.dma_semaphore, #tpu.memory_space<semaphore_mem>>
      %dma_start3A = arith.constant 0 : i32
      %dma_start3A_118 = tpu.memref_slice %arg9[%run_scoped3A_115, %arg0, %mul3A_114, %dma_start3A] : memref<3x2x10240x144xf32, #tpu.memory_space<hbm>> -> memref<1x1x640x144xf32, #tpu.memory_space<hbm>>
      %dma_start3A_119 = tpu.memref_squeeze %dma_start3A_118 : memref<1x1x640x144xf32, #tpu.memory_space<hbm>> -> memref<640x144xf32, #tpu.memory_space<hbm>>
      %dma_start3A_120 = arith.constant 0 : i32
      %dma_start3A_121 = tpu.memref_slice %arg16[%mul3A_112, %dma_start3A_120] : memref<10240x144xf32, #tpu.memory_space<vmem_shared>> -> memref<640x144xf32, #tpu.memory_space<vmem_shared>>
      tpu.enqueue_dma source(%dma_start3A_121 : memref<640x144xf32, #tpu.memory_space<vmem_shared>>) target(%dma_start3A_119 : memref<640x144xf32, #tpu.memory_space<hbm>>) target_semaphore(%run_scoped3A_117 : memref<!tpu.dma_semaphore, #tpu.memory_space<semaphore_mem>>)
      %dma_wait3A_122 = arith.constant 0 : i32
      %dma_wait3A_123 = tpu.memref_slice %arg9[%run_scoped3A_115, %arg0, %mul3A_114, %dma_wait3A_122] : memref<3x2x10240x144xf32, #tpu.memory_space<hbm>> -> memref<1x1x640x144xf32, #tpu.memory_space<hbm>>
      %dma_wait3A_124 = tpu.memref_squeeze %dma_wait3A_123 : memref<1x1x640x144xf32, #tpu.memory_space<hbm>> -> memref<640x144xf32, #tpu.memory_space<hbm>>
      %dma_wait3A_125 = arith.constant 0 : i32
      %dma_wait3A_126 = tpu.memref_slice %arg16[%mul3A_112, %dma_wait3A_125] : memref<10240x144xf32, #tpu.memory_space<vmem_shared>> -> memref<640x144xf32, #tpu.memory_space<vmem_shared>>
      tpu.wait_dma2 semaphore(%run_scoped3A_117 : memref<!tpu.dma_semaphore, #tpu.memory_space<semaphore_mem>>) src(%dma_wait3A_126 : memref<640x144xf32, #tpu.memory_space<vmem_shared>>) dst(%dma_wait3A_124 : memref<640x144xf32, #tpu.memory_space<hbm>>)
      tpu.yield
    }) : () -> ()
    %barrier3A_116 = arith.constant 0 : index
    tpu.barrier barrier_id(%barrier3A_116)
    return
  }
}

#map = affine_map<(d0, d1) -> (0, 0)>
#map1 = affine_map<(d0, d1) -> (0, 0, 0)>
#map2 = affine_map<(d0, d1) -> (0, 0, 0, 0)>
module attributes {stable_mosaic.version = 14 : i64} {
  func.func @body(%arg0: i32, %arg1: i32, %arg2: memref<10000x48xf32, #tpu.memory_space<hbm>>, %arg3: memref<10000x48xf32, #tpu.memory_space<hbm>>, %arg4: memref<10000x48xf32, #tpu.memory_space<hbm>>, %arg5: memref<2x1280x125xi32, #tpu.memory_space<hbm>>, %arg6: memref<2x1280x125xi32, #tpu.memory_space<hbm>>, %arg7: memref<2x1280x125xi32, #tpu.memory_space<hbm>>, %arg8: memref<640x48xf32, #tpu.memory_space<hbm>>, %arg9: memref<3x2x10240x48xf32, #tpu.memory_space<hbm>>, %arg10: memref<40x125xi32, #tpu.memory_space<vmem>>, %arg11: memref<40x125xi32, #tpu.memory_space<vmem>>, %arg12: memref<125x48xf32, #tpu.memory_space<vmem>>, %arg13: memref<125x48xf32, #tpu.memory_space<vmem>>, %arg14: memref<125x48xf32, #tpu.memory_space<vmem>>, %arg15: memref<125x48xf32, #tpu.memory_space<vmem>>, %arg16: memref<10240x48xf32, #tpu.memory_space<vmem_shared>>, %arg17: memref<!tpu.dma_semaphore, #tpu.memory_space<semaphore_mem>>, %arg18: memref<!tpu.dma_semaphore, #tpu.memory_space<semaphore_mem>>, %arg19: memref<!tpu.dma_semaphore, #tpu.memory_space<semaphore_mem>>, %arg20: memref<!tpu.dma_semaphore, #tpu.memory_space<semaphore_mem>>, %arg21: memref<!tpu.dma_semaphore, #tpu.memory_space<semaphore_mem>>, %arg22: memref<!tpu.dma_semaphore, #tpu.memory_space<semaphore_mem>>, %arg23: memref<!tpu.dma_semaphore, #tpu.memory_space<semaphore_mem>>, %arg24: memref<!tpu.dma_semaphore, #tpu.memory_space<semaphore_mem>>) attributes {dimension_semantics = [#tpu.dimension_semantics<core_parallel>, #tpu.dimension_semantics<subcore_parallel>], iteration_bounds = array<i64: 2, 16>, scalar_prefetch = 0 : i64, scratch_operands = 15 : i64, tpu.core_type = #tpu.core_type<sc_vector_subcore>, window_params = [{transform_indices = #map}, {transform_indices = #map}, {transform_indices = #map}, {transform_indices = #map1}, {transform_indices = #map1}, {transform_indices = #map1}, {transform_indices = #map}, {transform_indices = #map2}]} {
    %mul3A = arith.constant 2 : i32
    %mul3A_0 = arith.muli %arg1, %mul3A : i32
    %add3A = arith.addi %mul3A_0, %arg0 : i32
    %mul3A_1 = arith.constant 640 : i32
    %mul3A_2 = arith.muli %arg1, %mul3A_1 : i32
    "tpu.region"() ({
      %run_scoped3A_251 = tpu.sem_alloc : memref<!tpu.dma_semaphore, #tpu.memory_space<semaphore_mem>>
      %dma_start3A_252 = arith.constant 0 : i32
      %dma_start3A_253 = tpu.memref_slice %arg16[%mul3A_2, %dma_start3A_252] : memref<10240x48xf32, #tpu.memory_space<vmem_shared>> -> memref<640x48xf32, #tpu.memory_space<vmem_shared>>
      tpu.enqueue_dma source(%arg8 : memref<640x48xf32, #tpu.memory_space<hbm>>) target(%dma_start3A_253 : memref<640x48xf32, #tpu.memory_space<vmem_shared>>) target_semaphore(%run_scoped3A_251 : memref<!tpu.dma_semaphore, #tpu.memory_space<semaphore_mem>>)
      %dma_wait3A_254 = arith.constant 0 : i32
      %dma_wait3A_255 = tpu.memref_slice %arg16[%mul3A_2, %dma_wait3A_254] : memref<10240x48xf32, #tpu.memory_space<vmem_shared>> -> memref<640x48xf32, #tpu.memory_space<vmem_shared>>
      tpu.wait_dma2 semaphore(%run_scoped3A_251 : memref<!tpu.dma_semaphore, #tpu.memory_space<semaphore_mem>>) src(%arg8 : memref<640x48xf32, #tpu.memory_space<hbm>>) dst(%dma_wait3A_255 : memref<640x48xf32, #tpu.memory_space<vmem_shared>>)
      tpu.yield
    }) : () -> ()
    %barrier3A = arith.constant 0 : index
    tpu.barrier barrier_id(%barrier3A)
    %scan3A = arith.constant 0 : i32
    %scan3A_3 = arith.constant 0 : i32
    %mul3A_4 = arith.constant 40 : i32
    %mul3A_5 = arith.muli %add3A, %mul3A_4 : i32
    %mul3A_6 = arith.constant 40 : i32
    %mul3A_7 = arith.muli %scan3A_3, %mul3A_6 : i32
    %add3A_8 = arith.addi %mul3A_5, %mul3A_7 : i32
    %run_scoped3A = arith.constant 0 : i32
    "tpu.region"() ({
      %run_scoped3A_251 = tpu.sem_alloc : memref<!tpu.dma_semaphore, #tpu.memory_space<semaphore_mem>>
      %dma_start3A_252 = arith.constant 0 : i32
      %dma_start3A_253 = tpu.memref_slice %arg5[%run_scoped3A, %add3A_8, %dma_start3A_252] : memref<2x1280x125xi32, #tpu.memory_space<hbm>> -> memref<1x40x125xi32, #tpu.memory_space<hbm>>
      %dma_start3A_254 = tpu.memref_squeeze %dma_start3A_253 : memref<1x40x125xi32, #tpu.memory_space<hbm>> -> memref<40x125xi32, #tpu.memory_space<hbm>>
      %dma_start3A_255 = arith.constant 0 : i32
      %dma_start3A_256 = tpu.memref_slice %arg5[%run_scoped3A, %add3A_8, %dma_start3A_255] : memref<2x1280x125xi32, #tpu.memory_space<hbm>> -> memref<1x40x125xi32, #tpu.memory_space<hbm>>
      %dma_start3A_257 = tpu.memref_squeeze %dma_start3A_256 : memref<1x40x125xi32, #tpu.memory_space<hbm>> -> memref<40x125xi32, #tpu.memory_space<hbm>>
      tpu.enqueue_dma source(%dma_start3A_257 : memref<40x125xi32, #tpu.memory_space<hbm>>) target(%arg10 : memref<40x125xi32, #tpu.memory_space<vmem>>) target_semaphore(%run_scoped3A_251 : memref<!tpu.dma_semaphore, #tpu.memory_space<semaphore_mem>>)
      %dma_wait3A_258 = arith.constant 0 : i32
      %dma_wait3A_259 = tpu.memref_slice %arg5[%run_scoped3A, %add3A_8, %dma_wait3A_258] : memref<2x1280x125xi32, #tpu.memory_space<hbm>> -> memref<1x40x125xi32, #tpu.memory_space<hbm>>
      %dma_wait3A_260 = tpu.memref_squeeze %dma_wait3A_259 : memref<1x40x125xi32, #tpu.memory_space<hbm>> -> memref<40x125xi32, #tpu.memory_space<hbm>>
      %dma_wait3A_261 = arith.constant 0 : i32
      %dma_wait3A_262 = tpu.memref_slice %arg5[%run_scoped3A, %add3A_8, %dma_wait3A_261] : memref<2x1280x125xi32, #tpu.memory_space<hbm>> -> memref<1x40x125xi32, #tpu.memory_space<hbm>>
      %dma_wait3A_263 = tpu.memref_squeeze %dma_wait3A_262 : memref<1x40x125xi32, #tpu.memory_space<hbm>> -> memref<40x125xi32, #tpu.memory_space<hbm>>
      tpu.wait_dma2 semaphore(%run_scoped3A_251 : memref<!tpu.dma_semaphore, #tpu.memory_space<semaphore_mem>>) src(%dma_wait3A_263 : memref<40x125xi32, #tpu.memory_space<hbm>>) dst(%arg10 : memref<40x125xi32, #tpu.memory_space<vmem>>)
      tpu.yield
    }) : () -> ()
    %run_scoped3A_9 = arith.constant 1 : i32
    "tpu.region"() ({
      %run_scoped3A_251 = tpu.sem_alloc : memref<!tpu.dma_semaphore, #tpu.memory_space<semaphore_mem>>
      %dma_start3A_252 = arith.constant 0 : i32
      %dma_start3A_253 = tpu.memref_slice %arg5[%run_scoped3A_9, %add3A_8, %dma_start3A_252] : memref<2x1280x125xi32, #tpu.memory_space<hbm>> -> memref<1x40x125xi32, #tpu.memory_space<hbm>>
      %dma_start3A_254 = tpu.memref_squeeze %dma_start3A_253 : memref<1x40x125xi32, #tpu.memory_space<hbm>> -> memref<40x125xi32, #tpu.memory_space<hbm>>
      %dma_start3A_255 = arith.constant 0 : i32
      %dma_start3A_256 = tpu.memref_slice %arg5[%run_scoped3A_9, %add3A_8, %dma_start3A_255] : memref<2x1280x125xi32, #tpu.memory_space<hbm>> -> memref<1x40x125xi32, #tpu.memory_space<hbm>>
      %dma_start3A_257 = tpu.memref_squeeze %dma_start3A_256 : memref<1x40x125xi32, #tpu.memory_space<hbm>> -> memref<40x125xi32, #tpu.memory_space<hbm>>
      tpu.enqueue_dma source(%dma_start3A_257 : memref<40x125xi32, #tpu.memory_space<hbm>>) target(%arg11 : memref<40x125xi32, #tpu.memory_space<vmem>>) target_semaphore(%run_scoped3A_251 : memref<!tpu.dma_semaphore, #tpu.memory_space<semaphore_mem>>)
      %dma_wait3A_258 = arith.constant 0 : i32
      %dma_wait3A_259 = tpu.memref_slice %arg5[%run_scoped3A_9, %add3A_8, %dma_wait3A_258] : memref<2x1280x125xi32, #tpu.memory_space<hbm>> -> memref<1x40x125xi32, #tpu.memory_space<hbm>>
      %dma_wait3A_260 = tpu.memref_squeeze %dma_wait3A_259 : memref<1x40x125xi32, #tpu.memory_space<hbm>> -> memref<40x125xi32, #tpu.memory_space<hbm>>
      %dma_wait3A_261 = arith.constant 0 : i32
      %dma_wait3A_262 = tpu.memref_slice %arg5[%run_scoped3A_9, %add3A_8, %dma_wait3A_261] : memref<2x1280x125xi32, #tpu.memory_space<hbm>> -> memref<1x40x125xi32, #tpu.memory_space<hbm>>
      %dma_wait3A_263 = tpu.memref_squeeze %dma_wait3A_262 : memref<1x40x125xi32, #tpu.memory_space<hbm>> -> memref<40x125xi32, #tpu.memory_space<hbm>>
      tpu.wait_dma2 semaphore(%run_scoped3A_251 : memref<!tpu.dma_semaphore, #tpu.memory_space<semaphore_mem>>) src(%dma_wait3A_263 : memref<40x125xi32, #tpu.memory_space<hbm>>) dst(%arg11 : memref<40x125xi32, #tpu.memory_space<vmem>>)
      tpu.yield
    }) : () -> ()
    %gt3A = arith.constant 0 : i32
    %gt3A_10 = arith.cmpi sgt, %scan3A_3, %gt3A : i32
    %convert_element_type3A = arith.extui %gt3A_10 : i1 to i32
    %cond3A = arith.constant 0 : i32
    %cond3A_11 = arith.cmpi ne, %convert_element_type3A, %cond3A : i32
    scf.if %cond3A_11 {
      %dma_wait3A_251 = arith.constant 0 : i32
      %dma_wait3A_252 = arith.constant 0 : i32
      %dma_wait3A_253 = tpu.memref_slice %arg16[%dma_wait3A_251, %dma_wait3A_252] : memref<10240x48xf32, #tpu.memory_space<vmem_shared>> -> memref<125x48xf32, #tpu.memory_space<vmem_shared>>
      %dma_wait3A_254 = arith.constant 0 : i32
      %dma_wait3A_255 = arith.constant 0 : i32
      %dma_wait3A_256 = tpu.memref_slice %arg16[%dma_wait3A_254, %dma_wait3A_255] : memref<10240x48xf32, #tpu.memory_space<vmem_shared>> -> memref<125x48xf32, #tpu.memory_space<vmem_shared>>
      tpu.wait_dma2 semaphore(%arg21 : memref<!tpu.dma_semaphore, #tpu.memory_space<semaphore_mem>>) src(%arg12 : memref<125x48xf32, #tpu.memory_space<vmem>>) dst(%dma_wait3A_256 : memref<125x48xf32, #tpu.memory_space<vmem_shared>>)
    } else {
    }
    %dma_start3A = arith.constant 0 : i32
    %dma_start3A_12 = arith.constant 0 : i32
    %dma_start3A_13 = tpu.memref_slice %arg10[%dma_start3A, %dma_start3A_12] : memref<40x125xi32, #tpu.memory_space<vmem>> -> memref<1x125xi32, #tpu.memory_space<vmem>>
    %dma_start3A_14 = tpu.memref_squeeze %dma_start3A_13 : memref<1x125xi32, #tpu.memory_space<vmem>> -> memref<125xi32, #tpu.memory_space<vmem>>
    %dma_start3A_15 = arith.constant 0 : i32
    %dma_start3A_16 = arith.constant 0 : i32
    %dma_start3A_17 = tpu.memref_slice %arg2[%dma_start3A_15, %dma_start3A_16] : memref<10000x48xf32, #tpu.memory_space<hbm>> -> memref<10000x48xf32, #tpu.memory_space<hbm>>
    tpu.enqueue_indirect_dma source(%dma_start3A_17 : memref<10000x48xf32, #tpu.memory_space<hbm>>) target(%arg12 : memref<125x48xf32, #tpu.memory_space<vmem>>) offsets(%dma_start3A_14 : memref<125xi32, #tpu.memory_space<vmem>>) semaphore(%arg17 : memref<!tpu.dma_semaphore, #tpu.memory_space<semaphore_mem>>)
    %gt3A_18 = arith.constant 0 : i32
    %gt3A_19 = arith.cmpi sgt, %scan3A_3, %gt3A_18 : i32
    %convert_element_type3A_20 = arith.extui %gt3A_19 : i1 to i32
    %cond3A_21 = arith.constant 0 : i32
    %cond3A_22 = arith.cmpi ne, %convert_element_type3A_20, %cond3A_21 : i32
    scf.if %cond3A_22 {
      %dma_wait3A_251 = arith.constant 0 : i32
      %dma_wait3A_252 = arith.constant 0 : i32
      %dma_wait3A_253 = tpu.memref_slice %arg16[%dma_wait3A_251, %dma_wait3A_252] : memref<10240x48xf32, #tpu.memory_space<vmem_shared>> -> memref<125x48xf32, #tpu.memory_space<vmem_shared>>
      %dma_wait3A_254 = arith.constant 0 : i32
      %dma_wait3A_255 = arith.constant 0 : i32
      %dma_wait3A_256 = tpu.memref_slice %arg16[%dma_wait3A_254, %dma_wait3A_255] : memref<10240x48xf32, #tpu.memory_space<vmem_shared>> -> memref<125x48xf32, #tpu.memory_space<vmem_shared>>
      tpu.wait_dma2 semaphore(%arg22 : memref<!tpu.dma_semaphore, #tpu.memory_space<semaphore_mem>>) src(%arg13 : memref<125x48xf32, #tpu.memory_space<vmem>>) dst(%dma_wait3A_256 : memref<125x48xf32, #tpu.memory_space<vmem_shared>>)
    } else {
    }
    %dma_start3A_23 = arith.constant 1 : i32
    %dma_start3A_24 = arith.constant 0 : i32
    %dma_start3A_25 = tpu.memref_slice %arg10[%dma_start3A_23, %dma_start3A_24] : memref<40x125xi32, #tpu.memory_space<vmem>> -> memref<1x125xi32, #tpu.memory_space<vmem>>
    %dma_start3A_26 = tpu.memref_squeeze %dma_start3A_25 : memref<1x125xi32, #tpu.memory_space<vmem>> -> memref<125xi32, #tpu.memory_space<vmem>>
    %dma_start3A_27 = arith.constant 0 : i32
    %dma_start3A_28 = arith.constant 0 : i32
    %dma_start3A_29 = tpu.memref_slice %arg2[%dma_start3A_27, %dma_start3A_28] : memref<10000x48xf32, #tpu.memory_space<hbm>> -> memref<10000x48xf32, #tpu.memory_space<hbm>>
    tpu.enqueue_indirect_dma source(%dma_start3A_29 : memref<10000x48xf32, #tpu.memory_space<hbm>>) target(%arg13 : memref<125x48xf32, #tpu.memory_space<vmem>>) offsets(%dma_start3A_26 : memref<125xi32, #tpu.memory_space<vmem>>) semaphore(%arg18 : memref<!tpu.dma_semaphore, #tpu.memory_space<semaphore_mem>>)
    %gt3A_30 = arith.constant 0 : i32
    %gt3A_31 = arith.cmpi sgt, %scan3A_3, %gt3A_30 : i32
    %convert_element_type3A_32 = arith.extui %gt3A_31 : i1 to i32
    %cond3A_33 = arith.constant 0 : i32
    %cond3A_34 = arith.cmpi ne, %convert_element_type3A_32, %cond3A_33 : i32
    scf.if %cond3A_34 {
      %dma_wait3A_251 = arith.constant 0 : i32
      %dma_wait3A_252 = arith.constant 0 : i32
      %dma_wait3A_253 = tpu.memref_slice %arg16[%dma_wait3A_251, %dma_wait3A_252] : memref<10240x48xf32, #tpu.memory_space<vmem_shared>> -> memref<125x48xf32, #tpu.memory_space<vmem_shared>>
      %dma_wait3A_254 = arith.constant 0 : i32
      %dma_wait3A_255 = arith.constant 0 : i32
      %dma_wait3A_256 = tpu.memref_slice %arg16[%dma_wait3A_254, %dma_wait3A_255] : memref<10240x48xf32, #tpu.memory_space<vmem_shared>> -> memref<125x48xf32, #tpu.memory_space<vmem_shared>>
      tpu.wait_dma2 semaphore(%arg23 : memref<!tpu.dma_semaphore, #tpu.memory_space<semaphore_mem>>) src(%arg14 : memref<125x48xf32, #tpu.memory_space<vmem>>) dst(%dma_wait3A_256 : memref<125x48xf32, #tpu.memory_space<vmem_shared>>)
    } else {
    }
    %dma_start3A_35 = arith.constant 2 : i32
    %dma_start3A_36 = arith.constant 0 : i32
    %dma_start3A_37 = tpu.memref_slice %arg10[%dma_start3A_35, %dma_start3A_36] : memref<40x125xi32, #tpu.memory_space<vmem>> -> memref<1x125xi32, #tpu.memory_space<vmem>>
    %dma_start3A_38 = tpu.memref_squeeze %dma_start3A_37 : memref<1x125xi32, #tpu.memory_space<vmem>> -> memref<125xi32, #tpu.memory_space<vmem>>
    %dma_start3A_39 = arith.constant 0 : i32
    %dma_start3A_40 = arith.constant 0 : i32
    %dma_start3A_41 = tpu.memref_slice %arg2[%dma_start3A_39, %dma_start3A_40] : memref<10000x48xf32, #tpu.memory_space<hbm>> -> memref<10000x48xf32, #tpu.memory_space<hbm>>
    tpu.enqueue_indirect_dma source(%dma_start3A_41 : memref<10000x48xf32, #tpu.memory_space<hbm>>) target(%arg14 : memref<125x48xf32, #tpu.memory_space<vmem>>) offsets(%dma_start3A_38 : memref<125xi32, #tpu.memory_space<vmem>>) semaphore(%arg19 : memref<!tpu.dma_semaphore, #tpu.memory_space<semaphore_mem>>)
    %scan3A_42 = arith.constant 0 : i32
    %scan3A_43 = arith.constant 0 : i32
    %scan3A_44 = arith.constant 10 : i32
    %scan3A_45 = arith.addi %scan3A_43, %scan3A_44 : i32
    %scan3A_46 = arith.constant 1 : i32
    scf.for %scan3A_251 = %scan3A_43 to %scan3A_45 step %scan3A_46  : i32 {
      %mul3A_252 = arith.constant 4 : i32
      %mul3A_253 = arith.muli %scan3A_251, %mul3A_252 : i32
      %add3A_254 = arith.constant 0 : i32
      %add3A_255 = arith.addi %mul3A_253, %add3A_254 : i32
      %dma_wait3A_256 = arith.constant 0 : i32
      %dma_wait3A_257 = arith.constant 0 : i32
      %dma_wait3A_258 = tpu.memref_slice %arg2[%dma_wait3A_256, %dma_wait3A_257] : memref<10000x48xf32, #tpu.memory_space<hbm>> -> memref<125x48xf32, #tpu.memory_space<hbm>>
      %dma_wait3A_259 = arith.constant 0 : i32
      %dma_wait3A_260 = arith.constant 0 : i32
      %dma_wait3A_261 = tpu.memref_slice %arg2[%dma_wait3A_259, %dma_wait3A_260] : memref<10000x48xf32, #tpu.memory_space<hbm>> -> memref<125x48xf32, #tpu.memory_space<hbm>>
      tpu.wait_dma2 semaphore(%arg17 : memref<!tpu.dma_semaphore, #tpu.memory_space<semaphore_mem>>) src(%dma_wait3A_261 : memref<125x48xf32, #tpu.memory_space<hbm>>) dst(%arg12 : memref<125x48xf32, #tpu.memory_space<vmem>>)
      %dma_start3A_262 = arith.constant 0 : i32
      %dma_start3A_263 = tpu.memref_slice %arg11[%add3A_255, %dma_start3A_262] : memref<40x125xi32, #tpu.memory_space<vmem>> -> memref<1x125xi32, #tpu.memory_space<vmem>>
      %dma_start3A_264 = tpu.memref_squeeze %dma_start3A_263 : memref<1x125xi32, #tpu.memory_space<vmem>> -> memref<125xi32, #tpu.memory_space<vmem>>
      %dma_start3A_265 = arith.constant 0 : i32
      %dma_start3A_266 = arith.constant 0 : i32
      %dma_start3A_267 = tpu.memref_slice %arg16[%dma_start3A_265, %dma_start3A_266] : memref<10240x48xf32, #tpu.memory_space<vmem_shared>> -> memref<10240x48xf32, #tpu.memory_space<vmem_shared>>
      tpu.enqueue_indirect_dma source(%arg12 : memref<125x48xf32, #tpu.memory_space<vmem>>) target(%dma_start3A_267 : memref<10240x48xf32, #tpu.memory_space<vmem_shared>>) offsets(%dma_start3A_264 : memref<125xi32, #tpu.memory_space<vmem>>) semaphore(%arg21 : memref<!tpu.dma_semaphore, #tpu.memory_space<semaphore_mem>>) {add = true}
      %gt3A_268 = arith.constant 0 : i32
      %gt3A_269 = arith.cmpi sgt, %scan3A_3, %gt3A_268 : i32
      %gt3A_270 = arith.constant 0 : i32
      %gt3A_271 = arith.cmpi sgt, %scan3A_251, %gt3A_270 : i32
      %or3A = arith.ori %gt3A_269, %gt3A_271 : i1
      %convert_element_type3A_272 = arith.extui %or3A : i1 to i32
      %cond3A_273 = arith.constant 0 : i32
      %cond3A_274 = arith.cmpi ne, %convert_element_type3A_272, %cond3A_273 : i32
      scf.if %cond3A_274 {
        %dma_wait3A_346 = arith.constant 0 : i32
        %dma_wait3A_347 = arith.constant 0 : i32
        %dma_wait3A_348 = tpu.memref_slice %arg16[%dma_wait3A_346, %dma_wait3A_347] : memref<10240x48xf32, #tpu.memory_space<vmem_shared>> -> memref<125x48xf32, #tpu.memory_space<vmem_shared>>
        %dma_wait3A_349 = arith.constant 0 : i32
        %dma_wait3A_350 = arith.constant 0 : i32
        %dma_wait3A_351 = tpu.memref_slice %arg16[%dma_wait3A_349, %dma_wait3A_350] : memref<10240x48xf32, #tpu.memory_space<vmem_shared>> -> memref<125x48xf32, #tpu.memory_space<vmem_shared>>
        tpu.wait_dma2 semaphore(%arg24 : memref<!tpu.dma_semaphore, #tpu.memory_space<semaphore_mem>>) src(%arg15 : memref<125x48xf32, #tpu.memory_space<vmem>>) dst(%dma_wait3A_351 : memref<125x48xf32, #tpu.memory_space<vmem_shared>>)
      } else {
      }
      %add3A_275 = arith.constant 4 : i32
      %add3A_276 = arith.addi %add3A_255, %add3A_275 : i32
      %sub3A = arith.constant 1 : i32
      %sub3A_277 = arith.subi %add3A_276, %sub3A : i32
      %dma_start3A_278 = arith.constant 0 : i32
      %dma_start3A_279 = tpu.memref_slice %arg10[%sub3A_277, %dma_start3A_278] : memref<40x125xi32, #tpu.memory_space<vmem>> -> memref<1x125xi32, #tpu.memory_space<vmem>>
      %dma_start3A_280 = tpu.memref_squeeze %dma_start3A_279 : memref<1x125xi32, #tpu.memory_space<vmem>> -> memref<125xi32, #tpu.memory_space<vmem>>
      %dma_start3A_281 = arith.constant 0 : i32
      %dma_start3A_282 = arith.constant 0 : i32
      %dma_start3A_283 = tpu.memref_slice %arg2[%dma_start3A_281, %dma_start3A_282] : memref<10000x48xf32, #tpu.memory_space<hbm>> -> memref<10000x48xf32, #tpu.memory_space<hbm>>
      tpu.enqueue_indirect_dma source(%dma_start3A_283 : memref<10000x48xf32, #tpu.memory_space<hbm>>) target(%arg15 : memref<125x48xf32, #tpu.memory_space<vmem>>) offsets(%dma_start3A_280 : memref<125xi32, #tpu.memory_space<vmem>>) semaphore(%arg20 : memref<!tpu.dma_semaphore, #tpu.memory_space<semaphore_mem>>)
      %mul3A_284 = arith.constant 4 : i32
      %mul3A_285 = arith.muli %scan3A_251, %mul3A_284 : i32
      %add3A_286 = arith.constant 1 : i32
      %add3A_287 = arith.addi %mul3A_285, %add3A_286 : i32
      %dma_wait3A_288 = arith.constant 0 : i32
      %dma_wait3A_289 = arith.constant 0 : i32
      %dma_wait3A_290 = tpu.memref_slice %arg2[%dma_wait3A_288, %dma_wait3A_289] : memref<10000x48xf32, #tpu.memory_space<hbm>> -> memref<125x48xf32, #tpu.memory_space<hbm>>
      %dma_wait3A_291 = arith.constant 0 : i32
      %dma_wait3A_292 = arith.constant 0 : i32
      %dma_wait3A_293 = tpu.memref_slice %arg2[%dma_wait3A_291, %dma_wait3A_292] : memref<10000x48xf32, #tpu.memory_space<hbm>> -> memref<125x48xf32, #tpu.memory_space<hbm>>
      tpu.wait_dma2 semaphore(%arg18 : memref<!tpu.dma_semaphore, #tpu.memory_space<semaphore_mem>>) src(%dma_wait3A_293 : memref<125x48xf32, #tpu.memory_space<hbm>>) dst(%arg13 : memref<125x48xf32, #tpu.memory_space<vmem>>)
      %dma_start3A_294 = arith.constant 0 : i32
      %dma_start3A_295 = tpu.memref_slice %arg11[%add3A_287, %dma_start3A_294] : memref<40x125xi32, #tpu.memory_space<vmem>> -> memref<1x125xi32, #tpu.memory_space<vmem>>
      %dma_start3A_296 = tpu.memref_squeeze %dma_start3A_295 : memref<1x125xi32, #tpu.memory_space<vmem>> -> memref<125xi32, #tpu.memory_space<vmem>>
      %dma_start3A_297 = arith.constant 0 : i32
      %dma_start3A_298 = arith.constant 0 : i32
      %dma_start3A_299 = tpu.memref_slice %arg16[%dma_start3A_297, %dma_start3A_298] : memref<10240x48xf32, #tpu.memory_space<vmem_shared>> -> memref<10240x48xf32, #tpu.memory_space<vmem_shared>>
      tpu.enqueue_indirect_dma source(%arg13 : memref<125x48xf32, #tpu.memory_space<vmem>>) target(%dma_start3A_299 : memref<10240x48xf32, #tpu.memory_space<vmem_shared>>) offsets(%dma_start3A_296 : memref<125xi32, #tpu.memory_space<vmem>>) semaphore(%arg22 : memref<!tpu.dma_semaphore, #tpu.memory_space<semaphore_mem>>) {add = true}
      %lt3A = arith.constant 9 : i32
      %lt3A_300 = arith.cmpi slt, %scan3A_251, %lt3A : i32
      %convert_element_type3A_301 = arith.extui %lt3A_300 : i1 to i32
      %cond3A_302 = arith.constant 0 : i32
      %cond3A_303 = arith.cmpi ne, %convert_element_type3A_301, %cond3A_302 : i32
      scf.if %cond3A_303 {
        %dma_wait3A_346 = arith.constant 0 : i32
        %dma_wait3A_347 = arith.constant 0 : i32
        %dma_wait3A_348 = tpu.memref_slice %arg16[%dma_wait3A_346, %dma_wait3A_347] : memref<10240x48xf32, #tpu.memory_space<vmem_shared>> -> memref<125x48xf32, #tpu.memory_space<vmem_shared>>
        %dma_wait3A_349 = arith.constant 0 : i32
        %dma_wait3A_350 = arith.constant 0 : i32
        %dma_wait3A_351 = tpu.memref_slice %arg16[%dma_wait3A_349, %dma_wait3A_350] : memref<10240x48xf32, #tpu.memory_space<vmem_shared>> -> memref<125x48xf32, #tpu.memory_space<vmem_shared>>
        tpu.wait_dma2 semaphore(%arg21 : memref<!tpu.dma_semaphore, #tpu.memory_space<semaphore_mem>>) src(%arg12 : memref<125x48xf32, #tpu.memory_space<vmem>>) dst(%dma_wait3A_351 : memref<125x48xf32, #tpu.memory_space<vmem_shared>>)
        %add3A_352 = arith.constant 4 : i32
        %add3A_353 = arith.addi %add3A_287, %add3A_352 : i32
        %sub3A_354 = arith.constant 1 : i32
        %sub3A_355 = arith.subi %add3A_353, %sub3A_354 : i32
        %dma_start3A_356 = arith.constant 0 : i32
        %dma_start3A_357 = tpu.memref_slice %arg10[%sub3A_355, %dma_start3A_356] : memref<40x125xi32, #tpu.memory_space<vmem>> -> memref<1x125xi32, #tpu.memory_space<vmem>>
        %dma_start3A_358 = tpu.memref_squeeze %dma_start3A_357 : memref<1x125xi32, #tpu.memory_space<vmem>> -> memref<125xi32, #tpu.memory_space<vmem>>
        %dma_start3A_359 = arith.constant 0 : i32
        %dma_start3A_360 = arith.constant 0 : i32
        %dma_start3A_361 = tpu.memref_slice %arg2[%dma_start3A_359, %dma_start3A_360] : memref<10000x48xf32, #tpu.memory_space<hbm>> -> memref<10000x48xf32, #tpu.memory_space<hbm>>
        tpu.enqueue_indirect_dma source(%dma_start3A_361 : memref<10000x48xf32, #tpu.memory_space<hbm>>) target(%arg12 : memref<125x48xf32, #tpu.memory_space<vmem>>) offsets(%dma_start3A_358 : memref<125xi32, #tpu.memory_space<vmem>>) semaphore(%arg17 : memref<!tpu.dma_semaphore, #tpu.memory_space<semaphore_mem>>)
      } else {
      }
      %mul3A_304 = arith.constant 4 : i32
      %mul3A_305 = arith.muli %scan3A_251, %mul3A_304 : i32
      %add3A_306 = arith.constant 2 : i32
      %add3A_307 = arith.addi %mul3A_305, %add3A_306 : i32
      %dma_wait3A_308 = arith.constant 0 : i32
      %dma_wait3A_309 = arith.constant 0 : i32
      %dma_wait3A_310 = tpu.memref_slice %arg2[%dma_wait3A_308, %dma_wait3A_309] : memref<10000x48xf32, #tpu.memory_space<hbm>> -> memref<125x48xf32, #tpu.memory_space<hbm>>
      %dma_wait3A_311 = arith.constant 0 : i32
      %dma_wait3A_312 = arith.constant 0 : i32
      %dma_wait3A_313 = tpu.memref_slice %arg2[%dma_wait3A_311, %dma_wait3A_312] : memref<10000x48xf32, #tpu.memory_space<hbm>> -> memref<125x48xf32, #tpu.memory_space<hbm>>
      tpu.wait_dma2 semaphore(%arg19 : memref<!tpu.dma_semaphore, #tpu.memory_space<semaphore_mem>>) src(%dma_wait3A_313 : memref<125x48xf32, #tpu.memory_space<hbm>>) dst(%arg14 : memref<125x48xf32, #tpu.memory_space<vmem>>)
      %dma_start3A_314 = arith.constant 0 : i32
      %dma_start3A_315 = tpu.memref_slice %arg11[%add3A_307, %dma_start3A_314] : memref<40x125xi32, #tpu.memory_space<vmem>> -> memref<1x125xi32, #tpu.memory_space<vmem>>
      %dma_start3A_316 = tpu.memref_squeeze %dma_start3A_315 : memref<1x125xi32, #tpu.memory_space<vmem>> -> memref<125xi32, #tpu.memory_space<vmem>>
      %dma_start3A_317 = arith.constant 0 : i32
      %dma_start3A_318 = arith.constant 0 : i32
      %dma_start3A_319 = tpu.memref_slice %arg16[%dma_start3A_317, %dma_start3A_318] : memref<10240x48xf32, #tpu.memory_space<vmem_shared>> -> memref<10240x48xf32, #tpu.memory_space<vmem_shared>>
      tpu.enqueue_indirect_dma source(%arg14 : memref<125x48xf32, #tpu.memory_space<vmem>>) target(%dma_start3A_319 : memref<10240x48xf32, #tpu.memory_space<vmem_shared>>) offsets(%dma_start3A_316 : memref<125xi32, #tpu.memory_space<vmem>>) semaphore(%arg23 : memref<!tpu.dma_semaphore, #tpu.memory_space<semaphore_mem>>) {add = true}
      %lt3A_320 = arith.constant 9 : i32
      %lt3A_321 = arith.cmpi slt, %scan3A_251, %lt3A_320 : i32
      %convert_element_type3A_322 = arith.extui %lt3A_321 : i1 to i32
      %cond3A_323 = arith.constant 0 : i32
      %cond3A_324 = arith.cmpi ne, %convert_element_type3A_322, %cond3A_323 : i32
      scf.if %cond3A_324 {
        %dma_wait3A_346 = arith.constant 0 : i32
        %dma_wait3A_347 = arith.constant 0 : i32
        %dma_wait3A_348 = tpu.memref_slice %arg16[%dma_wait3A_346, %dma_wait3A_347] : memref<10240x48xf32, #tpu.memory_space<vmem_shared>> -> memref<125x48xf32, #tpu.memory_space<vmem_shared>>
        %dma_wait3A_349 = arith.constant 0 : i32
        %dma_wait3A_350 = arith.constant 0 : i32
        %dma_wait3A_351 = tpu.memref_slice %arg16[%dma_wait3A_349, %dma_wait3A_350] : memref<10240x48xf32, #tpu.memory_space<vmem_shared>> -> memref<125x48xf32, #tpu.memory_space<vmem_shared>>
        tpu.wait_dma2 semaphore(%arg22 : memref<!tpu.dma_semaphore, #tpu.memory_space<semaphore_mem>>) src(%arg13 : memref<125x48xf32, #tpu.memory_space<vmem>>) dst(%dma_wait3A_351 : memref<125x48xf32, #tpu.memory_space<vmem_shared>>)
        %add3A_352 = arith.constant 4 : i32
        %add3A_353 = arith.addi %add3A_307, %add3A_352 : i32
        %sub3A_354 = arith.constant 1 : i32
        %sub3A_355 = arith.subi %add3A_353, %sub3A_354 : i32
        %dma_start3A_356 = arith.constant 0 : i32
        %dma_start3A_357 = tpu.memref_slice %arg10[%sub3A_355, %dma_start3A_356] : memref<40x125xi32, #tpu.memory_space<vmem>> -> memref<1x125xi32, #tpu.memory_space<vmem>>
        %dma_start3A_358 = tpu.memref_squeeze %dma_start3A_357 : memref<1x125xi32, #tpu.memory_space<vmem>> -> memref<125xi32, #tpu.memory_space<vmem>>
        %dma_start3A_359 = arith.constant 0 : i32
        %dma_start3A_360 = arith.constant 0 : i32
        %dma_start3A_361 = tpu.memref_slice %arg2[%dma_start3A_359, %dma_start3A_360] : memref<10000x48xf32, #tpu.memory_space<hbm>> -> memref<10000x48xf32, #tpu.memory_space<hbm>>
        tpu.enqueue_indirect_dma source(%dma_start3A_361 : memref<10000x48xf32, #tpu.memory_space<hbm>>) target(%arg13 : memref<125x48xf32, #tpu.memory_space<vmem>>) offsets(%dma_start3A_358 : memref<125xi32, #tpu.memory_space<vmem>>) semaphore(%arg18 : memref<!tpu.dma_semaphore, #tpu.memory_space<semaphore_mem>>)
      } else {
      }
      %mul3A_325 = arith.constant 4 : i32
      %mul3A_326 = arith.muli %scan3A_251, %mul3A_325 : i32
      %add3A_327 = arith.constant 3 : i32
      %add3A_328 = arith.addi %mul3A_326, %add3A_327 : i32
      %dma_wait3A_329 = arith.constant 0 : i32
      %dma_wait3A_330 = arith.constant 0 : i32
      %dma_wait3A_331 = tpu.memref_slice %arg2[%dma_wait3A_329, %dma_wait3A_330] : memref<10000x48xf32, #tpu.memory_space<hbm>> -> memref<125x48xf32, #tpu.memory_space<hbm>>
      %dma_wait3A_332 = arith.constant 0 : i32
      %dma_wait3A_333 = arith.constant 0 : i32
      %dma_wait3A_334 = tpu.memref_slice %arg2[%dma_wait3A_332, %dma_wait3A_333] : memref<10000x48xf32, #tpu.memory_space<hbm>> -> memref<125x48xf32, #tpu.memory_space<hbm>>
      tpu.wait_dma2 semaphore(%arg20 : memref<!tpu.dma_semaphore, #tpu.memory_space<semaphore_mem>>) src(%dma_wait3A_334 : memref<125x48xf32, #tpu.memory_space<hbm>>) dst(%arg15 : memref<125x48xf32, #tpu.memory_space<vmem>>)
      %dma_start3A_335 = arith.constant 0 : i32
      %dma_start3A_336 = tpu.memref_slice %arg11[%add3A_328, %dma_start3A_335] : memref<40x125xi32, #tpu.memory_space<vmem>> -> memref<1x125xi32, #tpu.memory_space<vmem>>
      %dma_start3A_337 = tpu.memref_squeeze %dma_start3A_336 : memref<1x125xi32, #tpu.memory_space<vmem>> -> memref<125xi32, #tpu.memory_space<vmem>>
      %dma_start3A_338 = arith.constant 0 : i32
      %dma_start3A_339 = arith.constant 0 : i32
      %dma_start3A_340 = tpu.memref_slice %arg16[%dma_start3A_338, %dma_start3A_339] : memref<10240x48xf32, #tpu.memory_space<vmem_shared>> -> memref<10240x48xf32, #tpu.memory_space<vmem_shared>>
      tpu.enqueue_indirect_dma source(%arg15 : memref<125x48xf32, #tpu.memory_space<vmem>>) target(%dma_start3A_340 : memref<10240x48xf32, #tpu.memory_space<vmem_shared>>) offsets(%dma_start3A_337 : memref<125xi32, #tpu.memory_space<vmem>>) semaphore(%arg24 : memref<!tpu.dma_semaphore, #tpu.memory_space<semaphore_mem>>) {add = true}
      %lt3A_341 = arith.constant 9 : i32
      %lt3A_342 = arith.cmpi slt, %scan3A_251, %lt3A_341 : i32
      %convert_element_type3A_343 = arith.extui %lt3A_342 : i1 to i32
      %cond3A_344 = arith.constant 0 : i32
      %cond3A_345 = arith.cmpi ne, %convert_element_type3A_343, %cond3A_344 : i32
      scf.if %cond3A_345 {
        %dma_wait3A_346 = arith.constant 0 : i32
        %dma_wait3A_347 = arith.constant 0 : i32
        %dma_wait3A_348 = tpu.memref_slice %arg16[%dma_wait3A_346, %dma_wait3A_347] : memref<10240x48xf32, #tpu.memory_space<vmem_shared>> -> memref<125x48xf32, #tpu.memory_space<vmem_shared>>
        %dma_wait3A_349 = arith.constant 0 : i32
        %dma_wait3A_350 = arith.constant 0 : i32
        %dma_wait3A_351 = tpu.memref_slice %arg16[%dma_wait3A_349, %dma_wait3A_350] : memref<10240x48xf32, #tpu.memory_space<vmem_shared>> -> memref<125x48xf32, #tpu.memory_space<vmem_shared>>
        tpu.wait_dma2 semaphore(%arg23 : memref<!tpu.dma_semaphore, #tpu.memory_space<semaphore_mem>>) src(%arg14 : memref<125x48xf32, #tpu.memory_space<vmem>>) dst(%dma_wait3A_351 : memref<125x48xf32, #tpu.memory_space<vmem_shared>>)
        %add3A_352 = arith.constant 4 : i32
        %add3A_353 = arith.addi %add3A_328, %add3A_352 : i32
        %sub3A_354 = arith.constant 1 : i32
        %sub3A_355 = arith.subi %add3A_353, %sub3A_354 : i32
        %dma_start3A_356 = arith.constant 0 : i32
        %dma_start3A_357 = tpu.memref_slice %arg10[%sub3A_355, %dma_start3A_356] : memref<40x125xi32, #tpu.memory_space<vmem>> -> memref<1x125xi32, #tpu.memory_space<vmem>>
        %dma_start3A_358 = tpu.memref_squeeze %dma_start3A_357 : memref<1x125xi32, #tpu.memory_space<vmem>> -> memref<125xi32, #tpu.memory_space<vmem>>
        %dma_start3A_359 = arith.constant 0 : i32
        %dma_start3A_360 = arith.constant 0 : i32
        %dma_start3A_361 = tpu.memref_slice %arg2[%dma_start3A_359, %dma_start3A_360] : memref<10000x48xf32, #tpu.memory_space<hbm>> -> memref<10000x48xf32, #tpu.memory_space<hbm>>
        tpu.enqueue_indirect_dma source(%dma_start3A_361 : memref<10000x48xf32, #tpu.memory_space<hbm>>) target(%arg14 : memref<125x48xf32, #tpu.memory_space<vmem>>) offsets(%dma_start3A_358 : memref<125xi32, #tpu.memory_space<vmem>>) semaphore(%arg19 : memref<!tpu.dma_semaphore, #tpu.memory_space<semaphore_mem>>)
      } else {
      }
    }
    %scan3A_47 = arith.constant 10 : i32
    %scan3A_48 = arith.constant 1 : i32
    %dma_wait3A = arith.constant 0 : i32
    %dma_wait3A_49 = arith.constant 0 : i32
    %dma_wait3A_50 = tpu.memref_slice %arg16[%dma_wait3A, %dma_wait3A_49] : memref<10240x48xf32, #tpu.memory_space<vmem_shared>> -> memref<125x48xf32, #tpu.memory_space<vmem_shared>>
    %dma_wait3A_51 = arith.constant 0 : i32
    %dma_wait3A_52 = arith.constant 0 : i32
    %dma_wait3A_53 = tpu.memref_slice %arg16[%dma_wait3A_51, %dma_wait3A_52] : memref<10240x48xf32, #tpu.memory_space<vmem_shared>> -> memref<125x48xf32, #tpu.memory_space<vmem_shared>>
    tpu.wait_dma2 semaphore(%arg21 : memref<!tpu.dma_semaphore, #tpu.memory_space<semaphore_mem>>) src(%arg12 : memref<125x48xf32, #tpu.memory_space<vmem>>) dst(%dma_wait3A_53 : memref<125x48xf32, #tpu.memory_space<vmem_shared>>)
    %dma_wait3A_54 = arith.constant 0 : i32
    %dma_wait3A_55 = arith.constant 0 : i32
    %dma_wait3A_56 = tpu.memref_slice %arg16[%dma_wait3A_54, %dma_wait3A_55] : memref<10240x48xf32, #tpu.memory_space<vmem_shared>> -> memref<125x48xf32, #tpu.memory_space<vmem_shared>>
    %dma_wait3A_57 = arith.constant 0 : i32
    %dma_wait3A_58 = arith.constant 0 : i32
    %dma_wait3A_59 = tpu.memref_slice %arg16[%dma_wait3A_57, %dma_wait3A_58] : memref<10240x48xf32, #tpu.memory_space<vmem_shared>> -> memref<125x48xf32, #tpu.memory_space<vmem_shared>>
    tpu.wait_dma2 semaphore(%arg22 : memref<!tpu.dma_semaphore, #tpu.memory_space<semaphore_mem>>) src(%arg13 : memref<125x48xf32, #tpu.memory_space<vmem>>) dst(%dma_wait3A_59 : memref<125x48xf32, #tpu.memory_space<vmem_shared>>)
    %dma_wait3A_60 = arith.constant 0 : i32
    %dma_wait3A_61 = arith.constant 0 : i32
    %dma_wait3A_62 = tpu.memref_slice %arg16[%dma_wait3A_60, %dma_wait3A_61] : memref<10240x48xf32, #tpu.memory_space<vmem_shared>> -> memref<125x48xf32, #tpu.memory_space<vmem_shared>>
    %dma_wait3A_63 = arith.constant 0 : i32
    %dma_wait3A_64 = arith.constant 0 : i32
    %dma_wait3A_65 = tpu.memref_slice %arg16[%dma_wait3A_63, %dma_wait3A_64] : memref<10240x48xf32, #tpu.memory_space<vmem_shared>> -> memref<125x48xf32, #tpu.memory_space<vmem_shared>>
    tpu.wait_dma2 semaphore(%arg23 : memref<!tpu.dma_semaphore, #tpu.memory_space<semaphore_mem>>) src(%arg14 : memref<125x48xf32, #tpu.memory_space<vmem>>) dst(%dma_wait3A_65 : memref<125x48xf32, #tpu.memory_space<vmem_shared>>)
    %dma_wait3A_66 = arith.constant 0 : i32
    %dma_wait3A_67 = arith.constant 0 : i32
    %dma_wait3A_68 = tpu.memref_slice %arg16[%dma_wait3A_66, %dma_wait3A_67] : memref<10240x48xf32, #tpu.memory_space<vmem_shared>> -> memref<125x48xf32, #tpu.memory_space<vmem_shared>>
    %dma_wait3A_69 = arith.constant 0 : i32
    %dma_wait3A_70 = arith.constant 0 : i32
    %dma_wait3A_71 = tpu.memref_slice %arg16[%dma_wait3A_69, %dma_wait3A_70] : memref<10240x48xf32, #tpu.memory_space<vmem_shared>> -> memref<125x48xf32, #tpu.memory_space<vmem_shared>>
    tpu.wait_dma2 semaphore(%arg24 : memref<!tpu.dma_semaphore, #tpu.memory_space<semaphore_mem>>) src(%arg15 : memref<125x48xf32, #tpu.memory_space<vmem>>) dst(%dma_wait3A_71 : memref<125x48xf32, #tpu.memory_space<vmem_shared>>)
    %barrier3A_72 = arith.constant 0 : index
    tpu.barrier barrier_id(%barrier3A_72)
    %mul3A_73 = arith.constant 640 : i32
    %mul3A_74 = arith.muli %arg1, %mul3A_73 : i32
    %mul3A_75 = arith.constant 640 : i32
    %mul3A_76 = arith.muli %arg1, %mul3A_75 : i32
    %run_scoped3A_77 = arith.constant 0 : i32
    "tpu.region"() ({
      %run_scoped3A_251 = tpu.sem_alloc : memref<!tpu.dma_semaphore, #tpu.memory_space<semaphore_mem>>
      %dma_start3A_252 = arith.constant 0 : i32
      %dma_start3A_253 = tpu.memref_slice %arg9[%run_scoped3A_77, %arg0, %mul3A_76, %dma_start3A_252] : memref<3x2x10240x48xf32, #tpu.memory_space<hbm>> -> memref<1x1x640x48xf32, #tpu.memory_space<hbm>>
      %dma_start3A_254 = tpu.memref_squeeze %dma_start3A_253 : memref<1x1x640x48xf32, #tpu.memory_space<hbm>> -> memref<640x48xf32, #tpu.memory_space<hbm>>
      %dma_start3A_255 = arith.constant 0 : i32
      %dma_start3A_256 = tpu.memref_slice %arg16[%mul3A_74, %dma_start3A_255] : memref<10240x48xf32, #tpu.memory_space<vmem_shared>> -> memref<640x48xf32, #tpu.memory_space<vmem_shared>>
      tpu.enqueue_dma source(%dma_start3A_256 : memref<640x48xf32, #tpu.memory_space<vmem_shared>>) target(%dma_start3A_254 : memref<640x48xf32, #tpu.memory_space<hbm>>) target_semaphore(%run_scoped3A_251 : memref<!tpu.dma_semaphore, #tpu.memory_space<semaphore_mem>>)
      %dma_wait3A_257 = arith.constant 0 : i32
      %dma_wait3A_258 = tpu.memref_slice %arg9[%run_scoped3A_77, %arg0, %mul3A_76, %dma_wait3A_257] : memref<3x2x10240x48xf32, #tpu.memory_space<hbm>> -> memref<1x1x640x48xf32, #tpu.memory_space<hbm>>
      %dma_wait3A_259 = tpu.memref_squeeze %dma_wait3A_258 : memref<1x1x640x48xf32, #tpu.memory_space<hbm>> -> memref<640x48xf32, #tpu.memory_space<hbm>>
      %dma_wait3A_260 = arith.constant 0 : i32
      %dma_wait3A_261 = tpu.memref_slice %arg16[%mul3A_74, %dma_wait3A_260] : memref<10240x48xf32, #tpu.memory_space<vmem_shared>> -> memref<640x48xf32, #tpu.memory_space<vmem_shared>>
      tpu.wait_dma2 semaphore(%run_scoped3A_251 : memref<!tpu.dma_semaphore, #tpu.memory_space<semaphore_mem>>) src(%dma_wait3A_261 : memref<640x48xf32, #tpu.memory_space<vmem_shared>>) dst(%dma_wait3A_259 : memref<640x48xf32, #tpu.memory_space<hbm>>)
      tpu.yield
    }) : () -> ()
    %barrier3A_78 = arith.constant 0 : index
    tpu.barrier barrier_id(%barrier3A_78)
    %mul3A_79 = arith.constant 640 : i32
    %mul3A_80 = arith.muli %arg1, %mul3A_79 : i32
    "tpu.region"() ({
      %run_scoped3A_251 = tpu.sem_alloc : memref<!tpu.dma_semaphore, #tpu.memory_space<semaphore_mem>>
      %dma_start3A_252 = arith.constant 0 : i32
      %dma_start3A_253 = tpu.memref_slice %arg16[%mul3A_80, %dma_start3A_252] : memref<10240x48xf32, #tpu.memory_space<vmem_shared>> -> memref<640x48xf32, #tpu.memory_space<vmem_shared>>
      tpu.enqueue_dma source(%arg8 : memref<640x48xf32, #tpu.memory_space<hbm>>) target(%dma_start3A_253 : memref<640x48xf32, #tpu.memory_space<vmem_shared>>) target_semaphore(%run_scoped3A_251 : memref<!tpu.dma_semaphore, #tpu.memory_space<semaphore_mem>>)
      %dma_wait3A_254 = arith.constant 0 : i32
      %dma_wait3A_255 = tpu.memref_slice %arg16[%mul3A_80, %dma_wait3A_254] : memref<10240x48xf32, #tpu.memory_space<vmem_shared>> -> memref<640x48xf32, #tpu.memory_space<vmem_shared>>
      tpu.wait_dma2 semaphore(%run_scoped3A_251 : memref<!tpu.dma_semaphore, #tpu.memory_space<semaphore_mem>>) src(%arg8 : memref<640x48xf32, #tpu.memory_space<hbm>>) dst(%dma_wait3A_255 : memref<640x48xf32, #tpu.memory_space<vmem_shared>>)
      tpu.yield
    }) : () -> ()
    %barrier3A_81 = arith.constant 0 : index
    tpu.barrier barrier_id(%barrier3A_81)
    %scan3A_82 = arith.constant 0 : i32
    %scan3A_83 = arith.constant 0 : i32
    %mul3A_84 = arith.constant 40 : i32
    %mul3A_85 = arith.muli %add3A, %mul3A_84 : i32
    %mul3A_86 = arith.constant 40 : i32
    %mul3A_87 = arith.muli %scan3A_83, %mul3A_86 : i32
    %add3A_88 = arith.addi %mul3A_85, %mul3A_87 : i32
    %run_scoped3A_89 = arith.constant 0 : i32
    "tpu.region"() ({
      %run_scoped3A_251 = tpu.sem_alloc : memref<!tpu.dma_semaphore, #tpu.memory_space<semaphore_mem>>
      %dma_start3A_252 = arith.constant 0 : i32
      %dma_start3A_253 = tpu.memref_slice %arg6[%run_scoped3A_89, %add3A_88, %dma_start3A_252] : memref<2x1280x125xi32, #tpu.memory_space<hbm>> -> memref<1x40x125xi32, #tpu.memory_space<hbm>>
      %dma_start3A_254 = tpu.memref_squeeze %dma_start3A_253 : memref<1x40x125xi32, #tpu.memory_space<hbm>> -> memref<40x125xi32, #tpu.memory_space<hbm>>
      %dma_start3A_255 = arith.constant 0 : i32
      %dma_start3A_256 = tpu.memref_slice %arg6[%run_scoped3A_89, %add3A_88, %dma_start3A_255] : memref<2x1280x125xi32, #tpu.memory_space<hbm>> -> memref<1x40x125xi32, #tpu.memory_space<hbm>>
      %dma_start3A_257 = tpu.memref_squeeze %dma_start3A_256 : memref<1x40x125xi32, #tpu.memory_space<hbm>> -> memref<40x125xi32, #tpu.memory_space<hbm>>
      tpu.enqueue_dma source(%dma_start3A_257 : memref<40x125xi32, #tpu.memory_space<hbm>>) target(%arg10 : memref<40x125xi32, #tpu.memory_space<vmem>>) target_semaphore(%run_scoped3A_251 : memref<!tpu.dma_semaphore, #tpu.memory_space<semaphore_mem>>)
      %dma_wait3A_258 = arith.constant 0 : i32
      %dma_wait3A_259 = tpu.memref_slice %arg6[%run_scoped3A_89, %add3A_88, %dma_wait3A_258] : memref<2x1280x125xi32, #tpu.memory_space<hbm>> -> memref<1x40x125xi32, #tpu.memory_space<hbm>>
      %dma_wait3A_260 = tpu.memref_squeeze %dma_wait3A_259 : memref<1x40x125xi32, #tpu.memory_space<hbm>> -> memref<40x125xi32, #tpu.memory_space<hbm>>
      %dma_wait3A_261 = arith.constant 0 : i32
      %dma_wait3A_262 = tpu.memref_slice %arg6[%run_scoped3A_89, %add3A_88, %dma_wait3A_261] : memref<2x1280x125xi32, #tpu.memory_space<hbm>> -> memref<1x40x125xi32, #tpu.memory_space<hbm>>
      %dma_wait3A_263 = tpu.memref_squeeze %dma_wait3A_262 : memref<1x40x125xi32, #tpu.memory_space<hbm>> -> memref<40x125xi32, #tpu.memory_space<hbm>>
      tpu.wait_dma2 semaphore(%run_scoped3A_251 : memref<!tpu.dma_semaphore, #tpu.memory_space<semaphore_mem>>) src(%dma_wait3A_263 : memref<40x125xi32, #tpu.memory_space<hbm>>) dst(%arg10 : memref<40x125xi32, #tpu.memory_space<vmem>>)
      tpu.yield
    }) : () -> ()
    %run_scoped3A_90 = arith.constant 1 : i32
    "tpu.region"() ({
      %run_scoped3A_251 = tpu.sem_alloc : memref<!tpu.dma_semaphore, #tpu.memory_space<semaphore_mem>>
      %dma_start3A_252 = arith.constant 0 : i32
      %dma_start3A_253 = tpu.memref_slice %arg6[%run_scoped3A_90, %add3A_88, %dma_start3A_252] : memref<2x1280x125xi32, #tpu.memory_space<hbm>> -> memref<1x40x125xi32, #tpu.memory_space<hbm>>
      %dma_start3A_254 = tpu.memref_squeeze %dma_start3A_253 : memref<1x40x125xi32, #tpu.memory_space<hbm>> -> memref<40x125xi32, #tpu.memory_space<hbm>>
      %dma_start3A_255 = arith.constant 0 : i32
      %dma_start3A_256 = tpu.memref_slice %arg6[%run_scoped3A_90, %add3A_88, %dma_start3A_255] : memref<2x1280x125xi32, #tpu.memory_space<hbm>> -> memref<1x40x125xi32, #tpu.memory_space<hbm>>
      %dma_start3A_257 = tpu.memref_squeeze %dma_start3A_256 : memref<1x40x125xi32, #tpu.memory_space<hbm>> -> memref<40x125xi32, #tpu.memory_space<hbm>>
      tpu.enqueue_dma source(%dma_start3A_257 : memref<40x125xi32, #tpu.memory_space<hbm>>) target(%arg11 : memref<40x125xi32, #tpu.memory_space<vmem>>) target_semaphore(%run_scoped3A_251 : memref<!tpu.dma_semaphore, #tpu.memory_space<semaphore_mem>>)
      %dma_wait3A_258 = arith.constant 0 : i32
      %dma_wait3A_259 = tpu.memref_slice %arg6[%run_scoped3A_90, %add3A_88, %dma_wait3A_258] : memref<2x1280x125xi32, #tpu.memory_space<hbm>> -> memref<1x40x125xi32, #tpu.memory_space<hbm>>
      %dma_wait3A_260 = tpu.memref_squeeze %dma_wait3A_259 : memref<1x40x125xi32, #tpu.memory_space<hbm>> -> memref<40x125xi32, #tpu.memory_space<hbm>>
      %dma_wait3A_261 = arith.constant 0 : i32
      %dma_wait3A_262 = tpu.memref_slice %arg6[%run_scoped3A_90, %add3A_88, %dma_wait3A_261] : memref<2x1280x125xi32, #tpu.memory_space<hbm>> -> memref<1x40x125xi32, #tpu.memory_space<hbm>>
      %dma_wait3A_263 = tpu.memref_squeeze %dma_wait3A_262 : memref<1x40x125xi32, #tpu.memory_space<hbm>> -> memref<40x125xi32, #tpu.memory_space<hbm>>
      tpu.wait_dma2 semaphore(%run_scoped3A_251 : memref<!tpu.dma_semaphore, #tpu.memory_space<semaphore_mem>>) src(%dma_wait3A_263 : memref<40x125xi32, #tpu.memory_space<hbm>>) dst(%arg11 : memref<40x125xi32, #tpu.memory_space<vmem>>)
      tpu.yield
    }) : () -> ()
    %gt3A_91 = arith.constant 0 : i32
    %gt3A_92 = arith.cmpi sgt, %scan3A_83, %gt3A_91 : i32
    %convert_element_type3A_93 = arith.extui %gt3A_92 : i1 to i32
    %cond3A_94 = arith.constant 0 : i32
    %cond3A_95 = arith.cmpi ne, %convert_element_type3A_93, %cond3A_94 : i32
    scf.if %cond3A_95 {
      %dma_wait3A_251 = arith.constant 0 : i32
      %dma_wait3A_252 = arith.constant 0 : i32
      %dma_wait3A_253 = tpu.memref_slice %arg16[%dma_wait3A_251, %dma_wait3A_252] : memref<10240x48xf32, #tpu.memory_space<vmem_shared>> -> memref<125x48xf32, #tpu.memory_space<vmem_shared>>
      %dma_wait3A_254 = arith.constant 0 : i32
      %dma_wait3A_255 = arith.constant 0 : i32
      %dma_wait3A_256 = tpu.memref_slice %arg16[%dma_wait3A_254, %dma_wait3A_255] : memref<10240x48xf32, #tpu.memory_space<vmem_shared>> -> memref<125x48xf32, #tpu.memory_space<vmem_shared>>
      tpu.wait_dma2 semaphore(%arg21 : memref<!tpu.dma_semaphore, #tpu.memory_space<semaphore_mem>>) src(%arg12 : memref<125x48xf32, #tpu.memory_space<vmem>>) dst(%dma_wait3A_256 : memref<125x48xf32, #tpu.memory_space<vmem_shared>>)
    } else {
    }
    %dma_start3A_96 = arith.constant 0 : i32
    %dma_start3A_97 = arith.constant 0 : i32
    %dma_start3A_98 = tpu.memref_slice %arg10[%dma_start3A_96, %dma_start3A_97] : memref<40x125xi32, #tpu.memory_space<vmem>> -> memref<1x125xi32, #tpu.memory_space<vmem>>
    %dma_start3A_99 = tpu.memref_squeeze %dma_start3A_98 : memref<1x125xi32, #tpu.memory_space<vmem>> -> memref<125xi32, #tpu.memory_space<vmem>>
    %dma_start3A_100 = arith.constant 0 : i32
    %dma_start3A_101 = arith.constant 0 : i32
    %dma_start3A_102 = tpu.memref_slice %arg3[%dma_start3A_100, %dma_start3A_101] : memref<10000x48xf32, #tpu.memory_space<hbm>> -> memref<10000x48xf32, #tpu.memory_space<hbm>>
    tpu.enqueue_indirect_dma source(%dma_start3A_102 : memref<10000x48xf32, #tpu.memory_space<hbm>>) target(%arg12 : memref<125x48xf32, #tpu.memory_space<vmem>>) offsets(%dma_start3A_99 : memref<125xi32, #tpu.memory_space<vmem>>) semaphore(%arg17 : memref<!tpu.dma_semaphore, #tpu.memory_space<semaphore_mem>>)
    %gt3A_103 = arith.constant 0 : i32
    %gt3A_104 = arith.cmpi sgt, %scan3A_83, %gt3A_103 : i32
    %convert_element_type3A_105 = arith.extui %gt3A_104 : i1 to i32
    %cond3A_106 = arith.constant 0 : i32
    %cond3A_107 = arith.cmpi ne, %convert_element_type3A_105, %cond3A_106 : i32
    scf.if %cond3A_107 {
      %dma_wait3A_251 = arith.constant 0 : i32
      %dma_wait3A_252 = arith.constant 0 : i32
      %dma_wait3A_253 = tpu.memref_slice %arg16[%dma_wait3A_251, %dma_wait3A_252] : memref<10240x48xf32, #tpu.memory_space<vmem_shared>> -> memref<125x48xf32, #tpu.memory_space<vmem_shared>>
      %dma_wait3A_254 = arith.constant 0 : i32
      %dma_wait3A_255 = arith.constant 0 : i32
      %dma_wait3A_256 = tpu.memref_slice %arg16[%dma_wait3A_254, %dma_wait3A_255] : memref<10240x48xf32, #tpu.memory_space<vmem_shared>> -> memref<125x48xf32, #tpu.memory_space<vmem_shared>>
      tpu.wait_dma2 semaphore(%arg22 : memref<!tpu.dma_semaphore, #tpu.memory_space<semaphore_mem>>) src(%arg13 : memref<125x48xf32, #tpu.memory_space<vmem>>) dst(%dma_wait3A_256 : memref<125x48xf32, #tpu.memory_space<vmem_shared>>)
    } else {
    }
    %dma_start3A_108 = arith.constant 1 : i32
    %dma_start3A_109 = arith.constant 0 : i32
    %dma_start3A_110 = tpu.memref_slice %arg10[%dma_start3A_108, %dma_start3A_109] : memref<40x125xi32, #tpu.memory_space<vmem>> -> memref<1x125xi32, #tpu.memory_space<vmem>>
    %dma_start3A_111 = tpu.memref_squeeze %dma_start3A_110 : memref<1x125xi32, #tpu.memory_space<vmem>> -> memref<125xi32, #tpu.memory_space<vmem>>
    %dma_start3A_112 = arith.constant 0 : i32
    %dma_start3A_113 = arith.constant 0 : i32
    %dma_start3A_114 = tpu.memref_slice %arg3[%dma_start3A_112, %dma_start3A_113] : memref<10000x48xf32, #tpu.memory_space<hbm>> -> memref<10000x48xf32, #tpu.memory_space<hbm>>
    tpu.enqueue_indirect_dma source(%dma_start3A_114 : memref<10000x48xf32, #tpu.memory_space<hbm>>) target(%arg13 : memref<125x48xf32, #tpu.memory_space<vmem>>) offsets(%dma_start3A_111 : memref<125xi32, #tpu.memory_space<vmem>>) semaphore(%arg18 : memref<!tpu.dma_semaphore, #tpu.memory_space<semaphore_mem>>)
    %gt3A_115 = arith.constant 0 : i32
    %gt3A_116 = arith.cmpi sgt, %scan3A_83, %gt3A_115 : i32
    %convert_element_type3A_117 = arith.extui %gt3A_116 : i1 to i32
    %cond3A_118 = arith.constant 0 : i32
    %cond3A_119 = arith.cmpi ne, %convert_element_type3A_117, %cond3A_118 : i32
    scf.if %cond3A_119 {
      %dma_wait3A_251 = arith.constant 0 : i32
      %dma_wait3A_252 = arith.constant 0 : i32
      %dma_wait3A_253 = tpu.memref_slice %arg16[%dma_wait3A_251, %dma_wait3A_252] : memref<10240x48xf32, #tpu.memory_space<vmem_shared>> -> memref<125x48xf32, #tpu.memory_space<vmem_shared>>
      %dma_wait3A_254 = arith.constant 0 : i32
      %dma_wait3A_255 = arith.constant 0 : i32
      %dma_wait3A_256 = tpu.memref_slice %arg16[%dma_wait3A_254, %dma_wait3A_255] : memref<10240x48xf32, #tpu.memory_space<vmem_shared>> -> memref<125x48xf32, #tpu.memory_space<vmem_shared>>
      tpu.wait_dma2 semaphore(%arg23 : memref<!tpu.dma_semaphore, #tpu.memory_space<semaphore_mem>>) src(%arg14 : memref<125x48xf32, #tpu.memory_space<vmem>>) dst(%dma_wait3A_256 : memref<125x48xf32, #tpu.memory_space<vmem_shared>>)
    } else {
    }
    %dma_start3A_120 = arith.constant 2 : i32
    %dma_start3A_121 = arith.constant 0 : i32
    %dma_start3A_122 = tpu.memref_slice %arg10[%dma_start3A_120, %dma_start3A_121] : memref<40x125xi32, #tpu.memory_space<vmem>> -> memref<1x125xi32, #tpu.memory_space<vmem>>
    %dma_start3A_123 = tpu.memref_squeeze %dma_start3A_122 : memref<1x125xi32, #tpu.memory_space<vmem>> -> memref<125xi32, #tpu.memory_space<vmem>>
    %dma_start3A_124 = arith.constant 0 : i32
    %dma_start3A_125 = arith.constant 0 : i32
    %dma_start3A_126 = tpu.memref_slice %arg3[%dma_start3A_124, %dma_start3A_125] : memref<10000x48xf32, #tpu.memory_space<hbm>> -> memref<10000x48xf32, #tpu.memory_space<hbm>>
    tpu.enqueue_indirect_dma source(%dma_start3A_126 : memref<10000x48xf32, #tpu.memory_space<hbm>>) target(%arg14 : memref<125x48xf32, #tpu.memory_space<vmem>>) offsets(%dma_start3A_123 : memref<125xi32, #tpu.memory_space<vmem>>) semaphore(%arg19 : memref<!tpu.dma_semaphore, #tpu.memory_space<semaphore_mem>>)
    %scan3A_127 = arith.constant 0 : i32
    %scan3A_128 = arith.constant 0 : i32
    %scan3A_129 = arith.constant 10 : i32
    %scan3A_130 = arith.addi %scan3A_128, %scan3A_129 : i32
    %scan3A_131 = arith.constant 1 : i32
    scf.for %scan3A_251 = %scan3A_128 to %scan3A_130 step %scan3A_131  : i32 {
      %mul3A_252 = arith.constant 4 : i32
      %mul3A_253 = arith.muli %scan3A_251, %mul3A_252 : i32
      %add3A_254 = arith.constant 0 : i32
      %add3A_255 = arith.addi %mul3A_253, %add3A_254 : i32
      %dma_wait3A_256 = arith.constant 0 : i32
      %dma_wait3A_257 = arith.constant 0 : i32
      %dma_wait3A_258 = tpu.memref_slice %arg3[%dma_wait3A_256, %dma_wait3A_257] : memref<10000x48xf32, #tpu.memory_space<hbm>> -> memref<125x48xf32, #tpu.memory_space<hbm>>
      %dma_wait3A_259 = arith.constant 0 : i32
      %dma_wait3A_260 = arith.constant 0 : i32
      %dma_wait3A_261 = tpu.memref_slice %arg3[%dma_wait3A_259, %dma_wait3A_260] : memref<10000x48xf32, #tpu.memory_space<hbm>> -> memref<125x48xf32, #tpu.memory_space<hbm>>
      tpu.wait_dma2 semaphore(%arg17 : memref<!tpu.dma_semaphore, #tpu.memory_space<semaphore_mem>>) src(%dma_wait3A_261 : memref<125x48xf32, #tpu.memory_space<hbm>>) dst(%arg12 : memref<125x48xf32, #tpu.memory_space<vmem>>)
      %dma_start3A_262 = arith.constant 0 : i32
      %dma_start3A_263 = tpu.memref_slice %arg11[%add3A_255, %dma_start3A_262] : memref<40x125xi32, #tpu.memory_space<vmem>> -> memref<1x125xi32, #tpu.memory_space<vmem>>
      %dma_start3A_264 = tpu.memref_squeeze %dma_start3A_263 : memref<1x125xi32, #tpu.memory_space<vmem>> -> memref<125xi32, #tpu.memory_space<vmem>>
      %dma_start3A_265 = arith.constant 0 : i32
      %dma_start3A_266 = arith.constant 0 : i32
      %dma_start3A_267 = tpu.memref_slice %arg16[%dma_start3A_265, %dma_start3A_266] : memref<10240x48xf32, #tpu.memory_space<vmem_shared>> -> memref<10240x48xf32, #tpu.memory_space<vmem_shared>>
      tpu.enqueue_indirect_dma source(%arg12 : memref<125x48xf32, #tpu.memory_space<vmem>>) target(%dma_start3A_267 : memref<10240x48xf32, #tpu.memory_space<vmem_shared>>) offsets(%dma_start3A_264 : memref<125xi32, #tpu.memory_space<vmem>>) semaphore(%arg21 : memref<!tpu.dma_semaphore, #tpu.memory_space<semaphore_mem>>) {add = true}
      %gt3A_268 = arith.constant 0 : i32
      %gt3A_269 = arith.cmpi sgt, %scan3A_83, %gt3A_268 : i32
      %gt3A_270 = arith.constant 0 : i32
      %gt3A_271 = arith.cmpi sgt, %scan3A_251, %gt3A_270 : i32
      %or3A = arith.ori %gt3A_269, %gt3A_271 : i1
      %convert_element_type3A_272 = arith.extui %or3A : i1 to i32
      %cond3A_273 = arith.constant 0 : i32
      %cond3A_274 = arith.cmpi ne, %convert_element_type3A_272, %cond3A_273 : i32
      scf.if %cond3A_274 {
        %dma_wait3A_346 = arith.constant 0 : i32
        %dma_wait3A_347 = arith.constant 0 : i32
        %dma_wait3A_348 = tpu.memref_slice %arg16[%dma_wait3A_346, %dma_wait3A_347] : memref<10240x48xf32, #tpu.memory_space<vmem_shared>> -> memref<125x48xf32, #tpu.memory_space<vmem_shared>>
        %dma_wait3A_349 = arith.constant 0 : i32
        %dma_wait3A_350 = arith.constant 0 : i32
        %dma_wait3A_351 = tpu.memref_slice %arg16[%dma_wait3A_349, %dma_wait3A_350] : memref<10240x48xf32, #tpu.memory_space<vmem_shared>> -> memref<125x48xf32, #tpu.memory_space<vmem_shared>>
        tpu.wait_dma2 semaphore(%arg24 : memref<!tpu.dma_semaphore, #tpu.memory_space<semaphore_mem>>) src(%arg15 : memref<125x48xf32, #tpu.memory_space<vmem>>) dst(%dma_wait3A_351 : memref<125x48xf32, #tpu.memory_space<vmem_shared>>)
      } else {
      }
      %add3A_275 = arith.constant 4 : i32
      %add3A_276 = arith.addi %add3A_255, %add3A_275 : i32
      %sub3A = arith.constant 1 : i32
      %sub3A_277 = arith.subi %add3A_276, %sub3A : i32
      %dma_start3A_278 = arith.constant 0 : i32
      %dma_start3A_279 = tpu.memref_slice %arg10[%sub3A_277, %dma_start3A_278] : memref<40x125xi32, #tpu.memory_space<vmem>> -> memref<1x125xi32, #tpu.memory_space<vmem>>
      %dma_start3A_280 = tpu.memref_squeeze %dma_start3A_279 : memref<1x125xi32, #tpu.memory_space<vmem>> -> memref<125xi32, #tpu.memory_space<vmem>>
      %dma_start3A_281 = arith.constant 0 : i32
      %dma_start3A_282 = arith.constant 0 : i32
      %dma_start3A_283 = tpu.memref_slice %arg3[%dma_start3A_281, %dma_start3A_282] : memref<10000x48xf32, #tpu.memory_space<hbm>> -> memref<10000x48xf32, #tpu.memory_space<hbm>>
      tpu.enqueue_indirect_dma source(%dma_start3A_283 : memref<10000x48xf32, #tpu.memory_space<hbm>>) target(%arg15 : memref<125x48xf32, #tpu.memory_space<vmem>>) offsets(%dma_start3A_280 : memref<125xi32, #tpu.memory_space<vmem>>) semaphore(%arg20 : memref<!tpu.dma_semaphore, #tpu.memory_space<semaphore_mem>>)
      %mul3A_284 = arith.constant 4 : i32
      %mul3A_285 = arith.muli %scan3A_251, %mul3A_284 : i32
      %add3A_286 = arith.constant 1 : i32
      %add3A_287 = arith.addi %mul3A_285, %add3A_286 : i32
      %dma_wait3A_288 = arith.constant 0 : i32
      %dma_wait3A_289 = arith.constant 0 : i32
      %dma_wait3A_290 = tpu.memref_slice %arg3[%dma_wait3A_288, %dma_wait3A_289] : memref<10000x48xf32, #tpu.memory_space<hbm>> -> memref<125x48xf32, #tpu.memory_space<hbm>>
      %dma_wait3A_291 = arith.constant 0 : i32
      %dma_wait3A_292 = arith.constant 0 : i32
      %dma_wait3A_293 = tpu.memref_slice %arg3[%dma_wait3A_291, %dma_wait3A_292] : memref<10000x48xf32, #tpu.memory_space<hbm>> -> memref<125x48xf32, #tpu.memory_space<hbm>>
      tpu.wait_dma2 semaphore(%arg18 : memref<!tpu.dma_semaphore, #tpu.memory_space<semaphore_mem>>) src(%dma_wait3A_293 : memref<125x48xf32, #tpu.memory_space<hbm>>) dst(%arg13 : memref<125x48xf32, #tpu.memory_space<vmem>>)
      %dma_start3A_294 = arith.constant 0 : i32
      %dma_start3A_295 = tpu.memref_slice %arg11[%add3A_287, %dma_start3A_294] : memref<40x125xi32, #tpu.memory_space<vmem>> -> memref<1x125xi32, #tpu.memory_space<vmem>>
      %dma_start3A_296 = tpu.memref_squeeze %dma_start3A_295 : memref<1x125xi32, #tpu.memory_space<vmem>> -> memref<125xi32, #tpu.memory_space<vmem>>
      %dma_start3A_297 = arith.constant 0 : i32
      %dma_start3A_298 = arith.constant 0 : i32
      %dma_start3A_299 = tpu.memref_slice %arg16[%dma_start3A_297, %dma_start3A_298] : memref<10240x48xf32, #tpu.memory_space<vmem_shared>> -> memref<10240x48xf32, #tpu.memory_space<vmem_shared>>
      tpu.enqueue_indirect_dma source(%arg13 : memref<125x48xf32, #tpu.memory_space<vmem>>) target(%dma_start3A_299 : memref<10240x48xf32, #tpu.memory_space<vmem_shared>>) offsets(%dma_start3A_296 : memref<125xi32, #tpu.memory_space<vmem>>) semaphore(%arg22 : memref<!tpu.dma_semaphore, #tpu.memory_space<semaphore_mem>>) {add = true}
      %lt3A = arith.constant 9 : i32
      %lt3A_300 = arith.cmpi slt, %scan3A_251, %lt3A : i32
      %convert_element_type3A_301 = arith.extui %lt3A_300 : i1 to i32
      %cond3A_302 = arith.constant 0 : i32
      %cond3A_303 = arith.cmpi ne, %convert_element_type3A_301, %cond3A_302 : i32
      scf.if %cond3A_303 {
        %dma_wait3A_346 = arith.constant 0 : i32
        %dma_wait3A_347 = arith.constant 0 : i32
        %dma_wait3A_348 = tpu.memref_slice %arg16[%dma_wait3A_346, %dma_wait3A_347] : memref<10240x48xf32, #tpu.memory_space<vmem_shared>> -> memref<125x48xf32, #tpu.memory_space<vmem_shared>>
        %dma_wait3A_349 = arith.constant 0 : i32
        %dma_wait3A_350 = arith.constant 0 : i32
        %dma_wait3A_351 = tpu.memref_slice %arg16[%dma_wait3A_349, %dma_wait3A_350] : memref<10240x48xf32, #tpu.memory_space<vmem_shared>> -> memref<125x48xf32, #tpu.memory_space<vmem_shared>>
        tpu.wait_dma2 semaphore(%arg21 : memref<!tpu.dma_semaphore, #tpu.memory_space<semaphore_mem>>) src(%arg12 : memref<125x48xf32, #tpu.memory_space<vmem>>) dst(%dma_wait3A_351 : memref<125x48xf32, #tpu.memory_space<vmem_shared>>)
        %add3A_352 = arith.constant 4 : i32
        %add3A_353 = arith.addi %add3A_287, %add3A_352 : i32
        %sub3A_354 = arith.constant 1 : i32
        %sub3A_355 = arith.subi %add3A_353, %sub3A_354 : i32
        %dma_start3A_356 = arith.constant 0 : i32
        %dma_start3A_357 = tpu.memref_slice %arg10[%sub3A_355, %dma_start3A_356] : memref<40x125xi32, #tpu.memory_space<vmem>> -> memref<1x125xi32, #tpu.memory_space<vmem>>
        %dma_start3A_358 = tpu.memref_squeeze %dma_start3A_357 : memref<1x125xi32, #tpu.memory_space<vmem>> -> memref<125xi32, #tpu.memory_space<vmem>>
        %dma_start3A_359 = arith.constant 0 : i32
        %dma_start3A_360 = arith.constant 0 : i32
        %dma_start3A_361 = tpu.memref_slice %arg3[%dma_start3A_359, %dma_start3A_360] : memref<10000x48xf32, #tpu.memory_space<hbm>> -> memref<10000x48xf32, #tpu.memory_space<hbm>>
        tpu.enqueue_indirect_dma source(%dma_start3A_361 : memref<10000x48xf32, #tpu.memory_space<hbm>>) target(%arg12 : memref<125x48xf32, #tpu.memory_space<vmem>>) offsets(%dma_start3A_358 : memref<125xi32, #tpu.memory_space<vmem>>) semaphore(%arg17 : memref<!tpu.dma_semaphore, #tpu.memory_space<semaphore_mem>>)
      } else {
      }
      %mul3A_304 = arith.constant 4 : i32
      %mul3A_305 = arith.muli %scan3A_251, %mul3A_304 : i32
      %add3A_306 = arith.constant 2 : i32
      %add3A_307 = arith.addi %mul3A_305, %add3A_306 : i32
      %dma_wait3A_308 = arith.constant 0 : i32
      %dma_wait3A_309 = arith.constant 0 : i32
      %dma_wait3A_310 = tpu.memref_slice %arg3[%dma_wait3A_308, %dma_wait3A_309] : memref<10000x48xf32, #tpu.memory_space<hbm>> -> memref<125x48xf32, #tpu.memory_space<hbm>>
      %dma_wait3A_311 = arith.constant 0 : i32
      %dma_wait3A_312 = arith.constant 0 : i32
      %dma_wait3A_313 = tpu.memref_slice %arg3[%dma_wait3A_311, %dma_wait3A_312] : memref<10000x48xf32, #tpu.memory_space<hbm>> -> memref<125x48xf32, #tpu.memory_space<hbm>>
      tpu.wait_dma2 semaphore(%arg19 : memref<!tpu.dma_semaphore, #tpu.memory_space<semaphore_mem>>) src(%dma_wait3A_313 : memref<125x48xf32, #tpu.memory_space<hbm>>) dst(%arg14 : memref<125x48xf32, #tpu.memory_space<vmem>>)
      %dma_start3A_314 = arith.constant 0 : i32
      %dma_start3A_315 = tpu.memref_slice %arg11[%add3A_307, %dma_start3A_314] : memref<40x125xi32, #tpu.memory_space<vmem>> -> memref<1x125xi32, #tpu.memory_space<vmem>>
      %dma_start3A_316 = tpu.memref_squeeze %dma_start3A_315 : memref<1x125xi32, #tpu.memory_space<vmem>> -> memref<125xi32, #tpu.memory_space<vmem>>
      %dma_start3A_317 = arith.constant 0 : i32
      %dma_start3A_318 = arith.constant 0 : i32
      %dma_start3A_319 = tpu.memref_slice %arg16[%dma_start3A_317, %dma_start3A_318] : memref<10240x48xf32, #tpu.memory_space<vmem_shared>> -> memref<10240x48xf32, #tpu.memory_space<vmem_shared>>
      tpu.enqueue_indirect_dma source(%arg14 : memref<125x48xf32, #tpu.memory_space<vmem>>) target(%dma_start3A_319 : memref<10240x48xf32, #tpu.memory_space<vmem_shared>>) offsets(%dma_start3A_316 : memref<125xi32, #tpu.memory_space<vmem>>) semaphore(%arg23 : memref<!tpu.dma_semaphore, #tpu.memory_space<semaphore_mem>>) {add = true}
      %lt3A_320 = arith.constant 9 : i32
      %lt3A_321 = arith.cmpi slt, %scan3A_251, %lt3A_320 : i32
      %convert_element_type3A_322 = arith.extui %lt3A_321 : i1 to i32
      %cond3A_323 = arith.constant 0 : i32
      %cond3A_324 = arith.cmpi ne, %convert_element_type3A_322, %cond3A_323 : i32
      scf.if %cond3A_324 {
        %dma_wait3A_346 = arith.constant 0 : i32
        %dma_wait3A_347 = arith.constant 0 : i32
        %dma_wait3A_348 = tpu.memref_slice %arg16[%dma_wait3A_346, %dma_wait3A_347] : memref<10240x48xf32, #tpu.memory_space<vmem_shared>> -> memref<125x48xf32, #tpu.memory_space<vmem_shared>>
        %dma_wait3A_349 = arith.constant 0 : i32
        %dma_wait3A_350 = arith.constant 0 : i32
        %dma_wait3A_351 = tpu.memref_slice %arg16[%dma_wait3A_349, %dma_wait3A_350] : memref<10240x48xf32, #tpu.memory_space<vmem_shared>> -> memref<125x48xf32, #tpu.memory_space<vmem_shared>>
        tpu.wait_dma2 semaphore(%arg22 : memref<!tpu.dma_semaphore, #tpu.memory_space<semaphore_mem>>) src(%arg13 : memref<125x48xf32, #tpu.memory_space<vmem>>) dst(%dma_wait3A_351 : memref<125x48xf32, #tpu.memory_space<vmem_shared>>)
        %add3A_352 = arith.constant 4 : i32
        %add3A_353 = arith.addi %add3A_307, %add3A_352 : i32
        %sub3A_354 = arith.constant 1 : i32
        %sub3A_355 = arith.subi %add3A_353, %sub3A_354 : i32
        %dma_start3A_356 = arith.constant 0 : i32
        %dma_start3A_357 = tpu.memref_slice %arg10[%sub3A_355, %dma_start3A_356] : memref<40x125xi32, #tpu.memory_space<vmem>> -> memref<1x125xi32, #tpu.memory_space<vmem>>
        %dma_start3A_358 = tpu.memref_squeeze %dma_start3A_357 : memref<1x125xi32, #tpu.memory_space<vmem>> -> memref<125xi32, #tpu.memory_space<vmem>>
        %dma_start3A_359 = arith.constant 0 : i32
        %dma_start3A_360 = arith.constant 0 : i32
        %dma_start3A_361 = tpu.memref_slice %arg3[%dma_start3A_359, %dma_start3A_360] : memref<10000x48xf32, #tpu.memory_space<hbm>> -> memref<10000x48xf32, #tpu.memory_space<hbm>>
        tpu.enqueue_indirect_dma source(%dma_start3A_361 : memref<10000x48xf32, #tpu.memory_space<hbm>>) target(%arg13 : memref<125x48xf32, #tpu.memory_space<vmem>>) offsets(%dma_start3A_358 : memref<125xi32, #tpu.memory_space<vmem>>) semaphore(%arg18 : memref<!tpu.dma_semaphore, #tpu.memory_space<semaphore_mem>>)
      } else {
      }
      %mul3A_325 = arith.constant 4 : i32
      %mul3A_326 = arith.muli %scan3A_251, %mul3A_325 : i32
      %add3A_327 = arith.constant 3 : i32
      %add3A_328 = arith.addi %mul3A_326, %add3A_327 : i32
      %dma_wait3A_329 = arith.constant 0 : i32
      %dma_wait3A_330 = arith.constant 0 : i32
      %dma_wait3A_331 = tpu.memref_slice %arg3[%dma_wait3A_329, %dma_wait3A_330] : memref<10000x48xf32, #tpu.memory_space<hbm>> -> memref<125x48xf32, #tpu.memory_space<hbm>>
      %dma_wait3A_332 = arith.constant 0 : i32
      %dma_wait3A_333 = arith.constant 0 : i32
      %dma_wait3A_334 = tpu.memref_slice %arg3[%dma_wait3A_332, %dma_wait3A_333] : memref<10000x48xf32, #tpu.memory_space<hbm>> -> memref<125x48xf32, #tpu.memory_space<hbm>>
      tpu.wait_dma2 semaphore(%arg20 : memref<!tpu.dma_semaphore, #tpu.memory_space<semaphore_mem>>) src(%dma_wait3A_334 : memref<125x48xf32, #tpu.memory_space<hbm>>) dst(%arg15 : memref<125x48xf32, #tpu.memory_space<vmem>>)
      %dma_start3A_335 = arith.constant 0 : i32
      %dma_start3A_336 = tpu.memref_slice %arg11[%add3A_328, %dma_start3A_335] : memref<40x125xi32, #tpu.memory_space<vmem>> -> memref<1x125xi32, #tpu.memory_space<vmem>>
      %dma_start3A_337 = tpu.memref_squeeze %dma_start3A_336 : memref<1x125xi32, #tpu.memory_space<vmem>> -> memref<125xi32, #tpu.memory_space<vmem>>
      %dma_start3A_338 = arith.constant 0 : i32
      %dma_start3A_339 = arith.constant 0 : i32
      %dma_start3A_340 = tpu.memref_slice %arg16[%dma_start3A_338, %dma_start3A_339] : memref<10240x48xf32, #tpu.memory_space<vmem_shared>> -> memref<10240x48xf32, #tpu.memory_space<vmem_shared>>
      tpu.enqueue_indirect_dma source(%arg15 : memref<125x48xf32, #tpu.memory_space<vmem>>) target(%dma_start3A_340 : memref<10240x48xf32, #tpu.memory_space<vmem_shared>>) offsets(%dma_start3A_337 : memref<125xi32, #tpu.memory_space<vmem>>) semaphore(%arg24 : memref<!tpu.dma_semaphore, #tpu.memory_space<semaphore_mem>>) {add = true}
      %lt3A_341 = arith.constant 9 : i32
      %lt3A_342 = arith.cmpi slt, %scan3A_251, %lt3A_341 : i32
      %convert_element_type3A_343 = arith.extui %lt3A_342 : i1 to i32
      %cond3A_344 = arith.constant 0 : i32
      %cond3A_345 = arith.cmpi ne, %convert_element_type3A_343, %cond3A_344 : i32
      scf.if %cond3A_345 {
        %dma_wait3A_346 = arith.constant 0 : i32
        %dma_wait3A_347 = arith.constant 0 : i32
        %dma_wait3A_348 = tpu.memref_slice %arg16[%dma_wait3A_346, %dma_wait3A_347] : memref<10240x48xf32, #tpu.memory_space<vmem_shared>> -> memref<125x48xf32, #tpu.memory_space<vmem_shared>>
        %dma_wait3A_349 = arith.constant 0 : i32
        %dma_wait3A_350 = arith.constant 0 : i32
        %dma_wait3A_351 = tpu.memref_slice %arg16[%dma_wait3A_349, %dma_wait3A_350] : memref<10240x48xf32, #tpu.memory_space<vmem_shared>> -> memref<125x48xf32, #tpu.memory_space<vmem_shared>>
        tpu.wait_dma2 semaphore(%arg23 : memref<!tpu.dma_semaphore, #tpu.memory_space<semaphore_mem>>) src(%arg14 : memref<125x48xf32, #tpu.memory_space<vmem>>) dst(%dma_wait3A_351 : memref<125x48xf32, #tpu.memory_space<vmem_shared>>)
        %add3A_352 = arith.constant 4 : i32
        %add3A_353 = arith.addi %add3A_328, %add3A_352 : i32
        %sub3A_354 = arith.constant 1 : i32
        %sub3A_355 = arith.subi %add3A_353, %sub3A_354 : i32
        %dma_start3A_356 = arith.constant 0 : i32
        %dma_start3A_357 = tpu.memref_slice %arg10[%sub3A_355, %dma_start3A_356] : memref<40x125xi32, #tpu.memory_space<vmem>> -> memref<1x125xi32, #tpu.memory_space<vmem>>
        %dma_start3A_358 = tpu.memref_squeeze %dma_start3A_357 : memref<1x125xi32, #tpu.memory_space<vmem>> -> memref<125xi32, #tpu.memory_space<vmem>>
        %dma_start3A_359 = arith.constant 0 : i32
        %dma_start3A_360 = arith.constant 0 : i32
        %dma_start3A_361 = tpu.memref_slice %arg3[%dma_start3A_359, %dma_start3A_360] : memref<10000x48xf32, #tpu.memory_space<hbm>> -> memref<10000x48xf32, #tpu.memory_space<hbm>>
        tpu.enqueue_indirect_dma source(%dma_start3A_361 : memref<10000x48xf32, #tpu.memory_space<hbm>>) target(%arg14 : memref<125x48xf32, #tpu.memory_space<vmem>>) offsets(%dma_start3A_358 : memref<125xi32, #tpu.memory_space<vmem>>) semaphore(%arg19 : memref<!tpu.dma_semaphore, #tpu.memory_space<semaphore_mem>>)
      } else {
      }
    }
    %scan3A_132 = arith.constant 10 : i32
    %scan3A_133 = arith.constant 1 : i32
    %dma_wait3A_134 = arith.constant 0 : i32
    %dma_wait3A_135 = arith.constant 0 : i32
    %dma_wait3A_136 = tpu.memref_slice %arg16[%dma_wait3A_134, %dma_wait3A_135] : memref<10240x48xf32, #tpu.memory_space<vmem_shared>> -> memref<125x48xf32, #tpu.memory_space<vmem_shared>>
    %dma_wait3A_137 = arith.constant 0 : i32
    %dma_wait3A_138 = arith.constant 0 : i32
    %dma_wait3A_139 = tpu.memref_slice %arg16[%dma_wait3A_137, %dma_wait3A_138] : memref<10240x48xf32, #tpu.memory_space<vmem_shared>> -> memref<125x48xf32, #tpu.memory_space<vmem_shared>>
    tpu.wait_dma2 semaphore(%arg21 : memref<!tpu.dma_semaphore, #tpu.memory_space<semaphore_mem>>) src(%arg12 : memref<125x48xf32, #tpu.memory_space<vmem>>) dst(%dma_wait3A_139 : memref<125x48xf32, #tpu.memory_space<vmem_shared>>)
    %dma_wait3A_140 = arith.constant 0 : i32
    %dma_wait3A_141 = arith.constant 0 : i32
    %dma_wait3A_142 = tpu.memref_slice %arg16[%dma_wait3A_140, %dma_wait3A_141] : memref<10240x48xf32, #tpu.memory_space<vmem_shared>> -> memref<125x48xf32, #tpu.memory_space<vmem_shared>>
    %dma_wait3A_143 = arith.constant 0 : i32
    %dma_wait3A_144 = arith.constant 0 : i32
    %dma_wait3A_145 = tpu.memref_slice %arg16[%dma_wait3A_143, %dma_wait3A_144] : memref<10240x48xf32, #tpu.memory_space<vmem_shared>> -> memref<125x48xf32, #tpu.memory_space<vmem_shared>>
    tpu.wait_dma2 semaphore(%arg22 : memref<!tpu.dma_semaphore, #tpu.memory_space<semaphore_mem>>) src(%arg13 : memref<125x48xf32, #tpu.memory_space<vmem>>) dst(%dma_wait3A_145 : memref<125x48xf32, #tpu.memory_space<vmem_shared>>)
    %dma_wait3A_146 = arith.constant 0 : i32
    %dma_wait3A_147 = arith.constant 0 : i32
    %dma_wait3A_148 = tpu.memref_slice %arg16[%dma_wait3A_146, %dma_wait3A_147] : memref<10240x48xf32, #tpu.memory_space<vmem_shared>> -> memref<125x48xf32, #tpu.memory_space<vmem_shared>>
    %dma_wait3A_149 = arith.constant 0 : i32
    %dma_wait3A_150 = arith.constant 0 : i32
    %dma_wait3A_151 = tpu.memref_slice %arg16[%dma_wait3A_149, %dma_wait3A_150] : memref<10240x48xf32, #tpu.memory_space<vmem_shared>> -> memref<125x48xf32, #tpu.memory_space<vmem_shared>>
    tpu.wait_dma2 semaphore(%arg23 : memref<!tpu.dma_semaphore, #tpu.memory_space<semaphore_mem>>) src(%arg14 : memref<125x48xf32, #tpu.memory_space<vmem>>) dst(%dma_wait3A_151 : memref<125x48xf32, #tpu.memory_space<vmem_shared>>)
    %dma_wait3A_152 = arith.constant 0 : i32
    %dma_wait3A_153 = arith.constant 0 : i32
    %dma_wait3A_154 = tpu.memref_slice %arg16[%dma_wait3A_152, %dma_wait3A_153] : memref<10240x48xf32, #tpu.memory_space<vmem_shared>> -> memref<125x48xf32, #tpu.memory_space<vmem_shared>>
    %dma_wait3A_155 = arith.constant 0 : i32
    %dma_wait3A_156 = arith.constant 0 : i32
    %dma_wait3A_157 = tpu.memref_slice %arg16[%dma_wait3A_155, %dma_wait3A_156] : memref<10240x48xf32, #tpu.memory_space<vmem_shared>> -> memref<125x48xf32, #tpu.memory_space<vmem_shared>>
    tpu.wait_dma2 semaphore(%arg24 : memref<!tpu.dma_semaphore, #tpu.memory_space<semaphore_mem>>) src(%arg15 : memref<125x48xf32, #tpu.memory_space<vmem>>) dst(%dma_wait3A_157 : memref<125x48xf32, #tpu.memory_space<vmem_shared>>)
    %barrier3A_158 = arith.constant 0 : index
    tpu.barrier barrier_id(%barrier3A_158)
    %mul3A_159 = arith.constant 640 : i32
    %mul3A_160 = arith.muli %arg1, %mul3A_159 : i32
    %mul3A_161 = arith.constant 640 : i32
    %mul3A_162 = arith.muli %arg1, %mul3A_161 : i32
    %run_scoped3A_163 = arith.constant 1 : i32
    "tpu.region"() ({
      %run_scoped3A_251 = tpu.sem_alloc : memref<!tpu.dma_semaphore, #tpu.memory_space<semaphore_mem>>
      %dma_start3A_252 = arith.constant 0 : i32
      %dma_start3A_253 = tpu.memref_slice %arg9[%run_scoped3A_163, %arg0, %mul3A_162, %dma_start3A_252] : memref<3x2x10240x48xf32, #tpu.memory_space<hbm>> -> memref<1x1x640x48xf32, #tpu.memory_space<hbm>>
      %dma_start3A_254 = tpu.memref_squeeze %dma_start3A_253 : memref<1x1x640x48xf32, #tpu.memory_space<hbm>> -> memref<640x48xf32, #tpu.memory_space<hbm>>
      %dma_start3A_255 = arith.constant 0 : i32
      %dma_start3A_256 = tpu.memref_slice %arg16[%mul3A_160, %dma_start3A_255] : memref<10240x48xf32, #tpu.memory_space<vmem_shared>> -> memref<640x48xf32, #tpu.memory_space<vmem_shared>>
      tpu.enqueue_dma source(%dma_start3A_256 : memref<640x48xf32, #tpu.memory_space<vmem_shared>>) target(%dma_start3A_254 : memref<640x48xf32, #tpu.memory_space<hbm>>) target_semaphore(%run_scoped3A_251 : memref<!tpu.dma_semaphore, #tpu.memory_space<semaphore_mem>>)
      %dma_wait3A_257 = arith.constant 0 : i32
      %dma_wait3A_258 = tpu.memref_slice %arg9[%run_scoped3A_163, %arg0, %mul3A_162, %dma_wait3A_257] : memref<3x2x10240x48xf32, #tpu.memory_space<hbm>> -> memref<1x1x640x48xf32, #tpu.memory_space<hbm>>
      %dma_wait3A_259 = tpu.memref_squeeze %dma_wait3A_258 : memref<1x1x640x48xf32, #tpu.memory_space<hbm>> -> memref<640x48xf32, #tpu.memory_space<hbm>>
      %dma_wait3A_260 = arith.constant 0 : i32
      %dma_wait3A_261 = tpu.memref_slice %arg16[%mul3A_160, %dma_wait3A_260] : memref<10240x48xf32, #tpu.memory_space<vmem_shared>> -> memref<640x48xf32, #tpu.memory_space<vmem_shared>>
      tpu.wait_dma2 semaphore(%run_scoped3A_251 : memref<!tpu.dma_semaphore, #tpu.memory_space<semaphore_mem>>) src(%dma_wait3A_261 : memref<640x48xf32, #tpu.memory_space<vmem_shared>>) dst(%dma_wait3A_259 : memref<640x48xf32, #tpu.memory_space<hbm>>)
      tpu.yield
    }) : () -> ()
    %barrier3A_164 = arith.constant 0 : index
    tpu.barrier barrier_id(%barrier3A_164)
    %mul3A_165 = arith.constant 640 : i32
    %mul3A_166 = arith.muli %arg1, %mul3A_165 : i32
    "tpu.region"() ({
      %run_scoped3A_251 = tpu.sem_alloc : memref<!tpu.dma_semaphore, #tpu.memory_space<semaphore_mem>>
      %dma_start3A_252 = arith.constant 0 : i32
      %dma_start3A_253 = tpu.memref_slice %arg16[%mul3A_166, %dma_start3A_252] : memref<10240x48xf32, #tpu.memory_space<vmem_shared>> -> memref<640x48xf32, #tpu.memory_space<vmem_shared>>
      tpu.enqueue_dma source(%arg8 : memref<640x48xf32, #tpu.memory_space<hbm>>) target(%dma_start3A_253 : memref<640x48xf32, #tpu.memory_space<vmem_shared>>) target_semaphore(%run_scoped3A_251 : memref<!tpu.dma_semaphore, #tpu.memory_space<semaphore_mem>>)
      %dma_wait3A_254 = arith.constant 0 : i32
      %dma_wait3A_255 = tpu.memref_slice %arg16[%mul3A_166, %dma_wait3A_254] : memref<10240x48xf32, #tpu.memory_space<vmem_shared>> -> memref<640x48xf32, #tpu.memory_space<vmem_shared>>
      tpu.wait_dma2 semaphore(%run_scoped3A_251 : memref<!tpu.dma_semaphore, #tpu.memory_space<semaphore_mem>>) src(%arg8 : memref<640x48xf32, #tpu.memory_space<hbm>>) dst(%dma_wait3A_255 : memref<640x48xf32, #tpu.memory_space<vmem_shared>>)
      tpu.yield
    }) : () -> ()
    %barrier3A_167 = arith.constant 0 : index
    tpu.barrier barrier_id(%barrier3A_167)
    %scan3A_168 = arith.constant 0 : i32
    %scan3A_169 = arith.constant 0 : i32
    %mul3A_170 = arith.constant 40 : i32
    %mul3A_171 = arith.muli %add3A, %mul3A_170 : i32
    %mul3A_172 = arith.constant 40 : i32
    %mul3A_173 = arith.muli %scan3A_169, %mul3A_172 : i32
    %add3A_174 = arith.addi %mul3A_171, %mul3A_173 : i32
    %run_scoped3A_175 = arith.constant 0 : i32
    "tpu.region"() ({
      %run_scoped3A_251 = tpu.sem_alloc : memref<!tpu.dma_semaphore, #tpu.memory_space<semaphore_mem>>
      %dma_start3A_252 = arith.constant 0 : i32
      %dma_start3A_253 = tpu.memref_slice %arg7[%run_scoped3A_175, %add3A_174, %dma_start3A_252] : memref<2x1280x125xi32, #tpu.memory_space<hbm>> -> memref<1x40x125xi32, #tpu.memory_space<hbm>>
      %dma_start3A_254 = tpu.memref_squeeze %dma_start3A_253 : memref<1x40x125xi32, #tpu.memory_space<hbm>> -> memref<40x125xi32, #tpu.memory_space<hbm>>
      %dma_start3A_255 = arith.constant 0 : i32
      %dma_start3A_256 = tpu.memref_slice %arg7[%run_scoped3A_175, %add3A_174, %dma_start3A_255] : memref<2x1280x125xi32, #tpu.memory_space<hbm>> -> memref<1x40x125xi32, #tpu.memory_space<hbm>>
      %dma_start3A_257 = tpu.memref_squeeze %dma_start3A_256 : memref<1x40x125xi32, #tpu.memory_space<hbm>> -> memref<40x125xi32, #tpu.memory_space<hbm>>
      tpu.enqueue_dma source(%dma_start3A_257 : memref<40x125xi32, #tpu.memory_space<hbm>>) target(%arg10 : memref<40x125xi32, #tpu.memory_space<vmem>>) target_semaphore(%run_scoped3A_251 : memref<!tpu.dma_semaphore, #tpu.memory_space<semaphore_mem>>)
      %dma_wait3A_258 = arith.constant 0 : i32
      %dma_wait3A_259 = tpu.memref_slice %arg7[%run_scoped3A_175, %add3A_174, %dma_wait3A_258] : memref<2x1280x125xi32, #tpu.memory_space<hbm>> -> memref<1x40x125xi32, #tpu.memory_space<hbm>>
      %dma_wait3A_260 = tpu.memref_squeeze %dma_wait3A_259 : memref<1x40x125xi32, #tpu.memory_space<hbm>> -> memref<40x125xi32, #tpu.memory_space<hbm>>
      %dma_wait3A_261 = arith.constant 0 : i32
      %dma_wait3A_262 = tpu.memref_slice %arg7[%run_scoped3A_175, %add3A_174, %dma_wait3A_261] : memref<2x1280x125xi32, #tpu.memory_space<hbm>> -> memref<1x40x125xi32, #tpu.memory_space<hbm>>
      %dma_wait3A_263 = tpu.memref_squeeze %dma_wait3A_262 : memref<1x40x125xi32, #tpu.memory_space<hbm>> -> memref<40x125xi32, #tpu.memory_space<hbm>>
      tpu.wait_dma2 semaphore(%run_scoped3A_251 : memref<!tpu.dma_semaphore, #tpu.memory_space<semaphore_mem>>) src(%dma_wait3A_263 : memref<40x125xi32, #tpu.memory_space<hbm>>) dst(%arg10 : memref<40x125xi32, #tpu.memory_space<vmem>>)
      tpu.yield
    }) : () -> ()
    %run_scoped3A_176 = arith.constant 1 : i32
    "tpu.region"() ({
      %run_scoped3A_251 = tpu.sem_alloc : memref<!tpu.dma_semaphore, #tpu.memory_space<semaphore_mem>>
      %dma_start3A_252 = arith.constant 0 : i32
      %dma_start3A_253 = tpu.memref_slice %arg7[%run_scoped3A_176, %add3A_174, %dma_start3A_252] : memref<2x1280x125xi32, #tpu.memory_space<hbm>> -> memref<1x40x125xi32, #tpu.memory_space<hbm>>
      %dma_start3A_254 = tpu.memref_squeeze %dma_start3A_253 : memref<1x40x125xi32, #tpu.memory_space<hbm>> -> memref<40x125xi32, #tpu.memory_space<hbm>>
      %dma_start3A_255 = arith.constant 0 : i32
      %dma_start3A_256 = tpu.memref_slice %arg7[%run_scoped3A_176, %add3A_174, %dma_start3A_255] : memref<2x1280x125xi32, #tpu.memory_space<hbm>> -> memref<1x40x125xi32, #tpu.memory_space<hbm>>
      %dma_start3A_257 = tpu.memref_squeeze %dma_start3A_256 : memref<1x40x125xi32, #tpu.memory_space<hbm>> -> memref<40x125xi32, #tpu.memory_space<hbm>>
      tpu.enqueue_dma source(%dma_start3A_257 : memref<40x125xi32, #tpu.memory_space<hbm>>) target(%arg11 : memref<40x125xi32, #tpu.memory_space<vmem>>) target_semaphore(%run_scoped3A_251 : memref<!tpu.dma_semaphore, #tpu.memory_space<semaphore_mem>>)
      %dma_wait3A_258 = arith.constant 0 : i32
      %dma_wait3A_259 = tpu.memref_slice %arg7[%run_scoped3A_176, %add3A_174, %dma_wait3A_258] : memref<2x1280x125xi32, #tpu.memory_space<hbm>> -> memref<1x40x125xi32, #tpu.memory_space<hbm>>
      %dma_wait3A_260 = tpu.memref_squeeze %dma_wait3A_259 : memref<1x40x125xi32, #tpu.memory_space<hbm>> -> memref<40x125xi32, #tpu.memory_space<hbm>>
      %dma_wait3A_261 = arith.constant 0 : i32
      %dma_wait3A_262 = tpu.memref_slice %arg7[%run_scoped3A_176, %add3A_174, %dma_wait3A_261] : memref<2x1280x125xi32, #tpu.memory_space<hbm>> -> memref<1x40x125xi32, #tpu.memory_space<hbm>>
      %dma_wait3A_263 = tpu.memref_squeeze %dma_wait3A_262 : memref<1x40x125xi32, #tpu.memory_space<hbm>> -> memref<40x125xi32, #tpu.memory_space<hbm>>
      tpu.wait_dma2 semaphore(%run_scoped3A_251 : memref<!tpu.dma_semaphore, #tpu.memory_space<semaphore_mem>>) src(%dma_wait3A_263 : memref<40x125xi32, #tpu.memory_space<hbm>>) dst(%arg11 : memref<40x125xi32, #tpu.memory_space<vmem>>)
      tpu.yield
    }) : () -> ()
    %gt3A_177 = arith.constant 0 : i32
    %gt3A_178 = arith.cmpi sgt, %scan3A_169, %gt3A_177 : i32
    %convert_element_type3A_179 = arith.extui %gt3A_178 : i1 to i32
    %cond3A_180 = arith.constant 0 : i32
    %cond3A_181 = arith.cmpi ne, %convert_element_type3A_179, %cond3A_180 : i32
    scf.if %cond3A_181 {
      %dma_wait3A_251 = arith.constant 0 : i32
      %dma_wait3A_252 = arith.constant 0 : i32
      %dma_wait3A_253 = tpu.memref_slice %arg16[%dma_wait3A_251, %dma_wait3A_252] : memref<10240x48xf32, #tpu.memory_space<vmem_shared>> -> memref<125x48xf32, #tpu.memory_space<vmem_shared>>
      %dma_wait3A_254 = arith.constant 0 : i32
      %dma_wait3A_255 = arith.constant 0 : i32
      %dma_wait3A_256 = tpu.memref_slice %arg16[%dma_wait3A_254, %dma_wait3A_255] : memref<10240x48xf32, #tpu.memory_space<vmem_shared>> -> memref<125x48xf32, #tpu.memory_space<vmem_shared>>
      tpu.wait_dma2 semaphore(%arg21 : memref<!tpu.dma_semaphore, #tpu.memory_space<semaphore_mem>>) src(%arg12 : memref<125x48xf32, #tpu.memory_space<vmem>>) dst(%dma_wait3A_256 : memref<125x48xf32, #tpu.memory_space<vmem_shared>>)
    } else {
    }
    %dma_start3A_182 = arith.constant 0 : i32
    %dma_start3A_183 = arith.constant 0 : i32
    %dma_start3A_184 = tpu.memref_slice %arg10[%dma_start3A_182, %dma_start3A_183] : memref<40x125xi32, #tpu.memory_space<vmem>> -> memref<1x125xi32, #tpu.memory_space<vmem>>
    %dma_start3A_185 = tpu.memref_squeeze %dma_start3A_184 : memref<1x125xi32, #tpu.memory_space<vmem>> -> memref<125xi32, #tpu.memory_space<vmem>>
    %dma_start3A_186 = arith.constant 0 : i32
    %dma_start3A_187 = arith.constant 0 : i32
    %dma_start3A_188 = tpu.memref_slice %arg4[%dma_start3A_186, %dma_start3A_187] : memref<10000x48xf32, #tpu.memory_space<hbm>> -> memref<10000x48xf32, #tpu.memory_space<hbm>>
    tpu.enqueue_indirect_dma source(%dma_start3A_188 : memref<10000x48xf32, #tpu.memory_space<hbm>>) target(%arg12 : memref<125x48xf32, #tpu.memory_space<vmem>>) offsets(%dma_start3A_185 : memref<125xi32, #tpu.memory_space<vmem>>) semaphore(%arg17 : memref<!tpu.dma_semaphore, #tpu.memory_space<semaphore_mem>>)
    %gt3A_189 = arith.constant 0 : i32
    %gt3A_190 = arith.cmpi sgt, %scan3A_169, %gt3A_189 : i32
    %convert_element_type3A_191 = arith.extui %gt3A_190 : i1 to i32
    %cond3A_192 = arith.constant 0 : i32
    %cond3A_193 = arith.cmpi ne, %convert_element_type3A_191, %cond3A_192 : i32
    scf.if %cond3A_193 {
      %dma_wait3A_251 = arith.constant 0 : i32
      %dma_wait3A_252 = arith.constant 0 : i32
      %dma_wait3A_253 = tpu.memref_slice %arg16[%dma_wait3A_251, %dma_wait3A_252] : memref<10240x48xf32, #tpu.memory_space<vmem_shared>> -> memref<125x48xf32, #tpu.memory_space<vmem_shared>>
      %dma_wait3A_254 = arith.constant 0 : i32
      %dma_wait3A_255 = arith.constant 0 : i32
      %dma_wait3A_256 = tpu.memref_slice %arg16[%dma_wait3A_254, %dma_wait3A_255] : memref<10240x48xf32, #tpu.memory_space<vmem_shared>> -> memref<125x48xf32, #tpu.memory_space<vmem_shared>>
      tpu.wait_dma2 semaphore(%arg22 : memref<!tpu.dma_semaphore, #tpu.memory_space<semaphore_mem>>) src(%arg13 : memref<125x48xf32, #tpu.memory_space<vmem>>) dst(%dma_wait3A_256 : memref<125x48xf32, #tpu.memory_space<vmem_shared>>)
    } else {
    }
    %dma_start3A_194 = arith.constant 1 : i32
    %dma_start3A_195 = arith.constant 0 : i32
    %dma_start3A_196 = tpu.memref_slice %arg10[%dma_start3A_194, %dma_start3A_195] : memref<40x125xi32, #tpu.memory_space<vmem>> -> memref<1x125xi32, #tpu.memory_space<vmem>>
    %dma_start3A_197 = tpu.memref_squeeze %dma_start3A_196 : memref<1x125xi32, #tpu.memory_space<vmem>> -> memref<125xi32, #tpu.memory_space<vmem>>
    %dma_start3A_198 = arith.constant 0 : i32
    %dma_start3A_199 = arith.constant 0 : i32
    %dma_start3A_200 = tpu.memref_slice %arg4[%dma_start3A_198, %dma_start3A_199] : memref<10000x48xf32, #tpu.memory_space<hbm>> -> memref<10000x48xf32, #tpu.memory_space<hbm>>
    tpu.enqueue_indirect_dma source(%dma_start3A_200 : memref<10000x48xf32, #tpu.memory_space<hbm>>) target(%arg13 : memref<125x48xf32, #tpu.memory_space<vmem>>) offsets(%dma_start3A_197 : memref<125xi32, #tpu.memory_space<vmem>>) semaphore(%arg18 : memref<!tpu.dma_semaphore, #tpu.memory_space<semaphore_mem>>)
    %gt3A_201 = arith.constant 0 : i32
    %gt3A_202 = arith.cmpi sgt, %scan3A_169, %gt3A_201 : i32
    %convert_element_type3A_203 = arith.extui %gt3A_202 : i1 to i32
    %cond3A_204 = arith.constant 0 : i32
    %cond3A_205 = arith.cmpi ne, %convert_element_type3A_203, %cond3A_204 : i32
    scf.if %cond3A_205 {
      %dma_wait3A_251 = arith.constant 0 : i32
      %dma_wait3A_252 = arith.constant 0 : i32
      %dma_wait3A_253 = tpu.memref_slice %arg16[%dma_wait3A_251, %dma_wait3A_252] : memref<10240x48xf32, #tpu.memory_space<vmem_shared>> -> memref<125x48xf32, #tpu.memory_space<vmem_shared>>
      %dma_wait3A_254 = arith.constant 0 : i32
      %dma_wait3A_255 = arith.constant 0 : i32
      %dma_wait3A_256 = tpu.memref_slice %arg16[%dma_wait3A_254, %dma_wait3A_255] : memref<10240x48xf32, #tpu.memory_space<vmem_shared>> -> memref<125x48xf32, #tpu.memory_space<vmem_shared>>
      tpu.wait_dma2 semaphore(%arg23 : memref<!tpu.dma_semaphore, #tpu.memory_space<semaphore_mem>>) src(%arg14 : memref<125x48xf32, #tpu.memory_space<vmem>>) dst(%dma_wait3A_256 : memref<125x48xf32, #tpu.memory_space<vmem_shared>>)
    } else {
    }
    %dma_start3A_206 = arith.constant 2 : i32
    %dma_start3A_207 = arith.constant 0 : i32
    %dma_start3A_208 = tpu.memref_slice %arg10[%dma_start3A_206, %dma_start3A_207] : memref<40x125xi32, #tpu.memory_space<vmem>> -> memref<1x125xi32, #tpu.memory_space<vmem>>
    %dma_start3A_209 = tpu.memref_squeeze %dma_start3A_208 : memref<1x125xi32, #tpu.memory_space<vmem>> -> memref<125xi32, #tpu.memory_space<vmem>>
    %dma_start3A_210 = arith.constant 0 : i32
    %dma_start3A_211 = arith.constant 0 : i32
    %dma_start3A_212 = tpu.memref_slice %arg4[%dma_start3A_210, %dma_start3A_211] : memref<10000x48xf32, #tpu.memory_space<hbm>> -> memref<10000x48xf32, #tpu.memory_space<hbm>>
    tpu.enqueue_indirect_dma source(%dma_start3A_212 : memref<10000x48xf32, #tpu.memory_space<hbm>>) target(%arg14 : memref<125x48xf32, #tpu.memory_space<vmem>>) offsets(%dma_start3A_209 : memref<125xi32, #tpu.memory_space<vmem>>) semaphore(%arg19 : memref<!tpu.dma_semaphore, #tpu.memory_space<semaphore_mem>>)
    %scan3A_213 = arith.constant 0 : i32
    %scan3A_214 = arith.constant 0 : i32
    %scan3A_215 = arith.constant 10 : i32
    %scan3A_216 = arith.addi %scan3A_214, %scan3A_215 : i32
    %scan3A_217 = arith.constant 1 : i32
    scf.for %scan3A_251 = %scan3A_214 to %scan3A_216 step %scan3A_217  : i32 {
      %mul3A_252 = arith.constant 4 : i32
      %mul3A_253 = arith.muli %scan3A_251, %mul3A_252 : i32
      %add3A_254 = arith.constant 0 : i32
      %add3A_255 = arith.addi %mul3A_253, %add3A_254 : i32
      %dma_wait3A_256 = arith.constant 0 : i32
      %dma_wait3A_257 = arith.constant 0 : i32
      %dma_wait3A_258 = tpu.memref_slice %arg4[%dma_wait3A_256, %dma_wait3A_257] : memref<10000x48xf32, #tpu.memory_space<hbm>> -> memref<125x48xf32, #tpu.memory_space<hbm>>
      %dma_wait3A_259 = arith.constant 0 : i32
      %dma_wait3A_260 = arith.constant 0 : i32
      %dma_wait3A_261 = tpu.memref_slice %arg4[%dma_wait3A_259, %dma_wait3A_260] : memref<10000x48xf32, #tpu.memory_space<hbm>> -> memref<125x48xf32, #tpu.memory_space<hbm>>
      tpu.wait_dma2 semaphore(%arg17 : memref<!tpu.dma_semaphore, #tpu.memory_space<semaphore_mem>>) src(%dma_wait3A_261 : memref<125x48xf32, #tpu.memory_space<hbm>>) dst(%arg12 : memref<125x48xf32, #tpu.memory_space<vmem>>)
      %dma_start3A_262 = arith.constant 0 : i32
      %dma_start3A_263 = tpu.memref_slice %arg11[%add3A_255, %dma_start3A_262] : memref<40x125xi32, #tpu.memory_space<vmem>> -> memref<1x125xi32, #tpu.memory_space<vmem>>
      %dma_start3A_264 = tpu.memref_squeeze %dma_start3A_263 : memref<1x125xi32, #tpu.memory_space<vmem>> -> memref<125xi32, #tpu.memory_space<vmem>>
      %dma_start3A_265 = arith.constant 0 : i32
      %dma_start3A_266 = arith.constant 0 : i32
      %dma_start3A_267 = tpu.memref_slice %arg16[%dma_start3A_265, %dma_start3A_266] : memref<10240x48xf32, #tpu.memory_space<vmem_shared>> -> memref<10240x48xf32, #tpu.memory_space<vmem_shared>>
      tpu.enqueue_indirect_dma source(%arg12 : memref<125x48xf32, #tpu.memory_space<vmem>>) target(%dma_start3A_267 : memref<10240x48xf32, #tpu.memory_space<vmem_shared>>) offsets(%dma_start3A_264 : memref<125xi32, #tpu.memory_space<vmem>>) semaphore(%arg21 : memref<!tpu.dma_semaphore, #tpu.memory_space<semaphore_mem>>) {add = true}
      %gt3A_268 = arith.constant 0 : i32
      %gt3A_269 = arith.cmpi sgt, %scan3A_169, %gt3A_268 : i32
      %gt3A_270 = arith.constant 0 : i32
      %gt3A_271 = arith.cmpi sgt, %scan3A_251, %gt3A_270 : i32
      %or3A = arith.ori %gt3A_269, %gt3A_271 : i1
      %convert_element_type3A_272 = arith.extui %or3A : i1 to i32
      %cond3A_273 = arith.constant 0 : i32
      %cond3A_274 = arith.cmpi ne, %convert_element_type3A_272, %cond3A_273 : i32
      scf.if %cond3A_274 {
        %dma_wait3A_346 = arith.constant 0 : i32
        %dma_wait3A_347 = arith.constant 0 : i32
        %dma_wait3A_348 = tpu.memref_slice %arg16[%dma_wait3A_346, %dma_wait3A_347] : memref<10240x48xf32, #tpu.memory_space<vmem_shared>> -> memref<125x48xf32, #tpu.memory_space<vmem_shared>>
        %dma_wait3A_349 = arith.constant 0 : i32
        %dma_wait3A_350 = arith.constant 0 : i32
        %dma_wait3A_351 = tpu.memref_slice %arg16[%dma_wait3A_349, %dma_wait3A_350] : memref<10240x48xf32, #tpu.memory_space<vmem_shared>> -> memref<125x48xf32, #tpu.memory_space<vmem_shared>>
        tpu.wait_dma2 semaphore(%arg24 : memref<!tpu.dma_semaphore, #tpu.memory_space<semaphore_mem>>) src(%arg15 : memref<125x48xf32, #tpu.memory_space<vmem>>) dst(%dma_wait3A_351 : memref<125x48xf32, #tpu.memory_space<vmem_shared>>)
      } else {
      }
      %add3A_275 = arith.constant 4 : i32
      %add3A_276 = arith.addi %add3A_255, %add3A_275 : i32
      %sub3A = arith.constant 1 : i32
      %sub3A_277 = arith.subi %add3A_276, %sub3A : i32
      %dma_start3A_278 = arith.constant 0 : i32
      %dma_start3A_279 = tpu.memref_slice %arg10[%sub3A_277, %dma_start3A_278] : memref<40x125xi32, #tpu.memory_space<vmem>> -> memref<1x125xi32, #tpu.memory_space<vmem>>
      %dma_start3A_280 = tpu.memref_squeeze %dma_start3A_279 : memref<1x125xi32, #tpu.memory_space<vmem>> -> memref<125xi32, #tpu.memory_space<vmem>>
      %dma_start3A_281 = arith.constant 0 : i32
      %dma_start3A_282 = arith.constant 0 : i32
      %dma_start3A_283 = tpu.memref_slice %arg4[%dma_start3A_281, %dma_start3A_282] : memref<10000x48xf32, #tpu.memory_space<hbm>> -> memref<10000x48xf32, #tpu.memory_space<hbm>>
      tpu.enqueue_indirect_dma source(%dma_start3A_283 : memref<10000x48xf32, #tpu.memory_space<hbm>>) target(%arg15 : memref<125x48xf32, #tpu.memory_space<vmem>>) offsets(%dma_start3A_280 : memref<125xi32, #tpu.memory_space<vmem>>) semaphore(%arg20 : memref<!tpu.dma_semaphore, #tpu.memory_space<semaphore_mem>>)
      %mul3A_284 = arith.constant 4 : i32
      %mul3A_285 = arith.muli %scan3A_251, %mul3A_284 : i32
      %add3A_286 = arith.constant 1 : i32
      %add3A_287 = arith.addi %mul3A_285, %add3A_286 : i32
      %dma_wait3A_288 = arith.constant 0 : i32
      %dma_wait3A_289 = arith.constant 0 : i32
      %dma_wait3A_290 = tpu.memref_slice %arg4[%dma_wait3A_288, %dma_wait3A_289] : memref<10000x48xf32, #tpu.memory_space<hbm>> -> memref<125x48xf32, #tpu.memory_space<hbm>>
      %dma_wait3A_291 = arith.constant 0 : i32
      %dma_wait3A_292 = arith.constant 0 : i32
      %dma_wait3A_293 = tpu.memref_slice %arg4[%dma_wait3A_291, %dma_wait3A_292] : memref<10000x48xf32, #tpu.memory_space<hbm>> -> memref<125x48xf32, #tpu.memory_space<hbm>>
      tpu.wait_dma2 semaphore(%arg18 : memref<!tpu.dma_semaphore, #tpu.memory_space<semaphore_mem>>) src(%dma_wait3A_293 : memref<125x48xf32, #tpu.memory_space<hbm>>) dst(%arg13 : memref<125x48xf32, #tpu.memory_space<vmem>>)
      %dma_start3A_294 = arith.constant 0 : i32
      %dma_start3A_295 = tpu.memref_slice %arg11[%add3A_287, %dma_start3A_294] : memref<40x125xi32, #tpu.memory_space<vmem>> -> memref<1x125xi32, #tpu.memory_space<vmem>>
      %dma_start3A_296 = tpu.memref_squeeze %dma_start3A_295 : memref<1x125xi32, #tpu.memory_space<vmem>> -> memref<125xi32, #tpu.memory_space<vmem>>
      %dma_start3A_297 = arith.constant 0 : i32
      %dma_start3A_298 = arith.constant 0 : i32
      %dma_start3A_299 = tpu.memref_slice %arg16[%dma_start3A_297, %dma_start3A_298] : memref<10240x48xf32, #tpu.memory_space<vmem_shared>> -> memref<10240x48xf32, #tpu.memory_space<vmem_shared>>
      tpu.enqueue_indirect_dma source(%arg13 : memref<125x48xf32, #tpu.memory_space<vmem>>) target(%dma_start3A_299 : memref<10240x48xf32, #tpu.memory_space<vmem_shared>>) offsets(%dma_start3A_296 : memref<125xi32, #tpu.memory_space<vmem>>) semaphore(%arg22 : memref<!tpu.dma_semaphore, #tpu.memory_space<semaphore_mem>>) {add = true}
      %lt3A = arith.constant 9 : i32
      %lt3A_300 = arith.cmpi slt, %scan3A_251, %lt3A : i32
      %convert_element_type3A_301 = arith.extui %lt3A_300 : i1 to i32
      %cond3A_302 = arith.constant 0 : i32
      %cond3A_303 = arith.cmpi ne, %convert_element_type3A_301, %cond3A_302 : i32
      scf.if %cond3A_303 {
        %dma_wait3A_346 = arith.constant 0 : i32
        %dma_wait3A_347 = arith.constant 0 : i32
        %dma_wait3A_348 = tpu.memref_slice %arg16[%dma_wait3A_346, %dma_wait3A_347] : memref<10240x48xf32, #tpu.memory_space<vmem_shared>> -> memref<125x48xf32, #tpu.memory_space<vmem_shared>>
        %dma_wait3A_349 = arith.constant 0 : i32
        %dma_wait3A_350 = arith.constant 0 : i32
        %dma_wait3A_351 = tpu.memref_slice %arg16[%dma_wait3A_349, %dma_wait3A_350] : memref<10240x48xf32, #tpu.memory_space<vmem_shared>> -> memref<125x48xf32, #tpu.memory_space<vmem_shared>>
        tpu.wait_dma2 semaphore(%arg21 : memref<!tpu.dma_semaphore, #tpu.memory_space<semaphore_mem>>) src(%arg12 : memref<125x48xf32, #tpu.memory_space<vmem>>) dst(%dma_wait3A_351 : memref<125x48xf32, #tpu.memory_space<vmem_shared>>)
        %add3A_352 = arith.constant 4 : i32
        %add3A_353 = arith.addi %add3A_287, %add3A_352 : i32
        %sub3A_354 = arith.constant 1 : i32
        %sub3A_355 = arith.subi %add3A_353, %sub3A_354 : i32
        %dma_start3A_356 = arith.constant 0 : i32
        %dma_start3A_357 = tpu.memref_slice %arg10[%sub3A_355, %dma_start3A_356] : memref<40x125xi32, #tpu.memory_space<vmem>> -> memref<1x125xi32, #tpu.memory_space<vmem>>
        %dma_start3A_358 = tpu.memref_squeeze %dma_start3A_357 : memref<1x125xi32, #tpu.memory_space<vmem>> -> memref<125xi32, #tpu.memory_space<vmem>>
        %dma_start3A_359 = arith.constant 0 : i32
        %dma_start3A_360 = arith.constant 0 : i32
        %dma_start3A_361 = tpu.memref_slice %arg4[%dma_start3A_359, %dma_start3A_360] : memref<10000x48xf32, #tpu.memory_space<hbm>> -> memref<10000x48xf32, #tpu.memory_space<hbm>>
        tpu.enqueue_indirect_dma source(%dma_start3A_361 : memref<10000x48xf32, #tpu.memory_space<hbm>>) target(%arg12 : memref<125x48xf32, #tpu.memory_space<vmem>>) offsets(%dma_start3A_358 : memref<125xi32, #tpu.memory_space<vmem>>) semaphore(%arg17 : memref<!tpu.dma_semaphore, #tpu.memory_space<semaphore_mem>>)
      } else {
      }
      %mul3A_304 = arith.constant 4 : i32
      %mul3A_305 = arith.muli %scan3A_251, %mul3A_304 : i32
      %add3A_306 = arith.constant 2 : i32
      %add3A_307 = arith.addi %mul3A_305, %add3A_306 : i32
      %dma_wait3A_308 = arith.constant 0 : i32
      %dma_wait3A_309 = arith.constant 0 : i32
      %dma_wait3A_310 = tpu.memref_slice %arg4[%dma_wait3A_308, %dma_wait3A_309] : memref<10000x48xf32, #tpu.memory_space<hbm>> -> memref<125x48xf32, #tpu.memory_space<hbm>>
      %dma_wait3A_311 = arith.constant 0 : i32
      %dma_wait3A_312 = arith.constant 0 : i32
      %dma_wait3A_313 = tpu.memref_slice %arg4[%dma_wait3A_311, %dma_wait3A_312] : memref<10000x48xf32, #tpu.memory_space<hbm>> -> memref<125x48xf32, #tpu.memory_space<hbm>>
      tpu.wait_dma2 semaphore(%arg19 : memref<!tpu.dma_semaphore, #tpu.memory_space<semaphore_mem>>) src(%dma_wait3A_313 : memref<125x48xf32, #tpu.memory_space<hbm>>) dst(%arg14 : memref<125x48xf32, #tpu.memory_space<vmem>>)
      %dma_start3A_314 = arith.constant 0 : i32
      %dma_start3A_315 = tpu.memref_slice %arg11[%add3A_307, %dma_start3A_314] : memref<40x125xi32, #tpu.memory_space<vmem>> -> memref<1x125xi32, #tpu.memory_space<vmem>>
      %dma_start3A_316 = tpu.memref_squeeze %dma_start3A_315 : memref<1x125xi32, #tpu.memory_space<vmem>> -> memref<125xi32, #tpu.memory_space<vmem>>
      %dma_start3A_317 = arith.constant 0 : i32
      %dma_start3A_318 = arith.constant 0 : i32
      %dma_start3A_319 = tpu.memref_slice %arg16[%dma_start3A_317, %dma_start3A_318] : memref<10240x48xf32, #tpu.memory_space<vmem_shared>> -> memref<10240x48xf32, #tpu.memory_space<vmem_shared>>
      tpu.enqueue_indirect_dma source(%arg14 : memref<125x48xf32, #tpu.memory_space<vmem>>) target(%dma_start3A_319 : memref<10240x48xf32, #tpu.memory_space<vmem_shared>>) offsets(%dma_start3A_316 : memref<125xi32, #tpu.memory_space<vmem>>) semaphore(%arg23 : memref<!tpu.dma_semaphore, #tpu.memory_space<semaphore_mem>>) {add = true}
      %lt3A_320 = arith.constant 9 : i32
      %lt3A_321 = arith.cmpi slt, %scan3A_251, %lt3A_320 : i32
      %convert_element_type3A_322 = arith.extui %lt3A_321 : i1 to i32
      %cond3A_323 = arith.constant 0 : i32
      %cond3A_324 = arith.cmpi ne, %convert_element_type3A_322, %cond3A_323 : i32
      scf.if %cond3A_324 {
        %dma_wait3A_346 = arith.constant 0 : i32
        %dma_wait3A_347 = arith.constant 0 : i32
        %dma_wait3A_348 = tpu.memref_slice %arg16[%dma_wait3A_346, %dma_wait3A_347] : memref<10240x48xf32, #tpu.memory_space<vmem_shared>> -> memref<125x48xf32, #tpu.memory_space<vmem_shared>>
        %dma_wait3A_349 = arith.constant 0 : i32
        %dma_wait3A_350 = arith.constant 0 : i32
        %dma_wait3A_351 = tpu.memref_slice %arg16[%dma_wait3A_349, %dma_wait3A_350] : memref<10240x48xf32, #tpu.memory_space<vmem_shared>> -> memref<125x48xf32, #tpu.memory_space<vmem_shared>>
        tpu.wait_dma2 semaphore(%arg22 : memref<!tpu.dma_semaphore, #tpu.memory_space<semaphore_mem>>) src(%arg13 : memref<125x48xf32, #tpu.memory_space<vmem>>) dst(%dma_wait3A_351 : memref<125x48xf32, #tpu.memory_space<vmem_shared>>)
        %add3A_352 = arith.constant 4 : i32
        %add3A_353 = arith.addi %add3A_307, %add3A_352 : i32
        %sub3A_354 = arith.constant 1 : i32
        %sub3A_355 = arith.subi %add3A_353, %sub3A_354 : i32
        %dma_start3A_356 = arith.constant 0 : i32
        %dma_start3A_357 = tpu.memref_slice %arg10[%sub3A_355, %dma_start3A_356] : memref<40x125xi32, #tpu.memory_space<vmem>> -> memref<1x125xi32, #tpu.memory_space<vmem>>
        %dma_start3A_358 = tpu.memref_squeeze %dma_start3A_357 : memref<1x125xi32, #tpu.memory_space<vmem>> -> memref<125xi32, #tpu.memory_space<vmem>>
        %dma_start3A_359 = arith.constant 0 : i32
        %dma_start3A_360 = arith.constant 0 : i32
        %dma_start3A_361 = tpu.memref_slice %arg4[%dma_start3A_359, %dma_start3A_360] : memref<10000x48xf32, #tpu.memory_space<hbm>> -> memref<10000x48xf32, #tpu.memory_space<hbm>>
        tpu.enqueue_indirect_dma source(%dma_start3A_361 : memref<10000x48xf32, #tpu.memory_space<hbm>>) target(%arg13 : memref<125x48xf32, #tpu.memory_space<vmem>>) offsets(%dma_start3A_358 : memref<125xi32, #tpu.memory_space<vmem>>) semaphore(%arg18 : memref<!tpu.dma_semaphore, #tpu.memory_space<semaphore_mem>>)
      } else {
      }
      %mul3A_325 = arith.constant 4 : i32
      %mul3A_326 = arith.muli %scan3A_251, %mul3A_325 : i32
      %add3A_327 = arith.constant 3 : i32
      %add3A_328 = arith.addi %mul3A_326, %add3A_327 : i32
      %dma_wait3A_329 = arith.constant 0 : i32
      %dma_wait3A_330 = arith.constant 0 : i32
      %dma_wait3A_331 = tpu.memref_slice %arg4[%dma_wait3A_329, %dma_wait3A_330] : memref<10000x48xf32, #tpu.memory_space<hbm>> -> memref<125x48xf32, #tpu.memory_space<hbm>>
      %dma_wait3A_332 = arith.constant 0 : i32
      %dma_wait3A_333 = arith.constant 0 : i32
      %dma_wait3A_334 = tpu.memref_slice %arg4[%dma_wait3A_332, %dma_wait3A_333] : memref<10000x48xf32, #tpu.memory_space<hbm>> -> memref<125x48xf32, #tpu.memory_space<hbm>>
      tpu.wait_dma2 semaphore(%arg20 : memref<!tpu.dma_semaphore, #tpu.memory_space<semaphore_mem>>) src(%dma_wait3A_334 : memref<125x48xf32, #tpu.memory_space<hbm>>) dst(%arg15 : memref<125x48xf32, #tpu.memory_space<vmem>>)
      %dma_start3A_335 = arith.constant 0 : i32
      %dma_start3A_336 = tpu.memref_slice %arg11[%add3A_328, %dma_start3A_335] : memref<40x125xi32, #tpu.memory_space<vmem>> -> memref<1x125xi32, #tpu.memory_space<vmem>>
      %dma_start3A_337 = tpu.memref_squeeze %dma_start3A_336 : memref<1x125xi32, #tpu.memory_space<vmem>> -> memref<125xi32, #tpu.memory_space<vmem>>
      %dma_start3A_338 = arith.constant 0 : i32
      %dma_start3A_339 = arith.constant 0 : i32
      %dma_start3A_340 = tpu.memref_slice %arg16[%dma_start3A_338, %dma_start3A_339] : memref<10240x48xf32, #tpu.memory_space<vmem_shared>> -> memref<10240x48xf32, #tpu.memory_space<vmem_shared>>
      tpu.enqueue_indirect_dma source(%arg15 : memref<125x48xf32, #tpu.memory_space<vmem>>) target(%dma_start3A_340 : memref<10240x48xf32, #tpu.memory_space<vmem_shared>>) offsets(%dma_start3A_337 : memref<125xi32, #tpu.memory_space<vmem>>) semaphore(%arg24 : memref<!tpu.dma_semaphore, #tpu.memory_space<semaphore_mem>>) {add = true}
      %lt3A_341 = arith.constant 9 : i32
      %lt3A_342 = arith.cmpi slt, %scan3A_251, %lt3A_341 : i32
      %convert_element_type3A_343 = arith.extui %lt3A_342 : i1 to i32
      %cond3A_344 = arith.constant 0 : i32
      %cond3A_345 = arith.cmpi ne, %convert_element_type3A_343, %cond3A_344 : i32
      scf.if %cond3A_345 {
        %dma_wait3A_346 = arith.constant 0 : i32
        %dma_wait3A_347 = arith.constant 0 : i32
        %dma_wait3A_348 = tpu.memref_slice %arg16[%dma_wait3A_346, %dma_wait3A_347] : memref<10240x48xf32, #tpu.memory_space<vmem_shared>> -> memref<125x48xf32, #tpu.memory_space<vmem_shared>>
        %dma_wait3A_349 = arith.constant 0 : i32
        %dma_wait3A_350 = arith.constant 0 : i32
        %dma_wait3A_351 = tpu.memref_slice %arg16[%dma_wait3A_349, %dma_wait3A_350] : memref<10240x48xf32, #tpu.memory_space<vmem_shared>> -> memref<125x48xf32, #tpu.memory_space<vmem_shared>>
        tpu.wait_dma2 semaphore(%arg23 : memref<!tpu.dma_semaphore, #tpu.memory_space<semaphore_mem>>) src(%arg14 : memref<125x48xf32, #tpu.memory_space<vmem>>) dst(%dma_wait3A_351 : memref<125x48xf32, #tpu.memory_space<vmem_shared>>)
        %add3A_352 = arith.constant 4 : i32
        %add3A_353 = arith.addi %add3A_328, %add3A_352 : i32
        %sub3A_354 = arith.constant 1 : i32
        %sub3A_355 = arith.subi %add3A_353, %sub3A_354 : i32
        %dma_start3A_356 = arith.constant 0 : i32
        %dma_start3A_357 = tpu.memref_slice %arg10[%sub3A_355, %dma_start3A_356] : memref<40x125xi32, #tpu.memory_space<vmem>> -> memref<1x125xi32, #tpu.memory_space<vmem>>
        %dma_start3A_358 = tpu.memref_squeeze %dma_start3A_357 : memref<1x125xi32, #tpu.memory_space<vmem>> -> memref<125xi32, #tpu.memory_space<vmem>>
        %dma_start3A_359 = arith.constant 0 : i32
        %dma_start3A_360 = arith.constant 0 : i32
        %dma_start3A_361 = tpu.memref_slice %arg4[%dma_start3A_359, %dma_start3A_360] : memref<10000x48xf32, #tpu.memory_space<hbm>> -> memref<10000x48xf32, #tpu.memory_space<hbm>>
        tpu.enqueue_indirect_dma source(%dma_start3A_361 : memref<10000x48xf32, #tpu.memory_space<hbm>>) target(%arg14 : memref<125x48xf32, #tpu.memory_space<vmem>>) offsets(%dma_start3A_358 : memref<125xi32, #tpu.memory_space<vmem>>) semaphore(%arg19 : memref<!tpu.dma_semaphore, #tpu.memory_space<semaphore_mem>>)
      } else {
      }
    }
    %scan3A_218 = arith.constant 10 : i32
    %scan3A_219 = arith.constant 1 : i32
    %dma_wait3A_220 = arith.constant 0 : i32
    %dma_wait3A_221 = arith.constant 0 : i32
    %dma_wait3A_222 = tpu.memref_slice %arg16[%dma_wait3A_220, %dma_wait3A_221] : memref<10240x48xf32, #tpu.memory_space<vmem_shared>> -> memref<125x48xf32, #tpu.memory_space<vmem_shared>>
    %dma_wait3A_223 = arith.constant 0 : i32
    %dma_wait3A_224 = arith.constant 0 : i32
    %dma_wait3A_225 = tpu.memref_slice %arg16[%dma_wait3A_223, %dma_wait3A_224] : memref<10240x48xf32, #tpu.memory_space<vmem_shared>> -> memref<125x48xf32, #tpu.memory_space<vmem_shared>>
    tpu.wait_dma2 semaphore(%arg21 : memref<!tpu.dma_semaphore, #tpu.memory_space<semaphore_mem>>) src(%arg12 : memref<125x48xf32, #tpu.memory_space<vmem>>) dst(%dma_wait3A_225 : memref<125x48xf32, #tpu.memory_space<vmem_shared>>)
    %dma_wait3A_226 = arith.constant 0 : i32
    %dma_wait3A_227 = arith.constant 0 : i32
    %dma_wait3A_228 = tpu.memref_slice %arg16[%dma_wait3A_226, %dma_wait3A_227] : memref<10240x48xf32, #tpu.memory_space<vmem_shared>> -> memref<125x48xf32, #tpu.memory_space<vmem_shared>>
    %dma_wait3A_229 = arith.constant 0 : i32
    %dma_wait3A_230 = arith.constant 0 : i32
    %dma_wait3A_231 = tpu.memref_slice %arg16[%dma_wait3A_229, %dma_wait3A_230] : memref<10240x48xf32, #tpu.memory_space<vmem_shared>> -> memref<125x48xf32, #tpu.memory_space<vmem_shared>>
    tpu.wait_dma2 semaphore(%arg22 : memref<!tpu.dma_semaphore, #tpu.memory_space<semaphore_mem>>) src(%arg13 : memref<125x48xf32, #tpu.memory_space<vmem>>) dst(%dma_wait3A_231 : memref<125x48xf32, #tpu.memory_space<vmem_shared>>)
    %dma_wait3A_232 = arith.constant 0 : i32
    %dma_wait3A_233 = arith.constant 0 : i32
    %dma_wait3A_234 = tpu.memref_slice %arg16[%dma_wait3A_232, %dma_wait3A_233] : memref<10240x48xf32, #tpu.memory_space<vmem_shared>> -> memref<125x48xf32, #tpu.memory_space<vmem_shared>>
    %dma_wait3A_235 = arith.constant 0 : i32
    %dma_wait3A_236 = arith.constant 0 : i32
    %dma_wait3A_237 = tpu.memref_slice %arg16[%dma_wait3A_235, %dma_wait3A_236] : memref<10240x48xf32, #tpu.memory_space<vmem_shared>> -> memref<125x48xf32, #tpu.memory_space<vmem_shared>>
    tpu.wait_dma2 semaphore(%arg23 : memref<!tpu.dma_semaphore, #tpu.memory_space<semaphore_mem>>) src(%arg14 : memref<125x48xf32, #tpu.memory_space<vmem>>) dst(%dma_wait3A_237 : memref<125x48xf32, #tpu.memory_space<vmem_shared>>)
    %dma_wait3A_238 = arith.constant 0 : i32
    %dma_wait3A_239 = arith.constant 0 : i32
    %dma_wait3A_240 = tpu.memref_slice %arg16[%dma_wait3A_238, %dma_wait3A_239] : memref<10240x48xf32, #tpu.memory_space<vmem_shared>> -> memref<125x48xf32, #tpu.memory_space<vmem_shared>>
    %dma_wait3A_241 = arith.constant 0 : i32
    %dma_wait3A_242 = arith.constant 0 : i32
    %dma_wait3A_243 = tpu.memref_slice %arg16[%dma_wait3A_241, %dma_wait3A_242] : memref<10240x48xf32, #tpu.memory_space<vmem_shared>> -> memref<125x48xf32, #tpu.memory_space<vmem_shared>>
    tpu.wait_dma2 semaphore(%arg24 : memref<!tpu.dma_semaphore, #tpu.memory_space<semaphore_mem>>) src(%arg15 : memref<125x48xf32, #tpu.memory_space<vmem>>) dst(%dma_wait3A_243 : memref<125x48xf32, #tpu.memory_space<vmem_shared>>)
    %barrier3A_244 = arith.constant 0 : index
    tpu.barrier barrier_id(%barrier3A_244)
    %mul3A_245 = arith.constant 640 : i32
    %mul3A_246 = arith.muli %arg1, %mul3A_245 : i32
    %mul3A_247 = arith.constant 640 : i32
    %mul3A_248 = arith.muli %arg1, %mul3A_247 : i32
    %run_scoped3A_249 = arith.constant 2 : i32
    "tpu.region"() ({
      %run_scoped3A_251 = tpu.sem_alloc : memref<!tpu.dma_semaphore, #tpu.memory_space<semaphore_mem>>
      %dma_start3A_252 = arith.constant 0 : i32
      %dma_start3A_253 = tpu.memref_slice %arg9[%run_scoped3A_249, %arg0, %mul3A_248, %dma_start3A_252] : memref<3x2x10240x48xf32, #tpu.memory_space<hbm>> -> memref<1x1x640x48xf32, #tpu.memory_space<hbm>>
      %dma_start3A_254 = tpu.memref_squeeze %dma_start3A_253 : memref<1x1x640x48xf32, #tpu.memory_space<hbm>> -> memref<640x48xf32, #tpu.memory_space<hbm>>
      %dma_start3A_255 = arith.constant 0 : i32
      %dma_start3A_256 = tpu.memref_slice %arg16[%mul3A_246, %dma_start3A_255] : memref<10240x48xf32, #tpu.memory_space<vmem_shared>> -> memref<640x48xf32, #tpu.memory_space<vmem_shared>>
      tpu.enqueue_dma source(%dma_start3A_256 : memref<640x48xf32, #tpu.memory_space<vmem_shared>>) target(%dma_start3A_254 : memref<640x48xf32, #tpu.memory_space<hbm>>) target_semaphore(%run_scoped3A_251 : memref<!tpu.dma_semaphore, #tpu.memory_space<semaphore_mem>>)
      %dma_wait3A_257 = arith.constant 0 : i32
      %dma_wait3A_258 = tpu.memref_slice %arg9[%run_scoped3A_249, %arg0, %mul3A_248, %dma_wait3A_257] : memref<3x2x10240x48xf32, #tpu.memory_space<hbm>> -> memref<1x1x640x48xf32, #tpu.memory_space<hbm>>
      %dma_wait3A_259 = tpu.memref_squeeze %dma_wait3A_258 : memref<1x1x640x48xf32, #tpu.memory_space<hbm>> -> memref<640x48xf32, #tpu.memory_space<hbm>>
      %dma_wait3A_260 = arith.constant 0 : i32
      %dma_wait3A_261 = tpu.memref_slice %arg16[%mul3A_246, %dma_wait3A_260] : memref<10240x48xf32, #tpu.memory_space<vmem_shared>> -> memref<640x48xf32, #tpu.memory_space<vmem_shared>>
      tpu.wait_dma2 semaphore(%run_scoped3A_251 : memref<!tpu.dma_semaphore, #tpu.memory_space<semaphore_mem>>) src(%dma_wait3A_261 : memref<640x48xf32, #tpu.memory_space<vmem_shared>>) dst(%dma_wait3A_259 : memref<640x48xf32, #tpu.memory_space<hbm>>)
      tpu.yield
    }) : () -> ()
    %barrier3A_250 = arith.constant 0 : index
    tpu.barrier barrier_id(%barrier3A_250)
    return
  }
}

module attributes {stable_mosaic.version = 14 : i64} {
  func.func @body(%arg0: i32, %arg1: memref<3x2x2000x144xf32, #tpu.memory_space<vmem>>, %arg2: memref<128x128xf32, #tpu.memory_space<vmem>>, %arg3: memref<128x128xf32, #tpu.memory_space<vmem>>, %arg4: memref<128x128xf32, #tpu.memory_space<vmem>>, %arg5: memref<1x128xf32, #tpu.memory_space<vmem>>, %arg6: memref<1x128xf32, #tpu.memory_space<vmem>>, %arg7: memref<1x128xf32, #tpu.memory_space<vmem>>, %arg8: memref<128x48xf32, #tpu.memory_space<vmem>>, %arg9: memref<128x48xf32, #tpu.memory_space<vmem>>, %arg10: memref<128x48xf32, #tpu.memory_space<vmem>>, %arg11: memref<1x48xf32, #tpu.memory_space<vmem>>, %arg12: memref<1x48xf32, #tpu.memory_space<vmem>>, %arg13: memref<1x48xf32, #tpu.memory_space<vmem>>, %arg14: memref<2000x48xf32, #tpu.memory_space<vmem>>, %arg15: memref<2000x48xf32, #tpu.memory_space<vmem>>, %arg16: memref<2000x48xf32, #tpu.memory_space<vmem>>) attributes {dimension_semantics = [#tpu.dimension_semantics<arbitrary>], iteration_bounds = array<i64: 5>, scalar_prefetch = 0 : i64, scratch_operands = 0 : i64, tpu.core_type = #tpu.core_type<tc>, window_params = [{transform_indices = @transform_0, window_bounds = array<i64: 3, 2, 2000, 144>}, {pipeline_mode = #tpu.pipeline_mode<synchronous>, transform_indices = @transform_1, window_bounds = array<i64: 128, 128>}, {pipeline_mode = #tpu.pipeline_mode<synchronous>, transform_indices = @transform_2, window_bounds = array<i64: 128, 128>}, {pipeline_mode = #tpu.pipeline_mode<synchronous>, transform_indices = @transform_3, window_bounds = array<i64: 128, 128>}, {pipeline_mode = #tpu.pipeline_mode<synchronous>, transform_indices = @transform_4, window_bounds = array<i64: 1, 128>}, {pipeline_mode = #tpu.pipeline_mode<synchronous>, transform_indices = @transform_5, window_bounds = array<i64: 1, 128>}, {pipeline_mode = #tpu.pipeline_mode<synchronous>, transform_indices = @transform_6, window_bounds = array<i64: 1, 128>}, {pipeline_mode = #tpu.pipeline_mode<synchronous>, transform_indices = @transform_7, window_bounds = array<i64: 128, 48>}, {pipeline_mode = #tpu.pipeline_mode<synchronous>, transform_indices = @transform_8, window_bounds = array<i64: 128, 48>}, {pipeline_mode = #tpu.pipeline_mode<synchronous>, transform_indices = @transform_9, window_bounds = array<i64: 128, 48>}, {pipeline_mode = #tpu.pipeline_mode<synchronous>, transform_indices = @transform_10, window_bounds = array<i64: 1, 48>}, {pipeline_mode = #tpu.pipeline_mode<synchronous>, transform_indices = @transform_11, window_bounds = array<i64: 1, 48>}, {pipeline_mode = #tpu.pipeline_mode<synchronous>, transform_indices = @transform_12, window_bounds = array<i64: 1, 48>}, {transform_indices = @transform_13, window_bounds = array<i64: 2000, 48>}, {transform_indices = @transform_14, window_bounds = array<i64: 2000, 48>}, {transform_indices = @transform_15, window_bounds = array<i64: 2000, 48>}]} {
    %get3A = arith.constant 0 : index
    %get3A_0 = arith.constant 0 : index
    %get3A_1 = arith.constant 0 : index
    %get3A_2 = arith.constant 0 : index
    %get3A_3 = vector.load %arg1[%get3A, %get3A_0, %get3A_1, %get3A_2] : memref<3x2x2000x144xf32, #tpu.memory_space<vmem>>, vector<3x2x2000x144xf32>
    %slice3A = vector.extract_strided_slice %get3A_3 {offsets = [0, 0, 0, 0], sizes = [1, 1, 2000, 144], strides = [1, 1, 1, 1]} : vector<3x2x2000x144xf32> to vector<1x1x2000x144xf32>
    %squeeze3A = vector.shape_cast %slice3A : vector<1x1x2000x144xf32> to vector<2000x144xf32>
    %slice3A_4 = vector.extract_strided_slice %get3A_3 {offsets = [0, 1, 0, 0], sizes = [1, 1, 2000, 144], strides = [1, 1, 1, 1]} : vector<3x2x2000x144xf32> to vector<1x1x2000x144xf32>
    %squeeze3A_5 = vector.shape_cast %slice3A_4 : vector<1x1x2000x144xf32> to vector<2000x144xf32>
    %add3A = arith.addf %squeeze3A, %squeeze3A_5 : vector<2000x144xf32>
    %slice3A_6 = vector.extract_strided_slice %add3A {offsets = [0, 128], sizes = [2000, 1], strides = [1, 1]} : vector<2000x144xf32> to vector<2000x1xf32>
    %slice3A_7 = vector.extract_strided_slice %add3A {offsets = [0, 0], sizes = [2000, 128], strides = [1, 1]} : vector<2000x144xf32> to vector<2000x128xf32>
    %max3A = arith.constant 1.000000e+00 : f32
    %max3A_8 = vector.broadcast %max3A : f32 to vector<2000x1xf32>
    %max3A_9 = arith.maximumf %slice3A_6, %max3A_8 : vector<2000x1xf32>
    %div3A = vector.broadcast %max3A_9 : vector<2000x1xf32> to vector<2000x128xf32>
    %div3A_10 = arith.divf %slice3A_7, %div3A : vector<2000x128xf32>
    %get3A_11 = arith.constant 0 : index
    %get3A_12 = arith.constant 0 : index
    %get3A_13 = vector.load %arg2[%get3A_11, %get3A_12] : memref<128x128xf32, #tpu.memory_space<vmem>>, vector<128x128xf32>
    %dot_general3A = arith.constant dense<0.000000e+00> : vector<2000x128xf32>
    %dot_general3A_14 = tpu.matmul %div3A_10, %get3A_13, %dot_general3A {dimension_numbers = #tpu.dot_dimension_numbers<[1], [0], [0], [1], [0, 0, 1, 1], [], []>, transpose_lhs_hint = false} : vector<2000x128xf32>, vector<128x128xf32>, vector<2000x128xf32> -> vector<2000x128xf32>
    %get3A_15 = arith.constant 0 : index
    %get3A_16 = arith.constant 0 : index
    %get3A_17 = vector.load %arg5[%get3A_15, %get3A_16] : memref<1x128xf32, #tpu.memory_space<vmem>>, vector<1x128xf32>
    %gt3A = arith.constant 0.000000e+00 : f32
    %gt3A_18 = vector.broadcast %gt3A : f32 to vector<2000x1xf32>
    %gt3A_19 = arith.cmpf ogt, %slice3A_6, %gt3A_18 : vector<2000x1xf32>
    %convert_element_type3A = arith.extui %gt3A_19 : vector<2000x1xi1> to vector<2000x1xi32>
    %convert_element_type3A_20 = arith.sitofp %convert_element_type3A : vector<2000x1xi32> to vector<2000x1xf32>
    %mul3A = vector.broadcast %get3A_17 : vector<1x128xf32> to vector<2000x128xf32>
    %mul3A_21 = vector.broadcast %convert_element_type3A_20 : vector<2000x1xf32> to vector<2000x128xf32>
    %mul3A_22 = arith.mulf %mul3A, %mul3A_21 : vector<2000x128xf32>
    %add3A_23 = arith.addf %dot_general3A_14, %mul3A_22 : vector<2000x128xf32>
    %slice3A_24 = vector.extract_strided_slice %get3A_3 {offsets = [1, 0, 0, 0], sizes = [1, 1, 2000, 144], strides = [1, 1, 1, 1]} : vector<3x2x2000x144xf32> to vector<1x1x2000x144xf32>
    %squeeze3A_25 = vector.shape_cast %slice3A_24 : vector<1x1x2000x144xf32> to vector<2000x144xf32>
    %slice3A_26 = vector.extract_strided_slice %get3A_3 {offsets = [1, 1, 0, 0], sizes = [1, 1, 2000, 144], strides = [1, 1, 1, 1]} : vector<3x2x2000x144xf32> to vector<1x1x2000x144xf32>
    %squeeze3A_27 = vector.shape_cast %slice3A_26 : vector<1x1x2000x144xf32> to vector<2000x144xf32>
    %add3A_28 = arith.addf %squeeze3A_25, %squeeze3A_27 : vector<2000x144xf32>
    %slice3A_29 = vector.extract_strided_slice %add3A_28 {offsets = [0, 128], sizes = [2000, 1], strides = [1, 1]} : vector<2000x144xf32> to vector<2000x1xf32>
    %slice3A_30 = vector.extract_strided_slice %add3A_28 {offsets = [0, 0], sizes = [2000, 128], strides = [1, 1]} : vector<2000x144xf32> to vector<2000x128xf32>
    %max3A_31 = arith.constant 1.000000e+00 : f32
    %max3A_32 = vector.broadcast %max3A_31 : f32 to vector<2000x1xf32>
    %max3A_33 = arith.maximumf %slice3A_29, %max3A_32 : vector<2000x1xf32>
    %div3A_34 = vector.broadcast %max3A_33 : vector<2000x1xf32> to vector<2000x128xf32>
    %div3A_35 = arith.divf %slice3A_30, %div3A_34 : vector<2000x128xf32>
    %get3A_36 = arith.constant 0 : index
    %get3A_37 = arith.constant 0 : index
    %get3A_38 = vector.load %arg3[%get3A_36, %get3A_37] : memref<128x128xf32, #tpu.memory_space<vmem>>, vector<128x128xf32>
    %dot_general3A_39 = arith.constant dense<0.000000e+00> : vector<2000x128xf32>
    %dot_general3A_40 = tpu.matmul %div3A_35, %get3A_38, %dot_general3A_39 {dimension_numbers = #tpu.dot_dimension_numbers<[1], [0], [0], [1], [0, 0, 1, 1], [], []>, transpose_lhs_hint = false} : vector<2000x128xf32>, vector<128x128xf32>, vector<2000x128xf32> -> vector<2000x128xf32>
    %get3A_41 = arith.constant 0 : index
    %get3A_42 = arith.constant 0 : index
    %get3A_43 = vector.load %arg6[%get3A_41, %get3A_42] : memref<1x128xf32, #tpu.memory_space<vmem>>, vector<1x128xf32>
    %gt3A_44 = arith.constant 0.000000e+00 : f32
    %gt3A_45 = vector.broadcast %gt3A_44 : f32 to vector<2000x1xf32>
    %gt3A_46 = arith.cmpf ogt, %slice3A_29, %gt3A_45 : vector<2000x1xf32>
    %convert_element_type3A_47 = arith.extui %gt3A_46 : vector<2000x1xi1> to vector<2000x1xi32>
    %convert_element_type3A_48 = arith.sitofp %convert_element_type3A_47 : vector<2000x1xi32> to vector<2000x1xf32>
    %mul3A_49 = vector.broadcast %get3A_43 : vector<1x128xf32> to vector<2000x128xf32>
    %mul3A_50 = vector.broadcast %convert_element_type3A_48 : vector<2000x1xf32> to vector<2000x128xf32>
    %mul3A_51 = arith.mulf %mul3A_49, %mul3A_50 : vector<2000x128xf32>
    %add3A_52 = arith.addf %dot_general3A_40, %mul3A_51 : vector<2000x128xf32>
    %add3A_53 = arith.addf %add3A_23, %add3A_52 : vector<2000x128xf32>
    %slice3A_54 = vector.extract_strided_slice %get3A_3 {offsets = [2, 0, 0, 0], sizes = [1, 1, 2000, 144], strides = [1, 1, 1, 1]} : vector<3x2x2000x144xf32> to vector<1x1x2000x144xf32>
    %squeeze3A_55 = vector.shape_cast %slice3A_54 : vector<1x1x2000x144xf32> to vector<2000x144xf32>
    %slice3A_56 = vector.extract_strided_slice %get3A_3 {offsets = [2, 1, 0, 0], sizes = [1, 1, 2000, 144], strides = [1, 1, 1, 1]} : vector<3x2x2000x144xf32> to vector<1x1x2000x144xf32>
    %squeeze3A_57 = vector.shape_cast %slice3A_56 : vector<1x1x2000x144xf32> to vector<2000x144xf32>
    %add3A_58 = arith.addf %squeeze3A_55, %squeeze3A_57 : vector<2000x144xf32>
    %slice3A_59 = vector.extract_strided_slice %add3A_58 {offsets = [0, 128], sizes = [2000, 1], strides = [1, 1]} : vector<2000x144xf32> to vector<2000x1xf32>
    %slice3A_60 = vector.extract_strided_slice %add3A_58 {offsets = [0, 0], sizes = [2000, 128], strides = [1, 1]} : vector<2000x144xf32> to vector<2000x128xf32>
    %max3A_61 = arith.constant 1.000000e+00 : f32
    %max3A_62 = vector.broadcast %max3A_61 : f32 to vector<2000x1xf32>
    %max3A_63 = arith.maximumf %slice3A_59, %max3A_62 : vector<2000x1xf32>
    %div3A_64 = vector.broadcast %max3A_63 : vector<2000x1xf32> to vector<2000x128xf32>
    %div3A_65 = arith.divf %slice3A_60, %div3A_64 : vector<2000x128xf32>
    %get3A_66 = arith.constant 0 : index
    %get3A_67 = arith.constant 0 : index
    %get3A_68 = vector.load %arg4[%get3A_66, %get3A_67] : memref<128x128xf32, #tpu.memory_space<vmem>>, vector<128x128xf32>
    %dot_general3A_69 = arith.constant dense<0.000000e+00> : vector<2000x128xf32>
    %dot_general3A_70 = tpu.matmul %div3A_65, %get3A_68, %dot_general3A_69 {dimension_numbers = #tpu.dot_dimension_numbers<[1], [0], [0], [1], [0, 0, 1, 1], [], []>, transpose_lhs_hint = false} : vector<2000x128xf32>, vector<128x128xf32>, vector<2000x128xf32> -> vector<2000x128xf32>
    %get3A_71 = arith.constant 0 : index
    %get3A_72 = arith.constant 0 : index
    %get3A_73 = vector.load %arg7[%get3A_71, %get3A_72] : memref<1x128xf32, #tpu.memory_space<vmem>>, vector<1x128xf32>
    %gt3A_74 = arith.constant 0.000000e+00 : f32
    %gt3A_75 = vector.broadcast %gt3A_74 : f32 to vector<2000x1xf32>
    %gt3A_76 = arith.cmpf ogt, %slice3A_59, %gt3A_75 : vector<2000x1xf32>
    %convert_element_type3A_77 = arith.extui %gt3A_76 : vector<2000x1xi1> to vector<2000x1xi32>
    %convert_element_type3A_78 = arith.sitofp %convert_element_type3A_77 : vector<2000x1xi32> to vector<2000x1xf32>
    %mul3A_79 = vector.broadcast %get3A_73 : vector<1x128xf32> to vector<2000x128xf32>
    %mul3A_80 = vector.broadcast %convert_element_type3A_78 : vector<2000x1xf32> to vector<2000x128xf32>
    %mul3A_81 = arith.mulf %mul3A_79, %mul3A_80 : vector<2000x128xf32>
    %add3A_82 = arith.addf %dot_general3A_70, %mul3A_81 : vector<2000x128xf32>
    %add3A_83 = arith.addf %add3A_53, %add3A_82 : vector<2000x128xf32>
    %max3A_84 = arith.constant 0.000000e+00 : f32
    %max3A_85 = vector.broadcast %max3A_84 : f32 to vector<2000x128xf32>
    %max3A_86 = arith.maximumf %add3A_83, %max3A_85 : vector<2000x128xf32>
    %get3A_87 = arith.constant 0 : index
    %get3A_88 = arith.constant 0 : index
    %get3A_89 = vector.load %arg8[%get3A_87, %get3A_88] : memref<128x48xf32, #tpu.memory_space<vmem>>, vector<128x48xf32>
    %dot_general3A_90 = arith.constant dense<0.000000e+00> : vector<2000x48xf32>
    %dot_general3A_91 = tpu.matmul %max3A_86, %get3A_89, %dot_general3A_90 {dimension_numbers = #tpu.dot_dimension_numbers<[1], [0], [0], [1], [0, 0, 1, 1], [], []>, transpose_lhs_hint = false} : vector<2000x128xf32>, vector<128x48xf32>, vector<2000x48xf32> -> vector<2000x48xf32>
    %get3A_92 = arith.constant 0 : index
    %get3A_93 = arith.constant 0 : index
    %get3A_94 = vector.load %arg11[%get3A_92, %get3A_93] : memref<1x48xf32, #tpu.memory_space<vmem>>, vector<1x48xf32>
    %add3A_95 = vector.broadcast %get3A_94 : vector<1x48xf32> to vector<2000x48xf32>
    %add3A_96 = arith.addf %dot_general3A_91, %add3A_95 : vector<2000x48xf32>
    %swap3A = arith.constant 0 : index
    %swap3A_97 = arith.constant 0 : index
    %swap3A_98 = vector.load %arg14[%swap3A, %swap3A_97] : memref<2000x48xf32, #tpu.memory_space<vmem>>, vector<2000x48xf32>
    tpu.vector_store %arg14[%swap3A, %swap3A_97], %add3A_96 {strides = array<i32>} : memref<2000x48xf32, #tpu.memory_space<vmem>>, vector<2000x48xf32>,
    %get3A_99 = arith.constant 0 : index
    %get3A_100 = arith.constant 0 : index
    %get3A_101 = vector.load %arg9[%get3A_99, %get3A_100] : memref<128x48xf32, #tpu.memory_space<vmem>>, vector<128x48xf32>
    %dot_general3A_102 = arith.constant dense<0.000000e+00> : vector<2000x48xf32>
    %dot_general3A_103 = tpu.matmul %max3A_86, %get3A_101, %dot_general3A_102 {dimension_numbers = #tpu.dot_dimension_numbers<[1], [0], [0], [1], [0, 0, 1, 1], [], []>, transpose_lhs_hint = false} : vector<2000x128xf32>, vector<128x48xf32>, vector<2000x48xf32> -> vector<2000x48xf32>
    %get3A_104 = arith.constant 0 : index
    %get3A_105 = arith.constant 0 : index
    %get3A_106 = vector.load %arg12[%get3A_104, %get3A_105] : memref<1x48xf32, #tpu.memory_space<vmem>>, vector<1x48xf32>
    %add3A_107 = vector.broadcast %get3A_106 : vector<1x48xf32> to vector<2000x48xf32>
    %add3A_108 = arith.addf %dot_general3A_103, %add3A_107 : vector<2000x48xf32>
    %swap3A_109 = arith.constant 0 : index
    %swap3A_110 = arith.constant 0 : index
    %swap3A_111 = vector.load %arg15[%swap3A_109, %swap3A_110] : memref<2000x48xf32, #tpu.memory_space<vmem>>, vector<2000x48xf32>
    tpu.vector_store %arg15[%swap3A_109, %swap3A_110], %add3A_108 {strides = array<i32>} : memref<2000x48xf32, #tpu.memory_space<vmem>>, vector<2000x48xf32>,
    %get3A_112 = arith.constant 0 : index
    %get3A_113 = arith.constant 0 : index
    %get3A_114 = vector.load %arg10[%get3A_112, %get3A_113] : memref<128x48xf32, #tpu.memory_space<vmem>>, vector<128x48xf32>
    %dot_general3A_115 = arith.constant dense<0.000000e+00> : vector<2000x48xf32>
    %dot_general3A_116 = tpu.matmul %max3A_86, %get3A_114, %dot_general3A_115 {dimension_numbers = #tpu.dot_dimension_numbers<[1], [0], [0], [1], [0, 0, 1, 1], [], []>, transpose_lhs_hint = false} : vector<2000x128xf32>, vector<128x48xf32>, vector<2000x48xf32> -> vector<2000x48xf32>
    %get3A_117 = arith.constant 0 : index
    %get3A_118 = arith.constant 0 : index
    %get3A_119 = vector.load %arg13[%get3A_117, %get3A_118] : memref<1x48xf32, #tpu.memory_space<vmem>>, vector<1x48xf32>
    %add3A_120 = vector.broadcast %get3A_119 : vector<1x48xf32> to vector<2000x48xf32>
    %add3A_121 = arith.addf %dot_general3A_116, %add3A_120 : vector<2000x48xf32>
    %swap3A_122 = arith.constant 0 : index
    %swap3A_123 = arith.constant 0 : index
    %swap3A_124 = vector.load %arg16[%swap3A_122, %swap3A_123] : memref<2000x48xf32, #tpu.memory_space<vmem>>, vector<2000x48xf32>
    tpu.vector_store %arg16[%swap3A_122, %swap3A_123], %add3A_121 {strides = array<i32>} : memref<2000x48xf32, #tpu.memory_space<vmem>>, vector<2000x48xf32>,
    return
  }
  func.func @transform_0(%arg0: i32) -> (i32, i32, i32, i32) {
    %c0_i32 = arith.constant 0 : i32
    %c0_i32_0 = arith.constant 0 : i32
    %c0_i32_1 = arith.constant 0 : i32
    %c0_i32_2 = arith.constant 0 : i32
    return %c0_i32, %c0_i32_0, %arg0, %c0_i32_1 : i32, i32, i32, i32
  }
  func.func @transform_1(%arg0: i32) -> (i32, i32) {
    %c0_i32 = arith.constant 0 : i32
    %c0_i32_0 = arith.constant 0 : i32
    %c0_i32_1 = arith.constant 0 : i32
    return %c0_i32, %c0_i32_0 : i32, i32
  }
  func.func @transform_2(%arg0: i32) -> (i32, i32) {
    %c0_i32 = arith.constant 0 : i32
    %c0_i32_0 = arith.constant 0 : i32
    %c0_i32_1 = arith.constant 0 : i32
    return %c0_i32, %c0_i32_0 : i32, i32
  }
  func.func @transform_3(%arg0: i32) -> (i32, i32) {
    %c0_i32 = arith.constant 0 : i32
    %c0_i32_0 = arith.constant 0 : i32
    %c0_i32_1 = arith.constant 0 : i32
    return %c0_i32, %c0_i32_0 : i32, i32
  }
  func.func @transform_4(%arg0: i32) -> (i32, i32) {
    %c0_i32 = arith.constant 0 : i32
    %c0_i32_0 = arith.constant 0 : i32
    %c0_i32_1 = arith.constant 0 : i32
    return %c0_i32, %c0_i32_0 : i32, i32
  }
  func.func @transform_5(%arg0: i32) -> (i32, i32) {
    %c0_i32 = arith.constant 0 : i32
    %c0_i32_0 = arith.constant 0 : i32
    %c0_i32_1 = arith.constant 0 : i32
    return %c0_i32, %c0_i32_0 : i32, i32
  }
  func.func @transform_6(%arg0: i32) -> (i32, i32) {
    %c0_i32 = arith.constant 0 : i32
    %c0_i32_0 = arith.constant 0 : i32
    %c0_i32_1 = arith.constant 0 : i32
    return %c0_i32, %c0_i32_0 : i32, i32
  }
  func.func @transform_7(%arg0: i32) -> (i32, i32) {
    %c0_i32 = arith.constant 0 : i32
    %c0_i32_0 = arith.constant 0 : i32
    %c0_i32_1 = arith.constant 0 : i32
    return %c0_i32, %c0_i32_0 : i32, i32
  }
  func.func @transform_8(%arg0: i32) -> (i32, i32) {
    %c0_i32 = arith.constant 0 : i32
    %c0_i32_0 = arith.constant 0 : i32
    %c0_i32_1 = arith.constant 0 : i32
    return %c0_i32, %c0_i32_0 : i32, i32
  }
  func.func @transform_9(%arg0: i32) -> (i32, i32) {
    %c0_i32 = arith.constant 0 : i32
    %c0_i32_0 = arith.constant 0 : i32
    %c0_i32_1 = arith.constant 0 : i32
    return %c0_i32, %c0_i32_0 : i32, i32
  }
  func.func @transform_10(%arg0: i32) -> (i32, i32) {
    %c0_i32 = arith.constant 0 : i32
    %c0_i32_0 = arith.constant 0 : i32
    %c0_i32_1 = arith.constant 0 : i32
    return %c0_i32, %c0_i32_0 : i32, i32
  }
  func.func @transform_11(%arg0: i32) -> (i32, i32) {
    %c0_i32 = arith.constant 0 : i32
    %c0_i32_0 = arith.constant 0 : i32
    %c0_i32_1 = arith.constant 0 : i32
    return %c0_i32, %c0_i32_0 : i32, i32
  }
  func.func @transform_12(%arg0: i32) -> (i32, i32) {
    %c0_i32 = arith.constant 0 : i32
    %c0_i32_0 = arith.constant 0 : i32
    %c0_i32_1 = arith.constant 0 : i32
    return %c0_i32, %c0_i32_0 : i32, i32
  }
  func.func @transform_13(%arg0: i32) -> (i32, i32) {
    %c0_i32 = arith.constant 0 : i32
    %c0_i32_0 = arith.constant 0 : i32
    return %arg0, %c0_i32 : i32, i32
  }
  func.func @transform_14(%arg0: i32) -> (i32, i32) {
    %c0_i32 = arith.constant 0 : i32
    %c0_i32_0 = arith.constant 0 : i32
    return %arg0, %c0_i32 : i32, i32
  }
  func.func @transform_15(%arg0: i32) -> (i32, i32) {
    %c0_i32 = arith.constant 0 : i32
    %c0_i32_0 = arith.constant 0 : i32
    return %arg0, %c0_i32 : i32, i32
  }
}

module attributes {stable_mosaic.version = 14 : i64} {
  func.func @body(%arg0: i32, %arg1: memref<3x2x2000x48xf32, #tpu.memory_space<vmem>>, %arg2: memref<2000x40xf32, #tpu.memory_space<vmem>>) attributes {dimension_semantics = [#tpu.dimension_semantics<arbitrary>], iteration_bounds = array<i64: 5>, scalar_prefetch = 0 : i64, scratch_operands = 0 : i64, tpu.core_type = #tpu.core_type<tc>, window_params = [{transform_indices = @transform_0, window_bounds = array<i64: 3, 2, 2000, 48>}, {transform_indices = @transform_1, window_bounds = array<i64: 2000, 40>}]} {
    %get3A = arith.constant 0 : index
    %get3A_0 = arith.constant 0 : index
    %get3A_1 = arith.constant 0 : index
    %get3A_2 = arith.constant 0 : index
    %get3A_3 = vector.load %arg1[%get3A, %get3A_0, %get3A_1, %get3A_2] : memref<3x2x2000x48xf32, #tpu.memory_space<vmem>>, vector<3x2x2000x48xf32>
    %slice3A = vector.extract_strided_slice %get3A_3 {offsets = [0, 0, 0, 0], sizes = [1, 1, 2000, 48], strides = [1, 1, 1, 1]} : vector<3x2x2000x48xf32> to vector<1x1x2000x48xf32>
    %squeeze3A = vector.shape_cast %slice3A : vector<1x1x2000x48xf32> to vector<2000x48xf32>
    %slice3A_4 = vector.extract_strided_slice %get3A_3 {offsets = [0, 1, 0, 0], sizes = [1, 1, 2000, 48], strides = [1, 1, 1, 1]} : vector<3x2x2000x48xf32> to vector<1x1x2000x48xf32>
    %squeeze3A_5 = vector.shape_cast %slice3A_4 : vector<1x1x2000x48xf32> to vector<2000x48xf32>
    %add3A = arith.addf %squeeze3A, %squeeze3A_5 : vector<2000x48xf32>
    %slice3A_6 = vector.extract_strided_slice %add3A {offsets = [0, 40], sizes = [2000, 1], strides = [1, 1]} : vector<2000x48xf32> to vector<2000x1xf32>
    %max3A = arith.constant 1.000000e+00 : f32
    %max3A_7 = vector.broadcast %max3A : f32 to vector<2000x1xf32>
    %max3A_8 = arith.maximumf %slice3A_6, %max3A_7 : vector<2000x1xf32>
    %slice3A_9 = vector.extract_strided_slice %add3A {offsets = [0, 0], sizes = [2000, 40], strides = [1, 1]} : vector<2000x48xf32> to vector<2000x40xf32>
    %div3A = vector.broadcast %max3A_8 : vector<2000x1xf32> to vector<2000x40xf32>
    %div3A_10 = arith.divf %slice3A_9, %div3A : vector<2000x40xf32>
    %slice3A_11 = vector.extract_strided_slice %get3A_3 {offsets = [1, 0, 0, 0], sizes = [1, 1, 2000, 48], strides = [1, 1, 1, 1]} : vector<3x2x2000x48xf32> to vector<1x1x2000x48xf32>
    %squeeze3A_12 = vector.shape_cast %slice3A_11 : vector<1x1x2000x48xf32> to vector<2000x48xf32>
    %slice3A_13 = vector.extract_strided_slice %get3A_3 {offsets = [1, 1, 0, 0], sizes = [1, 1, 2000, 48], strides = [1, 1, 1, 1]} : vector<3x2x2000x48xf32> to vector<1x1x2000x48xf32>
    %squeeze3A_14 = vector.shape_cast %slice3A_13 : vector<1x1x2000x48xf32> to vector<2000x48xf32>
    %add3A_15 = arith.addf %squeeze3A_12, %squeeze3A_14 : vector<2000x48xf32>
    %slice3A_16 = vector.extract_strided_slice %add3A_15 {offsets = [0, 40], sizes = [2000, 1], strides = [1, 1]} : vector<2000x48xf32> to vector<2000x1xf32>
    %max3A_17 = arith.constant 1.000000e+00 : f32
    %max3A_18 = vector.broadcast %max3A_17 : f32 to vector<2000x1xf32>
    %max3A_19 = arith.maximumf %slice3A_16, %max3A_18 : vector<2000x1xf32>
    %slice3A_20 = vector.extract_strided_slice %add3A_15 {offsets = [0, 0], sizes = [2000, 40], strides = [1, 1]} : vector<2000x48xf32> to vector<2000x40xf32>
    %div3A_21 = vector.broadcast %max3A_19 : vector<2000x1xf32> to vector<2000x40xf32>
    %div3A_22 = arith.divf %slice3A_20, %div3A_21 : vector<2000x40xf32>
    %add3A_23 = arith.addf %div3A_10, %div3A_22 : vector<2000x40xf32>
    %slice3A_24 = vector.extract_strided_slice %get3A_3 {offsets = [2, 0, 0, 0], sizes = [1, 1, 2000, 48], strides = [1, 1, 1, 1]} : vector<3x2x2000x48xf32> to vector<1x1x2000x48xf32>
    %squeeze3A_25 = vector.shape_cast %slice3A_24 : vector<1x1x2000x48xf32> to vector<2000x48xf32>
    %slice3A_26 = vector.extract_strided_slice %get3A_3 {offsets = [2, 1, 0, 0], sizes = [1, 1, 2000, 48], strides = [1, 1, 1, 1]} : vector<3x2x2000x48xf32> to vector<1x1x2000x48xf32>
    %squeeze3A_27 = vector.shape_cast %slice3A_26 : vector<1x1x2000x48xf32> to vector<2000x48xf32>
    %add3A_28 = arith.addf %squeeze3A_25, %squeeze3A_27 : vector<2000x48xf32>
    %slice3A_29 = vector.extract_strided_slice %add3A_28 {offsets = [0, 40], sizes = [2000, 1], strides = [1, 1]} : vector<2000x48xf32> to vector<2000x1xf32>
    %max3A_30 = arith.constant 1.000000e+00 : f32
    %max3A_31 = vector.broadcast %max3A_30 : f32 to vector<2000x1xf32>
    %max3A_32 = arith.maximumf %slice3A_29, %max3A_31 : vector<2000x1xf32>
    %slice3A_33 = vector.extract_strided_slice %add3A_28 {offsets = [0, 0], sizes = [2000, 40], strides = [1, 1]} : vector<2000x48xf32> to vector<2000x40xf32>
    %div3A_34 = vector.broadcast %max3A_32 : vector<2000x1xf32> to vector<2000x40xf32>
    %div3A_35 = arith.divf %slice3A_33, %div3A_34 : vector<2000x40xf32>
    %add3A_36 = arith.addf %add3A_23, %div3A_35 : vector<2000x40xf32>
    %swap3A = arith.constant 0 : index
    %swap3A_37 = arith.constant 0 : index
    %swap3A_38 = vector.load %arg2[%swap3A, %swap3A_37] : memref<2000x40xf32, #tpu.memory_space<vmem>>, vector<2000x40xf32>
    tpu.vector_store %arg2[%swap3A, %swap3A_37], %add3A_36 {strides = array<i32>} : memref<2000x40xf32, #tpu.memory_space<vmem>>, vector<2000x40xf32>,
    return
  }
  func.func @transform_0(%arg0: i32) -> (i32, i32, i32, i32) {
    %c0_i32 = arith.constant 0 : i32
    %c0_i32_0 = arith.constant 0 : i32
    %c0_i32_1 = arith.constant 0 : i32
    %c0_i32_2 = arith.constant 0 : i32
    return %c0_i32, %c0_i32_0, %arg0, %c0_i32_1 : i32, i32, i32, i32
  }
  func.func @transform_1(%arg0: i32) -> (i32, i32) {
    %c0_i32 = arith.constant 0 : i32
    %c0_i32_0 = arith.constant 0 : i32
    return %arg0, %c0_i32 : i32, i32
  }
}

</mosaic_0001>

<sc_bundles>
// kernel: kernel.6.cloned.1.call-start
scs
__scs_entry_jumppad:
0x0: {  	(pc) =	sbr.rel $0x88, $3  }
0x1: {  	(tag) =	ssettag $0x0;
	lr =	simm.s32 $0x1  }
0x2: {  	[smem:$0x3F91] =	sst lr;
	_ =	strace $0xD0000000  }
0x3: {  	_ = 	snop  }
0x4: {  	_ = 	snop  }
0x5: {  	_ = 	snop  }
0x6: {  	_ = 	snop  }
0x7: {  	_ = 	snop  }
__scs_overlays_trampoline_lowered:
0x8: {  	[smem:$0x3FA0] =	sst s0  }
0x9: {  	[smem:$0x3FA1] =	sst s1  }
0xa: {  	[smem:$0x3FA2] =	sst s2  }
0xb: {  	[smem:$0x3FA3] =	sst s3  }
0xc: {  	[smem:$0x3FA4] =	sst s4  }
0xd: {  	[smem:$0x3FA5] =	sst s5  }
0xe: {  	[smem:$0x3FA6] =	sst s6  }
0xf: {  	[smem:$0x3FA7] =	sst s7  }
0x10: {  	[smem:$0x3FA8] =	sst s8  }
0x11: {  	[smem:$0x3FA9] =	sst s9;
	s0 =	simm.s32 @!p0 $0x0  }
0x12: {  	s1 =	sld [smem:$0x3F8F];
	s0 =	simm.s32 @p0 $0x1  }
0x13: {  	[smem:$0x3FAA] =	sst s0;
	s0 =	simm.s32 @!p1 $0x0  }
0x14: {  	s2 =	sld [smem:$0x3F8E];
	s0 =	simm.s32 @p1 $0x1  }
0x15: {  	[smem:$0x3FAB] =	sst s0;
	s0 =	simm.s32 @!p2 $0x0  }
0x16: {  	s3 =	sld [smem:$0x3FDB];
	s0 =	simm.s32 @p2 $0x1  }
0x17: {  	s4 =	simm.s32 $0x1BF5;
	[smem:$0x3FAD] =	sst s0  }
0x18: {  	s0 =	sld [smem:$0x3F90];
	_ =	swait.ge [sflag:s4], $0x0  }
0x19: {  	s7 =	sld [smem:$0x3F91]  }
0x1a: {  	s8 =	sadd.s32 $0xFFFFE003, lr  }
0x1b: {  	s9 =	sadd.s32 $0xFFFFFEF7, lr;
	s5 =	simm.s32 $0xFFFFFFFF;
	p2 =	slt.u32 s8, $0xFFFFF086  }
0x1c: {  	p1 =	slt.u32 s9, $0xF7A;
	s5 =	simm.s32 @!p2 $0x0  }
0x1d: {  	s5 =	simm.s32 @p1 $0x1;
	p0 =	seq.s32 s7, s2  }
0x1e: {  	s7 =	smul.u32 @!p0 $0xF7A, s2;
	p2 =	seq.s32 @!p0 s5, $0x0  }
0x1f: {  	s9 =	smul.u32 $0xF7A, s1;
	s8 =	simm.s32 @!p0 $0x1BF5;
	p2 =	por !p2, p0  }
0x20: {  	[sflag:s8] =	ssyncset.s32 @!p0 $0xFFFFF086;
	s6 =	sadd.s32 @!p0 s3, s7;
	s7 =	simm.s32 @!p0 $0x108  }
0x21: {  	s3 =	sadd.s32 s3, s9;
	s6 =	sadd.s32 @!p0 $0x88, s6;
	s7 =	simm.s32 @p2 $0x1082  }
0x22: {  	[simem:s7], [sflag:s8] =	dma.local @!p0 [hbm:s6], $0xF7A  }
0x23: {  	s9 =	sor.u32 $0xD0000000, s2;
	s6 =	simm.s32 $0x108;
	_ =	swait.ge @!p0 [sflag:s8], $0x0  }
0x24: {  	s3 =	sadd.s32 $0x88, s3;
	s6 =	simm.s32 @!p1 $0x1082;
	[sflag:s4] =	ssyncset.s32 $0xFFFFF086  }
0x25: {  	[simem:s6], [sflag:s4] =	dma.local [hbm:s3], $0xF7A  }
0x26: {  	[smem:$0x3F91] =	sst s1;
	(tag) =	ssettag s2;
	_ =	strace s9  }
0x27: {  	s1 =	sld [smem:$0x3FA1]  }
0x28: {  	s2 =	sld [smem:$0x3FA2]  }
0x29: {  	s4 =	sld [smem:$0x3FA4]  }
0x2a: {  	p0 =	seq.s32 s5, $0x0;
	s5 =	sld [smem:$0x3FA5]  }
0x2b: {  	s6 =	sld [smem:$0x3FA6]  }
0x2c: {  	s7 =	sld [smem:$0x3FA7]  }
0x2d: {  	s3 =	simm.s32 $0x108;
	s8 =	sld [smem:$0x3FA8]  }
0x2e: {  	s3 =	simm.s32 @!p0 $0x1082;
	s9 =	sld [smem:$0x3FA9]  }
0x2f: {  	lr =	sadd.s32 s0, s3;
	s0 =	sld [smem:$0x3FA0]  }
0x30: {  	s3 =	sld [smem:$0x3FA3]  }
0x31: {  	[smem:$0x3FAC] =	sst s10  }
0x32: {  	s10 =	sld [smem:$0x3FAA];
	_ =	sdelay $0x3  }
0x33: {  	p0 =	seq.s32 s10, $0x1;
	s10 =	sld [smem:$0x3FAC];
	_ =	sdelay $0x3  }
0x34: {  	[smem:$0x3FAC] =	sst s10  }
0x35: {  	s10 =	sld [smem:$0x3FAB];
	_ =	sdelay $0x3  }
0x36: {  	p1 =	seq.s32 s10, $0x1;
	s10 =	sld [smem:$0x3FAC];
	_ =	sdelay $0x3  }
0x37: {  	[smem:$0x3FAC] =	sst s10  }
0x38: {  	s10 =	sld [smem:$0x3FAD]  }
0x39: {  	_ = 	snop;
	(pc) =	sbr.ind lr, $3  }
0x3a: {  	_ = 	snop  }
0x3b: {  	_ = 	snop  }
0x3c: {  	p2 =	seq.s32 s10, $0x1;
	s10 =	sld [smem:$0x3FAC]  }
0x3d: {  	_ =	shalt  }
0x3e: {  	_ =	shalt  }
0x3f: {  	_ =	shalt  }
0x40: {  	_ =	shalt  }
0x41: {  	_ =	shalt  }
0x42: {  	_ =	shalt  }
0x43: {  	_ =	shalt  }
0x44: {  	_ =	shalt  }
0x45: {  	_ =	shalt  }
0x46: {  	_ =	shalt  }
0x47: {  	_ =	shalt  }
0x48: {  	_ =	shalt  }
0x49: {  	_ =	shalt  }
0x4a: {  	_ =	shalt  }
0x4b: {  	_ =	shalt  }
0x4c: {  	_ =	shalt  }
0x4d: {  	_ =	shalt  }
0x4e: {  	_ =	shalt  }
0x4f: {  	_ =	shalt  }
0x50: {  	_ =	shalt  }
0x51: {  	_ =	shalt  }
0x52: {  	_ =	shalt  }
0x53: {  	_ =	shalt  }
0x54: {  	_ =	shalt  }
0x55: {  	_ =	shalt  }
0x56: {  	_ =	shalt  }
0x57: {  	_ =	shalt  }
0x58: {  	_ =	shalt  }
0x59: {  	_ =	shalt  }
0x5a: {  	_ =	shalt  }
0x5b: {  	_ =	shalt  }
0x5c: {  	_ =	shalt  }
0x5d: {  	_ =	shalt  }
0x5e: {  	_ =	shalt  }
0x5f: {  	_ =	shalt  }
0x60: {  	_ =	shalt  }
0x61: {  	_ =	shalt  }
0x62: {  	_ =	shalt  }
0x63: {  	_ =	shalt  }
0x64: {  	_ =	shalt  }
0x65: {  	_ =	shalt  }
0x66: {  	_ =	shalt  }
0x67: {  	_ =	shalt  }
0x68: {  	_ =	shalt  }
0x69: {  	_ =	shalt  }
0x6a: {  	_ =	shalt  }
0x6b: {  	_ =	shalt  }
0x6c: {  	_ =	shalt  }
0x6d: {  	_ =	shalt  }
0x6e: {  	_ =	shalt  }
0x6f: {  	_ =	shalt  }
0x70: {  	_ =	shalt  }
0x71: {  	_ =	shalt  }
0x72: {  	_ =	shalt  }
0x73: {  	_ =	shalt  }
0x74: {  	_ =	shalt  }
0x75: {  	_ =	shalt  }
0x76: {  	_ =	shalt  }
0x77: {  	_ =	shalt  }
0x78: {  	_ =	shalt  }
0x79: {  	_ =	shalt  }
0x7a: {  	_ =	shalt  }
0x7b: {  	_ =	shalt  }
0x7c: {  	_ =	shalt  }
0x7d: {  	_ =	shalt  }
0x7e: {  	_ =	shalt  }
0x7f: {  	_ =	shalt  }
0x80: {  	_ =	shalt  }
0x81: {  	_ =	shalt  }
0x82: {  	_ =	shalt  }
0x83: {  	_ =	shalt  }
0x84: {  	_ =	shalt  }
0x85: {  	_ =	shalt  }
0x86: {  	_ =	shalt  }
0x87: {  	_ =	shalt  }
.Lfunc_end0:
.L_simem_size_0:
called_computation_lowered:
.L_overlay_start_0:
0x88: {  	s2 =	sld [smem:$0x3FD9]  }
0x89: {  	s3 =	sld [smem:$0x3FFE];
	_ =	sdelay $0x1  }
0x8a: {  	s1 =	srdreg.scid  }
0x8b: {  	s0 =	sand.u32 $0x1, s1  }
0x8c: {  	s17 =	sshll.u32 s0, $0xA;
	s2 =	sadd.s32 s3, s2  }
0x8d: {  	s2 =	sadd.s32 s2, s17  }
0x8e: {  	[smem:$0x3FB8] =	sst s2  }
0x8f: {  	_ = 	snop  }
0x90: {  	s2 =	sld [smem:$0x3FD0];
	(tm) =	ssettm $0x1  }
0x91: {  	s18 =	sld [smem:$0x3FFB];
	_ =	sdelay $0x3  }
0x92: {  	_ =	strace s18  }
0x93: {  	s3 =	sld [smem:$0x3FFC];
	_ =	sdelay $0x3  }
0x94: {  	_ =	strace s3  }
0x95: {  	s3 =	sld [smem:$0x3FFD];
	_ =	sdelay $0x3  }
0x96: {  	_ =	strace s3  }
0x97: {  	_ =	strace $0x8FFFFFFF  }
0x98: {  	s19 =	sld [smem:$0x3FDB];
	_ =	sdelay $0x1  }
0x99: {  	s4 =	simm.s32 $_scs_section_size  }
0x9a: {  	s5 =	simm.s32 $_size__tile_overlayer_lowered;
	s6 =	simm.s32 $_tile_overlayer_lowered  }
0x9b: {  	s22 =	simm.s32 $0x1BFF;
	s21 =	sshll.u32 s6, $0x1;
	s3 =	sadd.s32 s4, s19  }
0x9c: {  	s7 =	simm.s32 $0x0;
	s20 =	sshll.u32 s5, $0x1;
	s5 =	sadd.s32 s21, s3  }
0x9d: {  	[timem:s7], [sflag:s22] =	dma.local [hbm:s5], s20  }
0x9e: {  	_ =	swait.ge [sflag:s22], s20  }
0x9f: {  	s4 =	ssub.s32 $0x0, s20;
	[sflag:s22] =	ssyncset.done $0x0  }
0xa0: {  	[sflag:s22] =	ssyncadd.s32 s4;
	_ =	sdelay $0x1  }
0xa1: {  	s23 =	simm.s32 $0x1B8B  }
0xa2: {  	_ =	swait.ge [sflag:s23], $0x1  }
0xa3: {  	[sflag:s23] =	ssyncset.done $0x0  }
0xa4: {  	s25 =	simm.s32 $0x1B8E;
	s24 =	sld [smem:$0x3FFE];
	[sflag:s23] =	ssyncadd.s32 $0xFFFFFFFF  }
0xa5: {  	s26 =	simm.s32 $execute0_lowered;
	[smem:$0x3FD2] =	sst s25  }
0xa6: {  	s5 =	sshll.u32 s26, $0x1;
	_ =	strace $0x80000046;
	[dreg:$0x1] =	wrdreg $0xFFFFFFFF  }
0xa7: {  	s28 =	simm.s32 $_size_execute0_lowered;
	s3 =	sadd.s32 s3, s5;
	[dreg:$0x0] =	wrdreg $0x0  }
0xa8: {  	s5 =	sshll.u32 s28, $0x1;
	[dreg:$0x2] =	wrdreg s3  }
0xa9: {  	[dreg:$0x3] =	wrdreg s5  }
0xaa: {  	[dreg:$0x4] =	wrdreg $0xC0  }
0xab: {  	_ =	task [dreg:s7], $0x5FFFF  }
0xac: {  	[dreg:$0x1] =	wrdreg $0xFFFFFFFF  }
0xad: {  	[dreg:$0x0] =	wrdreg $0x60  }
0xae: {  	[dreg:$0x2] =	wrdreg s24  }
0xaf: {  	[dreg:$0x3] =	wrdreg s2  }
0xb0: {  	[dreg:$0x4] =	wrdreg $0x79400  }
0xb1: {  	[dreg:$0x5] =	wrdreg $0x9  }
0xb2: {  	_ =	task.clear_ibuf [dreg:s7], $0x6FFFF;
	_ =	strace $0x90000046  }
0xb3: {  	s29 =	simm.s32 $0x9;
	_ =	strace $0x80000048  }
0xb4: {  	_ =	swait.ge [sflag:s29], $0x1  }
0xb5: {  	[sflag:s29] =	ssyncadd.s32 $0xFFFFFFFF  }
0xb6: {  	_ =	strace $0x90000048  }
0xb7: {  	_ =	sfence  }
0xb8: {  	s30 =	sld [smem:$0x0];
	_ =	sdelay $0x2  }
0xb9: {  	s31 =	sshll.u32 s1, $0xD;
	s1 =	sshrl.u32 s1, $0x2  }
0xba: {  	s3 =	sand.u32 $0x4000, s31;
	s1 =	sadd.s32 s1, s30  }
0xbb: {  	s0 =	sor.u32 s3, s0;
	s1 =	sshll.u32 s1, $0x11  }
0xbc: {  	s0 =	sor.u32 s1, s0  }
0xbd: {  	s0 =	sadd.s32 $0x8F2B, s0  }
0xbe: {  	[sflag:s0] =	ssyncadd.remote.s32 $0x1  }
0xbf: {  	_ =	sfence.sel $0xFFFF  }
0xc0: {  	[dreg:$0x0] =	wrdreg $0xFFFFFFFF;
	(pc) =	sbr.abs _section_cstart, $3  }
0xc1: {  	[dreg:$0x1] =	wrdreg $0xFFFFFFFF  }
0xc2: {  	_ =	task.clear_ibuf [dreg:s7], $0x2FFFF;
	_ =	strace $0x9FFFFFFF  }
0xc3: {  	(tm) =	ssettm $0x7FFFFFFF  }
tec
execute0_lowered:
.L_overlay_start_1:
0x0: {  	(tag) =	ssettag $0x1  }
0x1: {  	s0 =	rddreg [dreg:$0x0]  }
0x2: {  	s1 =	rddreg [dreg:$0x1]  }
0x3: {  	s3 =	srdreg.scid;
	s12 =	stileid.u32  }
0x4: {  	s2 =	rddreg [dreg:$0x2];
	s14 =	simm.s32 $0x32;
	s16 =	simm.s32 $0x4100  }
0x5: {  	s29 =	simm.s32 $0x6;
	s31 =	simm.s32 $0x4;
	s28 =	simm.s32 $0x3F0  }
0x6: {  	s30 =	simm.s32 $0x7E0;
	s5 =	sand.u32 $0x1, s3;
	s6 =	smul.u32 $0x16800, s12  }
0x7: {  	s3 =	simm.s32 $0x0;
	s8 =	smul.u32 $0x2BC0, s12;
	s4 =	sadd.s32 $0x2A00, s0  }
0x8: {  	s10 =	sadd.s32 $0x2EA00, s0;
	s11 =	sadd.s32 $0x39A00, s0;
	s13 =	sadd.s32 $0x44A00, s0  }
0x9: {  	s19 =	sshll.u32 s12, $0x6;
	s12 =	simm.s32 $0x9;
	s7 =	smul.u32 $0x168000, s5  }
0xa: {  	[smem:$0x7FF] =	sst s3;
	s9 =	smul.u32 $0x15E0, s5;
	s5 =	ssub.s32 $0x2, s5  }
0xb: {  	s15 =	sor.u32 $0x1C09, s19;
	s19 =	simm.s32 $0x70;
	_ =	strace $0x80000047  }
0xc: {  	[dreg:$0xa] =	wrdreg s13;
	s17 =	sshrl.u32 s5, $0x1;
	s13 =	simm.s32 $0x460  }
0xd: {  	[dreg:$0xb] =	wrdreg s15;
	s7 =	sadd.s32 s6, s7;
	s8 =	sadd.s32 s9, s8  }
0xe: {  	s5 =	ssub.s32 s5, s17;
	s6 =	sadd.s32 s6, s2;
	s17 =	simm.s32 $0x1  }
0xf: {  	s7 =	sshrl.u32 s7, $0x3;
	s9 =	sadd.s32 $0x2BC00, s8;
	s8 =	sshrl.u32 s8, $0x3  }
0x10: {  	s26 =	smax.u32 s5, $0x1;
	s5 =	simm.s32 $0x7A8;
	s0 =	sadd.s32 s7, s0  }
0x11: {  	s9 =	sshrl.u32 s9, $0x3;
	s21 =	sadd.s32 s8, s10;
	[dreg:$0xf] =	wrdreg s26  }
0x12: {  	s25 =	sadd.s32 s8, s11;
	s26 =	simm.s32 $0x3;
	[dreg:$0x7] =	wrdreg s21  }
0x13: {  	s7 =	simm.s32 $0x818;
	s18 =	sadd.s32 s9, s1;
	[dreg:$0x9] =	wrdreg s25  }
0x14: {  	s1 =	sadd.s32 s8, s1;
	s20 =	sadd.s32 s9, s10;
	[dreg:$0x4] =	wrdreg s18  }
0x15: {  	s22 =	sadd.s32 $0x47800, s0;
	s23 =	sadd.s32 s9, s11;
	[dreg:$0x5] =	wrdreg s1  }
0x16: {  	s24 =	sadd.s32 $0xA1800, s0;
	s0 =	sadd.s32 $0xFB800, s0;
	[dreg:$0x6] =	wrdreg s20  }
0x17: {  	s11 =	sshrl.u32 s6, $0x3;
	s21 =	simm.s32 $0x2;
	[dreg:$0xc] =	wrdreg s22  }
0x18: {  	s25 =	simm.s32 $0x498;
	s9 =	simm.s32 $0x8;
	[dreg:$0xd] =	wrdreg s24  }
0x19: {  	s10 =	simm.s32 $0x3B8;
	s8 =	simm.s32 $0x850;
	[dreg:$0x8] =	wrdreg s23  }
0x1a: {  	[dreg:$0xe] =	wrdreg s0;
	s18 =	simm.s32 $0x8C0;
	s22 =	simm.s32 $0xA8  }
0x1b: {  	s20 =	simm.s32 $0x5D20;
	s23 =	simm.s32 $0x24E0;
	s24 =	simm.s32 $0x5  }
0x1c: {  	s0 =	simm.s32 $0x7;
	s1 =	simm.s32 $0x0;
	[dreg:$0x10] =	wrdreg s11  }
.LBB2_1:
0x1d: {  	[dreg:$0x11] =	wrdreg s1  }
0x1e: {  	s6 =	rddreg [dreg:$0xa]  }
0x1f: {  	[spmem:s11], [sflag:s15] =	dma.local [hbm:s6], $0x2D00  }
0x20: {  	_ =	swait.ge [sflag:s12], $0x2D00  }
0x21: {  	[sflag:s12] =	ssyncset.done $0x0  }
0x22: {  	[sflag:s12] =	ssyncadd.s32 $0xFFFFD300  }
0x23: {  	[bflag:$0x0] =	sbarrier.arrive $0xFFFF  }
0x24: {  	s11 =	rddreg [dreg:$0x5]  }
0x25: {  	s6 =	sadd.s32 $0x0, s11  }
0x26: {  	[tilespmem:s3], [sflag:$0x9] =	stream.linear.gather [hbm4b:s6+s3], $0x460, $0x38;
	[tilespmem:$0x1E140] =	vst v63  }
0x27: {  	_ =	swait.ge [sflag:s12], $0x460  }
0x28: {  	s15 =	rddreg [dreg:$0x4];
	[sflag:s12] =	ssyncset.done $0x0  }
0x29: {  	[sflag:s12] =	ssyncadd.s32 $0xFFFFFBA0;
	s6 =	sadd.s32 $0x0, s15  }
0x2a: {  	[tilespmem:s13], [sflag:$0x9] =	stream.linear.gather [hbm4b:s6+s3], $0x460, $0x38;
	[tilespmem:$0x1E140] =	vst v63  }
0x2b: {  	_ =	swait.ge [sflag:s12], $0x460  }
0x2c: {  	p0 =	por $0x0, $0x0;
	[sflag:s12] =	ssyncset.done $0x0  }
0x2d: {  	s6 =	simm.s32 @p0 $0x5;
	[sflag:s12] =	ssyncadd.s32 $0xFFFFFBA0  }
0x2e: {  	_ =	swait.ge @p0 [sflag:s6], $0x1C20  }
0x2f: {  	s1 =	simm.s32 @p0 $0x8C0;
	[sflag:s6] =	ssyncset.done @p0 $0x0  }
0x30: {  	s11 =	simm.s32 @p0 $0x0;
	[sflag:s6] =	ssyncadd.s32 @p0 $0xFFFFE3E0;
	s6 =	simm.s32 @p0 $0x32  }
0x31: {  	[tilespmem:s1], [sflag:$0x1] =	stream.indirect.gather @p0 [hbm4b:s4+s6], $0x90, s11, s6, $0xb8;
	[tilespmem:$0x1E140] =	vst v63  }
0x32: {  	s11 =	simm.s32 @p0 $0x6  }
0x33: {  	_ =	swait.ge @p0 [sflag:s11], $0x1C20  }
0x34: {  	[sflag:s11] =	ssyncset.done @p0 $0x0  }
0x35: {  	s1 =	simm.s32 @p0 $0x38;
	[sflag:s11] =	ssyncadd.s32 @p0 $0xFFFFE3E0;
	s11 =	simm.s32 @p0 $0x24E0  }
0x36: {  	[tilespmem:s11], [sflag:$0x2] =	stream.indirect.gather @p0 [hbm4b:s4+s6], $0x90, s1, s6, $0xb8;
	[tilespmem:$0x1E140] =	vst v63  }
0x37: {  	s6 =	simm.s32 @p0 $0x7  }
0x38: {  	_ =	swait.ge @p0 [sflag:s6], $0x1C20  }
0x39: {  	s1 =	simm.s32 @!p0 $0x8C0;
	[sflag:s6] =	ssyncset.done @p0 $0x0  }
0x3a: {  	s11 =	simm.s32 @!p0 $0x0;
	[sflag:s6] =	ssyncadd.s32 @p0 $0xFFFFE3E0;
	s6 =	simm.s32 @!p0 $0x32  }
0x3b: {  	[tilespmem:s1], [sflag:$0x1] =	stream.indirect.gather @!p0 [hbm4b:s4+s6], $0x90, s11, s6, $0xb8;
	[tilespmem:$0x1E140] =	vst v63  }
0x3c: {  	s1 =	simm.s32 @!p0 $0x38;
	s11 =	simm.s32 @!p0 $0x24E0  }
0x3d: {  	[tilespmem:s11], [sflag:$0x2] =	stream.indirect.gather @!p0 [hbm4b:s4+s6], $0x90, s1, s6, $0xb8;
	[tilespmem:$0x1E140] =	vst v63  }
0x3e: {  	_ = 	snop  }
0x3f: {  	[tilespmem:s16], [sflag:$0x3] =	stream.indirect.gather [hbm4b:s4+s14], $0x90, s19, s14, $0xb8;
	[tilespmem:$0x1E140] =	vst v63  }
0x40: {  	_ =	swait.ge [sflag:s17], $0x1C20  }
0x41: {  	p0 =	por $0x1, $0x1;
	[sflag:s17] =	ssyncset.done $0x0  }
0x42: {  	s6 =	simm.s32 @!p0 $0x8;
	[sflag:s17] =	ssyncadd.s32 $0xFFFFE3E0  }
0x43: {  	[spmem:s2] =	stream.indirect.scatter.add.f32 [tilespmem:s18], [sflag:$0x5], $0x90, s13, s14, $0xb8;
	[tilespmem:$0x1E140] =	vst v63  }
0x44: {  	_ =	swait.ge @!p0 [sflag:s6], $0x1C20  }
0x45: {  	[sflag:s6] =	ssyncset.done @!p0 $0x0  }
0x46: {  	[sflag:s6] =	ssyncadd.s32 @!p0 $0xFFFFE3E0  }
0x47: {  	[tilespmem:s20], [sflag:$0x4] =	stream.indirect.gather [hbm4b:s4+s14], $0x90, s22, s14, $0xb8;
	[tilespmem:$0x1E140] =	vst v63  }
0x48: {  	_ =	swait.ge [sflag:s21], $0x1C20  }
0x49: {  	[sflag:s21] =	ssyncset.done $0x0  }
0x4a: {  	[sflag:s21] =	ssyncadd.s32 $0xFFFFE3E0  }
0x4b: {  	[spmem:s2] =	stream.indirect.scatter.add.f32 [tilespmem:s23], [sflag:$0x6], $0x90, s25, s14, $0xb8;
	[tilespmem:$0x1E140] =	vst v63  }
0x4c: {  	_ =	swait.ge [sflag:s24], $0x1C20  }
0x4d: {  	[sflag:s24] =	ssyncset.done $0x0  }
0x4e: {  	s22 =	simm.s32 $0xE0;
	[sflag:s24] =	ssyncadd.s32 $0xFFFFE3E0  }
0x4f: {  	[tilespmem:s18], [sflag:$0x1] =	stream.indirect.gather [hbm4b:s4+s14], $0x90, s22, s14, $0xb8;
	[tilespmem:$0x1E140] =	vst v63  }
0x50: {  	_ =	swait.ge [sflag:s26], $0x1C20  }
0x51: {  	[sflag:s26] =	ssyncset.done $0x0  }
0x52: {  	s25 =	simm.s32 $0x4D0;
	[sflag:s26] =	ssyncadd.s32 $0xFFFFE3E0  }
0x53: {  	[spmem:s2] =	stream.indirect.scatter.add.f32 [tilespmem:s16], [sflag:$0x7], $0x90, s25, s14, $0xb8;
	[tilespmem:$0x1E140] =	vst v63  }
0x54: {  	_ =	swait.ge [sflag:s29], $0x1C20  }
0x55: {  	[sflag:s29] =	ssyncset.done $0x0  }
0x56: {  	s6 =	simm.s32 $0x118;
	[sflag:s29] =	ssyncadd.s32 $0xFFFFE3E0  }
0x57: {  	[tilespmem:s23], [sflag:$0x2] =	stream.indirect.gather [hbm4b:s4+s14], $0x90, s6, s14, $0xb8;
	[tilespmem:$0x1E140] =	vst v63  }
0x58: {  	_ =	swait.ge [sflag:s31], $0x1C20  }
0x59: {  	[sflag:s31] =	ssyncset.done $0x0  }
0x5a: {  	s11 =	simm.s32 $0x508;
	[sflag:s31] =	ssyncadd.s32 $0xFFFFE3E0  }
0x5b: {  	[spmem:s2] =	stream.indirect.scatter.add.f32 [tilespmem:s20], [sflag:$0x8], $0x90, s11, s14, $0xb8;
	[tilespmem:$0x1E140] =	vst v63  }
0x5c: {  	_ =	swait.ge [sflag:s0], $0x1C20  }
0x5d: {  	[sflag:s0] =	ssyncset.done $0x0  }
0x5e: {  	s15 =	simm.s32 $0x150;
	[sflag:s0] =	ssyncadd.s32 $0xFFFFE3E0  }
0x5f: {  	[tilespmem:s16], [sflag:$0x3] =	stream.indirect.gather [hbm4b:s4+s14], $0x90, s15, s14, $0xb8;
	[tilespmem:$0x1E140] =	vst v63  }
0x60: {  	_ =	swait.ge [sflag:s17], $0x1C20  }
0x61: {  	[sflag:s17] =	ssyncset.done $0x0  }
0x62: {  	s19 =	simm.s32 $0x540;
	[sflag:s17] =	ssyncadd.s32 $0xFFFFE3E0  }
0x63: {  	[spmem:s2] =	stream.indirect.scatter.add.f32 [tilespmem:s18], [sflag:$0x5], $0x90, s19, s14, $0xb8;
	[tilespmem:$0x1E140] =	vst v63  }
0x64: {  	_ =	swait.ge [sflag:s9], $0x1C20  }
0x65: {  	[sflag:s9] =	ssyncset.done $0x0  }
0x66: {  	s22 =	simm.s32 $0x188;
	[sflag:s9] =	ssyncadd.s32 $0xFFFFE3E0  }
0x67: {  	[tilespmem:s20], [sflag:$0x4] =	stream.indirect.gather [hbm4b:s4+s14], $0x90, s22, s14, $0xb8;
	[tilespmem:$0x1E140] =	vst v63  }
0x68: {  	_ =	swait.ge [sflag:s21], $0x1C20  }
0x69: {  	[sflag:s21] =	ssyncset.done $0x0  }
0x6a: {  	s25 =	simm.s32 $0x578;
	[sflag:s21] =	ssyncadd.s32 $0xFFFFE3E0  }
0x6b: {  	[spmem:s2] =	stream.indirect.scatter.add.f32 [tilespmem:s23], [sflag:$0x6], $0x90, s25, s14, $0xb8;
	[tilespmem:$0x1E140] =	vst v63  }
0x6c: {  	_ =	swait.ge [sflag:s24], $0x1C20  }
0x6d: {  	[sflag:s24] =	ssyncset.done $0x0  }
0x6e: {  	s6 =	simm.s32 $0x1C0;
	[sflag:s24] =	ssyncadd.s32 $0xFFFFE3E0  }
0x6f: {  	[tilespmem:s18], [sflag:$0x1] =	stream.indirect.gather [hbm4b:s4+s14], $0x90, s6, s14, $0xb8;
	[tilespmem:$0x1E140] =	vst v63  }
0x70: {  	_ =	swait.ge [sflag:s26], $0x1C20  }
0x71: {  	[sflag:s26] =	ssyncset.done $0x0  }
0x72: {  	s11 =	simm.s32 $0x5B0;
	[sflag:s26] =	ssyncadd.s32 $0xFFFFE3E0  }
0x73: {  	[spmem:s2] =	stream.indirect.scatter.add.f32 [tilespmem:s16], [sflag:$0x7], $0x90, s11, s14, $0xb8;
	[tilespmem:$0x1E140] =	vst v63  }
0x74: {  	_ =	swait.ge [sflag:s29], $0x1C20  }
0x75: {  	[sflag:s29] =	ssyncset.done $0x0  }
0x76: {  	s15 =	simm.s32 $0x1F8;
	[sflag:s29] =	ssyncadd.s32 $0xFFFFE3E0  }
0x77: {  	[tilespmem:s23], [sflag:$0x2] =	stream.indirect.gather [hbm4b:s4+s14], $0x90, s15, s14, $0xb8;
	[tilespmem:$0x1E140] =	vst v63  }
0x78: {  	_ =	swait.ge [sflag:s31], $0x1C20  }
0x79: {  	[sflag:s31] =	ssyncset.done $0x0  }
0x7a: {  	s19 =	simm.s32 $0x5E8;
	[sflag:s31] =	ssyncadd.s32 $0xFFFFE3E0  }
0x7b: {  	[spmem:s2] =	stream.indirect.scatter.add.f32 [tilespmem:s20], [sflag:$0x8], $0x90, s19, s14, $0xb8;
	[tilespmem:$0x1E140] =	vst v63  }
0x7c: {  	_ =	swait.ge [sflag:s0], $0x1C20  }
0x7d: {  	[sflag:s0] =	ssyncset.done $0x0  }
0x7e: {  	s22 =	simm.s32 $0x230;
	[sflag:s0] =	ssyncadd.s32 $0xFFFFE3E0  }
0x7f: {  	[tilespmem:s16], [sflag:$0x3] =	stream.indirect.gather [hbm4b:s4+s14], $0x90, s22, s14, $0xb8;
	[tilespmem:$0x1E140] =	vst v63  }
0x80: {  	_ =	swait.ge [sflag:s17], $0x1C20  }
0x81: {  	[sflag:s17] =	ssyncset.done $0x0  }
0x82: {  	s25 =	simm.s32 $0x620;
	[sflag:s17] =	ssyncadd.s32 $0xFFFFE3E0  }
0x83: {  	[spmem:s2] =	stream.indirect.scatter.add.f32 [tilespmem:s18], [sflag:$0x5], $0x90, s25, s14, $0xb8;
	[tilespmem:$0x1E140] =	vst v63  }
0x84: {  	_ =	swait.ge [sflag:s9], $0x1C20  }
0x85: {  	[sflag:s9] =	ssyncset.done $0x0  }
0x86: {  	s6 =	simm.s32 $0x268;
	[sflag:s9] =	ssyncadd.s32 $0xFFFFE3E0  }
0x87: {  	[tilespmem:s20], [sflag:$0x4] =	stream.indirect.gather [hbm4b:s4+s14], $0x90, s6, s14, $0xb8;
	[tilespmem:$0x1E140] =	vst v63  }
0x88: {  	_ =	swait.ge [sflag:s21], $0x1C20  }
0x89: {  	[sflag:s21] =	ssyncset.done $0x0  }
0x8a: {  	s11 =	simm.s32 $0x658;
	[sflag:s21] =	ssyncadd.s32 $0xFFFFE3E0  }
0x8b: {  	[spmem:s2] =	stream.indirect.scatter.add.f32 [tilespmem:s23], [sflag:$0x6], $0x90, s11, s14, $0xb8;
	[tilespmem:$0x1E140] =	vst v63  }
0x8c: {  	_ =	swait.ge [sflag:s24], $0x1C20  }
0x8d: {  	[sflag:s24] =	ssyncset.done $0x0  }
0x8e: {  	s15 =	simm.s32 $0x2A0;
	[sflag:s24] =	ssyncadd.s32 $0xFFFFE3E0  }
0x8f: {  	[tilespmem:s18], [sflag:$0x1] =	stream.indirect.gather [hbm4b:s4+s14], $0x90, s15, s14, $0xb8;
	[tilespmem:$0x1E140] =	vst v63  }
0x90: {  	_ =	swait.ge [sflag:s26], $0x1C20  }
0x91: {  	[sflag:s26] =	ssyncset.done $0x0  }
0x92: {  	s19 =	simm.s32 $0x690;
	[sflag:s26] =	ssyncadd.s32 $0xFFFFE3E0  }
0x93: {  	[spmem:s2] =	stream.indirect.scatter.add.f32 [tilespmem:s16], [sflag:$0x7], $0x90, s19, s14, $0xb8;
	[tilespmem:$0x1E140] =	vst v63  }
0x94: {  	_ =	swait.ge [sflag:s29], $0x1C20  }
0x95: {  	[sflag:s29] =	ssyncset.done $0x0  }
0x96: {  	s22 =	simm.s32 $0x2D8;
	[sflag:s29] =	ssyncadd.s32 $0xFFFFE3E0  }
0x97: {  	[tilespmem:s23], [sflag:$0x2] =	stream.indirect.gather [hbm4b:s4+s14], $0x90, s22, s14, $0xb8;
	[tilespmem:$0x1E140] =	vst v63  }
0x98: {  	_ =	swait.ge [sflag:s31], $0x1C20  }
0x99: {  	[sflag:s31] =	ssyncset.done $0x0  }
0x9a: {  	s25 =	simm.s32 $0x6C8;
	[sflag:s31] =	ssyncadd.s32 $0xFFFFE3E0  }
0x9b: {  	[spmem:s2] =	stream.indirect.scatter.add.f32 [tilespmem:s20], [sflag:$0x8], $0x90, s25, s14, $0xb8;
	[tilespmem:$0x1E140] =	vst v63  }
0x9c: {  	_ =	swait.ge [sflag:s0], $0x1C20  }
0x9d: {  	[sflag:s0] =	ssyncset.done $0x0  }
0x9e: {  	s6 =	simm.s32 $0x310;
	[sflag:s0] =	ssyncadd.s32 $0xFFFFE3E0  }
0x9f: {  	[tilespmem:s16], [sflag:$0x3] =	stream.indirect.gather [hbm4b:s4+s14], $0x90, s6, s14, $0xb8;
	[tilespmem:$0x1E140] =	vst v63  }
0xa0: {  	_ =	swait.ge [sflag:s17], $0x1C20  }
0xa1: {  	[sflag:s17] =	ssyncset.done $0x0  }
0xa2: {  	s11 =	simm.s32 $0x700;
	[sflag:s17] =	ssyncadd.s32 $0xFFFFE3E0  }
0xa3: {  	[spmem:s2] =	stream.indirect.scatter.add.f32 [tilespmem:s18], [sflag:$0x5], $0x90, s11, s14, $0xb8;
	[tilespmem:$0x1E140] =	vst v63  }
0xa4: {  	_ =	swait.ge [sflag:s9], $0x1C20  }
0xa5: {  	[sflag:s9] =	ssyncset.done $0x0  }
0xa6: {  	s15 =	simm.s32 $0x348;
	[sflag:s9] =	ssyncadd.s32 $0xFFFFE3E0  }
0xa7: {  	[tilespmem:s20], [sflag:$0x4] =	stream.indirect.gather [hbm4b:s4+s14], $0x90, s15, s14, $0xb8;
	[tilespmem:$0x1E140] =	vst v63  }
0xa8: {  	_ =	swait.ge [sflag:s21], $0x1C20  }
0xa9: {  	[sflag:s21] =	ssyncset.done $0x0  }
0xaa: {  	s19 =	simm.s32 $0x738;
	[sflag:s21] =	ssyncadd.s32 $0xFFFFE3E0  }
0xab: {  	[spmem:s2] =	stream.indirect.scatter.add.f32 [tilespmem:s23], [sflag:$0x6], $0x90, s19, s14, $0xb8;
	[tilespmem:$0x1E140] =	vst v63  }
0xac: {  	_ =	swait.ge [sflag:s24], $0x1C20  }
0xad: {  	[sflag:s24] =	ssyncset.done $0x0  }
0xae: {  	s22 =	simm.s32 $0x380;
	[sflag:s24] =	ssyncadd.s32 $0xFFFFE3E0  }
0xaf: {  	[tilespmem:s18], [sflag:$0x1] =	stream.indirect.gather [hbm4b:s4+s14], $0x90, s22, s14, $0xb8;
	[tilespmem:$0x1E140] =	vst v63  }
0xb0: {  	_ =	swait.ge [sflag:s26], $0x1C20  }
0xb1: {  	[sflag:s26] =	ssyncset.done $0x0  }
0xb2: {  	s25 =	simm.s32 $0x770;
	[sflag:s26] =	ssyncadd.s32 $0xFFFFE3E0  }
0xb3: {  	[spmem:s2] =	stream.indirect.scatter.add.f32 [tilespmem:s16], [sflag:$0x7], $0x90, s25, s14, $0xb8;
	[tilespmem:$0x1E140] =	vst v63  }
0xb4: {  	_ =	swait.ge [sflag:s29], $0x1C20  }
0xb5: {  	[sflag:s29] =	ssyncset.done $0x0  }
0xb6: {  	[sflag:s29] =	ssyncadd.s32 $0xFFFFE3E0  }
0xb7: {  	[tilespmem:s23], [sflag:$0x2] =	stream.indirect.gather [hbm4b:s4+s14], $0x90, s10, s14, $0xb8;
	[tilespmem:$0x1E140] =	vst v63  }
0xb8: {  	_ =	swait.ge [sflag:s31], $0x1C20  }
0xb9: {  	[sflag:s31] =	ssyncset.done $0x0  }
0xba: {  	[sflag:s31] =	ssyncadd.s32 $0xFFFFE3E0  }
0xbb: {  	[spmem:s2] =	stream.indirect.scatter.add.f32 [tilespmem:s20], [sflag:$0x8], $0x90, s5, s14, $0xb8;
	[tilespmem:$0x1E140] =	vst v63  }
0xbc: {  	_ =	swait.ge [sflag:s0], $0x1C20  }
0xbd: {  	[sflag:s0] =	ssyncset.done $0x0  }
0xbe: {  	[sflag:s0] =	ssyncadd.s32 $0xFFFFE3E0  }
0xbf: {  	[tilespmem:s16], [sflag:$0x3] =	stream.indirect.gather [hbm4b:s4+s14], $0x90, s28, s14, $0xb8;
	[tilespmem:$0x1E140] =	vst v63  }
0xc0: {  	_ =	swait.ge [sflag:s17], $0x1C20  }
0xc1: {  	[sflag:s17] =	ssyncset.done $0x0  }
0xc2: {  	[sflag:s17] =	ssyncadd.s32 $0xFFFFE3E0  }
0xc3: {  	[spmem:s2] =	stream.indirect.scatter.add.f32 [tilespmem:s18], [sflag:$0x5], $0x90, s30, s14, $0xb8;
	[tilespmem:$0x1E140] =	vst v63  }
0xc4: {  	_ =	swait.ge [sflag:s9], $0x1C20  }
0xc5: {  	[sflag:s9] =	ssyncset.done $0x0  }
0xc6: {  	s1 =	simm.s32 $0x428;
	[sflag:s9] =	ssyncadd.s32 $0xFFFFE3E0  }
0xc7: {  	[tilespmem:s20], [sflag:$0x4] =	stream.indirect.gather [hbm4b:s4+s14], $0x90, s1, s14, $0xb8;
	[tilespmem:$0x1E140] =	vst v63  }
0xc8: {  	_ =	swait.ge [sflag:s21], $0x1C20  }
0xc9: {  	[sflag:s21] =	ssyncset.done $0x0  }
0xca: {  	[sflag:s21] =	ssyncadd.s32 $0xFFFFE3E0  }
0xcb: {  	[spmem:s2] =	stream.indirect.scatter.add.f32 [tilespmem:s23], [sflag:$0x6], $0x90, s7, s14, $0xb8;
	[tilespmem:$0x1E140] =	vst v63  }
0xcc: {  	_ =	swait.ge [sflag:s26], $0x1C20  }
0xcd: {  	[sflag:s26] =	ssyncset.done $0x0  }
0xce: {  	[sflag:s26] =	ssyncadd.s32 $0xFFFFE3E0  }
0xcf: {  	[spmem:s2] =	stream.indirect.scatter.add.f32 [tilespmem:s16], [sflag:$0x7], $0x90, s8, s14, $0xb8;
	[tilespmem:$0x1E140] =	vst v63  }
0xd0: {  	s6 =	simm.s32 $0x8C;
	_ =	swait.ge [sflag:s31], $0x1C20  }
.LBB2_2:
0xd1: {  	s15 =	rddreg [dreg:$0x5];
	[sflag:s31] =	ssyncset.done $0x0  }
0xd2: {  	s11 =	smov.u32 s6;
	s19 =	simm.s32 $0x888;
	[sflag:s31] =	ssyncadd.s32 $0xFFFFE3E0  }
0xd3: {  	[spmem:s2] =	stream.indirect.scatter.add.f32 [tilespmem:s20], [sflag:$0x8], $0x90, s19, s14, $0xb8;
	[tilespmem:$0x1E140] =	vst v63  }
0xd4: {  	s15 =	sadd.s32 s11, s15  }
0xd5: {  	[tilespmem:s3], [sflag:$0x9] =	stream.linear.gather [hbm4b:s15+s3], $0x460, $0x38;
	[tilespmem:$0x1E140] =	vst v63  }
0xd6: {  	_ =	swait.ge [sflag:s12], $0x460  }
0xd7: {  	s25 =	rddreg [dreg:$0x4];
	[sflag:s12] =	ssyncset.done $0x0  }
0xd8: {  	[sflag:s12] =	ssyncadd.s32 $0xFFFFFBA0;
	s15 =	sadd.s32 s11, s25  }
0xd9: {  	[tilespmem:s13], [sflag:$0x9] =	stream.linear.gather [hbm4b:s15+s3], $0x460, $0x38;
	[tilespmem:$0x1E140] =	vst v63  }
0xda: {  	_ =	swait.ge [sflag:s12], $0x460  }
0xdb: {  	p1 =	sne.s32 s11, $0x0;
	[sflag:s12] =	ssyncset.done $0x0  }
0xdc: {  	s15 =	simm.s32 @p1 $0x5;
	[sflag:s12] =	ssyncadd.s32 $0xFFFFFBA0  }
0xdd: {  	_ =	swait.ge @p1 [sflag:s15], $0x1C20  }
0xde: {  	s19 =	simm.s32 @p1 $0x8C0;
	s22 =	simm.s32 @p1 $0x6;
	[sflag:s15] =	ssyncset.done @p1 $0x0  }
0xdf: {  	s25 =	simm.s32 @p1 $0x0;
	[sflag:s15] =	ssyncadd.s32 @p1 $0xFFFFE3E0;
	s15 =	simm.s32 @p1 $0x32  }
0xe0: {  	[tilespmem:s19], [sflag:$0x1] =	stream.indirect.gather @p1 [hbm4b:s4+s15], $0x90, s25, s15, $0xb8;
	[tilespmem:$0x1E140] =	vst v63  }
0xe1: {  	_ =	swait.ge @p1 [sflag:s22], $0x1C20  }
0xe2: {  	s19 =	simm.s32 @p1 $0x7;
	[sflag:s22] =	ssyncset.done @p1 $0x0  }
0xe3: {  	s25 =	simm.s32 @p1 $0x24E0;
	[sflag:s22] =	ssyncadd.s32 @p1 $0xFFFFE3E0;
	s22 =	simm.s32 @p1 $0x38  }
0xe4: {  	[tilespmem:s25], [sflag:$0x2] =	stream.indirect.gather @p1 [hbm4b:s4+s15], $0x90, s22, s15, $0xb8;
	[tilespmem:$0x1E140] =	vst v63  }
0xe5: {  	_ =	swait.ge @p1 [sflag:s19], $0x1C20  }
0xe6: {  	s15 =	simm.s32 @!p1 $0x8C0;
	[sflag:s19] =	ssyncset.done @p1 $0x0  }
0xe7: {  	s22 =	simm.s32 @!p1 $0x0;
	[sflag:s19] =	ssyncadd.s32 @p1 $0xFFFFE3E0;
	s19 =	simm.s32 @!p1 $0x32  }
0xe8: {  	[tilespmem:s15], [sflag:$0x1] =	stream.indirect.gather @!p1 [hbm4b:s4+s19], $0x90, s22, s19, $0xb8;
	[tilespmem:$0x1E140] =	vst v63  }
0xe9: {  	s15 =	simm.s32 @!p1 $0x38;
	s22 =	simm.s32 @!p1 $0x24E0  }
0xea: {  	[tilespmem:s22], [sflag:$0x2] =	stream.indirect.gather @!p1 [hbm4b:s4+s19], $0x90, s15, s19, $0xb8;
	[tilespmem:$0x1E140] =	vst v63  }
0xeb: {  	s19 =	simm.s32 $0x70  }
0xec: {  	[tilespmem:s16], [sflag:$0x3] =	stream.indirect.gather [hbm4b:s4+s14], $0x90, s19, s14, $0xb8;
	[tilespmem:$0x1E140] =	vst v63  }
0xed: {  	_ =	swait.ge [sflag:s17], $0x1C20  }
0xee: {  	p1 =	seq.s32 s11, $0x0;
	[sflag:s17] =	ssyncset.done $0x0  }
0xef: {  	s11 =	simm.s32 @!p1 $0x8;
	[sflag:s17] =	ssyncadd.s32 $0xFFFFE3E0  }
0xf0: {  	[spmem:s2] =	stream.indirect.scatter.add.f32 [tilespmem:s18], [sflag:$0x5], $0x90, s13, s14, $0xb8;
	[tilespmem:$0x1E140] =	vst v63  }
0xf1: {  	_ =	swait.ge @!p1 [sflag:s11], $0x1C20  }
0xf2: {  	[sflag:s11] =	ssyncset.done @!p1 $0x0  }
0xf3: {  	s22 =	simm.s32 $0xA8;
	[sflag:s11] =	ssyncadd.s32 @!p1 $0xFFFFE3E0  }
0xf4: {  	[tilespmem:s20], [sflag:$0x4] =	stream.indirect.gather [hbm4b:s4+s14], $0x90, s22, s14, $0xb8;
	[tilespmem:$0x1E140] =	vst v63  }
0xf5: {  	_ =	swait.ge [sflag:s21], $0x1C20  }
0xf6: {  	[sflag:s21] =	ssyncset.done $0x0  }
0xf7: {  	s25 =	simm.s32 $0x498;
	[sflag:s21] =	ssyncadd.s32 $0xFFFFE3E0  }
0xf8: {  	[spmem:s2] =	stream.indirect.scatter.add.f32 [tilespmem:s23], [sflag:$0x6], $0x90, s25, s14, $0xb8;
	[tilespmem:$0x1E140] =	vst v63  }
0xf9: {  	_ =	swait.ge [sflag:s24], $0x1C20  }
0xfa: {  	[sflag:s24] =	ssyncset.done $0x0  }
0xfb: {  	s15 =	simm.s32 $0xE0;
	[sflag:s24] =	ssyncadd.s32 $0xFFFFE3E0  }
0xfc: {  	[tilespmem:s18], [sflag:$0x1] =	stream.indirect.gather [hbm4b:s4+s14], $0x90, s15, s14, $0xb8;
	[tilespmem:$0x1E140] =	vst v63  }
0xfd: {  	_ =	swait.ge [sflag:s26], $0x1C20  }
0xfe: {  	[sflag:s26] =	ssyncset.done $0x0  }
0xff: {  	s15 =	simm.s32 $0x4D0;
	[sflag:s26] =	ssyncadd.s32 $0xFFFFE3E0  }
0x100: {  	[spmem:s2] =	stream.indirect.scatter.add.f32 [tilespmem:s16], [sflag:$0x7], $0x90, s15, s14, $0xb8;
	[tilespmem:$0x1E140] =	vst v63  }
0x101: {  	_ =	swait.ge [sflag:s29], $0x1C20  }
0x102: {  	[sflag:s29] =	ssyncset.done $0x0  }
0x103: {  	s15 =	simm.s32 $0x118;
	[sflag:s29] =	ssyncadd.s32 $0xFFFFE3E0  }
0x104: {  	[tilespmem:s23], [sflag:$0x2] =	stream.indirect.gather [hbm4b:s4+s14], $0x90, s15, s14, $0xb8;
	[tilespmem:$0x1E140] =	vst v63  }
0x105: {  	_ =	swait.ge [sflag:s31], $0x1C20  }
0x106: {  	[sflag:s31] =	ssyncset.done $0x0  }
0x107: {  	s15 =	simm.s32 $0x508;
	[sflag:s31] =	ssyncadd.s32 $0xFFFFE3E0  }
0x108: {  	[spmem:s2] =	stream.indirect.scatter.add.f32 [tilespmem:s20], [sflag:$0x8], $0x90, s15, s14, $0xb8;
	[tilespmem:$0x1E140] =	vst v63  }
0x109: {  	_ =	swait.ge [sflag:s0], $0x1C20  }
0x10a: {  	[sflag:s0] =	ssyncset.done $0x0  }
0x10b: {  	s15 =	simm.s32 $0x150;
	[sflag:s0] =	ssyncadd.s32 $0xFFFFE3E0  }
0x10c: {  	[tilespmem:s16], [sflag:$0x3] =	stream.indirect.gather [hbm4b:s4+s14], $0x90, s15, s14, $0xb8;
	[tilespmem:$0x1E140] =	vst v63  }
0x10d: {  	_ =	swait.ge [sflag:s17], $0x1C20  }
0x10e: {  	[sflag:s17] =	ssyncset.done $0x0  }
0x10f: {  	s15 =	simm.s32 $0x540;
	[sflag:s17] =	ssyncadd.s32 $0xFFFFE3E0  }
0x110: {  	[spmem:s2] =	stream.indirect.scatter.add.f32 [tilespmem:s18], [sflag:$0x5], $0x90, s15, s14, $0xb8;
	[tilespmem:$0x1E140] =	vst v63  }
0x111: {  	_ =	swait.ge [sflag:s9], $0x1C20  }
0x112: {  	[sflag:s9] =	ssyncset.done $0x0  }
0x113: {  	s15 =	simm.s32 $0x188;
	[sflag:s9] =	ssyncadd.s32 $0xFFFFE3E0  }
0x114: {  	[tilespmem:s20], [sflag:$0x4] =	stream.indirect.gather [hbm4b:s4+s14], $0x90, s15, s14, $0xb8;
	[tilespmem:$0x1E140] =	vst v63  }
0x115: {  	_ =	swait.ge [sflag:s21], $0x1C20  }
0x116: {  	[sflag:s21] =	ssyncset.done $0x0  }
0x117: {  	s15 =	simm.s32 $0x578;
	[sflag:s21] =	ssyncadd.s32 $0xFFFFE3E0  }
0x118: {  	[spmem:s2] =	stream.indirect.scatter.add.f32 [tilespmem:s23], [sflag:$0x6], $0x90, s15, s14, $0xb8;
	[tilespmem:$0x1E140] =	vst v63  }
0x119: {  	_ =	swait.ge [sflag:s24], $0x1C20  }
0x11a: {  	[sflag:s24] =	ssyncset.done $0x0  }
0x11b: {  	s15 =	simm.s32 $0x1C0;
	[sflag:s24] =	ssyncadd.s32 $0xFFFFE3E0  }
0x11c: {  	[tilespmem:s18], [sflag:$0x1] =	stream.indirect.gather [hbm4b:s4+s14], $0x90, s15, s14, $0xb8;
	[tilespmem:$0x1E140] =	vst v63  }
0x11d: {  	_ =	swait.ge [sflag:s26], $0x1C20  }
0x11e: {  	[sflag:s26] =	ssyncset.done $0x0  }
0x11f: {  	s15 =	simm.s32 $0x5B0;
	[sflag:s26] =	ssyncadd.s32 $0xFFFFE3E0  }
0x120: {  	[spmem:s2] =	stream.indirect.scatter.add.f32 [tilespmem:s16], [sflag:$0x7], $0x90, s15, s14, $0xb8;
	[tilespmem:$0x1E140] =	vst v63  }
0x121: {  	_ =	swait.ge [sflag:s29], $0x1C20  }
0x122: {  	[sflag:s29] =	ssyncset.done $0x0  }
0x123: {  	s15 =	simm.s32 $0x1F8;
	[sflag:s29] =	ssyncadd.s32 $0xFFFFE3E0  }
0x124: {  	[tilespmem:s23], [sflag:$0x2] =	stream.indirect.gather [hbm4b:s4+s14], $0x90, s15, s14, $0xb8;
	[tilespmem:$0x1E140] =	vst v63  }
0x125: {  	_ =	swait.ge [sflag:s31], $0x1C20  }
0x126: {  	[sflag:s31] =	ssyncset.done $0x0  }
0x127: {  	s15 =	simm.s32 $0x5E8;
	[sflag:s31] =	ssyncadd.s32 $0xFFFFE3E0  }
0x128: {  	[spmem:s2] =	stream.indirect.scatter.add.f32 [tilespmem:s20], [sflag:$0x8], $0x90, s15, s14, $0xb8;
	[tilespmem:$0x1E140] =	vst v63  }
0x129: {  	_ =	swait.ge [sflag:s0], $0x1C20  }
0x12a: {  	[sflag:s0] =	ssyncset.done $0x0  }
0x12b: {  	s15 =	simm.s32 $0x230;
	[sflag:s0] =	ssyncadd.s32 $0xFFFFE3E0  }
0x12c: {  	[tilespmem:s16], [sflag:$0x3] =	stream.indirect.gather [hbm4b:s4+s14], $0x90, s15, s14, $0xb8;
	[tilespmem:$0x1E140] =	vst v63  }
0x12d: {  	_ =	swait.ge [sflag:s17], $0x1C20  }
0x12e: {  	[sflag:s17] =	ssyncset.done $0x0  }
0x12f: {  	s15 =	simm.s32 $0x620;
	[sflag:s17] =	ssyncadd.s32 $0xFFFFE3E0  }
0x130: {  	[spmem:s2] =	stream.indirect.scatter.add.f32 [tilespmem:s18], [sflag:$0x5], $0x90, s15, s14, $0xb8;
	[tilespmem:$0x1E140] =	vst v63  }
0x131: {  	_ =	swait.ge [sflag:s9], $0x1C20  }
0x132: {  	[sflag:s9] =	ssyncset.done $0x0  }
0x133: {  	s15 =	simm.s32 $0x268;
	[sflag:s9] =	ssyncadd.s32 $0xFFFFE3E0  }
0x134: {  	[tilespmem:s20], [sflag:$0x4] =	stream.indirect.gather [hbm4b:s4+s14], $0x90, s15, s14, $0xb8;
	[tilespmem:$0x1E140] =	vst v63  }
0x135: {  	_ =	swait.ge [sflag:s21], $0x1C20  }
0x136: {  	[sflag:s21] =	ssyncset.done $0x0  }
0x137: {  	s15 =	simm.s32 $0x658;
	[sflag:s21] =	ssyncadd.s32 $0xFFFFE3E0  }
0x138: {  	[spmem:s2] =	stream.indirect.scatter.add.f32 [tilespmem:s23], [sflag:$0x6], $0x90, s15, s14, $0xb8;
	[tilespmem:$0x1E140] =	vst v63  }
0x139: {  	_ =	swait.ge [sflag:s24], $0x1C20  }
0x13a: {  	[sflag:s24] =	ssyncset.done $0x0  }
0x13b: {  	s15 =	simm.s32 $0x2A0;
	[sflag:s24] =	ssyncadd.s32 $0xFFFFE3E0  }
0x13c: {  	[tilespmem:s18], [sflag:$0x1] =	stream.indirect.gather [hbm4b:s4+s14], $0x90, s15, s14, $0xb8;
	[tilespmem:$0x1E140] =	vst v63  }
0x13d: {  	_ =	swait.ge [sflag:s26], $0x1C20  }
0x13e: {  	[sflag:s26] =	ssyncset.done $0x0  }
0x13f: {  	s15 =	simm.s32 $0x690;
	[sflag:s26] =	ssyncadd.s32 $0xFFFFE3E0  }
0x140: {  	[spmem:s2] =	stream.indirect.scatter.add.f32 [tilespmem:s16], [sflag:$0x7], $0x90, s15, s14, $0xb8;
	[tilespmem:$0x1E140] =	vst v63  }
0x141: {  	_ =	swait.ge [sflag:s29], $0x1C20  }
0x142: {  	[sflag:s29] =	ssyncset.done $0x0  }
0x143: {  	s15 =	simm.s32 $0x2D8;
	[sflag:s29] =	ssyncadd.s32 $0xFFFFE3E0  }
0x144: {  	[tilespmem:s23], [sflag:$0x2] =	stream.indirect.gather [hbm4b:s4+s14], $0x90, s15, s14, $0xb8;
	[tilespmem:$0x1E140] =	vst v63  }
0x145: {  	_ =	swait.ge [sflag:s31], $0x1C20  }
0x146: {  	[sflag:s31] =	ssyncset.done $0x0  }
0x147: {  	s15 =	simm.s32 $0x6C8;
	[sflag:s31] =	ssyncadd.s32 $0xFFFFE3E0  }
0x148: {  	[spmem:s2] =	stream.indirect.scatter.add.f32 [tilespmem:s20], [sflag:$0x8], $0x90, s15, s14, $0xb8;
	[tilespmem:$0x1E140] =	vst v63  }
0x149: {  	_ =	swait.ge [sflag:s0], $0x1C20  }
0x14a: {  	[sflag:s0] =	ssyncset.done $0x0  }
0x14b: {  	s15 =	simm.s32 $0x310;
	[sflag:s0] =	ssyncadd.s32 $0xFFFFE3E0  }
0x14c: {  	[tilespmem:s16], [sflag:$0x3] =	stream.indirect.gather [hbm4b:s4+s14], $0x90, s15, s14, $0xb8;
	[tilespmem:$0x1E140] =	vst v63  }
0x14d: {  	_ =	swait.ge [sflag:s17], $0x1C20  }
0x14e: {  	[sflag:s17] =	ssyncset.done $0x0  }
0x14f: {  	s15 =	simm.s32 $0x700;
	[sflag:s17] =	ssyncadd.s32 $0xFFFFE3E0  }
0x150: {  	[spmem:s2] =	stream.indirect.scatter.add.f32 [tilespmem:s18], [sflag:$0x5], $0x90, s15, s14, $0xb8;
	[tilespmem:$0x1E140] =	vst v63  }
0x151: {  	_ =	swait.ge [sflag:s9], $0x1C20  }
0x152: {  	[sflag:s9] =	ssyncset.done $0x0  }
0x153: {  	s15 =	simm.s32 $0x348;
	[sflag:s9] =	ssyncadd.s32 $0xFFFFE3E0  }
0x154: {  	[tilespmem:s20], [sflag:$0x4] =	stream.indirect.gather [hbm4b:s4+s14], $0x90, s15, s14, $0xb8;
	[tilespmem:$0x1E140] =	vst v63  }
0x155: {  	_ =	swait.ge [sflag:s21], $0x1C20  }
0x156: {  	[sflag:s21] =	ssyncset.done $0x0  }
0x157: {  	s15 =	simm.s32 $0x738;
	[sflag:s21] =	ssyncadd.s32 $0xFFFFE3E0  }
0x158: {  	[spmem:s2] =	stream.indirect.scatter.add.f32 [tilespmem:s23], [sflag:$0x6], $0x90, s15, s14, $0xb8;
	[tilespmem:$0x1E140] =	vst v63  }
0x159: {  	_ =	swait.ge [sflag:s24], $0x1C20  }
0x15a: {  	[sflag:s24] =	ssyncset.done $0x0  }
0x15b: {  	s15 =	simm.s32 $0x380;
	[sflag:s24] =	ssyncadd.s32 $0xFFFFE3E0  }
0x15c: {  	[tilespmem:s18], [sflag:$0x1] =	stream.indirect.gather [hbm4b:s4+s14], $0x90, s15, s14, $0xb8;
	[tilespmem:$0x1E140] =	vst v63  }
0x15d: {  	_ =	swait.ge [sflag:s26], $0x1C20  }
0x15e: {  	[sflag:s26] =	ssyncset.done $0x0  }
0x15f: {  	s15 =	simm.s32 $0x770;
	[sflag:s26] =	ssyncadd.s32 $0xFFFFE3E0  }
0x160: {  	[spmem:s2] =	stream.indirect.scatter.add.f32 [tilespmem:s16], [sflag:$0x7], $0x90, s15, s14, $0xb8;
	[tilespmem:$0x1E140] =	vst v63  }
0x161: {  	_ =	swait.ge [sflag:s29], $0x1C20  }
0x162: {  	[sflag:s29] =	ssyncset.done $0x0  }
0x163: {  	[sflag:s29] =	ssyncadd.s32 $0xFFFFE3E0  }
0x164: {  	[tilespmem:s23], [sflag:$0x2] =	stream.indirect.gather [hbm4b:s4+s14], $0x90, s10, s14, $0xb8;
	[tilespmem:$0x1E140] =	vst v63  }
0x165: {  	_ =	swait.ge [sflag:s31], $0x1C20  }
0x166: {  	[sflag:s31] =	ssyncset.done $0x0  }
0x167: {  	[sflag:s31] =	ssyncadd.s32 $0xFFFFE3E0  }
0x168: {  	[spmem:s2] =	stream.indirect.scatter.add.f32 [tilespmem:s20], [sflag:$0x8], $0x90, s5, s14, $0xb8;
	[tilespmem:$0x1E140] =	vst v63  }
0x169: {  	_ =	swait.ge [sflag:s0], $0x1C20  }
0x16a: {  	[sflag:s0] =	ssyncset.done $0x0  }
0x16b: {  	[sflag:s0] =	ssyncadd.s32 $0xFFFFE3E0  }
0x16c: {  	[tilespmem:s16], [sflag:$0x3] =	stream.indirect.gather [hbm4b:s4+s14], $0x90, s28, s14, $0xb8;
	[tilespmem:$0x1E140] =	vst v63  }
0x16d: {  	_ =	swait.ge [sflag:s17], $0x1C20  }
0x16e: {  	[sflag:s17] =	ssyncset.done $0x0  }
0x16f: {  	[sflag:s17] =	ssyncadd.s32 $0xFFFFE3E0  }
0x170: {  	[spmem:s2] =	stream.indirect.scatter.add.f32 [tilespmem:s18], [sflag:$0x5], $0x90, s30, s14, $0xb8;
	[tilespmem:$0x1E140] =	vst v63  }
0x171: {  	_ =	swait.ge [sflag:s9], $0x1C20  }
0x172: {  	[sflag:s9] =	ssyncset.done $0x0  }
0x173: {  	[sflag:s9] =	ssyncadd.s32 $0xFFFFE3E0  }
0x174: {  	[tilespmem:s20], [sflag:$0x4] =	stream.indirect.gather [hbm4b:s4+s14], $0x90, s1, s14, $0xb8;
	[tilespmem:$0x1E140] =	vst v63  }
0x175: {  	_ =	swait.ge [sflag:s21], $0x1C20  }
0x176: {  	s6 =	sadd.s32 $0x8C, s6;
	[sflag:s21] =	ssyncset.done $0x0  }
0x177: {  	p0 =	sne.s32 s6, $0x2BC;
	[sflag:s21] =	ssyncadd.s32 $0xFFFFE3E0  }
0x178: {  	[spmem:s2] =	stream.indirect.scatter.add.f32 [tilespmem:s23], [sflag:$0x6], $0x90, s7, s14, $0xb8;
	[tilespmem:$0x1E140] =	vst v63  }
.Ltmp0:
0x179: {  	_ =	swait.ge [sflag:s26], $0x1C20;
	(pc) =	sbr.rel @p0 .LBB2_2-.Ltmp0, $4  }
0x17a: {  	[sflag:s26] =	ssyncset.done $0x0  }
0x17b: {  	[sflag:s26] =	ssyncadd.s32 $0xFFFFE3E0  }
0x17c: {  	[spmem:s2] =	stream.indirect.scatter.add.f32 [tilespmem:s16], [sflag:$0x7], $0x90, s8, s14, $0xb8;
	[tilespmem:$0x1E140] =	vst v63  }
0x17d: {  	_ =	swait.ge [sflag:s31], $0x1C20  }
0x17e: {  	[sflag:s31] =	ssyncset.done $0x0  }
0x17f: {  	s6 =	simm.s32 $0x888;
	[sflag:s31] =	ssyncadd.s32 $0xFFFFE3E0  }
0x180: {  	[spmem:s2] =	stream.indirect.scatter.add.f32 [tilespmem:s20], [sflag:$0x8], $0x90, s6, s14, $0xb8;
	[tilespmem:$0x1E140] =	vst v63  }
0x181: {  	_ =	swait.ge [sflag:s24], $0x1C20  }
0x182: {  	[sflag:s24] =	ssyncset.done $0x0  }
0x183: {  	[sflag:s24] =	ssyncadd.s32 $0xFFFFE3E0  }
0x184: {  	_ =	swait.ge [sflag:s29], $0x1C20  }
0x185: {  	[sflag:s29] =	ssyncset.done $0x0  }
0x186: {  	[sflag:s29] =	ssyncadd.s32 $0xFFFFE3E0  }
0x187: {  	_ =	swait.ge [sflag:s0], $0x1C20  }
0x188: {  	[sflag:s0] =	ssyncset.done $0x0  }
0x189: {  	[sflag:s0] =	ssyncadd.s32 $0xFFFFE3E0  }
0x18a: {  	_ =	swait.ge [sflag:s9], $0x1C20  }
0x18b: {  	[sflag:s9] =	ssyncset.done $0x0  }
0x18c: {  	[sflag:s9] =	ssyncadd.s32 $0xFFFFE3E0  }
0x18d: {  	[bflag:$0x0] =	sbarrier.arrive $0xFFFF  }
0x18e: {  	s11 =	rddreg [dreg:$0xb]  }
0x18f: {  	s6 =	rddreg [dreg:$0xc]  }
0x190: {  	s15 =	rddreg [dreg:$0x10]  }
0x191: {  	[hbm:s6], [sflag:s11] =	dma.local [spmem:s15], $0x2D00  }
0x192: {  	_ =	swait.ge [sflag:s12], $0x2D00  }
0x193: {  	[sflag:s12] =	ssyncset.done $0x0  }
0x194: {  	[sflag:s12] =	ssyncadd.s32 $0xFFFFD300  }
0x195: {  	[bflag:$0x0] =	sbarrier.arrive $0xFFFF  }
0x196: {  	s6 =	rddreg [dreg:$0xa]  }
0x197: {  	[spmem:s15], [sflag:s11] =	dma.local [hbm:s6], $0x2D00  }
0x198: {  	_ =	swait.ge [sflag:s12], $0x2D00  }
0x199: {  	[sflag:s12] =	ssyncset.done $0x0  }
0x19a: {  	[sflag:s12] =	ssyncadd.s32 $0xFFFFD300  }
0x19b: {  	[bflag:$0x0] =	sbarrier.arrive $0xFFFF  }
0x19c: {  	s11 =	rddreg [dreg:$0x7]  }
0x19d: {  	s6 =	sadd.s32 $0x0, s11  }
0x19e: {  	[tilespmem:s3], [sflag:$0x9] =	stream.linear.gather [hbm4b:s6+s3], $0x460, $0x38;
	[tilespmem:$0x1E140] =	vst v63  }
0x19f: {  	_ =	swait.ge [sflag:s12], $0x460  }
0x1a0: {  	s15 =	rddreg [dreg:$0x6];
	[sflag:s12] =	ssyncset.done $0x0  }
0x1a1: {  	[sflag:s12] =	ssyncadd.s32 $0xFFFFFBA0;
	s6 =	sadd.s32 $0x0, s15  }
0x1a2: {  	[tilespmem:s13], [sflag:$0x9] =	stream.linear.gather [hbm4b:s6+s3], $0x460, $0x38;
	[tilespmem:$0x1E140] =	vst v63  }
0x1a3: {  	_ =	swait.ge [sflag:s12], $0x460  }
0x1a4: {  	p0 =	por $0x0, $0x0;
	[sflag:s12] =	ssyncset.done $0x0  }
0x1a5: {  	s6 =	simm.s32 @p0 $0x5;
	[sflag:s12] =	ssyncadd.s32 $0xFFFFFBA0  }
0x1a6: {  	_ =	swait.ge @p0 [sflag:s6], $0x1C20  }
0x1a7: {  	s11 =	simm.s32 @p0 $0x8C0;
	[sflag:s6] =	ssyncset.done @p0 $0x0  }
0x1a8: {  	s15 =	simm.s32 @p0 $0x0;
	[sflag:s6] =	ssyncadd.s32 @p0 $0xFFFFE3E0;
	s6 =	simm.s32 @p0 $0x32  }
0x1a9: {  	[tilespmem:s11], [sflag:$0x1] =	stream.indirect.gather @p0 [hbm4b:s4+s6], $0x90, s15, s6, $0xb8;
	[tilespmem:$0x1E140] =	vst v63  }
0x1aa: {  	s11 =	simm.s32 @p0 $0x6  }
0x1ab: {  	_ =	swait.ge @p0 [sflag:s11], $0x1C20  }
0x1ac: {  	[sflag:s11] =	ssyncset.done @p0 $0x0  }
0x1ad: {  	s15 =	simm.s32 @p0 $0x24E0;
	[sflag:s11] =	ssyncadd.s32 @p0 $0xFFFFE3E0;
	s11 =	simm.s32 @p0 $0x38  }
0x1ae: {  	[tilespmem:s15], [sflag:$0x2] =	stream.indirect.gather @p0 [hbm4b:s4+s6], $0x90, s11, s6, $0xb8;
	[tilespmem:$0x1E140] =	vst v63  }
0x1af: {  	s6 =	simm.s32 @p0 $0x7  }
0x1b0: {  	_ =	swait.ge @p0 [sflag:s6], $0x1C20  }
0x1b1: {  	s11 =	simm.s32 @!p0 $0x8C0;
	[sflag:s6] =	ssyncset.done @p0 $0x0  }
0x1b2: {  	s15 =	simm.s32 @!p0 $0x0;
	[sflag:s6] =	ssyncadd.s32 @p0 $0xFFFFE3E0;
	s6 =	simm.s32 @!p0 $0x32  }
0x1b3: {  	[tilespmem:s11], [sflag:$0x1] =	stream.indirect.gather @!p0 [hbm4b:s4+s6], $0x90, s15, s6, $0xb8;
	[tilespmem:$0x1E140] =	vst v63  }
0x1b4: {  	s11 =	simm.s32 @!p0 $0x38;
	s15 =	simm.s32 @!p0 $0x24E0  }
0x1b5: {  	[tilespmem:s15], [sflag:$0x2] =	stream.indirect.gather @!p0 [hbm4b:s4+s6], $0x90, s11, s6, $0xb8;
	[tilespmem:$0x1E140] =	vst v63  }
0x1b6: {  	_ = 	snop  }
0x1b7: {  	[tilespmem:s16], [sflag:$0x3] =	stream.indirect.gather [hbm4b:s4+s14], $0x90, s19, s14, $0xb8;
	[tilespmem:$0x1E140] =	vst v63  }
0x1b8: {  	_ =	swait.ge [sflag:s17], $0x1C20  }
0x1b9: {  	p0 =	por $0x1, $0x1;
	[sflag:s17] =	ssyncset.done $0x0  }
0x1ba: {  	s6 =	simm.s32 @!p0 $0x8;
	[sflag:s17] =	ssyncadd.s32 $0xFFFFE3E0  }
0x1bb: {  	[spmem:s2] =	stream.indirect.scatter.add.f32 [tilespmem:s18], [sflag:$0x5], $0x90, s13, s14, $0xb8;
	[tilespmem:$0x1E140] =	vst v63  }
0x1bc: {  	_ =	swait.ge @!p0 [sflag:s6], $0x1C20  }
0x1bd: {  	[sflag:s6] =	ssyncset.done @!p0 $0x0  }
0x1be: {  	[sflag:s6] =	ssyncadd.s32 @!p0 $0xFFFFE3E0  }
0x1bf: {  	[tilespmem:s20], [sflag:$0x4] =	stream.indirect.gather [hbm4b:s4+s14], $0x90, s22, s14, $0xb8;
	[tilespmem:$0x1E140] =	vst v63  }
0x1c0: {  	_ =	swait.ge [sflag:s21], $0x1C20  }
0x1c1: {  	[sflag:s21] =	ssyncset.done $0x0  }
0x1c2: {  	[sflag:s21] =	ssyncadd.s32 $0xFFFFE3E0  }
0x1c3: {  	[spmem:s2] =	stream.indirect.scatter.add.f32 [tilespmem:s23], [sflag:$0x6], $0x90, s25, s14, $0xb8;
	[tilespmem:$0x1E140] =	vst v63  }
0x1c4: {  	_ =	swait.ge [sflag:s24], $0x1C20  }
0x1c5: {  	[sflag:s24] =	ssyncset.done $0x0  }
0x1c6: {  	s25 =	simm.s32 $0xE0;
	[sflag:s24] =	ssyncadd.s32 $0xFFFFE3E0  }
0x1c7: {  	[tilespmem:s18], [sflag:$0x1] =	stream.indirect.gather [hbm4b:s4+s14], $0x90, s25, s14, $0xb8;
	[tilespmem:$0x1E140] =	vst v63  }
0x1c8: {  	_ =	swait.ge [sflag:s26], $0x1C20  }
0x1c9: {  	[sflag:s26] =	ssyncset.done $0x0  }
0x1ca: {  	s11 =	simm.s32 $0x4D0;
	[sflag:s26] =	ssyncadd.s32 $0xFFFFE3E0  }
0x1cb: {  	[spmem:s2] =	stream.indirect.scatter.add.f32 [tilespmem:s16], [sflag:$0x7], $0x90, s11, s14, $0xb8;
	[tilespmem:$0x1E140] =	vst v63  }
0x1cc: {  	_ =	swait.ge [sflag:s29], $0x1C20  }
0x1cd: {  	[sflag:s29] =	ssyncset.done $0x0  }
0x1ce: {  	s15 =	simm.s32 $0x118;
	[sflag:s29] =	ssyncadd.s32 $0xFFFFE3E0  }
0x1cf: {  	[tilespmem:s23], [sflag:$0x2] =	stream.indirect.gather [hbm4b:s4+s14], $0x90, s15, s14, $0xb8;
	[tilespmem:$0x1E140] =	vst v63  }
0x1d0: {  	_ =	swait.ge [sflag:s31], $0x1C20  }
0x1d1: {  	[sflag:s31] =	ssyncset.done $0x0  }
0x1d2: {  	s19 =	simm.s32 $0x508;
	[sflag:s31] =	ssyncadd.s32 $0xFFFFE3E0  }
0x1d3: {  	[spmem:s2] =	stream.indirect.scatter.add.f32 [tilespmem:s20], [sflag:$0x8], $0x90, s19, s14, $0xb8;
	[tilespmem:$0x1E140] =	vst v63  }
0x1d4: {  	_ =	swait.ge [sflag:s0], $0x1C20  }
0x1d5: {  	[sflag:s0] =	ssyncset.done $0x0  }
0x1d6: {  	s22 =	simm.s32 $0x150;
	[sflag:s0] =	ssyncadd.s32 $0xFFFFE3E0  }
0x1d7: {  	[tilespmem:s16], [sflag:$0x3] =	stream.indirect.gather [hbm4b:s4+s14], $0x90, s22, s14, $0xb8;
	[tilespmem:$0x1E140] =	vst v63  }
0x1d8: {  	_ =	swait.ge [sflag:s17], $0x1C20  }
0x1d9: {  	[sflag:s17] =	ssyncset.done $0x0  }
0x1da: {  	s25 =	simm.s32 $0x540;
	[sflag:s17] =	ssyncadd.s32 $0xFFFFE3E0  }
0x1db: {  	[spmem:s2] =	stream.indirect.scatter.add.f32 [tilespmem:s18], [sflag:$0x5], $0x90, s25, s14, $0xb8;
	[tilespmem:$0x1E140] =	vst v63  }
0x1dc: {  	_ =	swait.ge [sflag:s9], $0x1C20  }
0x1dd: {  	[sflag:s9] =	ssyncset.done $0x0  }
0x1de: {  	s11 =	simm.s32 $0x188;
	[sflag:s9] =	ssyncadd.s32 $0xFFFFE3E0  }
0x1df: {  	[tilespmem:s20], [sflag:$0x4] =	stream.indirect.gather [hbm4b:s4+s14], $0x90, s11, s14, $0xb8;
	[tilespmem:$0x1E140] =	vst v63  }
0x1e0: {  	_ =	swait.ge [sflag:s21], $0x1C20  }
0x1e1: {  	[sflag:s21] =	ssyncset.done $0x0  }
0x1e2: {  	s15 =	simm.s32 $0x578;
	[sflag:s21] =	ssyncadd.s32 $0xFFFFE3E0  }
0x1e3: {  	[spmem:s2] =	stream.indirect.scatter.add.f32 [tilespmem:s23], [sflag:$0x6], $0x90, s15, s14, $0xb8;
	[tilespmem:$0x1E140] =	vst v63  }
0x1e4: {  	_ =	swait.ge [sflag:s24], $0x1C20  }
0x1e5: {  	[sflag:s24] =	ssyncset.done $0x0  }
0x1e6: {  	s19 =	simm.s32 $0x1C0;
	[sflag:s24] =	ssyncadd.s32 $0xFFFFE3E0  }
0x1e7: {  	[tilespmem:s18], [sflag:$0x1] =	stream.indirect.gather [hbm4b:s4+s14], $0x90, s19, s14, $0xb8;
	[tilespmem:$0x1E140] =	vst v63  }
0x1e8: {  	_ =	swait.ge [sflag:s26], $0x1C20  }
0x1e9: {  	[sflag:s26] =	ssyncset.done $0x0  }
0x1ea: {  	s22 =	simm.s32 $0x5B0;
	[sflag:s26] =	ssyncadd.s32 $0xFFFFE3E0  }
0x1eb: {  	[spmem:s2] =	stream.indirect.scatter.add.f32 [tilespmem:s16], [sflag:$0x7], $0x90, s22, s14, $0xb8;
	[tilespmem:$0x1E140] =	vst v63  }
0x1ec: {  	_ =	swait.ge [sflag:s29], $0x1C20  }
0x1ed: {  	[sflag:s29] =	ssyncset.done $0x0  }
0x1ee: {  	s25 =	simm.s32 $0x1F8;
	[sflag:s29] =	ssyncadd.s32 $0xFFFFE3E0  }
0x1ef: {  	[tilespmem:s23], [sflag:$0x2] =	stream.indirect.gather [hbm4b:s4+s14], $0x90, s25, s14, $0xb8;
	[tilespmem:$0x1E140] =	vst v63  }
0x1f0: {  	_ =	swait.ge [sflag:s31], $0x1C20  }
0x1f1: {  	[sflag:s31] =	ssyncset.done $0x0  }
0x1f2: {  	s11 =	simm.s32 $0x5E8;
	[sflag:s31] =	ssyncadd.s32 $0xFFFFE3E0  }
0x1f3: {  	[spmem:s2] =	stream.indirect.scatter.add.f32 [tilespmem:s20], [sflag:$0x8], $0x90, s11, s14, $0xb8;
	[tilespmem:$0x1E140] =	vst v63  }
0x1f4: {  	_ =	swait.ge [sflag:s0], $0x1C20  }
0x1f5: {  	[sflag:s0] =	ssyncset.done $0x0  }
0x1f6: {  	s15 =	simm.s32 $0x230;
	[sflag:s0] =	ssyncadd.s32 $0xFFFFE3E0  }
0x1f7: {  	[tilespmem:s16], [sflag:$0x3] =	stream.indirect.gather [hbm4b:s4+s14], $0x90, s15, s14, $0xb8;
	[tilespmem:$0x1E140] =	vst v63  }
0x1f8: {  	_ =	swait.ge [sflag:s17], $0x1C20  }
0x1f9: {  	[sflag:s17] =	ssyncset.done $0x0  }
0x1fa: {  	s19 =	simm.s32 $0x620;
	[sflag:s17] =	ssyncadd.s32 $0xFFFFE3E0  }
0x1fb: {  	[spmem:s2] =	stream.indirect.scatter.add.f32 [tilespmem:s18], [sflag:$0x5], $0x90, s19, s14, $0xb8;
	[tilespmem:$0x1E140] =	vst v63  }
0x1fc: {  	_ =	swait.ge [sflag:s9], $0x1C20  }
0x1fd: {  	[sflag:s9] =	ssyncset.done $0x0  }
0x1fe: {  	s22 =	simm.s32 $0x268;
	[sflag:s9] =	ssyncadd.s32 $0xFFFFE3E0  }
0x1ff: {  	[tilespmem:s20], [sflag:$0x4] =	stream.indirect.gather [hbm4b:s4+s14], $0x90, s22, s14, $0xb8;
	[tilespmem:$0x1E140] =	vst v63  }
0x200: {  	_ =	swait.ge [sflag:s21], $0x1C20  }
0x201: {  	[sflag:s21] =	ssyncset.done $0x0  }
0x202: {  	s25 =	simm.s32 $0x658;
	[sflag:s21] =	ssyncadd.s32 $0xFFFFE3E0  }
0x203: {  	[spmem:s2] =	stream.indirect.scatter.add.f32 [tilespmem:s23], [sflag:$0x6], $0x90, s25, s14, $0xb8;
	[tilespmem:$0x1E140] =	vst v63  }
0x204: {  	_ =	swait.ge [sflag:s24], $0x1C20  }
0x205: {  	[sflag:s24] =	ssyncset.done $0x0  }
0x206: {  	s11 =	simm.s32 $0x2A0;
	[sflag:s24] =	ssyncadd.s32 $0xFFFFE3E0  }
0x207: {  	[tilespmem:s18], [sflag:$0x1] =	stream.indirect.gather [hbm4b:s4+s14], $0x90, s11, s14, $0xb8;
	[tilespmem:$0x1E140] =	vst v63  }
0x208: {  	_ =	swait.ge [sflag:s26], $0x1C20  }
0x209: {  	[sflag:s26] =	ssyncset.done $0x0  }
0x20a: {  	s15 =	simm.s32 $0x690;
	[sflag:s26] =	ssyncadd.s32 $0xFFFFE3E0  }
0x20b: {  	[spmem:s2] =	stream.indirect.scatter.add.f32 [tilespmem:s16], [sflag:$0x7], $0x90, s15, s14, $0xb8;
	[tilespmem:$0x1E140] =	vst v63  }
0x20c: {  	_ =	swait.ge [sflag:s29], $0x1C20  }
0x20d: {  	[sflag:s29] =	ssyncset.done $0x0  }
0x20e: {  	s19 =	simm.s32 $0x2D8;
	[sflag:s29] =	ssyncadd.s32 $0xFFFFE3E0  }
0x20f: {  	[tilespmem:s23], [sflag:$0x2] =	stream.indirect.gather [hbm4b:s4+s14], $0x90, s19, s14, $0xb8;
	[tilespmem:$0x1E140] =	vst v63  }
0x210: {  	_ =	swait.ge [sflag:s31], $0x1C20  }
0x211: {  	[sflag:s31] =	ssyncset.done $0x0  }
0x212: {  	s22 =	simm.s32 $0x6C8;
	[sflag:s31] =	ssyncadd.s32 $0xFFFFE3E0  }
0x213: {  	[spmem:s2] =	stream.indirect.scatter.add.f32 [tilespmem:s20], [sflag:$0x8], $0x90, s22, s14, $0xb8;
	[tilespmem:$0x1E140] =	vst v63  }
0x214: {  	_ =	swait.ge [sflag:s0], $0x1C20  }
0x215: {  	[sflag:s0] =	ssyncset.done $0x0  }
0x216: {  	s25 =	simm.s32 $0x310;
	[sflag:s0] =	ssyncadd.s32 $0xFFFFE3E0  }
0x217: {  	[tilespmem:s16], [sflag:$0x3] =	stream.indirect.gather [hbm4b:s4+s14], $0x90, s25, s14, $0xb8;
	[tilespmem:$0x1E140] =	vst v63  }
0x218: {  	_ =	swait.ge [sflag:s17], $0x1C20  }
0x219: {  	[sflag:s17] =	ssyncset.done $0x0  }
0x21a: {  	s11 =	simm.s32 $0x700;
	[sflag:s17] =	ssyncadd.s32 $0xFFFFE3E0  }
0x21b: {  	[spmem:s2] =	stream.indirect.scatter.add.f32 [tilespmem:s18], [sflag:$0x5], $0x90, s11, s14, $0xb8;
	[tilespmem:$0x1E140] =	vst v63  }
0x21c: {  	_ =	swait.ge [sflag:s9], $0x1C20  }
0x21d: {  	[sflag:s9] =	ssyncset.done $0x0  }
0x21e: {  	s15 =	simm.s32 $0x348;
	[sflag:s9] =	ssyncadd.s32 $0xFFFFE3E0  }
0x21f: {  	[tilespmem:s20], [sflag:$0x4] =	stream.indirect.gather [hbm4b:s4+s14], $0x90, s15, s14, $0xb8;
	[tilespmem:$0x1E140] =	vst v63  }
0x220: {  	_ =	swait.ge [sflag:s21], $0x1C20  }
0x221: {  	[sflag:s21] =	ssyncset.done $0x0  }
0x222: {  	s19 =	simm.s32 $0x738;
	[sflag:s21] =	ssyncadd.s32 $0xFFFFE3E0  }
0x223: {  	[spmem:s2] =	stream.indirect.scatter.add.f32 [tilespmem:s23], [sflag:$0x6], $0x90, s19, s14, $0xb8;
	[tilespmem:$0x1E140] =	vst v63  }
0x224: {  	_ =	swait.ge [sflag:s24], $0x1C20  }
0x225: {  	[sflag:s24] =	ssyncset.done $0x0  }
0x226: {  	s22 =	simm.s32 $0x380;
	[sflag:s24] =	ssyncadd.s32 $0xFFFFE3E0  }
0x227: {  	[tilespmem:s18], [sflag:$0x1] =	stream.indirect.gather [hbm4b:s4+s14], $0x90, s22, s14, $0xb8;
	[tilespmem:$0x1E140] =	vst v63  }
0x228: {  	_ =	swait.ge [sflag:s26], $0x1C20  }
0x229: {  	[sflag:s26] =	ssyncset.done $0x0  }
0x22a: {  	s25 =	simm.s32 $0x770;
	[sflag:s26] =	ssyncadd.s32 $0xFFFFE3E0  }
0x22b: {  	[spmem:s2] =	stream.indirect.scatter.add.f32 [tilespmem:s16], [sflag:$0x7], $0x90, s25, s14, $0xb8;
	[tilespmem:$0x1E140] =	vst v63  }
0x22c: {  	_ =	swait.ge [sflag:s29], $0x1C20  }
0x22d: {  	[sflag:s29] =	ssyncset.done $0x0  }
0x22e: {  	[sflag:s29] =	ssyncadd.s32 $0xFFFFE3E0  }
0x22f: {  	[tilespmem:s23], [sflag:$0x2] =	stream.indirect.gather [hbm4b:s4+s14], $0x90, s10, s14, $0xb8;
	[tilespmem:$0x1E140] =	vst v63  }
0x230: {  	_ =	swait.ge [sflag:s31], $0x1C20  }
0x231: {  	[sflag:s31] =	ssyncset.done $0x0  }
0x232: {  	[sflag:s31] =	ssyncadd.s32 $0xFFFFE3E0  }
0x233: {  	[spmem:s2] =	stream.indirect.scatter.add.f32 [tilespmem:s20], [sflag:$0x8], $0x90, s5, s14, $0xb8;
	[tilespmem:$0x1E140] =	vst v63  }
0x234: {  	_ =	swait.ge [sflag:s0], $0x1C20  }
0x235: {  	[sflag:s0] =	ssyncset.done $0x0  }
0x236: {  	[sflag:s0] =	ssyncadd.s32 $0xFFFFE3E0  }
0x237: {  	[tilespmem:s16], [sflag:$0x3] =	stream.indirect.gather [hbm4b:s4+s14], $0x90, s28, s14, $0xb8;
	[tilespmem:$0x1E140] =	vst v63  }
0x238: {  	_ =	swait.ge [sflag:s17], $0x1C20  }
0x239: {  	[sflag:s17] =	ssyncset.done $0x0  }
0x23a: {  	[sflag:s17] =	ssyncadd.s32 $0xFFFFE3E0  }
0x23b: {  	[spmem:s2] =	stream.indirect.scatter.add.f32 [tilespmem:s18], [sflag:$0x5], $0x90, s30, s14, $0xb8;
	[tilespmem:$0x1E140] =	vst v63  }
0x23c: {  	_ =	swait.ge [sflag:s9], $0x1C20  }
0x23d: {  	[sflag:s9] =	ssyncset.done $0x0  }
0x23e: {  	[sflag:s9] =	ssyncadd.s32 $0xFFFFE3E0  }
0x23f: {  	[tilespmem:s20], [sflag:$0x4] =	stream.indirect.gather [hbm4b:s4+s14], $0x90, s1, s14, $0xb8;
	[tilespmem:$0x1E140] =	vst v63  }
0x240: {  	_ =	swait.ge [sflag:s21], $0x1C20  }
0x241: {  	[sflag:s21] =	ssyncset.done $0x0  }
0x242: {  	[sflag:s21] =	ssyncadd.s32 $0xFFFFE3E0  }
0x243: {  	[spmem:s2] =	stream.indirect.scatter.add.f32 [tilespmem:s23], [sflag:$0x6], $0x90, s7, s14, $0xb8;
	[tilespmem:$0x1E140] =	vst v63  }
0x244: {  	_ =	swait.ge [sflag:s26], $0x1C20  }
0x245: {  	[sflag:s26] =	ssyncset.done $0x0  }
0x246: {  	[sflag:s26] =	ssyncadd.s32 $0xFFFFE3E0  }
0x247: {  	[spmem:s2] =	stream.indirect.scatter.add.f32 [tilespmem:s16], [sflag:$0x7], $0x90, s8, s14, $0xb8;
	[tilespmem:$0x1E140] =	vst v63  }
0x248: {  	s6 =	simm.s32 $0x8C;
	_ =	swait.ge [sflag:s31], $0x1C20  }
.LBB2_4:
0x249: {  	s15 =	rddreg [dreg:$0x7];
	[sflag:s31] =	ssyncset.done $0x0  }
0x24a: {  	s11 =	smov.u32 s6;
	s19 =	simm.s32 $0x888;
	[sflag:s31] =	ssyncadd.s32 $0xFFFFE3E0  }
0x24b: {  	[spmem:s2] =	stream.indirect.scatter.add.f32 [tilespmem:s20], [sflag:$0x8], $0x90, s19, s14, $0xb8;
	[tilespmem:$0x1E140] =	vst v63  }
0x24c: {  	s15 =	sadd.s32 s11, s15  }
0x24d: {  	[tilespmem:s3], [sflag:$0x9] =	stream.linear.gather [hbm4b:s15+s3], $0x460, $0x38;
	[tilespmem:$0x1E140] =	vst v63  }
0x24e: {  	_ =	swait.ge [sflag:s12], $0x460  }
0x24f: {  	s25 =	rddreg [dreg:$0x6];
	[sflag:s12] =	ssyncset.done $0x0  }
0x250: {  	[sflag:s12] =	ssyncadd.s32 $0xFFFFFBA0;
	s15 =	sadd.s32 s11, s25  }
0x251: {  	[tilespmem:s13], [sflag:$0x9] =	stream.linear.gather [hbm4b:s15+s3], $0x460, $0x38;
	[tilespmem:$0x1E140] =	vst v63  }
0x252: {  	_ =	swait.ge [sflag:s12], $0x460  }
0x253: {  	p1 =	sne.s32 s11, $0x0;
	[sflag:s12] =	ssyncset.done $0x0  }
0x254: {  	s15 =	simm.s32 @p1 $0x5;
	[sflag:s12] =	ssyncadd.s32 $0xFFFFFBA0  }
0x255: {  	_ =	swait.ge @p1 [sflag:s15], $0x1C20  }
0x256: {  	s19 =	simm.s32 @p1 $0x8C0;
	s22 =	simm.s32 @p1 $0x6;
	[sflag:s15] =	ssyncset.done @p1 $0x0  }
0x257: {  	s25 =	simm.s32 @p1 $0x0;
	[sflag:s15] =	ssyncadd.s32 @p1 $0xFFFFE3E0;
	s15 =	simm.s32 @p1 $0x32  }
0x258: {  	[tilespmem:s19], [sflag:$0x1] =	stream.indirect.gather @p1 [hbm4b:s4+s15], $0x90, s25, s15, $0xb8;
	[tilespmem:$0x1E140] =	vst v63  }
0x259: {  	_ =	swait.ge @p1 [sflag:s22], $0x1C20  }
0x25a: {  	s19 =	simm.s32 @p1 $0x7;
	[sflag:s22] =	ssyncset.done @p1 $0x0  }
0x25b: {  	s25 =	simm.s32 @p1 $0x24E0;
	[sflag:s22] =	ssyncadd.s32 @p1 $0xFFFFE3E0;
	s22 =	simm.s32 @p1 $0x38  }
0x25c: {  	[tilespmem:s25], [sflag:$0x2] =	stream.indirect.gather @p1 [hbm4b:s4+s15], $0x90, s22, s15, $0xb8;
	[tilespmem:$0x1E140] =	vst v63  }
0x25d: {  	_ =	swait.ge @p1 [sflag:s19], $0x1C20  }
0x25e: {  	s15 =	simm.s32 @!p1 $0x8C0;
	[sflag:s19] =	ssyncset.done @p1 $0x0  }
0x25f: {  	s22 =	simm.s32 @!p1 $0x0;
	[sflag:s19] =	ssyncadd.s32 @p1 $0xFFFFE3E0;
	s19 =	simm.s32 @!p1 $0x32  }
0x260: {  	[tilespmem:s15], [sflag:$0x1] =	stream.indirect.gather @!p1 [hbm4b:s4+s19], $0x90, s22, s19, $0xb8;
	[tilespmem:$0x1E140] =	vst v63  }
0x261: {  	s15 =	simm.s32 @!p1 $0x38;
	s22 =	simm.s32 @!p1 $0x24E0  }
0x262: {  	[tilespmem:s22], [sflag:$0x2] =	stream.indirect.gather @!p1 [hbm4b:s4+s19], $0x90, s15, s19, $0xb8;
	[tilespmem:$0x1E140] =	vst v63  }
0x263: {  	s19 =	simm.s32 $0x70  }
0x264: {  	[tilespmem:s16], [sflag:$0x3] =	stream.indirect.gather [hbm4b:s4+s14], $0x90, s19, s14, $0xb8;
	[tilespmem:$0x1E140] =	vst v63  }
0x265: {  	_ =	swait.ge [sflag:s17], $0x1C20  }
0x266: {  	p1 =	seq.s32 s11, $0x0;
	[sflag:s17] =	ssyncset.done $0x0  }
0x267: {  	s11 =	simm.s32 @!p1 $0x8;
	[sflag:s17] =	ssyncadd.s32 $0xFFFFE3E0  }
0x268: {  	[spmem:s2] =	stream.indirect.scatter.add.f32 [tilespmem:s18], [sflag:$0x5], $0x90, s13, s14, $0xb8;
	[tilespmem:$0x1E140] =	vst v63  }
0x269: {  	_ =	swait.ge @!p1 [sflag:s11], $0x1C20  }
0x26a: {  	[sflag:s11] =	ssyncset.done @!p1 $0x0  }
0x26b: {  	s22 =	simm.s32 $0xA8;
	[sflag:s11] =	ssyncadd.s32 @!p1 $0xFFFFE3E0  }
0x26c: {  	[tilespmem:s20], [sflag:$0x4] =	stream.indirect.gather [hbm4b:s4+s14], $0x90, s22, s14, $0xb8;
	[tilespmem:$0x1E140] =	vst v63  }
0x26d: {  	_ =	swait.ge [sflag:s21], $0x1C20  }
0x26e: {  	[sflag:s21] =	ssyncset.done $0x0  }
0x26f: {  	s25 =	simm.s32 $0x498;
	[sflag:s21] =	ssyncadd.s32 $0xFFFFE3E0  }
0x270: {  	[spmem:s2] =	stream.indirect.scatter.add.f32 [tilespmem:s23], [sflag:$0x6], $0x90, s25, s14, $0xb8;
	[tilespmem:$0x1E140] =	vst v63  }
0x271: {  	_ =	swait.ge [sflag:s24], $0x1C20  }
0x272: {  	[sflag:s24] =	ssyncset.done $0x0  }
0x273: {  	s15 =	simm.s32 $0xE0;
	[sflag:s24] =	ssyncadd.s32 $0xFFFFE3E0  }
0x274: {  	[tilespmem:s18], [sflag:$0x1] =	stream.indirect.gather [hbm4b:s4+s14], $0x90, s15, s14, $0xb8;
	[tilespmem:$0x1E140] =	vst v63  }
0x275: {  	_ =	swait.ge [sflag:s26], $0x1C20  }
0x276: {  	[sflag:s26] =	ssyncset.done $0x0  }
0x277: {  	s15 =	simm.s32 $0x4D0;
	[sflag:s26] =	ssyncadd.s32 $0xFFFFE3E0  }
0x278: {  	[spmem:s2] =	stream.indirect.scatter.add.f32 [tilespmem:s16], [sflag:$0x7], $0x90, s15, s14, $0xb8;
	[tilespmem:$0x1E140] =	vst v63  }
0x279: {  	_ =	swait.ge [sflag:s29], $0x1C20  }
0x27a: {  	[sflag:s29] =	ssyncset.done $0x0  }
0x27b: {  	s15 =	simm.s32 $0x118;
	[sflag:s29] =	ssyncadd.s32 $0xFFFFE3E0  }
0x27c: {  	[tilespmem:s23], [sflag:$0x2] =	stream.indirect.gather [hbm4b:s4+s14], $0x90, s15, s14, $0xb8;
	[tilespmem:$0x1E140] =	vst v63  }
0x27d: {  	_ =	swait.ge [sflag:s31], $0x1C20  }
0x27e: {  	[sflag:s31] =	ssyncset.done $0x0  }
0x27f: {  	s15 =	simm.s32 $0x508;
	[sflag:s31] =	ssyncadd.s32 $0xFFFFE3E0  }
0x280: {  	[spmem:s2] =	stream.indirect.scatter.add.f32 [tilespmem:s20], [sflag:$0x8], $0x90, s15, s14, $0xb8;
	[tilespmem:$0x1E140] =	vst v63  }
0x281: {  	_ =	swait.ge [sflag:s0], $0x1C20  }
0x282: {  	[sflag:s0] =	ssyncset.done $0x0  }
0x283: {  	s15 =	simm.s32 $0x150;
	[sflag:s0] =	ssyncadd.s32 $0xFFFFE3E0  }
0x284: {  	[tilespmem:s16], [sflag:$0x3] =	stream.indirect.gather [hbm4b:s4+s14], $0x90, s15, s14, $0xb8;
	[tilespmem:$0x1E140] =	vst v63  }
0x285: {  	_ =	swait.ge [sflag:s17], $0x1C20  }
0x286: {  	[sflag:s17] =	ssyncset.done $0x0  }
0x287: {  	s15 =	simm.s32 $0x540;
	[sflag:s17] =	ssyncadd.s32 $0xFFFFE3E0  }
0x288: {  	[spmem:s2] =	stream.indirect.scatter.add.f32 [tilespmem:s18], [sflag:$0x5], $0x90, s15, s14, $0xb8;
	[tilespmem:$0x1E140] =	vst v63  }
0x289: {  	_ =	swait.ge [sflag:s9], $0x1C20  }
0x28a: {  	[sflag:s9] =	ssyncset.done $0x0  }
0x28b: {  	s15 =	simm.s32 $0x188;
	[sflag:s9] =	ssyncadd.s32 $0xFFFFE3E0  }
0x28c: {  	[tilespmem:s20], [sflag:$0x4] =	stream.indirect.gather [hbm4b:s4+s14], $0x90, s15, s14, $0xb8;
	[tilespmem:$0x1E140] =	vst v63  }
0x28d: {  	_ =	swait.ge [sflag:s21], $0x1C20  }
0x28e: {  	[sflag:s21] =	ssyncset.done $0x0  }
0x28f: {  	s15 =	simm.s32 $0x578;
	[sflag:s21] =	ssyncadd.s32 $0xFFFFE3E0  }
0x290: {  	[spmem:s2] =	stream.indirect.scatter.add.f32 [tilespmem:s23], [sflag:$0x6], $0x90, s15, s14, $0xb8;
	[tilespmem:$0x1E140] =	vst v63  }
0x291: {  	_ =	swait.ge [sflag:s24], $0x1C20  }
0x292: {  	[sflag:s24] =	ssyncset.done $0x0  }
0x293: {  	s15 =	simm.s32 $0x1C0;
	[sflag:s24] =	ssyncadd.s32 $0xFFFFE3E0  }
0x294: {  	[tilespmem:s18], [sflag:$0x1] =	stream.indirect.gather [hbm4b:s4+s14], $0x90, s15, s14, $0xb8;
	[tilespmem:$0x1E140] =	vst v63  }
0x295: {  	_ =	swait.ge [sflag:s26], $0x1C20  }
0x296: {  	[sflag:s26] =	ssyncset.done $0x0  }
0x297: {  	s15 =	simm.s32 $0x5B0;
	[sflag:s26] =	ssyncadd.s32 $0xFFFFE3E0  }
0x298: {  	[spmem:s2] =	stream.indirect.scatter.add.f32 [tilespmem:s16], [sflag:$0x7], $0x90, s15, s14, $0xb8;
	[tilespmem:$0x1E140] =	vst v63  }
0x299: {  	_ =	swait.ge [sflag:s29], $0x1C20  }
0x29a: {  	[sflag:s29] =	ssyncset.done $0x0  }
0x29b: {  	s15 =	simm.s32 $0x1F8;
	[sflag:s29] =	ssyncadd.s32 $0xFFFFE3E0  }
0x29c: {  	[tilespmem:s23], [sflag:$0x2] =	stream.indirect.gather [hbm4b:s4+s14], $0x90, s15, s14, $0xb8;
	[tilespmem:$0x1E140] =	vst v63  }
0x29d: {  	_ =	swait.ge [sflag:s31], $0x1C20  }
0x29e: {  	[sflag:s31] =	ssyncset.done $0x0  }
0x29f: {  	s15 =	simm.s32 $0x5E8;
	[sflag:s31] =	ssyncadd.s32 $0xFFFFE3E0  }
0x2a0: {  	[spmem:s2] =	stream.indirect.scatter.add.f32 [tilespmem:s20], [sflag:$0x8], $0x90, s15, s14, $0xb8;
	[tilespmem:$0x1E140] =	vst v63  }
0x2a1: {  	_ =	swait.ge [sflag:s0], $0x1C20  }
0x2a2: {  	[sflag:s0] =	ssyncset.done $0x0  }
0x2a3: {  	s15 =	simm.s32 $0x230;
	[sflag:s0] =	ssyncadd.s32 $0xFFFFE3E0  }
0x2a4: {  	[tilespmem:s16], [sflag:$0x3] =	stream.indirect.gather [hbm4b:s4+s14], $0x90, s15, s14, $0xb8;
	[tilespmem:$0x1E140] =	vst v63  }
0x2a5: {  	_ =	swait.ge [sflag:s17], $0x1C20  }
0x2a6: {  	[sflag:s17] =	ssyncset.done $0x0  }
0x2a7: {  	s15 =	simm.s32 $0x620;
	[sflag:s17] =	ssyncadd.s32 $0xFFFFE3E0  }
0x2a8: {  	[spmem:s2] =	stream.indirect.scatter.add.f32 [tilespmem:s18], [sflag:$0x5], $0x90, s15, s14, $0xb8;
	[tilespmem:$0x1E140] =	vst v63  }
0x2a9: {  	_ =	swait.ge [sflag:s9], $0x1C20  }
0x2aa: {  	[sflag:s9] =	ssyncset.done $0x0  }
0x2ab: {  	s15 =	simm.s32 $0x268;
	[sflag:s9] =	ssyncadd.s32 $0xFFFFE3E0  }
0x2ac: {  	[tilespmem:s20], [sflag:$0x4] =	stream.indirect.gather [hbm4b:s4+s14], $0x90, s15, s14, $0xb8;
	[tilespmem:$0x1E140] =	vst v63  }
0x2ad: {  	_ =	swait.ge [sflag:s21], $0x1C20  }
0x2ae: {  	[sflag:s21] =	ssyncset.done $0x0  }
0x2af: {  	s15 =	simm.s32 $0x658;
	[sflag:s21] =	ssyncadd.s32 $0xFFFFE3E0  }
0x2b0: {  	[spmem:s2] =	stream.indirect.scatter.add.f32 [tilespmem:s23], [sflag:$0x6], $0x90, s15, s14, $0xb8;
	[tilespmem:$0x1E140] =	vst v63  }
0x2b1: {  	_ =	swait.ge [sflag:s24], $0x1C20  }
0x2b2: {  	[sflag:s24] =	ssyncset.done $0x0  }
0x2b3: {  	s15 =	simm.s32 $0x2A0;
	[sflag:s24] =	ssyncadd.s32 $0xFFFFE3E0  }
0x2b4: {  	[tilespmem:s18], [sflag:$0x1] =	stream.indirect.gather [hbm4b:s4+s14], $0x90, s15, s14, $0xb8;
	[tilespmem:$0x1E140] =	vst v63  }
0x2b5: {  	_ =	swait.ge [sflag:s26], $0x1C20  }
0x2b6: {  	[sflag:s26] =	ssyncset.done $0x0  }
0x2b7: {  	s15 =	simm.s32 $0x690;
	[sflag:s26] =	ssyncadd.s32 $0xFFFFE3E0  }
0x2b8: {  	[spmem:s2] =	stream.indirect.scatter.add.f32 [tilespmem:s16], [sflag:$0x7], $0x90, s15, s14, $0xb8;
	[tilespmem:$0x1E140] =	vst v63  }
0x2b9: {  	_ =	swait.ge [sflag:s29], $0x1C20  }
0x2ba: {  	[sflag:s29] =	ssyncset.done $0x0  }
0x2bb: {  	s15 =	simm.s32 $0x2D8;
	[sflag:s29] =	ssyncadd.s32 $0xFFFFE3E0  }
0x2bc: {  	[tilespmem:s23], [sflag:$0x2] =	stream.indirect.gather [hbm4b:s4+s14], $0x90, s15, s14, $0xb8;
	[tilespmem:$0x1E140] =	vst v63  }
0x2bd: {  	_ =	swait.ge [sflag:s31], $0x1C20  }
0x2be: {  	[sflag:s31] =	ssyncset.done $0x0  }
0x2bf: {  	s15 =	simm.s32 $0x6C8;
	[sflag:s31] =	ssyncadd.s32 $0xFFFFE3E0  }
0x2c0: {  	[spmem:s2] =	stream.indirect.scatter.add.f32 [tilespmem:s20], [sflag:$0x8], $0x90, s15, s14, $0xb8;
	[tilespmem:$0x1E140] =	vst v63  }
0x2c1: {  	_ =	swait.ge [sflag:s0], $0x1C20  }
0x2c2: {  	[sflag:s0] =	ssyncset.done $0x0  }
0x2c3: {  	s15 =	simm.s32 $0x310;
	[sflag:s0] =	ssyncadd.s32 $0xFFFFE3E0  }
0x2c4: {  	[tilespmem:s16], [sflag:$0x3] =	stream.indirect.gather [hbm4b:s4+s14], $0x90, s15, s14, $0xb8;
	[tilespmem:$0x1E140] =	vst v63  }
0x2c5: {  	_ =	swait.ge [sflag:s17], $0x1C20  }
0x2c6: {  	[sflag:s17] =	ssyncset.done $0x0  }
0x2c7: {  	s15 =	simm.s32 $0x700;
	[sflag:s17] =	ssyncadd.s32 $0xFFFFE3E0  }
0x2c8: {  	[spmem:s2] =	stream.indirect.scatter.add.f32 [tilespmem:s18], [sflag:$0x5], $0x90, s15, s14, $0xb8;
	[tilespmem:$0x1E140] =	vst v63  }
0x2c9: {  	_ =	swait.ge [sflag:s9], $0x1C20  }
0x2ca: {  	[sflag:s9] =	ssyncset.done $0x0  }
0x2cb: {  	s15 =	simm.s32 $0x348;
	[sflag:s9] =	ssyncadd.s32 $0xFFFFE3E0  }
0x2cc: {  	[tilespmem:s20], [sflag:$0x4] =	stream.indirect.gather [hbm4b:s4+s14], $0x90, s15, s14, $0xb8;
	[tilespmem:$0x1E140] =	vst v63  }
0x2cd: {  	_ =	swait.ge [sflag:s21], $0x1C20  }
0x2ce: {  	[sflag:s21] =	ssyncset.done $0x0  }
0x2cf: {  	s15 =	simm.s32 $0x738;
	[sflag:s21] =	ssyncadd.s32 $0xFFFFE3E0  }
0x2d0: {  	[spmem:s2] =	stream.indirect.scatter.add.f32 [tilespmem:s23], [sflag:$0x6], $0x90, s15, s14, $0xb8;
	[tilespmem:$0x1E140] =	vst v63  }
0x2d1: {  	_ =	swait.ge [sflag:s24], $0x1C20  }
0x2d2: {  	[sflag:s24] =	ssyncset.done $0x0  }
0x2d3: {  	s15 =	simm.s32 $0x380;
	[sflag:s24] =	ssyncadd.s32 $0xFFFFE3E0  }
0x2d4: {  	[tilespmem:s18], [sflag:$0x1] =	stream.indirect.gather [hbm4b:s4+s14], $0x90, s15, s14, $0xb8;
	[tilespmem:$0x1E140] =	vst v63  }
0x2d5: {  	_ =	swait.ge [sflag:s26], $0x1C20  }
0x2d6: {  	[sflag:s26] =	ssyncset.done $0x0  }
0x2d7: {  	s15 =	simm.s32 $0x770;
	[sflag:s26] =	ssyncadd.s32 $0xFFFFE3E0  }
0x2d8: {  	[spmem:s2] =	stream.indirect.scatter.add.f32 [tilespmem:s16], [sflag:$0x7], $0x90, s15, s14, $0xb8;
	[tilespmem:$0x1E140] =	vst v63  }
0x2d9: {  	_ =	swait.ge [sflag:s29], $0x1C20  }
0x2da: {  	[sflag:s29] =	ssyncset.done $0x0  }
0x2db: {  	[sflag:s29] =	ssyncadd.s32 $0xFFFFE3E0  }
0x2dc: {  	[tilespmem:s23], [sflag:$0x2] =	stream.indirect.gather [hbm4b:s4+s14], $0x90, s10, s14, $0xb8;
	[tilespmem:$0x1E140] =	vst v63  }
0x2dd: {  	_ =	swait.ge [sflag:s31], $0x1C20  }
0x2de: {  	[sflag:s31] =	ssyncset.done $0x0  }
0x2df: {  	[sflag:s31] =	ssyncadd.s32 $0xFFFFE3E0  }
0x2e0: {  	[spmem:s2] =	stream.indirect.scatter.add.f32 [tilespmem:s20], [sflag:$0x8], $0x90, s5, s14, $0xb8;
	[tilespmem:$0x1E140] =	vst v63  }
0x2e1: {  	_ =	swait.ge [sflag:s0], $0x1C20  }
0x2e2: {  	[sflag:s0] =	ssyncset.done $0x0  }
0x2e3: {  	[sflag:s0] =	ssyncadd.s32 $0xFFFFE3E0  }
0x2e4: {  	[tilespmem:s16], [sflag:$0x3] =	stream.indirect.gather [hbm4b:s4+s14], $0x90, s28, s14, $0xb8;
	[tilespmem:$0x1E140] =	vst v63  }
0x2e5: {  	_ =	swait.ge [sflag:s17], $0x1C20  }
0x2e6: {  	[sflag:s17] =	ssyncset.done $0x0  }
0x2e7: {  	[sflag:s17] =	ssyncadd.s32 $0xFFFFE3E0  }
0x2e8: {  	[spmem:s2] =	stream.indirect.scatter.add.f32 [tilespmem:s18], [sflag:$0x5], $0x90, s30, s14, $0xb8;
	[tilespmem:$0x1E140] =	vst v63  }
0x2e9: {  	_ =	swait.ge [sflag:s9], $0x1C20  }
0x2ea: {  	[sflag:s9] =	ssyncset.done $0x0  }
0x2eb: {  	[sflag:s9] =	ssyncadd.s32 $0xFFFFE3E0  }
0x2ec: {  	[tilespmem:s20], [sflag:$0x4] =	stream.indirect.gather [hbm4b:s4+s14], $0x90, s1, s14, $0xb8;
	[tilespmem:$0x1E140] =	vst v63  }
0x2ed: {  	_ =	swait.ge [sflag:s21], $0x1C20  }
0x2ee: {  	s6 =	sadd.s32 $0x8C, s6;
	[sflag:s21] =	ssyncset.done $0x0  }
0x2ef: {  	p0 =	sne.s32 s6, $0x2BC;
	[sflag:s21] =	ssyncadd.s32 $0xFFFFE3E0  }
0x2f0: {  	[spmem:s2] =	stream.indirect.scatter.add.f32 [tilespmem:s23], [sflag:$0x6], $0x90, s7, s14, $0xb8;
	[tilespmem:$0x1E140] =	vst v63  }
.Ltmp1:
0x2f1: {  	_ =	swait.ge [sflag:s26], $0x1C20;
	(pc) =	sbr.rel @p0 .LBB2_4-.Ltmp1, $4  }
0x2f2: {  	[sflag:s26] =	ssyncset.done $0x0  }
0x2f3: {  	[sflag:s26] =	ssyncadd.s32 $0xFFFFE3E0  }
0x2f4: {  	[spmem:s2] =	stream.indirect.scatter.add.f32 [tilespmem:s16], [sflag:$0x7], $0x90, s8, s14, $0xb8;
	[tilespmem:$0x1E140] =	vst v63  }
0x2f5: {  	_ =	swait.ge [sflag:s31], $0x1C20  }
0x2f6: {  	[sflag:s31] =	ssyncset.done $0x0  }
0x2f7: {  	s6 =	simm.s32 $0x888;
	[sflag:s31] =	ssyncadd.s32 $0xFFFFE3E0  }
0x2f8: {  	[spmem:s2] =	stream.indirect.scatter.add.f32 [tilespmem:s20], [sflag:$0x8], $0x90, s6, s14, $0xb8;
	[tilespmem:$0x1E140] =	vst v63  }
0x2f9: {  	_ =	swait.ge [sflag:s24], $0x1C20  }
0x2fa: {  	[sflag:s24] =	ssyncset.done $0x0  }
0x2fb: {  	[sflag:s24] =	ssyncadd.s32 $0xFFFFE3E0  }
0x2fc: {  	_ =	swait.ge [sflag:s29], $0x1C20  }
0x2fd: {  	[sflag:s29] =	ssyncset.done $0x0  }
0x2fe: {  	[sflag:s29] =	ssyncadd.s32 $0xFFFFE3E0  }
0x2ff: {  	_ =	swait.ge [sflag:s0], $0x1C20  }
0x300: {  	[sflag:s0] =	ssyncset.done $0x0  }
0x301: {  	[sflag:s0] =	ssyncadd.s32 $0xFFFFE3E0  }
0x302: {  	_ =	swait.ge [sflag:s9], $0x1C20  }
0x303: {  	[sflag:s9] =	ssyncset.done $0x0  }
0x304: {  	[sflag:s9] =	ssyncadd.s32 $0xFFFFE3E0  }
0x305: {  	[bflag:$0x0] =	sbarrier.arrive $0xFFFF  }
0x306: {  	s11 =	rddreg [dreg:$0xb]  }
0x307: {  	s6 =	rddreg [dreg:$0xd]  }
0x308: {  	s15 =	rddreg [dreg:$0x10]  }
0x309: {  	[hbm:s6], [sflag:s11] =	dma.local [spmem:s15], $0x2D00  }
0x30a: {  	_ =	swait.ge [sflag:s12], $0x2D00  }
0x30b: {  	[sflag:s12] =	ssyncset.done $0x0  }
0x30c: {  	[sflag:s12] =	ssyncadd.s32 $0xFFFFD300  }
0x30d: {  	[bflag:$0x0] =	sbarrier.arrive $0xFFFF  }
0x30e: {  	s6 =	rddreg [dreg:$0xa]  }
0x30f: {  	[spmem:s15], [sflag:s11] =	dma.local [hbm:s6], $0x2D00  }
0x310: {  	_ =	swait.ge [sflag:s12], $0x2D00  }
0x311: {  	[sflag:s12] =	ssyncset.done $0x0  }
0x312: {  	[sflag:s12] =	ssyncadd.s32 $0xFFFFD300  }
0x313: {  	[bflag:$0x0] =	sbarrier.arrive $0xFFFF  }
0x314: {  	s11 =	rddreg [dreg:$0x9]  }
0x315: {  	s6 =	sadd.s32 $0x0, s11  }
0x316: {  	[tilespmem:s3], [sflag:$0x9] =	stream.linear.gather [hbm4b:s6+s3], $0x460, $0x38;
	[tilespmem:$0x1E140] =	vst v63  }
0x317: {  	_ =	swait.ge [sflag:s12], $0x460  }
0x318: {  	s15 =	rddreg [dreg:$0x8];
	[sflag:s12] =	ssyncset.done $0x0  }
0x319: {  	[sflag:s12] =	ssyncadd.s32 $0xFFFFFBA0;
	s6 =	sadd.s32 $0x0, s15  }
0x31a: {  	[tilespmem:s13], [sflag:$0x9] =	stream.linear.gather [hbm4b:s6+s3], $0x460, $0x38;
	[tilespmem:$0x1E140] =	vst v63  }
0x31b: {  	_ =	swait.ge [sflag:s12], $0x460  }
0x31c: {  	p0 =	por $0x0, $0x0;
	[sflag:s12] =	ssyncset.done $0x0  }
0x31d: {  	s6 =	simm.s32 @p0 $0x5;
	[sflag:s12] =	ssyncadd.s32 $0xFFFFFBA0  }
0x31e: {  	_ =	swait.ge @p0 [sflag:s6], $0x1C20  }
0x31f: {  	s11 =	simm.s32 @p0 $0x8C0;
	[sflag:s6] =	ssyncset.done @p0 $0x0  }
0x320: {  	s15 =	simm.s32 @p0 $0x0;
	[sflag:s6] =	ssyncadd.s32 @p0 $0xFFFFE3E0;
	s6 =	simm.s32 @p0 $0x32  }
0x321: {  	[tilespmem:s11], [sflag:$0x1] =	stream.indirect.gather @p0 [hbm4b:s4+s6], $0x90, s15, s6, $0xb8;
	[tilespmem:$0x1E140] =	vst v63  }
0x322: {  	s11 =	simm.s32 @p0 $0x6  }
0x323: {  	_ =	swait.ge @p0 [sflag:s11], $0x1C20  }
0x324: {  	[sflag:s11] =	ssyncset.done @p0 $0x0  }
0x325: {  	s15 =	simm.s32 @p0 $0x24E0;
	[sflag:s11] =	ssyncadd.s32 @p0 $0xFFFFE3E0;
	s11 =	simm.s32 @p0 $0x38  }
0x326: {  	[tilespmem:s15], [sflag:$0x2] =	stream.indirect.gather @p0 [hbm4b:s4+s6], $0x90, s11, s6, $0xb8;
	[tilespmem:$0x1E140] =	vst v63  }
0x327: {  	s6 =	simm.s32 @p0 $0x7  }
0x328: {  	_ =	swait.ge @p0 [sflag:s6], $0x1C20  }
0x329: {  	s11 =	simm.s32 @!p0 $0x8C0;
	[sflag:s6] =	ssyncset.done @p0 $0x0  }
0x32a: {  	s15 =	simm.s32 @!p0 $0x0;
	[sflag:s6] =	ssyncadd.s32 @p0 $0xFFFFE3E0;
	s6 =	simm.s32 @!p0 $0x32  }
0x32b: {  	[tilespmem:s11], [sflag:$0x1] =	stream.indirect.gather @!p0 [hbm4b:s4+s6], $0x90, s15, s6, $0xb8;
	[tilespmem:$0x1E140] =	vst v63  }
0x32c: {  	s11 =	simm.s32 @!p0 $0x38;
	s15 =	simm.s32 @!p0 $0x24E0  }
0x32d: {  	[tilespmem:s15], [sflag:$0x2] =	stream.indirect.gather @!p0 [hbm4b:s4+s6], $0x90, s11, s6, $0xb8;
	[tilespmem:$0x1E140] =	vst v63  }
0x32e: {  	_ = 	snop  }
0x32f: {  	[tilespmem:s16], [sflag:$0x3] =	stream.indirect.gather [hbm4b:s4+s14], $0x90, s19, s14, $0xb8;
	[tilespmem:$0x1E140] =	vst v63  }
0x330: {  	_ =	swait.ge [sflag:s17], $0x1C20  }
0x331: {  	p0 =	por $0x1, $0x1;
	[sflag:s17] =	ssyncset.done $0x0  }
0x332: {  	s6 =	simm.s32 @!p0 $0x8;
	[sflag:s17] =	ssyncadd.s32 $0xFFFFE3E0  }
0x333: {  	[spmem:s2] =	stream.indirect.scatter.add.f32 [tilespmem:s18], [sflag:$0x5], $0x90, s13, s14, $0xb8;
	[tilespmem:$0x1E140] =	vst v63  }
0x334: {  	_ =	swait.ge @!p0 [sflag:s6], $0x1C20  }
0x335: {  	[sflag:s6] =	ssyncset.done @!p0 $0x0  }
0x336: {  	[sflag:s6] =	ssyncadd.s32 @!p0 $0xFFFFE3E0  }
0x337: {  	[tilespmem:s20], [sflag:$0x4] =	stream.indirect.gather [hbm4b:s4+s14], $0x90, s22, s14, $0xb8;
	[tilespmem:$0x1E140] =	vst v63  }
0x338: {  	_ =	swait.ge [sflag:s21], $0x1C20  }
0x339: {  	[sflag:s21] =	ssyncset.done $0x0  }
0x33a: {  	[sflag:s21] =	ssyncadd.s32 $0xFFFFE3E0  }
0x33b: {  	[spmem:s2] =	stream.indirect.scatter.add.f32 [tilespmem:s23], [sflag:$0x6], $0x90, s25, s14, $0xb8;
	[tilespmem:$0x1E140] =	vst v63  }
0x33c: {  	_ =	swait.ge [sflag:s24], $0x1C20  }
0x33d: {  	[sflag:s24] =	ssyncset.done $0x0  }
0x33e: {  	s25 =	simm.s32 $0xE0;
	[sflag:s24] =	ssyncadd.s32 $0xFFFFE3E0  }
0x33f: {  	[tilespmem:s18], [sflag:$0x1] =	stream.indirect.gather [hbm4b:s4+s14], $0x90, s25, s14, $0xb8;
	[tilespmem:$0x1E140] =	vst v63  }
0x340: {  	_ =	swait.ge [sflag:s26], $0x1C20  }
0x341: {  	[sflag:s26] =	ssyncset.done $0x0  }
0x342: {  	s11 =	simm.s32 $0x4D0;
	[sflag:s26] =	ssyncadd.s32 $0xFFFFE3E0  }
0x343: {  	[spmem:s2] =	stream.indirect.scatter.add.f32 [tilespmem:s16], [sflag:$0x7], $0x90, s11, s14, $0xb8;
	[tilespmem:$0x1E140] =	vst v63  }
0x344: {  	_ =	swait.ge [sflag:s29], $0x1C20  }
0x345: {  	[sflag:s29] =	ssyncset.done $0x0  }
0x346: {  	s15 =	simm.s32 $0x118;
	[sflag:s29] =	ssyncadd.s32 $0xFFFFE3E0  }
0x347: {  	[tilespmem:s23], [sflag:$0x2] =	stream.indirect.gather [hbm4b:s4+s14], $0x90, s15, s14, $0xb8;
	[tilespmem:$0x1E140] =	vst v63  }
0x348: {  	_ =	swait.ge [sflag:s31], $0x1C20  }
0x349: {  	[sflag:s31] =	ssyncset.done $0x0  }
0x34a: {  	s19 =	simm.s32 $0x508;
	[sflag:s31] =	ssyncadd.s32 $0xFFFFE3E0  }
0x34b: {  	[spmem:s2] =	stream.indirect.scatter.add.f32 [tilespmem:s20], [sflag:$0x8], $0x90, s19, s14, $0xb8;
	[tilespmem:$0x1E140] =	vst v63  }
0x34c: {  	_ =	swait.ge [sflag:s0], $0x1C20  }
0x34d: {  	[sflag:s0] =	ssyncset.done $0x0  }
0x34e: {  	s22 =	simm.s32 $0x150;
	[sflag:s0] =	ssyncadd.s32 $0xFFFFE3E0  }
0x34f: {  	[tilespmem:s16], [sflag:$0x3] =	stream.indirect.gather [hbm4b:s4+s14], $0x90, s22, s14, $0xb8;
	[tilespmem:$0x1E140] =	vst v63  }
0x350: {  	_ =	swait.ge [sflag:s17], $0x1C20  }
0x351: {  	[sflag:s17] =	ssyncset.done $0x0  }
0x352: {  	s25 =	simm.s32 $0x540;
	[sflag:s17] =	ssyncadd.s32 $0xFFFFE3E0  }
0x353: {  	[spmem:s2] =	stream.indirect.scatter.add.f32 [tilespmem:s18], [sflag:$0x5], $0x90, s25, s14, $0xb8;
	[tilespmem:$0x1E140] =	vst v63  }
0x354: {  	_ =	swait.ge [sflag:s9], $0x1C20  }
0x355: {  	[sflag:s9] =	ssyncset.done $0x0  }
0x356: {  	s11 =	simm.s32 $0x188;
	[sflag:s9] =	ssyncadd.s32 $0xFFFFE3E0  }
0x357: {  	[tilespmem:s20], [sflag:$0x4] =	stream.indirect.gather [hbm4b:s4+s14], $0x90, s11, s14, $0xb8;
	[tilespmem:$0x1E140] =	vst v63  }
0x358: {  	_ =	swait.ge [sflag:s21], $0x1C20  }
0x359: {  	[sflag:s21] =	ssyncset.done $0x0  }
0x35a: {  	s15 =	simm.s32 $0x578;
	[sflag:s21] =	ssyncadd.s32 $0xFFFFE3E0  }
0x35b: {  	[spmem:s2] =	stream.indirect.scatter.add.f32 [tilespmem:s23], [sflag:$0x6], $0x90, s15, s14, $0xb8;
	[tilespmem:$0x1E140] =	vst v63  }
0x35c: {  	_ =	swait.ge [sflag:s24], $0x1C20  }
0x35d: {  	[sflag:s24] =	ssyncset.done $0x0  }
0x35e: {  	s19 =	simm.s32 $0x1C0;
	[sflag:s24] =	ssyncadd.s32 $0xFFFFE3E0  }
0x35f: {  	[tilespmem:s18], [sflag:$0x1] =	stream.indirect.gather [hbm4b:s4+s14], $0x90, s19, s14, $0xb8;
	[tilespmem:$0x1E140] =	vst v63  }
0x360: {  	_ =	swait.ge [sflag:s26], $0x1C20  }
0x361: {  	[sflag:s26] =	ssyncset.done $0x0  }
0x362: {  	s22 =	simm.s32 $0x5B0;
	[sflag:s26] =	ssyncadd.s32 $0xFFFFE3E0  }
0x363: {  	[spmem:s2] =	stream.indirect.scatter.add.f32 [tilespmem:s16], [sflag:$0x7], $0x90, s22, s14, $0xb8;
	[tilespmem:$0x1E140] =	vst v63  }
0x364: {  	_ =	swait.ge [sflag:s29], $0x1C20  }
0x365: {  	[sflag:s29] =	ssyncset.done $0x0  }
0x366: {  	s25 =	simm.s32 $0x1F8;
	[sflag:s29] =	ssyncadd.s32 $0xFFFFE3E0  }
0x367: {  	[tilespmem:s23], [sflag:$0x2] =	stream.indirect.gather [hbm4b:s4+s14], $0x90, s25, s14, $0xb8;
	[tilespmem:$0x1E140] =	vst v63  }
0x368: {  	_ =	swait.ge [sflag:s31], $0x1C20  }
0x369: {  	[sflag:s31] =	ssyncset.done $0x0  }
0x36a: {  	s11 =	simm.s32 $0x5E8;
	[sflag:s31] =	ssyncadd.s32 $0xFFFFE3E0  }
0x36b: {  	[spmem:s2] =	stream.indirect.scatter.add.f32 [tilespmem:s20], [sflag:$0x8], $0x90, s11, s14, $0xb8;
	[tilespmem:$0x1E140] =	vst v63  }
0x36c: {  	_ =	swait.ge [sflag:s0], $0x1C20  }
0x36d: {  	[sflag:s0] =	ssyncset.done $0x0  }
0x36e: {  	s15 =	simm.s32 $0x230;
	[sflag:s0] =	ssyncadd.s32 $0xFFFFE3E0  }
0x36f: {  	[tilespmem:s16], [sflag:$0x3] =	stream.indirect.gather [hbm4b:s4+s14], $0x90, s15, s14, $0xb8;
	[tilespmem:$0x1E140] =	vst v63  }
0x370: {  	_ =	swait.ge [sflag:s17], $0x1C20  }
0x371: {  	[sflag:s17] =	ssyncset.done $0x0  }
0x372: {  	s19 =	simm.s32 $0x620;
	[sflag:s17] =	ssyncadd.s32 $0xFFFFE3E0  }
0x373: {  	[spmem:s2] =	stream.indirect.scatter.add.f32 [tilespmem:s18], [sflag:$0x5], $0x90, s19, s14, $0xb8;
	[tilespmem:$0x1E140] =	vst v63  }
0x374: {  	_ =	swait.ge [sflag:s9], $0x1C20  }
0x375: {  	[sflag:s9] =	ssyncset.done $0x0  }
0x376: {  	s22 =	simm.s32 $0x268;
	[sflag:s9] =	ssyncadd.s32 $0xFFFFE3E0  }
0x377: {  	[tilespmem:s20], [sflag:$0x4] =	stream.indirect.gather [hbm4b:s4+s14], $0x90, s22, s14, $0xb8;
	[tilespmem:$0x1E140] =	vst v63  }
0x378: {  	_ =	swait.ge [sflag:s21], $0x1C20  }
0x379: {  	[sflag:s21] =	ssyncset.done $0x0  }
0x37a: {  	s25 =	simm.s32 $0x658;
	[sflag:s21] =	ssyncadd.s32 $0xFFFFE3E0  }
0x37b: {  	[spmem:s2] =	stream.indirect.scatter.add.f32 [tilespmem:s23], [sflag:$0x6], $0x90, s25, s14, $0xb8;
	[tilespmem:$0x1E140] =	vst v63  }
0x37c: {  	_ =	swait.ge [sflag:s24], $0x1C20  }
0x37d: {  	[sflag:s24] =	ssyncset.done $0x0  }
0x37e: {  	s11 =	simm.s32 $0x2A0;
	[sflag:s24] =	ssyncadd.s32 $0xFFFFE3E0  }
0x37f: {  	[tilespmem:s18], [sflag:$0x1] =	stream.indirect.gather [hbm4b:s4+s14], $0x90, s11, s14, $0xb8;
	[tilespmem:$0x1E140] =	vst v63  }
0x380: {  	_ =	swait.ge [sflag:s26], $0x1C20  }
0x381: {  	[sflag:s26] =	ssyncset.done $0x0  }
0x382: {  	s15 =	simm.s32 $0x690;
	[sflag:s26] =	ssyncadd.s32 $0xFFFFE3E0  }
0x383: {  	[spmem:s2] =	stream.indirect.scatter.add.f32 [tilespmem:s16], [sflag:$0x7], $0x90, s15, s14, $0xb8;
	[tilespmem:$0x1E140] =	vst v63  }
0x384: {  	_ =	swait.ge [sflag:s29], $0x1C20  }
0x385: {  	[sflag:s29] =	ssyncset.done $0x0  }
0x386: {  	s19 =	simm.s32 $0x2D8;
	[sflag:s29] =	ssyncadd.s32 $0xFFFFE3E0  }
0x387: {  	[tilespmem:s23], [sflag:$0x2] =	stream.indirect.gather [hbm4b:s4+s14], $0x90, s19, s14, $0xb8;
	[tilespmem:$0x1E140] =	vst v63  }
0x388: {  	_ =	swait.ge [sflag:s31], $0x1C20  }
0x389: {  	[sflag:s31] =	ssyncset.done $0x0  }
0x38a: {  	s22 =	simm.s32 $0x6C8;
	[sflag:s31] =	ssyncadd.s32 $0xFFFFE3E0  }
0x38b: {  	[spmem:s2] =	stream.indirect.scatter.add.f32 [tilespmem:s20], [sflag:$0x8], $0x90, s22, s14, $0xb8;
	[tilespmem:$0x1E140] =	vst v63  }
0x38c: {  	_ =	swait.ge [sflag:s0], $0x1C20  }
0x38d: {  	[sflag:s0] =	ssyncset.done $0x0  }
0x38e: {  	s25 =	simm.s32 $0x310;
	[sflag:s0] =	ssyncadd.s32 $0xFFFFE3E0  }
0x38f: {  	[tilespmem:s16], [sflag:$0x3] =	stream.indirect.gather [hbm4b:s4+s14], $0x90, s25, s14, $0xb8;
	[tilespmem:$0x1E140] =	vst v63  }
0x390: {  	_ =	swait.ge [sflag:s17], $0x1C20  }
0x391: {  	[sflag:s17] =	ssyncset.done $0x0  }
0x392: {  	s11 =	simm.s32 $0x700;
	[sflag:s17] =	ssyncadd.s32 $0xFFFFE3E0  }
0x393: {  	[spmem:s2] =	stream.indirect.scatter.add.f32 [tilespmem:s18], [sflag:$0x5], $0x90, s11, s14, $0xb8;
	[tilespmem:$0x1E140] =	vst v63  }
0x394: {  	_ =	swait.ge [sflag:s9], $0x1C20  }
0x395: {  	[sflag:s9] =	ssyncset.done $0x0  }
0x396: {  	s15 =	simm.s32 $0x348;
	[sflag:s9] =	ssyncadd.s32 $0xFFFFE3E0  }
0x397: {  	[tilespmem:s20], [sflag:$0x4] =	stream.indirect.gather [hbm4b:s4+s14], $0x90, s15, s14, $0xb8;
	[tilespmem:$0x1E140] =	vst v63  }
0x398: {  	_ =	swait.ge [sflag:s21], $0x1C20  }
0x399: {  	[sflag:s21] =	ssyncset.done $0x0  }
0x39a: {  	s19 =	simm.s32 $0x738;
	[sflag:s21] =	ssyncadd.s32 $0xFFFFE3E0  }
0x39b: {  	[spmem:s2] =	stream.indirect.scatter.add.f32 [tilespmem:s23], [sflag:$0x6], $0x90, s19, s14, $0xb8;
	[tilespmem:$0x1E140] =	vst v63  }
0x39c: {  	_ =	swait.ge [sflag:s24], $0x1C20  }
0x39d: {  	[sflag:s24] =	ssyncset.done $0x0  }
0x39e: {  	s22 =	simm.s32 $0x380;
	[sflag:s24] =	ssyncadd.s32 $0xFFFFE3E0  }
0x39f: {  	[tilespmem:s18], [sflag:$0x1] =	stream.indirect.gather [hbm4b:s4+s14], $0x90, s22, s14, $0xb8;
	[tilespmem:$0x1E140] =	vst v63  }
0x3a0: {  	_ =	swait.ge [sflag:s26], $0x1C20  }
0x3a1: {  	[sflag:s26] =	ssyncset.done $0x0  }
0x3a2: {  	s25 =	simm.s32 $0x770;
	[sflag:s26] =	ssyncadd.s32 $0xFFFFE3E0  }
0x3a3: {  	[spmem:s2] =	stream.indirect.scatter.add.f32 [tilespmem:s16], [sflag:$0x7], $0x90, s25, s14, $0xb8;
	[tilespmem:$0x1E140] =	vst v63  }
0x3a4: {  	_ =	swait.ge [sflag:s29], $0x1C20  }
0x3a5: {  	[sflag:s29] =	ssyncset.done $0x0  }
0x3a6: {  	[sflag:s29] =	ssyncadd.s32 $0xFFFFE3E0  }
0x3a7: {  	[tilespmem:s23], [sflag:$0x2] =	stream.indirect.gather [hbm4b:s4+s14], $0x90, s10, s14, $0xb8;
	[tilespmem:$0x1E140] =	vst v63  }
0x3a8: {  	_ =	swait.ge [sflag:s31], $0x1C20  }
0x3a9: {  	[sflag:s31] =	ssyncset.done $0x0  }
0x3aa: {  	[sflag:s31] =	ssyncadd.s32 $0xFFFFE3E0  }
0x3ab: {  	[spmem:s2] =	stream.indirect.scatter.add.f32 [tilespmem:s20], [sflag:$0x8], $0x90, s5, s14, $0xb8;
	[tilespmem:$0x1E140] =	vst v63  }
0x3ac: {  	_ =	swait.ge [sflag:s0], $0x1C20  }
0x3ad: {  	[sflag:s0] =	ssyncset.done $0x0  }
0x3ae: {  	[sflag:s0] =	ssyncadd.s32 $0xFFFFE3E0  }
0x3af: {  	[tilespmem:s16], [sflag:$0x3] =	stream.indirect.gather [hbm4b:s4+s14], $0x90, s28, s14, $0xb8;
	[tilespmem:$0x1E140] =	vst v63  }
0x3b0: {  	_ =	swait.ge [sflag:s17], $0x1C20  }
0x3b1: {  	[sflag:s17] =	ssyncset.done $0x0  }
0x3b2: {  	[sflag:s17] =	ssyncadd.s32 $0xFFFFE3E0  }
0x3b3: {  	[spmem:s2] =	stream.indirect.scatter.add.f32 [tilespmem:s18], [sflag:$0x5], $0x90, s30, s14, $0xb8;
	[tilespmem:$0x1E140] =	vst v63  }
0x3b4: {  	_ =	swait.ge [sflag:s9], $0x1C20  }
0x3b5: {  	[sflag:s9] =	ssyncset.done $0x0  }
0x3b6: {  	[sflag:s9] =	ssyncadd.s32 $0xFFFFE3E0  }
0x3b7: {  	[tilespmem:s20], [sflag:$0x4] =	stream.indirect.gather [hbm4b:s4+s14], $0x90, s1, s14, $0xb8;
	[tilespmem:$0x1E140] =	vst v63  }
0x3b8: {  	_ =	swait.ge [sflag:s21], $0x1C20  }
0x3b9: {  	[sflag:s21] =	ssyncset.done $0x0  }
0x3ba: {  	[sflag:s21] =	ssyncadd.s32 $0xFFFFE3E0  }
0x3bb: {  	[spmem:s2] =	stream.indirect.scatter.add.f32 [tilespmem:s23], [sflag:$0x6], $0x90, s7, s14, $0xb8;
	[tilespmem:$0x1E140] =	vst v63  }
0x3bc: {  	_ =	swait.ge [sflag:s26], $0x1C20  }
0x3bd: {  	[sflag:s26] =	ssyncset.done $0x0  }
0x3be: {  	[sflag:s26] =	ssyncadd.s32 $0xFFFFE3E0  }
0x3bf: {  	[spmem:s2] =	stream.indirect.scatter.add.f32 [tilespmem:s16], [sflag:$0x7], $0x90, s8, s14, $0xb8;
	[tilespmem:$0x1E140] =	vst v63  }
0x3c0: {  	s6 =	simm.s32 $0x8C;
	_ =	swait.ge [sflag:s31], $0x1C20  }
.LBB2_6:
0x3c1: {  	s15 =	rddreg [dreg:$0x9];
	[sflag:s31] =	ssyncset.done $0x0  }
0x3c2: {  	s11 =	smov.u32 s6;
	s19 =	simm.s32 $0x888;
	[sflag:s31] =	ssyncadd.s32 $0xFFFFE3E0  }
0x3c3: {  	[spmem:s2] =	stream.indirect.scatter.add.f32 [tilespmem:s20], [sflag:$0x8], $0x90, s19, s14, $0xb8;
	[tilespmem:$0x1E140] =	vst v63  }
0x3c4: {  	s15 =	sadd.s32 s11, s15  }
0x3c5: {  	[tilespmem:s3], [sflag:$0x9] =	stream.linear.gather [hbm4b:s15+s3], $0x460, $0x38;
	[tilespmem:$0x1E140] =	vst v63  }
0x3c6: {  	_ =	swait.ge [sflag:s12], $0x460  }
0x3c7: {  	s25 =	rddreg [dreg:$0x8];
	[sflag:s12] =	ssyncset.done $0x0  }
0x3c8: {  	[sflag:s12] =	ssyncadd.s32 $0xFFFFFBA0;
	s15 =	sadd.s32 s11, s25  }
0x3c9: {  	[tilespmem:s13], [sflag:$0x9] =	stream.linear.gather [hbm4b:s15+s3], $0x460, $0x38;
	[tilespmem:$0x1E140] =	vst v63  }
0x3ca: {  	_ =	swait.ge [sflag:s12], $0x460  }
0x3cb: {  	p1 =	sne.s32 s11, $0x0;
	[sflag:s12] =	ssyncset.done $0x0  }
0x3cc: {  	s15 =	simm.s32 @p1 $0x5;
	[sflag:s12] =	ssyncadd.s32 $0xFFFFFBA0  }
0x3cd: {  	_ =	swait.ge @p1 [sflag:s15], $0x1C20  }
0x3ce: {  	s19 =	simm.s32 @p1 $0x8C0;
	s22 =	simm.s32 @p1 $0x6;
	[sflag:s15] =	ssyncset.done @p1 $0x0  }
0x3cf: {  	s25 =	simm.s32 @p1 $0x0;
	[sflag:s15] =	ssyncadd.s32 @p1 $0xFFFFE3E0;
	s15 =	simm.s32 @p1 $0x32  }
0x3d0: {  	[tilespmem:s19], [sflag:$0x1] =	stream.indirect.gather @p1 [hbm4b:s4+s15], $0x90, s25, s15, $0xb8;
	[tilespmem:$0x1E140] =	vst v63  }
0x3d1: {  	_ =	swait.ge @p1 [sflag:s22], $0x1C20  }
0x3d2: {  	s19 =	simm.s32 @p1 $0x7;
	[sflag:s22] =	ssyncset.done @p1 $0x0  }
0x3d3: {  	s25 =	simm.s32 @p1 $0x24E0;
	[sflag:s22] =	ssyncadd.s32 @p1 $0xFFFFE3E0;
	s22 =	simm.s32 @p1 $0x38  }
0x3d4: {  	[tilespmem:s25], [sflag:$0x2] =	stream.indirect.gather @p1 [hbm4b:s4+s15], $0x90, s22, s15, $0xb8;
	[tilespmem:$0x1E140] =	vst v63  }
0x3d5: {  	_ =	swait.ge @p1 [sflag:s19], $0x1C20  }
0x3d6: {  	s15 =	simm.s32 @!p1 $0x8C0;
	[sflag:s19] =	ssyncset.done @p1 $0x0  }
0x3d7: {  	s22 =	simm.s32 @!p1 $0x0;
	[sflag:s19] =	ssyncadd.s32 @p1 $0xFFFFE3E0;
	s19 =	simm.s32 @!p1 $0x32  }
0x3d8: {  	[tilespmem:s15], [sflag:$0x1] =	stream.indirect.gather @!p1 [hbm4b:s4+s19], $0x90, s22, s19, $0xb8;
	[tilespmem:$0x1E140] =	vst v63  }
0x3d9: {  	s15 =	simm.s32 @!p1 $0x38;
	s22 =	simm.s32 @!p1 $0x24E0  }
0x3da: {  	[tilespmem:s22], [sflag:$0x2] =	stream.indirect.gather @!p1 [hbm4b:s4+s19], $0x90, s15, s19, $0xb8;
	[tilespmem:$0x1E140] =	vst v63  }
0x3db: {  	s19 =	simm.s32 $0x70  }
0x3dc: {  	[tilespmem:s16], [sflag:$0x3] =	stream.indirect.gather [hbm4b:s4+s14], $0x90, s19, s14, $0xb8;
	[tilespmem:$0x1E140] =	vst v63  }
0x3dd: {  	_ =	swait.ge [sflag:s17], $0x1C20  }
0x3de: {  	p1 =	seq.s32 s11, $0x0;
	[sflag:s17] =	ssyncset.done $0x0  }
0x3df: {  	s11 =	simm.s32 @!p1 $0x8;
	[sflag:s17] =	ssyncadd.s32 $0xFFFFE3E0  }
0x3e0: {  	[spmem:s2] =	stream.indirect.scatter.add.f32 [tilespmem:s18], [sflag:$0x5], $0x90, s13, s14, $0xb8;
	[tilespmem:$0x1E140] =	vst v63  }
0x3e1: {  	_ =	swait.ge @!p1 [sflag:s11], $0x1C20  }
0x3e2: {  	[sflag:s11] =	ssyncset.done @!p1 $0x0  }
0x3e3: {  	s22 =	simm.s32 $0xA8;
	[sflag:s11] =	ssyncadd.s32 @!p1 $0xFFFFE3E0  }
0x3e4: {  	[tilespmem:s20], [sflag:$0x4] =	stream.indirect.gather [hbm4b:s4+s14], $0x90, s22, s14, $0xb8;
	[tilespmem:$0x1E140] =	vst v63  }
0x3e5: {  	_ =	swait.ge [sflag:s21], $0x1C20  }
0x3e6: {  	[sflag:s21] =	ssyncset.done $0x0  }
0x3e7: {  	s25 =	simm.s32 $0x498;
	[sflag:s21] =	ssyncadd.s32 $0xFFFFE3E0  }
0x3e8: {  	[spmem:s2] =	stream.indirect.scatter.add.f32 [tilespmem:s23], [sflag:$0x6], $0x90, s25, s14, $0xb8;
	[tilespmem:$0x1E140] =	vst v63  }
0x3e9: {  	_ =	swait.ge [sflag:s24], $0x1C20  }
0x3ea: {  	[sflag:s24] =	ssyncset.done $0x0  }
0x3eb: {  	s15 =	simm.s32 $0xE0;
	[sflag:s24] =	ssyncadd.s32 $0xFFFFE3E0  }
0x3ec: {  	[tilespmem:s18], [sflag:$0x1] =	stream.indirect.gather [hbm4b:s4+s14], $0x90, s15, s14, $0xb8;
	[tilespmem:$0x1E140] =	vst v63  }
0x3ed: {  	_ =	swait.ge [sflag:s26], $0x1C20  }
0x3ee: {  	[sflag:s26] =	ssyncset.done $0x0  }
0x3ef: {  	s15 =	simm.s32 $0x4D0;
	[sflag:s26] =	ssyncadd.s32 $0xFFFFE3E0  }
0x3f0: {  	[spmem:s2] =	stream.indirect.scatter.add.f32 [tilespmem:s16], [sflag:$0x7], $0x90, s15, s14, $0xb8;
	[tilespmem:$0x1E140] =	vst v63  }
0x3f1: {  	_ =	swait.ge [sflag:s29], $0x1C20  }
0x3f2: {  	[sflag:s29] =	ssyncset.done $0x0  }
0x3f3: {  	s15 =	simm.s32 $0x118;
	[sflag:s29] =	ssyncadd.s32 $0xFFFFE3E0  }
0x3f4: {  	[tilespmem:s23], [sflag:$0x2] =	stream.indirect.gather [hbm4b:s4+s14], $0x90, s15, s14, $0xb8;
	[tilespmem:$0x1E140] =	vst v63  }
0x3f5: {  	_ =	swait.ge [sflag:s31], $0x1C20  }
0x3f6: {  	[sflag:s31] =	ssyncset.done $0x0  }
0x3f7: {  	s15 =	simm.s32 $0x508;
	[sflag:s31] =	ssyncadd.s32 $0xFFFFE3E0  }
0x3f8: {  	[spmem:s2] =	stream.indirect.scatter.add.f32 [tilespmem:s20], [sflag:$0x8], $0x90, s15, s14, $0xb8;
	[tilespmem:$0x1E140] =	vst v63  }
0x3f9: {  	_ =	swait.ge [sflag:s0], $0x1C20  }
0x3fa: {  	[sflag:s0] =	ssyncset.done $0x0  }
0x3fb: {  	s15 =	simm.s32 $0x150;
	[sflag:s0] =	ssyncadd.s32 $0xFFFFE3E0  }
0x3fc: {  	[tilespmem:s16], [sflag:$0x3] =	stream.indirect.gather [hbm4b:s4+s14], $0x90, s15, s14, $0xb8;
	[tilespmem:$0x1E140] =	vst v63  }
0x3fd: {  	_ =	swait.ge [sflag:s17], $0x1C20  }
0x3fe: {  	[sflag:s17] =	ssyncset.done $0x0  }
0x3ff: {  	s15 =	simm.s32 $0x540;
	[sflag:s17] =	ssyncadd.s32 $0xFFFFE3E0  }
0x400: {  	[spmem:s2] =	stream.indirect.scatter.add.f32 [tilespmem:s18], [sflag:$0x5], $0x90, s15, s14, $0xb8;
	[tilespmem:$0x1E140] =	vst v63  }
0x401: {  	_ =	swait.ge [sflag:s9], $0x1C20  }
0x402: {  	[sflag:s9] =	ssyncset.done $0x0  }
0x403: {  	s15 =	simm.s32 $0x188;
	[sflag:s9] =	ssyncadd.s32 $0xFFFFE3E0  }
0x404: {  	[tilespmem:s20], [sflag:$0x4] =	stream.indirect.gather [hbm4b:s4+s14], $0x90, s15, s14, $0xb8;
	[tilespmem:$0x1E140] =	vst v63  }
0x405: {  	_ =	swait.ge [sflag:s21], $0x1C20  }
0x406: {  	[sflag:s21] =	ssyncset.done $0x0  }
0x407: {  	s15 =	simm.s32 $0x578;
	[sflag:s21] =	ssyncadd.s32 $0xFFFFE3E0  }
0x408: {  	[spmem:s2] =	stream.indirect.scatter.add.f32 [tilespmem:s23], [sflag:$0x6], $0x90, s15, s14, $0xb8;
	[tilespmem:$0x1E140] =	vst v63  }
0x409: {  	_ =	swait.ge [sflag:s24], $0x1C20  }
0x40a: {  	[sflag:s24] =	ssyncset.done $0x0  }
0x40b: {  	s15 =	simm.s32 $0x1C0;
	[sflag:s24] =	ssyncadd.s32 $0xFFFFE3E0  }
0x40c: {  	[tilespmem:s18], [sflag:$0x1] =	stream.indirect.gather [hbm4b:s4+s14], $0x90, s15, s14, $0xb8;
	[tilespmem:$0x1E140] =	vst v63  }
0x40d: {  	_ =	swait.ge [sflag:s26], $0x1C20  }
0x40e: {  	[sflag:s26] =	ssyncset.done $0x0  }
0x40f: {  	s15 =	simm.s32 $0x5B0;
	[sflag:s26] =	ssyncadd.s32 $0xFFFFE3E0  }
0x410: {  	[spmem:s2] =	stream.indirect.scatter.add.f32 [tilespmem:s16], [sflag:$0x7], $0x90, s15, s14, $0xb8;
	[tilespmem:$0x1E140] =	vst v63  }
0x411: {  	_ =	swait.ge [sflag:s29], $0x1C20  }
0x412: {  	[sflag:s29] =	ssyncset.done $0x0  }
0x413: {  	s15 =	simm.s32 $0x1F8;
	[sflag:s29] =	ssyncadd.s32 $0xFFFFE3E0  }
0x414: {  	[tilespmem:s23], [sflag:$0x2] =	stream.indirect.gather [hbm4b:s4+s14], $0x90, s15, s14, $0xb8;
	[tilespmem:$0x1E140] =	vst v63  }
0x415: {  	_ =	swait.ge [sflag:s31], $0x1C20  }
0x416: {  	[sflag:s31] =	ssyncset.done $0x0  }
0x417: {  	s15 =	simm.s32 $0x5E8;
	[sflag:s31] =	ssyncadd.s32 $0xFFFFE3E0  }
0x418: {  	[spmem:s2] =	stream.indirect.scatter.add.f32 [tilespmem:s20], [sflag:$0x8], $0x90, s15, s14, $0xb8;
	[tilespmem:$0x1E140] =	vst v63  }
0x419: {  	_ =	swait.ge [sflag:s0], $0x1C20  }
0x41a: {  	[sflag:s0] =	ssyncset.done $0x0  }
0x41b: {  	s15 =	simm.s32 $0x230;
	[sflag:s0] =	ssyncadd.s32 $0xFFFFE3E0  }
0x41c: {  	[tilespmem:s16], [sflag:$0x3] =	stream.indirect.gather [hbm4b:s4+s14], $0x90, s15, s14, $0xb8;
	[tilespmem:$0x1E140] =	vst v63  }
0x41d: {  	_ =	swait.ge [sflag:s17], $0x1C20  }
0x41e: {  	[sflag:s17] =	ssyncset.done $0x0  }
0x41f: {  	s15 =	simm.s32 $0x620;
	[sflag:s17] =	ssyncadd.s32 $0xFFFFE3E0  }
0x420: {  	[spmem:s2] =	stream.indirect.scatter.add.f32 [tilespmem:s18], [sflag:$0x5], $0x90, s15, s14, $0xb8;
	[tilespmem:$0x1E140] =	vst v63  }
0x421: {  	_ =	swait.ge [sflag:s9], $0x1C20  }
0x422: {  	[sflag:s9] =	ssyncset.done $0x0  }
0x423: {  	s15 =	simm.s32 $0x268;
	[sflag:s9] =	ssyncadd.s32 $0xFFFFE3E0  }
0x424: {  	[tilespmem:s20], [sflag:$0x4] =	stream.indirect.gather [hbm4b:s4+s14], $0x90, s15, s14, $0xb8;
	[tilespmem:$0x1E140] =	vst v63  }
0x425: {  	_ =	swait.ge [sflag:s21], $0x1C20  }
0x426: {  	[sflag:s21] =	ssyncset.done $0x0  }
0x427: {  	s15 =	simm.s32 $0x658;
	[sflag:s21] =	ssyncadd.s32 $0xFFFFE3E0  }
0x428: {  	[spmem:s2] =	stream.indirect.scatter.add.f32 [tilespmem:s23], [sflag:$0x6], $0x90, s15, s14, $0xb8;
	[tilespmem:$0x1E140] =	vst v63  }
0x429: {  	_ =	swait.ge [sflag:s24], $0x1C20  }
0x42a: {  	[sflag:s24] =	ssyncset.done $0x0  }
0x42b: {  	s15 =	simm.s32 $0x2A0;
	[sflag:s24] =	ssyncadd.s32 $0xFFFFE3E0  }
0x42c: {  	[tilespmem:s18], [sflag:$0x1] =	stream.indirect.gather [hbm4b:s4+s14], $0x90, s15, s14, $0xb8;
	[tilespmem:$0x1E140] =	vst v63  }
0x42d: {  	_ =	swait.ge [sflag:s26], $0x1C20  }
0x42e: {  	[sflag:s26] =	ssyncset.done $0x0  }
0x42f: {  	s15 =	simm.s32 $0x690;
	[sflag:s26] =	ssyncadd.s32 $0xFFFFE3E0  }
0x430: {  	[spmem:s2] =	stream.indirect.scatter.add.f32 [tilespmem:s16], [sflag:$0x7], $0x90, s15, s14, $0xb8;
	[tilespmem:$0x1E140] =	vst v63  }
0x431: {  	_ =	swait.ge [sflag:s29], $0x1C20  }
0x432: {  	[sflag:s29] =	ssyncset.done $0x0  }
0x433: {  	s15 =	simm.s32 $0x2D8;
	[sflag:s29] =	ssyncadd.s32 $0xFFFFE3E0  }
0x434: {  	[tilespmem:s23], [sflag:$0x2] =	stream.indirect.gather [hbm4b:s4+s14], $0x90, s15, s14, $0xb8;
	[tilespmem:$0x1E140] =	vst v63  }
0x435: {  	_ =	swait.ge [sflag:s31], $0x1C20  }
0x436: {  	[sflag:s31] =	ssyncset.done $0x0  }
0x437: {  	s15 =	simm.s32 $0x6C8;
	[sflag:s31] =	ssyncadd.s32 $0xFFFFE3E0  }
0x438: {  	[spmem:s2] =	stream.indirect.scatter.add.f32 [tilespmem:s20], [sflag:$0x8], $0x90, s15, s14, $0xb8;
	[tilespmem:$0x1E140] =	vst v63  }
0x439: {  	_ =	swait.ge [sflag:s0], $0x1C20  }
0x43a: {  	[sflag:s0] =	ssyncset.done $0x0  }
0x43b: {  	s15 =	simm.s32 $0x310;
	[sflag:s0] =	ssyncadd.s32 $0xFFFFE3E0  }
0x43c: {  	[tilespmem:s16], [sflag:$0x3] =	stream.indirect.gather [hbm4b:s4+s14], $0x90, s15, s14, $0xb8;
	[tilespmem:$0x1E140] =	vst v63  }
0x43d: {  	_ =	swait.ge [sflag:s17], $0x1C20  }
0x43e: {  	[sflag:s17] =	ssyncset.done $0x0  }
0x43f: {  	s15 =	simm.s32 $0x700;
	[sflag:s17] =	ssyncadd.s32 $0xFFFFE3E0  }
0x440: {  	[spmem:s2] =	stream.indirect.scatter.add.f32 [tilespmem:s18], [sflag:$0x5], $0x90, s15, s14, $0xb8;
	[tilespmem:$0x1E140] =	vst v63  }
0x441: {  	_ =	swait.ge [sflag:s9], $0x1C20  }
0x442: {  	[sflag:s9] =	ssyncset.done $0x0  }
0x443: {  	s15 =	simm.s32 $0x348;
	[sflag:s9] =	ssyncadd.s32 $0xFFFFE3E0  }
0x444: {  	[tilespmem:s20], [sflag:$0x4] =	stream.indirect.gather [hbm4b:s4+s14], $0x90, s15, s14, $0xb8;
	[tilespmem:$0x1E140] =	vst v63  }
0x445: {  	_ =	swait.ge [sflag:s21], $0x1C20  }
0x446: {  	[sflag:s21] =	ssyncset.done $0x0  }
0x447: {  	s15 =	simm.s32 $0x738;
	[sflag:s21] =	ssyncadd.s32 $0xFFFFE3E0  }
0x448: {  	[spmem:s2] =	stream.indirect.scatter.add.f32 [tilespmem:s23], [sflag:$0x6], $0x90, s15, s14, $0xb8;
	[tilespmem:$0x1E140] =	vst v63  }
0x449: {  	_ =	swait.ge [sflag:s24], $0x1C20  }
0x44a: {  	[sflag:s24] =	ssyncset.done $0x0  }
0x44b: {  	s15 =	simm.s32 $0x380;
	[sflag:s24] =	ssyncadd.s32 $0xFFFFE3E0  }
0x44c: {  	[tilespmem:s18], [sflag:$0x1] =	stream.indirect.gather [hbm4b:s4+s14], $0x90, s15, s14, $0xb8;
	[tilespmem:$0x1E140] =	vst v63  }
0x44d: {  	_ =	swait.ge [sflag:s26], $0x1C20  }
0x44e: {  	[sflag:s26] =	ssyncset.done $0x0  }
0x44f: {  	s15 =	simm.s32 $0x770;
	[sflag:s26] =	ssyncadd.s32 $0xFFFFE3E0  }
0x450: {  	[spmem:s2] =	stream.indirect.scatter.add.f32 [tilespmem:s16], [sflag:$0x7], $0x90, s15, s14, $0xb8;
	[tilespmem:$0x1E140] =	vst v63  }
0x451: {  	_ =	swait.ge [sflag:s29], $0x1C20  }
0x452: {  	[sflag:s29] =	ssyncset.done $0x0  }
0x453: {  	[sflag:s29] =	ssyncadd.s32 $0xFFFFE3E0  }
0x454: {  	[tilespmem:s23], [sflag:$0x2] =	stream.indirect.gather [hbm4b:s4+s14], $0x90, s10, s14, $0xb8;
	[tilespmem:$0x1E140] =	vst v63  }
0x455: {  	_ =	swait.ge [sflag:s31], $0x1C20  }
0x456: {  	[sflag:s31] =	ssyncset.done $0x0  }
0x457: {  	[sflag:s31] =	ssyncadd.s32 $0xFFFFE3E0  }
0x458: {  	[spmem:s2] =	stream.indirect.scatter.add.f32 [tilespmem:s20], [sflag:$0x8], $0x90, s5, s14, $0xb8;
	[tilespmem:$0x1E140] =	vst v63  }
0x459: {  	_ =	swait.ge [sflag:s0], $0x1C20  }
0x45a: {  	[sflag:s0] =	ssyncset.done $0x0  }
0x45b: {  	[sflag:s0] =	ssyncadd.s32 $0xFFFFE3E0  }
0x45c: {  	[tilespmem:s16], [sflag:$0x3] =	stream.indirect.gather [hbm4b:s4+s14], $0x90, s28, s14, $0xb8;
	[tilespmem:$0x1E140] =	vst v63  }
0x45d: {  	_ =	swait.ge [sflag:s17], $0x1C20  }
0x45e: {  	[sflag:s17] =	ssyncset.done $0x0  }
0x45f: {  	[sflag:s17] =	ssyncadd.s32 $0xFFFFE3E0  }
0x460: {  	[spmem:s2] =	stream.indirect.scatter.add.f32 [tilespmem:s18], [sflag:$0x5], $0x90, s30, s14, $0xb8;
	[tilespmem:$0x1E140] =	vst v63  }
0x461: {  	_ =	swait.ge [sflag:s9], $0x1C20  }
0x462: {  	[sflag:s9] =	ssyncset.done $0x0  }
0x463: {  	[sflag:s9] =	ssyncadd.s32 $0xFFFFE3E0  }
0x464: {  	[tilespmem:s20], [sflag:$0x4] =	stream.indirect.gather [hbm4b:s4+s14], $0x90, s1, s14, $0xb8;
	[tilespmem:$0x1E140] =	vst v63  }
0x465: {  	_ =	swait.ge [sflag:s21], $0x1C20  }
0x466: {  	s6 =	sadd.s32 $0x8C, s6;
	[sflag:s21] =	ssyncset.done $0x0  }
0x467: {  	p0 =	sne.s32 s6, $0x2BC;
	[sflag:s21] =	ssyncadd.s32 $0xFFFFE3E0  }
0x468: {  	[spmem:s2] =	stream.indirect.scatter.add.f32 [tilespmem:s23], [sflag:$0x6], $0x90, s7, s14, $0xb8;
	[tilespmem:$0x1E140] =	vst v63  }
.Ltmp2:
0x469: {  	_ =	swait.ge [sflag:s26], $0x1C20;
	(pc) =	sbr.rel @p0 .LBB2_6-.Ltmp2, $4  }
0x46a: {  	[sflag:s26] =	ssyncset.done $0x0  }
0x46b: {  	[sflag:s26] =	ssyncadd.s32 $0xFFFFE3E0  }
0x46c: {  	[spmem:s2] =	stream.indirect.scatter.add.f32 [tilespmem:s16], [sflag:$0x7], $0x90, s8, s14, $0xb8;
	[tilespmem:$0x1E140] =	vst v63  }
0x46d: {  	_ =	swait.ge [sflag:s31], $0x1C20  }
0x46e: {  	[sflag:s31] =	ssyncset.done $0x0  }
0x46f: {  	s1 =	simm.s32 $0x888;
	[sflag:s31] =	ssyncadd.s32 $0xFFFFE3E0  }
0x470: {  	[spmem:s2] =	stream.indirect.scatter.add.f32 [tilespmem:s20], [sflag:$0x8], $0x90, s1, s14, $0xb8;
	[tilespmem:$0x1E140] =	vst v63  }
0x471: {  	_ =	swait.ge [sflag:s24], $0x1C20  }
0x472: {  	[sflag:s24] =	ssyncset.done $0x0  }
0x473: {  	[sflag:s24] =	ssyncadd.s32 $0xFFFFE3E0  }
0x474: {  	_ =	swait.ge [sflag:s29], $0x1C20  }
0x475: {  	[sflag:s29] =	ssyncset.done $0x0  }
0x476: {  	[sflag:s29] =	ssyncadd.s32 $0xFFFFE3E0  }
0x477: {  	_ =	swait.ge [sflag:s0], $0x1C20  }
0x478: {  	[sflag:s0] =	ssyncset.done $0x0  }
0x479: {  	[sflag:s0] =	ssyncadd.s32 $0xFFFFE3E0  }
0x47a: {  	_ =	swait.ge [sflag:s9], $0x1C20  }
0x47b: {  	[sflag:s9] =	ssyncset.done $0x0  }
0x47c: {  	[sflag:s9] =	ssyncadd.s32 $0xFFFFE3E0  }
0x47d: {  	[bflag:$0x0] =	sbarrier.arrive $0xFFFF  }
0x47e: {  	s15 =	rddreg [dreg:$0xb]  }
0x47f: {  	s6 =	rddreg [dreg:$0xe]  }
0x480: {  	s11 =	rddreg [dreg:$0x10]  }
0x481: {  	[hbm:s6], [sflag:s15] =	dma.local [spmem:s11], $0x2D00  }
0x482: {  	_ =	swait.ge [sflag:s12], $0x2D00  }
0x483: {  	s6 =	rddreg [dreg:$0x11]  }
0x484: {  	s1 =	sadd.s32 $0x1, s6;
	s6 =	rddreg [dreg:$0xf]  }
0x485: {  	p0 =	sne.s32 s1, s6  }
.Ltmp3:
0x486: {  	_ = 	snop;
	(pc) =	sbr.rel @p0 .LBB2_1-.Ltmp3, $3  }
0x487: {  	[sflag:s12] =	ssyncset.done $0x0  }
0x488: {  	[sflag:s12] =	ssyncadd.s32 $0xFFFFD300  }
0x489: {  	[bflag:$0x0] =	sbarrier.arrive $0xFFFF;
	_ =	sdelay $0x1  }
0x48a: {  	_ =	sfence.sel $0x180000  }
0x48b: {  	[bflag:$0x0] =	sbarrier.arrive $0xFFFF  }
0x48c: {  	_ =	strace $0x90000047  }
0x48d: {  	s0 =	stileid.u32;
	[bflag:$0x2] =	sbarrier.arrive $0xFFFF  }
0x48e: {  	p0 =	sne.s32 s0, $0x0;
	s0 =	rddreg [dreg:$0x3]  }
0x48f: {  	s0 =	sadd.s32 @!p0 $0x100000, s0  }
0x490: {  	[sflag:s0] =	ssyncadd.tile.s32 @!p0 $0x1;
	_ =	shalt  }
.Lfunc_end2:
_tile_overlayer_lowered:
.L_overlay_start_2:
0x491: {  	(tag) =	ssettag $0x2  }
0x492: {  	s0 =	rddreg [dreg:$0x0];
	s2 =	stileid.u32  }
0x493: {  	s1 =	rddreg [dreg:$0x1];
	p0 =	sne.s32 s2, $0x0  }
0x494: {  	s3 =	rddreg [dreg:$0x2];
	[bflag:$0x3] =	sbarrier.arrive $0xFFFF;
	s2 =	simm.s32 @!p0 $0x1C09  }
0x495: {  	[timem:s3], [sflag:s2] =	dma.local @!p0 [hbm:s0], s1  }
0x496: {  	s0 =	simm.s32 @!p0 $0x9  }
0x497: {  	_ =	swait.ge @!p0 [sflag:s0], s1  }
0x498: {  	s1 =	ssub.s32 @!p0 $0x0, s1;
	[sflag:s0] =	ssyncset.done @!p0 $0x0  }
0x499: {  	[sflag:s0] =	ssyncadd.s32 @!p0 s1  }
0x49a: {  	[bflag:$0x3] =	sbarrier.arrive $0xFFFF  }
0x49b: {  	_ =	shalt  }

// kernel: kernel.9.cloned.1.call-start
scs
__scs_entry_jumppad:
0x0: {  	(pc) =	sbr.rel $0x88, $3  }
0x1: {  	(tag) =	ssettag $0x0;
	lr =	simm.s32 $0x1  }
0x2: {  	[smem:$0x3F91] =	sst lr;
	_ =	strace $0xD0000000  }
0x3: {  	_ = 	snop  }
0x4: {  	_ = 	snop  }
0x5: {  	_ = 	snop  }
0x6: {  	_ = 	snop  }
0x7: {  	_ = 	snop  }
__scs_overlays_trampoline_lowered:
0x8: {  	[smem:$0x3FA0] =	sst s0  }
0x9: {  	[smem:$0x3FA1] =	sst s1  }
0xa: {  	[smem:$0x3FA2] =	sst s2  }
0xb: {  	[smem:$0x3FA3] =	sst s3  }
0xc: {  	[smem:$0x3FA4] =	sst s4  }
0xd: {  	[smem:$0x3FA5] =	sst s5  }
0xe: {  	[smem:$0x3FA6] =	sst s6  }
0xf: {  	[smem:$0x3FA7] =	sst s7  }
0x10: {  	[smem:$0x3FA8] =	sst s8  }
0x11: {  	[smem:$0x3FA9] =	sst s9;
	s0 =	simm.s32 @!p0 $0x0  }
0x12: {  	s1 =	sld [smem:$0x3F8F];
	s0 =	simm.s32 @p0 $0x1  }
0x13: {  	[smem:$0x3FAA] =	sst s0;
	s0 =	simm.s32 @!p1 $0x0  }
0x14: {  	s2 =	sld [smem:$0x3F8E];
	s0 =	simm.s32 @p1 $0x1  }
0x15: {  	[smem:$0x3FAB] =	sst s0;
	s0 =	simm.s32 @!p2 $0x0  }
0x16: {  	s3 =	sld [smem:$0x3FDB];
	s0 =	simm.s32 @p2 $0x1  }
0x17: {  	s4 =	simm.s32 $0x1BF5;
	[smem:$0x3FAD] =	sst s0  }
0x18: {  	s0 =	sld [smem:$0x3F90];
	_ =	swait.ge [sflag:s4], $0x0  }
0x19: {  	s7 =	sld [smem:$0x3F91]  }
0x1a: {  	s8 =	sadd.s32 $0xFFFFE003, lr  }
0x1b: {  	s9 =	sadd.s32 $0xFFFFFEF7, lr;
	s5 =	simm.s32 $0xFFFFFFFF;
	p2 =	slt.u32 s8, $0xFFFFF086  }
0x1c: {  	p1 =	slt.u32 s9, $0xF7A;
	s5 =	simm.s32 @!p2 $0x0  }
0x1d: {  	s5 =	simm.s32 @p1 $0x1;
	p0 =	seq.s32 s7, s2  }
0x1e: {  	s7 =	smul.u32 @!p0 $0xF7A, s2;
	p2 =	seq.s32 @!p0 s5, $0x0  }
0x1f: {  	s9 =	smul.u32 $0xF7A, s1;
	s8 =	simm.s32 @!p0 $0x1BF5;
	p2 =	por !p2, p0  }
0x20: {  	[sflag:s8] =	ssyncset.s32 @!p0 $0xFFFFF086;
	s6 =	sadd.s32 @!p0 s3, s7;
	s7 =	simm.s32 @!p0 $0x108  }
0x21: {  	s3 =	sadd.s32 s3, s9;
	s6 =	sadd.s32 @!p0 $0x88, s6;
	s7 =	simm.s32 @p2 $0x1082  }
0x22: {  	[simem:s7], [sflag:s8] =	dma.local @!p0 [hbm:s6], $0xF7A  }
0x23: {  	s9 =	sor.u32 $0xD0000000, s2;
	s6 =	simm.s32 $0x108;
	_ =	swait.ge @!p0 [sflag:s8], $0x0  }
0x24: {  	s3 =	sadd.s32 $0x88, s3;
	s6 =	simm.s32 @!p1 $0x1082;
	[sflag:s4] =	ssyncset.s32 $0xFFFFF086  }
0x25: {  	[simem:s6], [sflag:s4] =	dma.local [hbm:s3], $0xF7A  }
0x26: {  	[smem:$0x3F91] =	sst s1;
	(tag) =	ssettag s2;
	_ =	strace s9  }
0x27: {  	s1 =	sld [smem:$0x3FA1]  }
0x28: {  	s2 =	sld [smem:$0x3FA2]  }
0x29: {  	s4 =	sld [smem:$0x3FA4]  }
0x2a: {  	p0 =	seq.s32 s5, $0x0;
	s5 =	sld [smem:$0x3FA5]  }
0x2b: {  	s6 =	sld [smem:$0x3FA6]  }
0x2c: {  	s7 =	sld [smem:$0x3FA7]  }
0x2d: {  	s3 =	simm.s32 $0x108;
	s8 =	sld [smem:$0x3FA8]  }
0x2e: {  	s3 =	simm.s32 @!p0 $0x1082;
	s9 =	sld [smem:$0x3FA9]  }
0x2f: {  	lr =	sadd.s32 s0, s3;
	s0 =	sld [smem:$0x3FA0]  }
0x30: {  	s3 =	sld [smem:$0x3FA3]  }
0x31: {  	[smem:$0x3FAC] =	sst s10  }
0x32: {  	s10 =	sld [smem:$0x3FAA];
	_ =	sdelay $0x3  }
0x33: {  	p0 =	seq.s32 s10, $0x1;
	s10 =	sld [smem:$0x3FAC];
	_ =	sdelay $0x3  }
0x34: {  	[smem:$0x3FAC] =	sst s10  }
0x35: {  	s10 =	sld [smem:$0x3FAB];
	_ =	sdelay $0x3  }
0x36: {  	p1 =	seq.s32 s10, $0x1;
	s10 =	sld [smem:$0x3FAC];
	_ =	sdelay $0x3  }
0x37: {  	[smem:$0x3FAC] =	sst s10  }
0x38: {  	s10 =	sld [smem:$0x3FAD]  }
0x39: {  	_ = 	snop;
	(pc) =	sbr.ind lr, $3  }
0x3a: {  	_ = 	snop  }
0x3b: {  	_ = 	snop  }
0x3c: {  	p2 =	seq.s32 s10, $0x1;
	s10 =	sld [smem:$0x3FAC]  }
0x3d: {  	_ =	shalt  }
0x3e: {  	_ =	shalt  }
0x3f: {  	_ =	shalt  }
0x40: {  	_ =	shalt  }
0x41: {  	_ =	shalt  }
0x42: {  	_ =	shalt  }
0x43: {  	_ =	shalt  }
0x44: {  	_ =	shalt  }
0x45: {  	_ =	shalt  }
0x46: {  	_ =	shalt  }
0x47: {  	_ =	shalt  }
0x48: {  	_ =	shalt  }
0x49: {  	_ =	shalt  }
0x4a: {  	_ =	shalt  }
0x4b: {  	_ =	shalt  }
0x4c: {  	_ =	shalt  }
0x4d: {  	_ =	shalt  }
0x4e: {  	_ =	shalt  }
0x4f: {  	_ =	shalt  }
0x50: {  	_ =	shalt  }
0x51: {  	_ =	shalt  }
0x52: {  	_ =	shalt  }
0x53: {  	_ =	shalt  }
0x54: {  	_ =	shalt  }
0x55: {  	_ =	shalt  }
0x56: {  	_ =	shalt  }
0x57: {  	_ =	shalt  }
0x58: {  	_ =	shalt  }
0x59: {  	_ =	shalt  }
0x5a: {  	_ =	shalt  }
0x5b: {  	_ =	shalt  }
0x5c: {  	_ =	shalt  }
0x5d: {  	_ =	shalt  }
0x5e: {  	_ =	shalt  }
0x5f: {  	_ =	shalt  }
0x60: {  	_ =	shalt  }
0x61: {  	_ =	shalt  }
0x62: {  	_ =	shalt  }
0x63: {  	_ =	shalt  }
0x64: {  	_ =	shalt  }
0x65: {  	_ =	shalt  }
0x66: {  	_ =	shalt  }
0x67: {  	_ =	shalt  }
0x68: {  	_ =	shalt  }
0x69: {  	_ =	shalt  }
0x6a: {  	_ =	shalt  }
0x6b: {  	_ =	shalt  }
0x6c: {  	_ =	shalt  }
0x6d: {  	_ =	shalt  }
0x6e: {  	_ =	shalt  }
0x6f: {  	_ =	shalt  }
0x70: {  	_ =	shalt  }
0x71: {  	_ =	shalt  }
0x72: {  	_ =	shalt  }
0x73: {  	_ =	shalt  }
0x74: {  	_ =	shalt  }
0x75: {  	_ =	shalt  }
0x76: {  	_ =	shalt  }
0x77: {  	_ =	shalt  }
0x78: {  	_ =	shalt  }
0x79: {  	_ =	shalt  }
0x7a: {  	_ =	shalt  }
0x7b: {  	_ =	shalt  }
0x7c: {  	_ =	shalt  }
0x7d: {  	_ =	shalt  }
0x7e: {  	_ =	shalt  }
0x7f: {  	_ =	shalt  }
0x80: {  	_ =	shalt  }
0x81: {  	_ =	shalt  }
0x82: {  	_ =	shalt  }
0x83: {  	_ =	shalt  }
0x84: {  	_ =	shalt  }
0x85: {  	_ =	shalt  }
0x86: {  	_ =	shalt  }
0x87: {  	_ =	shalt  }
.Lfunc_end0:
.L_simem_size_0:
called_computation.1_lowered:
.L_overlay_start_0:
0x88: {  	s2 =	sld [smem:$0x3FD9]  }
0x89: {  	s3 =	sld [smem:$0x3FFE];
	_ =	sdelay $0x1  }
0x8a: {  	s1 =	srdreg.scid  }
0x8b: {  	s0 =	sand.u32 $0x1, s1  }
0x8c: {  	s17 =	sshll.u32 s0, $0xA;
	s2 =	sadd.s32 s3, s2  }
0x8d: {  	s2 =	sadd.s32 s2, s17  }
0x8e: {  	[smem:$0x3FB8] =	sst s2  }
0x8f: {  	_ = 	snop  }
0x90: {  	s2 =	sld [smem:$0x3FD0];
	(tm) =	ssettm $0x1  }
0x91: {  	s18 =	sld [smem:$0x3FFB];
	_ =	sdelay $0x3  }
0x92: {  	_ =	strace s18  }
0x93: {  	s3 =	sld [smem:$0x3FFC];
	_ =	sdelay $0x3  }
0x94: {  	_ =	strace s3  }
0x95: {  	s3 =	sld [smem:$0x3FFD];
	_ =	sdelay $0x3  }
0x96: {  	_ =	strace s3  }
0x97: {  	_ =	strace $0x8FFFFFFF  }
0x98: {  	s19 =	sld [smem:$0x3FDB];
	_ =	sdelay $0x1  }
0x99: {  	s4 =	simm.s32 $_scs_section_size  }
0x9a: {  	s5 =	simm.s32 $_size__tile_overlayer_lowered;
	s6 =	simm.s32 $_tile_overlayer_lowered  }
0x9b: {  	s22 =	simm.s32 $0x1BFF;
	s21 =	sshll.u32 s6, $0x1;
	s3 =	sadd.s32 s4, s19  }
0x9c: {  	s7 =	simm.s32 $0x0;
	s20 =	sshll.u32 s5, $0x1;
	s5 =	sadd.s32 s21, s3  }
0x9d: {  	[timem:s7], [sflag:s22] =	dma.local [hbm:s5], s20  }
0x9e: {  	_ =	swait.ge [sflag:s22], s20  }
0x9f: {  	s4 =	ssub.s32 $0x0, s20;
	[sflag:s22] =	ssyncset.done $0x0  }
0xa0: {  	[sflag:s22] =	ssyncadd.s32 s4;
	_ =	sdelay $0x1  }
0xa1: {  	s23 =	simm.s32 $0x1B8B  }
0xa2: {  	_ =	swait.ge [sflag:s23], $0x1  }
0xa3: {  	[sflag:s23] =	ssyncset.done $0x0  }
0xa4: {  	s25 =	simm.s32 $0x1B8E;
	s24 =	sld [smem:$0x3FFE];
	[sflag:s23] =	ssyncadd.s32 $0xFFFFFFFF  }
0xa5: {  	s26 =	simm.s32 $execute0_lowered;
	[smem:$0x3FD2] =	sst s25  }
0xa6: {  	s5 =	sshll.u32 s26, $0x1;
	_ =	strace $0x80000049;
	[dreg:$0x1] =	wrdreg $0xFFFFFFFF  }
0xa7: {  	s28 =	simm.s32 $_size_execute0_lowered;
	s3 =	sadd.s32 s3, s5;
	[dreg:$0x0] =	wrdreg $0x0  }
0xa8: {  	s5 =	sshll.u32 s28, $0x1;
	[dreg:$0x2] =	wrdreg s3  }
0xa9: {  	[dreg:$0x3] =	wrdreg s5  }
0xaa: {  	[dreg:$0x4] =	wrdreg $0xC0  }
0xab: {  	_ =	task [dreg:s7], $0x5FFFF  }
0xac: {  	[dreg:$0x1] =	wrdreg $0xFFFFFFFF  }
0xad: {  	[dreg:$0x0] =	wrdreg $0x60  }
0xae: {  	[dreg:$0x2] =	wrdreg s24  }
0xaf: {  	[dreg:$0x3] =	wrdreg s2  }
0xb0: {  	[dreg:$0x4] =	wrdreg $0x85C00  }
0xb1: {  	[dreg:$0x5] =	wrdreg $0x9  }
0xb2: {  	_ =	task.clear_ibuf [dreg:s7], $0x6FFFF;
	_ =	strace $0x90000049  }
0xb3: {  	s29 =	simm.s32 $0x9;
	_ =	strace $0x8000004B  }
0xb4: {  	_ =	swait.ge [sflag:s29], $0x1  }
0xb5: {  	[sflag:s29] =	ssyncadd.s32 $0xFFFFFFFF  }
0xb6: {  	_ =	strace $0x9000004B  }
0xb7: {  	_ =	sfence  }
0xb8: {  	s30 =	sld [smem:$0x0];
	_ =	sdelay $0x2  }
0xb9: {  	s31 =	sshll.u32 s1, $0xD;
	s1 =	sshrl.u32 s1, $0x2  }
0xba: {  	s3 =	sand.u32 $0x4000, s31;
	s1 =	sadd.s32 s1, s30  }
0xbb: {  	s0 =	sor.u32 s3, s0;
	s1 =	sshll.u32 s1, $0x11  }
0xbc: {  	s0 =	sor.u32 s1, s0  }
0xbd: {  	s0 =	sadd.s32 $0x8F2B, s0  }
0xbe: {  	[sflag:s0] =	ssyncadd.remote.s32 $0x1  }
0xbf: {  	_ =	sfence.sel $0xFFFF  }
0xc0: {  	[dreg:$0x0] =	wrdreg $0xFFFFFFFF;
	(pc) =	sbr.abs _section_cstart, $3  }
0xc1: {  	[dreg:$0x1] =	wrdreg $0xFFFFFFFF  }
0xc2: {  	_ =	task.clear_ibuf [dreg:s7], $0x2FFFF;
	_ =	strace $0x9FFFFFFF  }
0xc3: {  	(tm) =	ssettm $0x7FFFFFFF  }
tec
execute0_lowered:
.L_overlay_start_1:
0x0: {  	(tag) =	ssettag $0x1  }
0x1: {  	s0 =	rddreg [dreg:$0x0]  }
0x2: {  	s2 =	rddreg [dreg:$0x2]  }
0x3: {  	s1 =	simm.s32 $0x0;
	s17 =	srdreg.scid;
	s12 =	stileid.u32  }
0x4: {  	s28 =	simm.s32 $0x56E0;
	s29 =	simm.s32 $0x1;
	s31 =	simm.s32 $0x6E50  }
0x5: {  	s14 =	simm.s32 $0x280;
	s15 =	simm.s32 $0x4;
	s16 =	simm.s32 $0x1580  }
0x6: {  	[smem:$0x7FF] =	sst s1;
	s1 =	sand.u32 $0x1, s17;
	s3 =	smul.u32 $0x7800, s12  }
0x7: {  	s5 =	sadd.s32 $0x2A00, s0;
	s6 =	sadd.s32 $0x11600, s0;
	s7 =	sadd.s32 $0x20200, s0  }
0x8: {  	s9 =	sadd.s32 $0x155800, s0;
	s8 =	sshll.u32 s12, $0x1;
	s10 =	sadd.s32 $0x15F800, s0  }
0x9: {  	s11 =	sadd.s32 $0x169800, s0;
	s19 =	sshll.u32 s12, $0x6;
	s17 =	simm.s32 $0x7  }
0xa: {  	s4 =	smul.u32 $0x78000, s1;
	s8 =	sor.u32 s1, s8;
	s1 =	ssub.s32 $0x2, s1  }
0xb: {  	_ =	strace $0x8000004A;
	s8 =	smul.u32 $0x1400, s8;
	s18 =	sshrl.u32 s1, $0x1  }
0xc: {  	s4 =	sadd.s32 s3, s4;
	s1 =	ssub.s32 s1, s18;
	s3 =	sadd.s32 s3, s2  }
0xd: {  	s18 =	simm.s32 $0x300;
	s4 =	sshrl.u32 s4, $0x3;
	s20 =	sshrl.u32 s8, $0x3  }
0xe: {  	s8 =	sor.u32 $0x1C09, s19;
	s30 =	smax.u32 s1, $0x1;
	s19 =	sshrl.u32 s3, $0x3  }
0xf: {  	s1 =	simm.s32 $0x8;
	s13 =	sadd.s32 s9, s20;
	[dreg:$0xd] =	wrdreg s30  }
0x10: {  	s0 =	sadd.s32 s4, s0;
	s23 =	sadd.s32 s10, s20;
	[dreg:$0x4] =	wrdreg s13  }
0x11: {  	s21 =	sadd.s32 $0x5000, s20;
	s26 =	sadd.s32 s11, s20;
	[dreg:$0x7] =	wrdreg s23  }
0x12: {  	s20 =	simm.s32 $0x9;
	s9 =	sadd.s32 s9, s21;
	[dreg:$0xa] =	wrdreg s26  }
0x13: {  	s22 =	sadd.s32 $0x2EE00, s0;
	s24 =	sadd.s32 s10, s21;
	[dreg:$0x5] =	wrdreg s9  }
0x14: {  	s25 =	sadd.s32 $0x4CE00, s0;
	s4 =	sadd.s32 s11, s21;
	[dreg:$0x6] =	wrdreg s22  }
.Ltmp0:
0x15: {  	s0 =	sadd.s32 $0x6AE00, s0;
	[dreg:$0x8] =	wrdreg s24;
	(pc) =	sbr.rel .LBB2_1-.Ltmp0, $4  }
0x16: {  	s21 =	simm.s32 $0x1400;
	s23 =	simm.s32 $0x2800;
	[dreg:$0x9] =	wrdreg s25  }
0x17: {  	s11 =	simm.s32 $0x3;
	s13 =	simm.s32 $0x6;
	[dreg:$0xb] =	wrdreg s4  }
0x18: {  	[dreg:$0xc] =	wrdreg s0;
	s22 =	simm.s32 $0x7D;
	s25 =	simm.s32 $0x3F70  }
0x19: {  	s0 =	simm.s32 $0x2;
	s9 =	simm.s32 $0x5;
	s4 =	simm.s32 $0x0  }
.LBB2_10:
0x1a: {  	_ =	swait.ge [sflag:s9], $0x1770  }
0x1b: {  	[sflag:s9] =	ssyncset.done $0x0  }
0x1c: {  	[sflag:s9] =	ssyncadd.s32 $0xFFFFE890  }
0x1d: {  	_ =	swait.ge [sflag:s13], $0x1770  }
0x1e: {  	[sflag:s13] =	ssyncset.done $0x0  }
0x1f: {  	[sflag:s13] =	ssyncadd.s32 $0xFFFFE890  }
0x20: {  	_ =	swait.ge [sflag:s17], $0x1770  }
0x21: {  	[sflag:s17] =	ssyncset.done $0x0  }
0x22: {  	[sflag:s17] =	ssyncadd.s32 $0xFFFFE890  }
0x23: {  	_ =	swait.ge [sflag:s1], $0x1770  }
0x24: {  	[sflag:s1] =	ssyncset.done $0x0  }
0x25: {  	[sflag:s1] =	ssyncadd.s32 $0xFFFFE890  }
0x26: {  	[bflag:$0x0] =	sbarrier.arrive $0xFFFF  }
0x27: {  	s3 =	rddreg [dreg:$0xc]  }
0x28: {  	[hbm:s3], [sflag:s8] =	dma.local [spmem:s19], $0xF00  }
0x29: {  	_ =	swait.ge [sflag:s20], $0xF00  }
0x2a: {  	s4 =	sadd.s32 $0x1, s4;
	s30 =	rddreg [dreg:$0xd]  }
0x2b: {  	p0 =	sne.s32 s4, s30  }
.Ltmp1:
0x2c: {  	_ = 	snop;
	(pc) =	sbr.rel @!p0 .LBB2_11-.Ltmp1, $3  }
0x2d: {  	[sflag:s20] =	ssyncset.done $0x0  }
0x2e: {  	[sflag:s20] =	ssyncadd.s32 $0xFFFFF100  }
0x2f: {  	[bflag:$0x0] =	sbarrier.arrive $0xFFFF;
	_ =	sdelay $0x1  }
.LBB2_1:
0x30: {  	s3 =	rddreg [dreg:$0x1]  }
0x31: {  	[spmem:s19], [sflag:s8] =	dma.local [hbm:s3], $0xF00  }
0x32: {  	_ =	swait.ge [sflag:s20], $0xF00  }
0x33: {  	[sflag:s20] =	ssyncset.done $0x0  }
0x34: {  	[sflag:s20] =	ssyncadd.s32 $0xFFFFF100  }
0x35: {  	[bflag:$0x0] =	sbarrier.arrive $0xFFFF  }
0x36: {  	s24 =	simm.s32 $0x0;
	s10 =	rddreg [dreg:$0x4]  }
0x37: {  	[tilespmem:s24], [sflag:$0x9] =	stream.linear.gather [hbm4b:s10+s24], $0x1400, $0x38;
	[tilespmem:$0xFDC0] =	vst v63  }
0x38: {  	_ =	swait.ge [sflag:s20], $0x1400  }
0x39: {  	[sflag:s20] =	ssyncset.done $0x0  }
0x3a: {  	s26 =	rddreg [dreg:$0x5];
	[sflag:s20] =	ssyncadd.s32 $0xFFFFEC00  }
0x3b: {  	[tilespmem:s21], [sflag:$0x9] =	stream.linear.gather [hbm4b:s26+s24], $0x1400, $0x38;
	[tilespmem:$0xFDC0] =	vst v63  }
0x3c: {  	_ =	swait.ge [sflag:s20], $0x1400  }
0x3d: {  	[sflag:s20] =	ssyncset.done $0x0  }
0x3e: {  	[sflag:s20] =	ssyncadd.s32 $0xFFFFEC00  }
0x3f: {  	[tilespmem:s23], [sflag:$0x1] =	stream.indirect.gather [hbm4b:s5+s22], $0x30, s24, s22, $0xb8;
	[tilespmem:$0xFDC0] =	vst v63  }
0x40: {  	s30 =	simm.s32 $0x80  }
0x41: {  	[tilespmem:s25], [sflag:$0x2] =	stream.indirect.gather [hbm4b:s5+s22], $0x30, s30, s22, $0xb8;
	[tilespmem:$0xFDC0] =	vst v63  }
0x42: {  	s10 =	simm.s32 $0x100  }
0x43: {  	[tilespmem:s28], [sflag:$0x3] =	stream.indirect.gather [hbm4b:s5+s22], $0x30, s10, s22, $0xb8;
	[tilespmem:$0xFDC0] =	vst v63  }
0x44: {  	_ =	swait.ge [sflag:s29], $0x1770  }
0x45: {  	[sflag:s29] =	ssyncset.done $0x0  }
0x46: {  	[sflag:s29] =	ssyncadd.s32 $0xFFFFE890  }
0x47: {  	[spmem:s2] =	stream.indirect.scatter.add.f32 [tilespmem:s23], [sflag:$0x5], $0x30, s21, s22, $0xb8;
	[tilespmem:$0xFDC0] =	vst v63  }
0x48: {  	s12 =	simm.s32 $0x180  }
0x49: {  	[tilespmem:s31], [sflag:$0x4] =	stream.indirect.gather [hbm4b:s5+s22], $0x30, s12, s22, $0xb8;
	[tilespmem:$0xFDC0] =	vst v63  }
0x4a: {  	_ =	swait.ge [sflag:s0], $0x1770  }
0x4b: {  	[sflag:s0] =	ssyncset.done $0x0  }
0x4c: {  	s24 =	simm.s32 $0x1480;
	[sflag:s0] =	ssyncadd.s32 $0xFFFFE890  }
0x4d: {  	[spmem:s2] =	stream.indirect.scatter.add.f32 [tilespmem:s25], [sflag:$0x6], $0x30, s24, s22, $0xb8;
	[tilespmem:$0xFDC0] =	vst v63  }
0x4e: {  	_ =	swait.ge [sflag:s9], $0x1770  }
0x4f: {  	[sflag:s9] =	ssyncset.done $0x0  }
0x50: {  	s26 =	simm.s32 $0x200;
	[sflag:s9] =	ssyncadd.s32 $0xFFFFE890  }
0x51: {  	[tilespmem:s23], [sflag:$0x1] =	stream.indirect.gather [hbm4b:s5+s22], $0x30, s26, s22, $0xb8;
	[tilespmem:$0xFDC0] =	vst v63  }
0x52: {  	_ =	swait.ge [sflag:s11], $0x1770  }
0x53: {  	[sflag:s11] =	ssyncset.done $0x0  }
0x54: {  	s30 =	simm.s32 $0x1500;
	[sflag:s11] =	ssyncadd.s32 $0xFFFFE890  }
0x55: {  	[spmem:s2] =	stream.indirect.scatter.add.f32 [tilespmem:s28], [sflag:$0x7], $0x30, s30, s22, $0xb8;
	[tilespmem:$0xFDC0] =	vst v63  }
0x56: {  	_ =	swait.ge [sflag:s13], $0x1770  }
0x57: {  	[sflag:s13] =	ssyncset.done $0x0  }
0x58: {  	[sflag:s13] =	ssyncadd.s32 $0xFFFFE890  }
0x59: {  	[tilespmem:s25], [sflag:$0x2] =	stream.indirect.gather [hbm4b:s5+s22], $0x30, s14, s22, $0xb8;
	[tilespmem:$0xFDC0] =	vst v63  }
0x5a: {  	_ =	swait.ge [sflag:s15], $0x1770  }
0x5b: {  	[sflag:s15] =	ssyncset.done $0x0  }
0x5c: {  	[sflag:s15] =	ssyncadd.s32 $0xFFFFE890  }
0x5d: {  	[spmem:s2] =	stream.indirect.scatter.add.f32 [tilespmem:s31], [sflag:$0x8], $0x30, s16, s22, $0xb8;
	[tilespmem:$0xFDC0] =	vst v63  }
0x5e: {  	_ =	swait.ge [sflag:s17], $0x1770  }
0x5f: {  	[sflag:s17] =	ssyncset.done $0x0  }
0x60: {  	s24 =	simm.s32 $0x0;
	[sflag:s17] =	ssyncadd.s32 $0xFFFFE890  }
0x61: {  	[tilespmem:s28], [sflag:$0x3] =	stream.indirect.gather [hbm4b:s5+s22], $0x30, s18, s22, $0xb8;
	[tilespmem:$0xFDC0] =	vst v63  }
.LBB2_2:
0x62: {  	_ =	swait.ge [sflag:s29], $0x1770  }
0x63: {  	s26 =	sshra.s32 s24, $0x2;
	[sflag:s29] =	ssyncset.done $0x0  }
0x64: {  	s30 =	sadd.s32 $0x1600, s26;
	[sflag:s29] =	ssyncadd.s32 $0xFFFFE890  }
0x65: {  	[spmem:s2] =	stream.indirect.scatter.add.f32 [tilespmem:s23], [sflag:$0x5], $0x30, s30, s22, $0xb8;
	[tilespmem:$0xFDC0] =	vst v63  }
0x66: {  	_ =	swait.ge [sflag:s1], $0x1770  }
0x67: {  	[sflag:s1] =	ssyncset.done $0x0  }
0x68: {  	s10 =	sadd.s32 $0x380, s26;
	[sflag:s1] =	ssyncadd.s32 $0xFFFFE890  }
0x69: {  	[tilespmem:s31], [sflag:$0x4] =	stream.indirect.gather [hbm4b:s5+s22], $0x30, s10, s22, $0xb8;
	[tilespmem:$0xFDC0] =	vst v63  }
0x6a: {  	_ =	swait.ge [sflag:s0], $0x1770  }
0x6b: {  	p0 =	seq.s32 s24, $0x4000;
	[sflag:s0] =	ssyncset.done $0x0  }
0x6c: {  	s12 =	sadd.s32 $0x1680, s26;
	s30 =	simm.s32 @p0 $0x3;
	[sflag:s0] =	ssyncadd.s32 $0xFFFFE890  }
0x6d: {  	[spmem:s2] =	stream.indirect.scatter.add.f32 [tilespmem:s25], [sflag:$0x6], $0x30, s12, s22, $0xb8;
	[tilespmem:$0xFDC0] =	vst v63  }
0x6e: {  	_ =	swait.ge @p0 [sflag:s30], $0x1770  }
0x6f: {  	[sflag:s30] =	ssyncset.done @p0 $0x0  }
0x70: {  	[sflag:s30] =	ssyncadd.s32 @p0 $0xFFFFE890;
	s30 =	sshra.s32 @p0 s24, $0x2  }
0x71: {  	s3 =	simm.s32 @p0 $0x7D;
	s10 =	simm.s32 @p0 $0x56E0;
	s30 =	sadd.s32 @p0 $0x1700, s30  }
0x72: {  	[spmem:s2] =	stream.indirect.scatter.add.f32 @p0 [tilespmem:s10], [sflag:$0x7], $0x30, s30, s3, $0xb8;
	[tilespmem:$0xFDC0] =	vst v63  }
0x73: {  	s3 =	simm.s32 @!p0 $0x5  }
0x74: {  	_ =	swait.ge @!p0 [sflag:s3], $0x1770  }
0x75: {  	[sflag:s3] =	ssyncset.done @!p0 $0x0  }
0x76: {  	[sflag:s3] =	ssyncadd.s32 @!p0 $0xFFFFE890;
	s3 =	sshra.s32 @!p0 s24, $0x2  }
0x77: {  	s12 =	simm.s32 @!p0 $0x2800;
	s30 =	simm.s32 @!p0 $0x7D;
	s10 =	sadd.s32 @!p0 $0x400, s3  }
0x78: {  	[tilespmem:s12], [sflag:$0x1] =	stream.indirect.gather @!p0 [hbm4b:s5+s30], $0x30, s10, s30, $0xb8;
	[tilespmem:$0xFDC0] =	vst v63  }
0x79: {  	s10 =	simm.s32 @!p0 $0x3  }
0x7a: {  	_ =	swait.ge @!p0 [sflag:s10], $0x1770  }
0x7b: {  	[sflag:s10] =	ssyncset.done @!p0 $0x0  }
0x7c: {  	s12 =	simm.s32 @!p0 $0x56E0;
	[sflag:s10] =	ssyncadd.s32 @!p0 $0xFFFFE890;
	s10 =	sadd.s32 @!p0 $0x1700, s3  }
0x7d: {  	[spmem:s2] =	stream.indirect.scatter.add.f32 @!p0 [tilespmem:s12], [sflag:$0x7], $0x30, s10, s30, $0xb8;
	[tilespmem:$0xFDC0] =	vst v63  }
0x7e: {  	s10 =	simm.s32 @!p0 $0x6  }
0x7f: {  	_ =	swait.ge @!p0 [sflag:s10], $0x1770  }
0x80: {  	[sflag:s10] =	ssyncset.done @!p0 $0x0  }
0x81: {  	s3 =	sadd.s32 @!p0 $0x480, s3;
	[sflag:s10] =	ssyncadd.s32 @!p0 $0xFFFFE890;
	s10 =	simm.s32 @!p0 $0x3F70  }
0x82: {  	[tilespmem:s10], [sflag:$0x2] =	stream.indirect.gather @!p0 [hbm4b:s5+s30], $0x30, s3, s30, $0xb8;
	[tilespmem:$0xFDC0] =	vst v63  }
.Ltmp2:
0x83: {  	_ = 	snop;
	(pc) =	sbr.rel @p0 .LBB2_4-.Ltmp2, $4  }
0x84: {  	_ =	swait.ge [sflag:s15], $0x1770  }
0x85: {  	[sflag:s15] =	ssyncset.done $0x0  }
0x86: {  	s30 =	sadd.s32 $0x1780, s26;
	[sflag:s15] =	ssyncadd.s32 $0xFFFFE890  }
0x87: {  	[spmem:s2] =	stream.indirect.scatter.add.f32 [tilespmem:s31], [sflag:$0x8], $0x30, s30, s22, $0xb8;
	[tilespmem:$0xFDC0] =	vst v63  }
.Ltmp3:
0x88: {  	(pc) =	sbr.rel .LBB2_2-.Ltmp3, $4  }
0x89: {  	_ =	swait.ge [sflag:s17], $0x1770  }
0x8a: {  	[sflag:s17] =	ssyncset.done $0x0  }
0x8b: {  	s3 =	sadd.s32 $0x500, s26;
	s24 =	sadd.s32 $0x800, s24;
	[sflag:s17] =	ssyncadd.s32 $0xFFFFE890  }
0x8c: {  	[tilespmem:s28], [sflag:$0x3] =	stream.indirect.gather [hbm4b:s5+s22], $0x30, s3, s22, $0xb8;
	[tilespmem:$0xFDC0] =	vst v63  }
.LBB2_4:
0x8d: {  	_ =	swait.ge [sflag:s9], $0x1770  }
0x8e: {  	[sflag:s9] =	ssyncset.done $0x0  }
0x8f: {  	[sflag:s9] =	ssyncadd.s32 $0xFFFFE890  }
0x90: {  	_ =	swait.ge [sflag:s13], $0x1770  }
0x91: {  	[sflag:s13] =	ssyncset.done $0x0  }
0x92: {  	[sflag:s13] =	ssyncadd.s32 $0xFFFFE890  }
0x93: {  	_ =	swait.ge [sflag:s17], $0x1770  }
0x94: {  	[sflag:s17] =	ssyncset.done $0x0  }
0x95: {  	[sflag:s17] =	ssyncadd.s32 $0xFFFFE890  }
0x96: {  	_ =	swait.ge [sflag:s1], $0x1770  }
0x97: {  	[sflag:s1] =	ssyncset.done $0x0  }
0x98: {  	[sflag:s1] =	ssyncadd.s32 $0xFFFFE890  }
0x99: {  	[bflag:$0x0] =	sbarrier.arrive $0xFFFF  }
0x9a: {  	s3 =	rddreg [dreg:$0x6]  }
0x9b: {  	[hbm:s3], [sflag:s8] =	dma.local [spmem:s19], $0xF00  }
0x9c: {  	_ =	swait.ge [sflag:s20], $0xF00  }
0x9d: {  	[sflag:s20] =	ssyncset.done $0x0  }
0x9e: {  	[sflag:s20] =	ssyncadd.s32 $0xFFFFF100  }
0x9f: {  	[bflag:$0x0] =	sbarrier.arrive $0xFFFF  }
0xa0: {  	s30 =	rddreg [dreg:$0x1]  }
0xa1: {  	[spmem:s19], [sflag:s8] =	dma.local [hbm:s30], $0xF00  }
0xa2: {  	_ =	swait.ge [sflag:s20], $0xF00  }
0xa3: {  	[sflag:s20] =	ssyncset.done $0x0  }
0xa4: {  	[sflag:s20] =	ssyncadd.s32 $0xFFFFF100  }
0xa5: {  	[bflag:$0x0] =	sbarrier.arrive $0xFFFF  }
0xa6: {  	s24 =	simm.s32 $0x0;
	s10 =	rddreg [dreg:$0x7]  }
0xa7: {  	[tilespmem:s24], [sflag:$0x9] =	stream.linear.gather [hbm4b:s10+s24], $0x1400, $0x38;
	[tilespmem:$0xFDC0] =	vst v63  }
0xa8: {  	_ =	swait.ge [sflag:s20], $0x1400  }
0xa9: {  	[sflag:s20] =	ssyncset.done $0x0  }
0xaa: {  	s12 =	rddreg [dreg:$0x8];
	[sflag:s20] =	ssyncadd.s32 $0xFFFFEC00  }
0xab: {  	[tilespmem:s21], [sflag:$0x9] =	stream.linear.gather [hbm4b:s12+s24], $0x1400, $0x38;
	[tilespmem:$0xFDC0] =	vst v63  }
0xac: {  	_ =	swait.ge [sflag:s20], $0x1400  }
0xad: {  	[sflag:s20] =	ssyncset.done $0x0  }
0xae: {  	[sflag:s20] =	ssyncadd.s32 $0xFFFFEC00  }
0xaf: {  	[tilespmem:s23], [sflag:$0x1] =	stream.indirect.gather [hbm4b:s6+s22], $0x30, s24, s22, $0xb8;
	[tilespmem:$0xFDC0] =	vst v63  }
0xb0: {  	s26 =	simm.s32 $0x80  }
0xb1: {  	[tilespmem:s25], [sflag:$0x2] =	stream.indirect.gather [hbm4b:s6+s22], $0x30, s26, s22, $0xb8;
	[tilespmem:$0xFDC0] =	vst v63  }
0xb2: {  	s30 =	simm.s32 $0x100  }
0xb3: {  	[tilespmem:s28], [sflag:$0x3] =	stream.indirect.gather [hbm4b:s6+s22], $0x30, s30, s22, $0xb8;
	[tilespmem:$0xFDC0] =	vst v63  }
0xb4: {  	_ =	swait.ge [sflag:s29], $0x1770  }
0xb5: {  	[sflag:s29] =	ssyncset.done $0x0  }
0xb6: {  	[sflag:s29] =	ssyncadd.s32 $0xFFFFE890  }
0xb7: {  	[spmem:s2] =	stream.indirect.scatter.add.f32 [tilespmem:s23], [sflag:$0x5], $0x30, s21, s22, $0xb8;
	[tilespmem:$0xFDC0] =	vst v63  }
0xb8: {  	s10 =	simm.s32 $0x180  }
0xb9: {  	[tilespmem:s31], [sflag:$0x4] =	stream.indirect.gather [hbm4b:s6+s22], $0x30, s10, s22, $0xb8;
	[tilespmem:$0xFDC0] =	vst v63  }
0xba: {  	_ =	swait.ge [sflag:s0], $0x1770  }
0xbb: {  	[sflag:s0] =	ssyncset.done $0x0  }
0xbc: {  	s12 =	simm.s32 $0x1480;
	[sflag:s0] =	ssyncadd.s32 $0xFFFFE890  }
0xbd: {  	[spmem:s2] =	stream.indirect.scatter.add.f32 [tilespmem:s25], [sflag:$0x6], $0x30, s12, s22, $0xb8;
	[tilespmem:$0xFDC0] =	vst v63  }
0xbe: {  	_ =	swait.ge [sflag:s9], $0x1770  }
0xbf: {  	[sflag:s9] =	ssyncset.done $0x0  }
0xc0: {  	s26 =	simm.s32 $0x200;
	[sflag:s9] =	ssyncadd.s32 $0xFFFFE890  }
0xc1: {  	[tilespmem:s23], [sflag:$0x1] =	stream.indirect.gather [hbm4b:s6+s22], $0x30, s26, s22, $0xb8;
	[tilespmem:$0xFDC0] =	vst v63  }
0xc2: {  	_ =	swait.ge [sflag:s11], $0x1770  }
0xc3: {  	[sflag:s11] =	ssyncset.done $0x0  }
0xc4: {  	s30 =	simm.s32 $0x1500;
	[sflag:s11] =	ssyncadd.s32 $0xFFFFE890  }
0xc5: {  	[spmem:s2] =	stream.indirect.scatter.add.f32 [tilespmem:s28], [sflag:$0x7], $0x30, s30, s22, $0xb8;
	[tilespmem:$0xFDC0] =	vst v63  }
0xc6: {  	_ =	swait.ge [sflag:s13], $0x1770  }
0xc7: {  	[sflag:s13] =	ssyncset.done $0x0  }
0xc8: {  	[sflag:s13] =	ssyncadd.s32 $0xFFFFE890  }
0xc9: {  	[tilespmem:s25], [sflag:$0x2] =	stream.indirect.gather [hbm4b:s6+s22], $0x30, s14, s22, $0xb8;
	[tilespmem:$0xFDC0] =	vst v63  }
0xca: {  	_ =	swait.ge [sflag:s15], $0x1770  }
0xcb: {  	[sflag:s15] =	ssyncset.done $0x0  }
0xcc: {  	[sflag:s15] =	ssyncadd.s32 $0xFFFFE890  }
0xcd: {  	[spmem:s2] =	stream.indirect.scatter.add.f32 [tilespmem:s31], [sflag:$0x8], $0x30, s16, s22, $0xb8;
	[tilespmem:$0xFDC0] =	vst v63  }
0xce: {  	_ =	swait.ge [sflag:s17], $0x1770  }
0xcf: {  	[sflag:s17] =	ssyncset.done $0x0  }
0xd0: {  	[sflag:s17] =	ssyncadd.s32 $0xFFFFE890  }
0xd1: {  	[tilespmem:s28], [sflag:$0x3] =	stream.indirect.gather [hbm4b:s6+s22], $0x30, s18, s22, $0xb8;
	[tilespmem:$0xFDC0] =	vst v63  }
.LBB2_5:
0xd2: {  	_ =	swait.ge [sflag:s29], $0x1770  }
0xd3: {  	s26 =	sshra.s32 s24, $0x2;
	[sflag:s29] =	ssyncset.done $0x0  }
0xd4: {  	s3 =	sadd.s32 $0x1600, s26;
	[sflag:s29] =	ssyncadd.s32 $0xFFFFE890  }
0xd5: {  	[spmem:s2] =	stream.indirect.scatter.add.f32 [tilespmem:s23], [sflag:$0x5], $0x30, s3, s22, $0xb8;
	[tilespmem:$0xFDC0] =	vst v63  }
0xd6: {  	_ =	swait.ge [sflag:s1], $0x1770  }
0xd7: {  	[sflag:s1] =	ssyncset.done $0x0  }
0xd8: {  	s10 =	sadd.s32 $0x380, s26;
	[sflag:s1] =	ssyncadd.s32 $0xFFFFE890  }
0xd9: {  	[tilespmem:s31], [sflag:$0x4] =	stream.indirect.gather [hbm4b:s6+s22], $0x30, s10, s22, $0xb8;
	[tilespmem:$0xFDC0] =	vst v63  }
0xda: {  	_ =	swait.ge [sflag:s0], $0x1770  }
0xdb: {  	p0 =	seq.s32 s24, $0x4000;
	[sflag:s0] =	ssyncset.done $0x0  }
0xdc: {  	s12 =	sadd.s32 $0x1680, s26;
	s3 =	simm.s32 @p0 $0x3;
	[sflag:s0] =	ssyncadd.s32 $0xFFFFE890  }
0xdd: {  	[spmem:s2] =	stream.indirect.scatter.add.f32 [tilespmem:s25], [sflag:$0x6], $0x30, s12, s22, $0xb8;
	[tilespmem:$0xFDC0] =	vst v63  }
0xde: {  	_ =	swait.ge @p0 [sflag:s3], $0x1770  }
0xdf: {  	[sflag:s3] =	ssyncset.done @p0 $0x0  }
0xe0: {  	[sflag:s3] =	ssyncadd.s32 @p0 $0xFFFFE890;
	s3 =	sshra.s32 @p0 s24, $0x2  }
0xe1: {  	s10 =	simm.s32 @p0 $0x7D;
	s12 =	simm.s32 @p0 $0x56E0;
	s3 =	sadd.s32 @p0 $0x1700, s3  }
0xe2: {  	[spmem:s2] =	stream.indirect.scatter.add.f32 @p0 [tilespmem:s12], [sflag:$0x7], $0x30, s3, s10, $0xb8;
	[tilespmem:$0xFDC0] =	vst v63  }
0xe3: {  	s3 =	simm.s32 @!p0 $0x5  }
0xe4: {  	_ =	swait.ge @!p0 [sflag:s3], $0x1770  }
0xe5: {  	[sflag:s3] =	ssyncset.done @!p0 $0x0  }
0xe6: {  	[sflag:s3] =	ssyncadd.s32 @!p0 $0xFFFFE890;
	s3 =	sshra.s32 @!p0 s24, $0x2  }
0xe7: {  	s30 =	simm.s32 @!p0 $0x2800;
	s12 =	simm.s32 @!p0 $0x7D;
	s10 =	sadd.s32 @!p0 $0x400, s3  }
0xe8: {  	[tilespmem:s30], [sflag:$0x1] =	stream.indirect.gather @!p0 [hbm4b:s6+s12], $0x30, s10, s12, $0xb8;
	[tilespmem:$0xFDC0] =	vst v63  }
0xe9: {  	s10 =	simm.s32 @!p0 $0x3  }
0xea: {  	_ =	swait.ge @!p0 [sflag:s10], $0x1770  }
0xeb: {  	[sflag:s10] =	ssyncset.done @!p0 $0x0  }
0xec: {  	s30 =	simm.s32 @!p0 $0x56E0;
	[sflag:s10] =	ssyncadd.s32 @!p0 $0xFFFFE890;
	s10 =	sadd.s32 @!p0 $0x1700, s3  }
0xed: {  	[spmem:s2] =	stream.indirect.scatter.add.f32 @!p0 [tilespmem:s30], [sflag:$0x7], $0x30, s10, s12, $0xb8;
	[tilespmem:$0xFDC0] =	vst v63  }
0xee: {  	s10 =	simm.s32 @!p0 $0x6  }
0xef: {  	_ =	swait.ge @!p0 [sflag:s10], $0x1770  }
0xf0: {  	[sflag:s10] =	ssyncset.done @!p0 $0x0  }
0xf1: {  	s3 =	sadd.s32 @!p0 $0x480, s3;
	[sflag:s10] =	ssyncadd.s32 @!p0 $0xFFFFE890;
	s10 =	simm.s32 @!p0 $0x3F70  }
0xf2: {  	[tilespmem:s10], [sflag:$0x2] =	stream.indirect.gather @!p0 [hbm4b:s6+s12], $0x30, s3, s12, $0xb8;
	[tilespmem:$0xFDC0] =	vst v63  }
.Ltmp4:
0xf3: {  	_ = 	snop;
	(pc) =	sbr.rel @p0 .LBB2_7-.Ltmp4, $4  }
0xf4: {  	_ =	swait.ge [sflag:s15], $0x1770  }
0xf5: {  	[sflag:s15] =	ssyncset.done $0x0  }
0xf6: {  	s30 =	sadd.s32 $0x1780, s26;
	[sflag:s15] =	ssyncadd.s32 $0xFFFFE890  }
0xf7: {  	[spmem:s2] =	stream.indirect.scatter.add.f32 [tilespmem:s31], [sflag:$0x8], $0x30, s30, s22, $0xb8;
	[tilespmem:$0xFDC0] =	vst v63  }
.Ltmp5:
0xf8: {  	(pc) =	sbr.rel .LBB2_5-.Ltmp5, $4  }
0xf9: {  	_ =	swait.ge [sflag:s17], $0x1770  }
0xfa: {  	[sflag:s17] =	ssyncset.done $0x0  }
0xfb: {  	s3 =	sadd.s32 $0x500, s26;
	s24 =	sadd.s32 $0x800, s24;
	[sflag:s17] =	ssyncadd.s32 $0xFFFFE890  }
0xfc: {  	[tilespmem:s28], [sflag:$0x3] =	stream.indirect.gather [hbm4b:s6+s22], $0x30, s3, s22, $0xb8;
	[tilespmem:$0xFDC0] =	vst v63  }
.LBB2_7:
0xfd: {  	_ =	swait.ge [sflag:s9], $0x1770  }
0xfe: {  	[sflag:s9] =	ssyncset.done $0x0  }
0xff: {  	[sflag:s9] =	ssyncadd.s32 $0xFFFFE890  }
0x100: {  	_ =	swait.ge [sflag:s13], $0x1770  }
0x101: {  	[sflag:s13] =	ssyncset.done $0x0  }
0x102: {  	[sflag:s13] =	ssyncadd.s32 $0xFFFFE890  }
0x103: {  	_ =	swait.ge [sflag:s17], $0x1770  }
0x104: {  	[sflag:s17] =	ssyncset.done $0x0  }
0x105: {  	[sflag:s17] =	ssyncadd.s32 $0xFFFFE890  }
0x106: {  	_ =	swait.ge [sflag:s1], $0x1770  }
0x107: {  	[sflag:s1] =	ssyncset.done $0x0  }
0x108: {  	[sflag:s1] =	ssyncadd.s32 $0xFFFFE890  }
0x109: {  	[bflag:$0x0] =	sbarrier.arrive $0xFFFF  }
0x10a: {  	s3 =	rddreg [dreg:$0x9]  }
0x10b: {  	[hbm:s3], [sflag:s8] =	dma.local [spmem:s19], $0xF00  }
0x10c: {  	_ =	swait.ge [sflag:s20], $0xF00  }
0x10d: {  	[sflag:s20] =	ssyncset.done $0x0  }
0x10e: {  	[sflag:s20] =	ssyncadd.s32 $0xFFFFF100  }
0x10f: {  	[bflag:$0x0] =	sbarrier.arrive $0xFFFF  }
0x110: {  	s30 =	rddreg [dreg:$0x1]  }
0x111: {  	[spmem:s19], [sflag:s8] =	dma.local [hbm:s30], $0xF00  }
0x112: {  	_ =	swait.ge [sflag:s20], $0xF00  }
0x113: {  	[sflag:s20] =	ssyncset.done $0x0  }
0x114: {  	[sflag:s20] =	ssyncadd.s32 $0xFFFFF100  }
0x115: {  	[bflag:$0x0] =	sbarrier.arrive $0xFFFF  }
0x116: {  	s24 =	simm.s32 $0x0;
	s10 =	rddreg [dreg:$0xa]  }
0x117: {  	[tilespmem:s24], [sflag:$0x9] =	stream.linear.gather [hbm4b:s10+s24], $0x1400, $0x38;
	[tilespmem:$0xFDC0] =	vst v63  }
0x118: {  	_ =	swait.ge [sflag:s20], $0x1400  }
0x119: {  	[sflag:s20] =	ssyncset.done $0x0  }
0x11a: {  	s12 =	rddreg [dreg:$0xb];
	[sflag:s20] =	ssyncadd.s32 $0xFFFFEC00  }
0x11b: {  	[tilespmem:s21], [sflag:$0x9] =	stream.linear.gather [hbm4b:s12+s24], $0x1400, $0x38;
	[tilespmem:$0xFDC0] =	vst v63  }
0x11c: {  	_ =	swait.ge [sflag:s20], $0x1400  }
0x11d: {  	[sflag:s20] =	ssyncset.done $0x0  }
0x11e: {  	[sflag:s20] =	ssyncadd.s32 $0xFFFFEC00  }
0x11f: {  	[tilespmem:s23], [sflag:$0x1] =	stream.indirect.gather [hbm4b:s7+s22], $0x30, s24, s22, $0xb8;
	[tilespmem:$0xFDC0] =	vst v63  }
0x120: {  	s26 =	simm.s32 $0x80  }
0x121: {  	[tilespmem:s25], [sflag:$0x2] =	stream.indirect.gather [hbm4b:s7+s22], $0x30, s26, s22, $0xb8;
	[tilespmem:$0xFDC0] =	vst v63  }
0x122: {  	s30 =	simm.s32 $0x100  }
0x123: {  	[tilespmem:s28], [sflag:$0x3] =	stream.indirect.gather [hbm4b:s7+s22], $0x30, s30, s22, $0xb8;
	[tilespmem:$0xFDC0] =	vst v63  }
0x124: {  	_ =	swait.ge [sflag:s29], $0x1770  }
0x125: {  	[sflag:s29] =	ssyncset.done $0x0  }
0x126: {  	[sflag:s29] =	ssyncadd.s32 $0xFFFFE890  }
0x127: {  	[spmem:s2] =	stream.indirect.scatter.add.f32 [tilespmem:s23], [sflag:$0x5], $0x30, s21, s22, $0xb8;
	[tilespmem:$0xFDC0] =	vst v63  }
0x128: {  	s10 =	simm.s32 $0x180  }
0x129: {  	[tilespmem:s31], [sflag:$0x4] =	stream.indirect.gather [hbm4b:s7+s22], $0x30, s10, s22, $0xb8;
	[tilespmem:$0xFDC0] =	vst v63  }
0x12a: {  	_ =	swait.ge [sflag:s0], $0x1770  }
0x12b: {  	[sflag:s0] =	ssyncset.done $0x0  }
0x12c: {  	s12 =	simm.s32 $0x1480;
	[sflag:s0] =	ssyncadd.s32 $0xFFFFE890  }
0x12d: {  	[spmem:s2] =	stream.indirect.scatter.add.f32 [tilespmem:s25], [sflag:$0x6], $0x30, s12, s22, $0xb8;
	[tilespmem:$0xFDC0] =	vst v63  }
0x12e: {  	_ =	swait.ge [sflag:s9], $0x1770  }
0x12f: {  	[sflag:s9] =	ssyncset.done $0x0  }
0x130: {  	s26 =	simm.s32 $0x200;
	[sflag:s9] =	ssyncadd.s32 $0xFFFFE890  }
0x131: {  	[tilespmem:s23], [sflag:$0x1] =	stream.indirect.gather [hbm4b:s7+s22], $0x30, s26, s22, $0xb8;
	[tilespmem:$0xFDC0] =	vst v63  }
0x132: {  	_ =	swait.ge [sflag:s11], $0x1770  }
0x133: {  	[sflag:s11] =	ssyncset.done $0x0  }
0x134: {  	s30 =	simm.s32 $0x1500;
	[sflag:s11] =	ssyncadd.s32 $0xFFFFE890  }
0x135: {  	[spmem:s2] =	stream.indirect.scatter.add.f32 [tilespmem:s28], [sflag:$0x7], $0x30, s30, s22, $0xb8;
	[tilespmem:$0xFDC0] =	vst v63  }
0x136: {  	_ =	swait.ge [sflag:s13], $0x1770  }
0x137: {  	[sflag:s13] =	ssyncset.done $0x0  }
0x138: {  	[sflag:s13] =	ssyncadd.s32 $0xFFFFE890  }
0x139: {  	[tilespmem:s25], [sflag:$0x2] =	stream.indirect.gather [hbm4b:s7+s22], $0x30, s14, s22, $0xb8;
	[tilespmem:$0xFDC0] =	vst v63  }
0x13a: {  	_ =	swait.ge [sflag:s15], $0x1770  }
0x13b: {  	[sflag:s15] =	ssyncset.done $0x0  }
0x13c: {  	[sflag:s15] =	ssyncadd.s32 $0xFFFFE890  }
0x13d: {  	[spmem:s2] =	stream.indirect.scatter.add.f32 [tilespmem:s31], [sflag:$0x8], $0x30, s16, s22, $0xb8;
	[tilespmem:$0xFDC0] =	vst v63  }
0x13e: {  	_ =	swait.ge [sflag:s17], $0x1770  }
0x13f: {  	[sflag:s17] =	ssyncset.done $0x0  }
0x140: {  	[sflag:s17] =	ssyncadd.s32 $0xFFFFE890  }
0x141: {  	[tilespmem:s28], [sflag:$0x3] =	stream.indirect.gather [hbm4b:s7+s22], $0x30, s18, s22, $0xb8;
	[tilespmem:$0xFDC0] =	vst v63  }
.LBB2_8:
0x142: {  	_ =	swait.ge [sflag:s29], $0x1770  }
0x143: {  	s26 =	sshra.s32 s24, $0x2;
	[sflag:s29] =	ssyncset.done $0x0  }
0x144: {  	s3 =	sadd.s32 $0x1600, s26;
	[sflag:s29] =	ssyncadd.s32 $0xFFFFE890  }
0x145: {  	[spmem:s2] =	stream.indirect.scatter.add.f32 [tilespmem:s23], [sflag:$0x5], $0x30, s3, s22, $0xb8;
	[tilespmem:$0xFDC0] =	vst v63  }
0x146: {  	_ =	swait.ge [sflag:s1], $0x1770  }
0x147: {  	[sflag:s1] =	ssyncset.done $0x0  }
0x148: {  	s10 =	sadd.s32 $0x380, s26;
	[sflag:s1] =	ssyncadd.s32 $0xFFFFE890  }
0x149: {  	[tilespmem:s31], [sflag:$0x4] =	stream.indirect.gather [hbm4b:s7+s22], $0x30, s10, s22, $0xb8;
	[tilespmem:$0xFDC0] =	vst v63  }
0x14a: {  	_ =	swait.ge [sflag:s0], $0x1770  }
0x14b: {  	p0 =	seq.s32 s24, $0x4000;
	[sflag:s0] =	ssyncset.done $0x0  }
0x14c: {  	s12 =	sadd.s32 $0x1680, s26;
	s3 =	simm.s32 @p0 $0x3;
	[sflag:s0] =	ssyncadd.s32 $0xFFFFE890  }
0x14d: {  	[spmem:s2] =	stream.indirect.scatter.add.f32 [tilespmem:s25], [sflag:$0x6], $0x30, s12, s22, $0xb8;
	[tilespmem:$0xFDC0] =	vst v63  }
0x14e: {  	_ =	swait.ge @p0 [sflag:s3], $0x1770  }
0x14f: {  	[sflag:s3] =	ssyncset.done @p0 $0x0  }
0x150: {  	[sflag:s3] =	ssyncadd.s32 @p0 $0xFFFFE890;
	s3 =	sshra.s32 @p0 s24, $0x2  }
0x151: {  	s10 =	simm.s32 @p0 $0x7D;
	s12 =	simm.s32 @p0 $0x56E0;
	s3 =	sadd.s32 @p0 $0x1700, s3  }
0x152: {  	[spmem:s2] =	stream.indirect.scatter.add.f32 @p0 [tilespmem:s12], [sflag:$0x7], $0x30, s3, s10, $0xb8;
	[tilespmem:$0xFDC0] =	vst v63  }
0x153: {  	s3 =	simm.s32 @!p0 $0x5  }
0x154: {  	_ =	swait.ge @!p0 [sflag:s3], $0x1770  }
0x155: {  	[sflag:s3] =	ssyncset.done @!p0 $0x0  }
0x156: {  	[sflag:s3] =	ssyncadd.s32 @!p0 $0xFFFFE890;
	s3 =	sshra.s32 @!p0 s24, $0x2  }
0x157: {  	s30 =	simm.s32 @!p0 $0x2800;
	s12 =	simm.s32 @!p0 $0x7D;
	s10 =	sadd.s32 @!p0 $0x400, s3  }
0x158: {  	[tilespmem:s30], [sflag:$0x1] =	stream.indirect.gather @!p0 [hbm4b:s7+s12], $0x30, s10, s12, $0xb8;
	[tilespmem:$0xFDC0] =	vst v63  }
0x159: {  	s10 =	simm.s32 @!p0 $0x3  }
0x15a: {  	_ =	swait.ge @!p0 [sflag:s10], $0x1770  }
0x15b: {  	[sflag:s10] =	ssyncset.done @!p0 $0x0  }
0x15c: {  	s30 =	simm.s32 @!p0 $0x56E0;
	[sflag:s10] =	ssyncadd.s32 @!p0 $0xFFFFE890;
	s10 =	sadd.s32 @!p0 $0x1700, s3  }
0x15d: {  	[spmem:s2] =	stream.indirect.scatter.add.f32 @!p0 [tilespmem:s30], [sflag:$0x7], $0x30, s10, s12, $0xb8;
	[tilespmem:$0xFDC0] =	vst v63  }
0x15e: {  	s10 =	simm.s32 @!p0 $0x6  }
0x15f: {  	_ =	swait.ge @!p0 [sflag:s10], $0x1770  }
0x160: {  	[sflag:s10] =	ssyncset.done @!p0 $0x0  }
0x161: {  	s3 =	sadd.s32 @!p0 $0x480, s3;
	[sflag:s10] =	ssyncadd.s32 @!p0 $0xFFFFE890;
	s10 =	simm.s32 @!p0 $0x3F70  }
0x162: {  	[tilespmem:s10], [sflag:$0x2] =	stream.indirect.gather @!p0 [hbm4b:s7+s12], $0x30, s3, s12, $0xb8;
	[tilespmem:$0xFDC0] =	vst v63  }
.Ltmp6:
0x163: {  	_ = 	snop;
	(pc) =	sbr.rel @p0 .LBB2_10-.Ltmp6, $4  }
0x164: {  	_ =	swait.ge [sflag:s15], $0x1770  }
0x165: {  	[sflag:s15] =	ssyncset.done $0x0  }
0x166: {  	s30 =	sadd.s32 $0x1780, s26;
	[sflag:s15] =	ssyncadd.s32 $0xFFFFE890  }
0x167: {  	[spmem:s2] =	stream.indirect.scatter.add.f32 [tilespmem:s31], [sflag:$0x8], $0x30, s30, s22, $0xb8;
	[tilespmem:$0xFDC0] =	vst v63  }
.Ltmp7:
0x168: {  	(pc) =	sbr.rel .LBB2_8-.Ltmp7, $4  }
0x169: {  	_ =	swait.ge [sflag:s17], $0x1770  }
0x16a: {  	[sflag:s17] =	ssyncset.done $0x0  }
0x16b: {  	s3 =	sadd.s32 $0x500, s26;
	s24 =	sadd.s32 $0x800, s24;
	[sflag:s17] =	ssyncadd.s32 $0xFFFFE890  }
0x16c: {  	[tilespmem:s28], [sflag:$0x3] =	stream.indirect.gather [hbm4b:s7+s22], $0x30, s3, s22, $0xb8;
	[tilespmem:$0xFDC0] =	vst v63  }
.LBB2_11:
0x16d: {  	_ =	sfence.sel $0x180000  }
0x16e: {  	[bflag:$0x0] =	sbarrier.arrive $0xFFFF  }
0x16f: {  	_ =	strace $0x9000004A  }
0x170: {  	s0 =	stileid.u32;
	[bflag:$0x2] =	sbarrier.arrive $0xFFFF  }
0x171: {  	p0 =	sne.s32 s0, $0x0;
	s0 =	rddreg [dreg:$0x3]  }
0x172: {  	s0 =	sadd.s32 @!p0 $0x100000, s0  }
0x173: {  	[sflag:s0] =	ssyncadd.tile.s32 @!p0 $0x1;
	_ =	shalt  }
.Lfunc_end2:
_tile_overlayer_lowered:
.L_overlay_start_2:
0x174: {  	(tag) =	ssettag $0x2  }
0x175: {  	s0 =	rddreg [dreg:$0x0];
	s2 =	stileid.u32  }
0x176: {  	s1 =	rddreg [dreg:$0x1];
	p0 =	sne.s32 s2, $0x0  }
0x177: {  	s3 =	rddreg [dreg:$0x2];
	[bflag:$0x3] =	sbarrier.arrive $0xFFFF;
	s2 =	simm.s32 @!p0 $0x1C09  }
0x178: {  	[timem:s3], [sflag:s2] =	dma.local @!p0 [hbm:s0], s1  }
0x179: {  	s0 =	simm.s32 @!p0 $0x9  }
0x17a: {  	_ =	swait.ge @!p0 [sflag:s0], s1  }
0x17b: {  	s1 =	ssub.s32 @!p0 $0x0, s1;
	[sflag:s0] =	ssyncset.done @!p0 $0x0  }
0x17c: {  	[sflag:s0] =	ssyncadd.s32 @!p0 s1  }
0x17d: {  	[bflag:$0x3] =	sbarrier.arrive $0xFFFF  }
0x17e: {  	_ =	shalt  }

</sc_bundles>
